<compile_context>
chip_gen: v7x
topology: tpu7x:2x2x1
jax: 0.10.2.dev20260603
libtpu: 0.0.44.dev20260713+nightly
codegen_flags: <defaults>
</compile_context>

<pallas_src>
import functools

import jax
import jax.numpy as jnp
from jax import lax
from jax.experimental import pallas as pl
from jax.experimental.pallas import tpu as pltpu
from jax.experimental.pallas import tpu_sc as plsc

N = 10000
E = 320000
D = 128
HD = D // 2
G = 64

NC = 2
NS = 16
NP = 10240
NPR = NP // D
EPT = E // (NC * NS)
EPT2 = E // NS
B = 80
NB2 = EPT2 // B
SLICE = NP // NS


@functools.cache
def _mesh():
    return plsc.VectorSubcoreMesh(core_axis_name="c", subcore_axis_name="s",
                                  num_cores=NC, num_subcores=NS)



def _mm1_body(x_ref, w_ref, a_ref, h_ref, st_ref):
    xv = x_ref[...]
    h_ref[...] = jnp.dot(xv, w_ref[...], preferred_element_type=jnp.float32)
    st_ref[...] = jnp.dot(xv, a_ref[...], preferred_element_type=jnp.float32)


def _mm2_body(p0_ref, p1_ref, b_ref, w_ref, a_ref, h_ref, st_ref):
    xv = jnp.concatenate([p0_ref[...], p1_ref[...]], axis=1)
    xv = jnp.maximum(xv + b_ref[...], 0.0)
    h_ref[...] = jnp.dot(xv, w_ref[...], preferred_element_type=jnp.float32)
    st_ref[...] = jnp.dot(xv, a_ref[...], preferred_element_type=jnp.float32)


_MM_BLK = 2000


def _tc_layer1(x, W, acat):
    return pl.pallas_call(
        _mm1_body,
        grid=(N // _MM_BLK,),
        in_specs=[
            pl.BlockSpec((_MM_BLK, D), lambda i: (i, 0)),
            pl.BlockSpec((D, D), lambda i: (0, 0)),
            pl.BlockSpec((D, 8), lambda i: (0, 0)),
        ],
        out_specs=[
            pl.BlockSpec((_MM_BLK, D), lambda i: (i, 0)),
            pl.BlockSpec((_MM_BLK, 8), lambda i: (i, 0)),
        ],
        out_shape=[
            jax.ShapeDtypeStruct((N, D), jnp.float32),
            jax.ShapeDtypeStruct((N, 8), jnp.float32),
        ],
    )(x, W, acat)


def _tc_layer2(p0, p1, b, W, acat):
    return pl.pallas_call(
        _mm2_body,
        grid=(N // _MM_BLK,),
        in_specs=[
            pl.BlockSpec((_MM_BLK, HD), lambda i: (i, 0)),
            pl.BlockSpec((_MM_BLK, HD), lambda i: (i, 0)),
            pl.BlockSpec((1, D), lambda i: (0, 0)),
            pl.BlockSpec((D, D), lambda i: (0, 0)),
            pl.BlockSpec((D, 8), lambda i: (0, 0)),
        ],
        out_specs=[
            pl.BlockSpec((_MM_BLK, D), lambda i: (i, 0)),
            pl.BlockSpec((_MM_BLK, 8), lambda i: (i, 0)),
        ],
        out_shape=[
            jax.ShapeDtypeStruct((N, D), jnp.float32),
            jax.ShapeDtypeStruct((N, 8), jnp.float32),
        ],
    )(p0, p1, b, W, acat)


def _pool_body(p0_ref, p1_ref, b_ref, batch_ref, sum_ref, cnt_ref):
    i = pl.program_id(0)
    xv = jnp.concatenate([p0_ref[...], p1_ref[...]], axis=1)
    xv = jnp.maximum(xv + b_ref[...], 0.0)
    bt = batch_ref[...].reshape(1, _MM_BLK)
    oh = (lax.broadcasted_iota(jnp.int32, (G, _MM_BLK), 0) == bt)
    oh = oh.astype(jnp.float32)
    psum = jnp.dot(oh, xv, preferred_element_type=jnp.float32)
    pcnt = jnp.sum(oh, axis=1, keepdims=True)

    @pl.when(i == 0)
    def _():
        sum_ref[...] = jnp.zeros_like(sum_ref)
        cnt_ref[...] = jnp.zeros_like(cnt_ref)

    sum_ref[...] += psum
    cnt_ref[...] += jnp.broadcast_to(pcnt, (G, D))

    @pl.when(i == pl.num_programs(0) - 1)
    def _():
        sum_ref[...] = sum_ref[...] / jnp.maximum(cnt_ref[...], 1.0)


def _tc_pool(p0, p1, b, batch3d):
    out, _ = pl.pallas_call(
        _pool_body,
        grid=(N // _MM_BLK,),
        in_specs=[
            pl.BlockSpec((_MM_BLK, HD), lambda i: (i, 0)),
            pl.BlockSpec((_MM_BLK, HD), lambda i: (i, 0)),
            pl.BlockSpec((1, D), lambda i: (0, 0)),
            pl.BlockSpec((1, 1, _MM_BLK), lambda i: (i, 0, 0)),
        ],
        out_specs=[
            pl.BlockSpec((G, D), lambda i: (0, 0)),
            pl.BlockSpec((G, D), lambda i: (0, 0)),
        ],
        out_shape=[
            jax.ShapeDtypeStruct((G, D), jnp.float32),
            jax.ShapeDtypeStruct((G, D), jnp.float32),
        ],
    )(p0, p1, b, batch3d)
    return out



@functools.cache
def _sc_layer_kernel():
  return functools.partial(
    pl.kernel,
    out_type=jax.ShapeDtypeStruct((NC, NP, HD), jnp.float32),
    mesh=_mesh(),
    scratch_types=[
        pltpu.VMEM((EPT2,), jnp.int32),
        pltpu.VMEM((EPT2,), jnp.int32),
        pltpu.VMEM((N,), jnp.float32),
        pltpu.VMEM((N,), jnp.float32),
        pltpu.VMEM((NPR, D), jnp.float32),
        pltpu.VMEM((NPR,), jnp.int32),
        pltpu.VMEM((5, D), jnp.float32),
        pltpu.VMEM((B, HD), jnp.float32),
        pltpu.VMEM((B, HD), jnp.float32),
        pltpu.VMEM((B,), jnp.float32),
        pltpu.VMEM((B,), jnp.int32),
        pltpu.VMEM((B,), jnp.int32),
        pltpu.SemaphoreType.DMA,
        pltpu.SemaphoreType.DMA,
        pltpu.SemaphoreType.DMA,
        pltpu.VMEM_SHARED((NPR, D), jnp.float32),
        pltpu.VMEM_SHARED((N, HD), jnp.float32),
    ],
    compiler_params=pltpu.CompilerParams(needs_layout_passes=False,
                                         use_tc_tiling_on_sc=False),
  )(_sc_layer_body)


def _sc_layer_body(psd, s, t, hcat, opart, src_v, dst_v, s_v, t_v, den_v,
                   rix_v, z5_v, rows0_v, rows1_v, al_v, dix0_v, dix1_v,
                   semg, sems0, sems1, stage, out_acc):
    rows_b = (rows0_v, rows1_v)
    dix_b = (dix0_v, dix1_v)
    sems_b = (sems0, sems1)
    c = lax.axis_index("c")
    sid = lax.axis_index("s")
    base = sid * EPT2

    pltpu.sync_copy(psd.at[pl.ds(base, EPT2)], src_v)
    pltpu.sync_copy(s, s_v)
    pltpu.sync_copy(t, t_v)

    hoff = c * N

    @plsc.parallel_loop(0, EPT2 // 16, unroll=8)
    def _unpack(j):
        sl = pl.ds(j * 16, 16)
        v = src_v[sl]
        dst_v[sl] = lax.shift_right_logical(v, 14)
        src_v[sl] = lax.bitwise_and(v, 16383) + hoff

    zero16 = jnp.zeros((16,), jnp.float32)
    for r in range(5):
        for f in range(D // 16):
            z5_v[r, pl.ds(f * 16, 16)] = zero16

    @plsc.parallel_loop(0, NPR, unroll=8)
    def _zero_den(j):
        for f in range(D // 16):
            den_v[j, pl.ds(f * 16, 16)] = zero16

    for k in range(NPR // 16):
        rix_v[pl.ds(k * 16, 16)] = lax.iota(jnp.int32, 16) + k * 16

    pltpu.sync_copy(z5_v, stage.at[pl.ds(sid * 5, 5)])

    @plsc.parallel_loop(0, EPT2 // 16, unroll=8)
    def _edge(j):
        s16 = src_v[pl.ds(j * 16, 16)] - hoff
        d16 = dst_v[pl.ds(j * 16, 16)]
        ev = plsc.load_gather(s_v, [s16]) + plsc.load_gather(t_v, [d16])
        ev = jnp.where(ev > 0.0, ev, 0.2 * ev)
        exv = jnp.exp(ev)
        row16 = lax.shift_right_logical(d16, 7)
        col16 = lax.bitwise_and(d16, 127)
        plsc.addupdate_scatter(den_v, [row16, col16], exv)

    @plsc.parallel_loop(0, B, unroll=8)
    def _zrows(j):
        for f in range(HD // 16):
            rows0_v[j, pl.ds(f * 16, 16)] = zero16
    for k in range(7):
        pltpu.sync_copy(rows0_v, out_acc.at[pl.ds(sid * 625 + k * B, B)])
    pltpu.sync_copy(rows0_v.at[pl.ds(0, 65)],
                    out_acc.at[pl.ds(sid * 625 + 560, 65)])

    plsc.subcore_barrier()
    pltpu.sync_copy(den_v, stage.at[rix_v], add=True)
    plsc.subcore_barrier()
    pltpu.sync_copy(stage, den_v)

    pltpu.async_copy(hcat.at[src_v.at[pl.ds(0, B)]], rows0_v, semg).wait()

    def _process(b, cur, prev_sd):
        rows = rows_b[cur]
        orows = rows_b[1 - cur]
        dix = dix_b[cur]

        if prev_sd is not None:
            prev_sd.wait()
        nxt = jnp.minimum(b + 1, NB2 - 1)
        gd = pltpu.async_copy(hcat.at[src_v.at[pl.ds(nxt * B, B)]], orows,
                              semg)

        e0 = b * B

        @plsc.parallel_loop(0, B // 16, unroll=5)
        def _alpha(k):
            i16 = pl.ds(e0 + k * 16, 16)
            s16 = src_v[i16] - hoff
            d16 = dst_v[i16]
            dix[pl.ds(k * 16, 16)] = d16
            ev = plsc.load_gather(s_v, [s16]) + plsc.load_gather(t_v, [d16])
            ev = jnp.where(ev > 0.0, ev, 0.2 * ev)
            exv = jnp.exp(ev)
            row16 = lax.shift_right_logical(d16, 7)
            col16 = lax.bitwise_and(d16, 127)
            dnm = plsc.load_gather(den_v, [row16, col16])
            al_v[pl.ds(k * 16, 16)] = exv / (dnm + 1e-16)

        @plsc.parallel_loop(0, B, unroll=8)
        def _scale(j):
            asp = plsc.load_gather(
                al_v, [jnp.broadcast_to(j, (16,)).astype(jnp.int32)])
            for f in range(HD // 16):
                sl = pl.ds(f * 16, 16)
                rows[j, sl] = rows[j, sl] * asp

        sd = pltpu.async_copy(rows, out_acc.at[dix], sems_b[cur], add=True)
        gd.wait()
        return sd

    def _pair(i, carry):
        sd0 = _process(2 * i, 0, None)
        sd1 = _process(2 * i + 1, 1, sd0)
        sd1.wait()
        return carry

    lax.fori_loop(0, NB2 // 2, _pair, 0)

    plsc.subcore_barrier()
    pltpu.sync_copy(out_acc.at[pl.ds(sid * 625, 625)],
                    opart.at[c, pl.ds(sid * 625, 625)])



def _acat(W, a_src, a_dst):
    a = jnp.zeros((D, 8), jnp.float32)
    return a.at[:, 0].set(W @ a_src).at[:, 1].set(W @ a_dst)


def _sc_layer(psd, h, st):
    s, t = st[:, 0], st[:, 1]
    hcat = jnp.concatenate([h[:, :HD], h[:, HD:]], axis=0)
    op = _sc_layer_kernel()(psd, s, t, hcat)
    return op[0, :N], op[1, :N]


def kernel(x, edge_index, batch, W1, a_src1, a_dst1, b1, W2, a_src2, a_dst2, b2):
    psd = edge_index[0] + edge_index[1] * 16384

    h1, st1 = _tc_layer1(x, W1, _acat(W1, a_src1, a_dst1))
    p0, p1 = _sc_layer(psd, h1, st1)

    h2, st2 = _tc_layer2(p0, p1, b1.reshape(1, D), W2,
                         _acat(W2, a_src2, a_dst2))
    q0, q1 = _sc_layer(psd, h2, st2)

    batch3d = batch.reshape(N // _MM_BLK, 1, _MM_BLK)
    return _tc_pool(q0, q1, b2.reshape(1, D), batch3d)

# --- scband reference (transcript-rebuilt; emitter-appended) ---
"""Pipeline reference for scband-gatmodel-154618823283 (READ-ONLY COPY).

The authoritative reference and input builder live on the scoring server;
editing this copy changes nothing except your own understanding.
"""

import jax, jax.numpy as jnp
import numpy as np

N = 10000
E = 320000
D = 128
G = 64

def setup_inputs(seed: int = 0) -> dict:
    key = jax.random.key(seed)
    ks = jax.random.split(key, 12)
    x = jax.random.normal(ks[0], (N, D), dtype=jnp.float32)
    edge_index = jax.random.randint(ks[1], (2, E), 0, N, dtype=jnp.int32)
    batch = jnp.sort(jax.random.randint(ks[2], (N,), 0, G, dtype=jnp.int32))
    s = 1.0 / np.sqrt(D)
    W1 = jax.random.normal(ks[3], (D, D), dtype=jnp.float32) * s
    a_src1 = jax.random.normal(ks[4], (D,), dtype=jnp.float32) * s
    a_dst1 = jax.random.normal(ks[5], (D,), dtype=jnp.float32) * s
    b1 = jnp.zeros((D,), dtype=jnp.float32)
    W2 = jax.random.normal(ks[6], (D, D), dtype=jnp.float32) * s
    a_src2 = jax.random.normal(ks[7], (D,), dtype=jnp.float32) * s
    a_dst2 = jax.random.normal(ks[8], (D,), dtype=jnp.float32) * s
    b2 = jnp.zeros((D,), dtype=jnp.float32)
    return {"x": x, "edge_index": edge_index, "batch": batch,
            "W1": W1, "a_src1": a_src1, "a_dst1": a_dst1, "b1": b1,
            "W2": W2, "a_src2": a_src2, "a_dst2": a_dst2, "b2": b2}

def gat_conv(x, edge_index, W, a_src, a_dst, b):
    # PyG GATConv, heads=1: message from src j to dst i, softmax over incoming edges of i
    h = x @ W
    src = edge_index[0]
    dst = edge_index[1]
    e = h[src] @ a_src + h[dst] @ a_dst
    e = jax.nn.leaky_relu(e, 0.2)
    m = jax.ops.segment_max(e, dst, num_segments=N)
    m = jnp.where(jnp.isfinite(m), m, 0.0)
    ex = jnp.exp(e - m[dst])
    denom = jax.ops.segment_sum(ex, dst, num_segments=N)
    alpha = ex / (denom[dst] + 1e-16)
    out = jax.ops.segment_sum(h[src] * alpha[:, None], dst, num_segments=N)
    return out + b

def reference(x, edge_index, batch, W1, a_src1, a_dst1, b1, W2, a_src2, a_dst2, b2):
    h = jax.nn.relu(gat_conv(x, edge_index, W1, a_src1, a_dst1, b1))
    h = jax.nn.relu(gat_conv(h, edge_index, W2, a_src2, a_dst2, b2))
    sums = jax.ops.segment_sum(h, batch, num_segments=G)
    cnt = jax.ops.segment_sum(jnp.ones((N,), h.dtype), batch, num_segments=G)
    return sums / jnp.maximum(cnt, 1.0)[:, None]

if __name__ == "__main__":
    import jax
    _d = setup_inputs()
    print(jax.jit(kernel)(*tuple(_d.values())))

</pallas_src>

<mosaic_0001>
#map = affine_map<(d0, d1) -> (0)>
#map1 = affine_map<(d0, d1) -> (0, 0)>
#map2 = affine_map<(d0, d1) -> (0, 0, 0)>
module attributes {stable_mosaic.version = 14 : i64} {
  func.func @_sc_layer_body(%arg0: i32, %arg1: i32, %arg2: memref<320000xi32, #tpu.memory_space<hbm>>, %arg3: memref<10000xf32, #tpu.memory_space<hbm>>, %arg4: memref<10000xf32, #tpu.memory_space<hbm>>, %arg5: memref<20000x64xf32, #tpu.memory_space<hbm>>, %arg6: memref<2x10240x64xf32, #tpu.memory_space<hbm>>, %arg7: memref<20000xi32, #tpu.memory_space<vmem>>, %arg8: memref<20000xi32, #tpu.memory_space<vmem>>, %arg9: memref<10000xf32, #tpu.memory_space<vmem>>, %arg10: memref<10000xf32, #tpu.memory_space<vmem>>, %arg11: memref<80x128xf32, #tpu.memory_space<vmem>>, %arg12: memref<80xi32, #tpu.memory_space<vmem>>, %arg13: memref<5x128xf32, #tpu.memory_space<vmem>>, %arg14: memref<80x64xf32, #tpu.memory_space<vmem>>, %arg15: memref<80x64xf32, #tpu.memory_space<vmem>>, %arg16: memref<80xf32, #tpu.memory_space<vmem>>, %arg17: memref<80xi32, #tpu.memory_space<vmem>>, %arg18: memref<80xi32, #tpu.memory_space<vmem>>, %arg19: memref<!tpu.dma_semaphore, #tpu.memory_space<semaphore_mem>>, %arg20: memref<!tpu.dma_semaphore, #tpu.memory_space<semaphore_mem>>, %arg21: memref<!tpu.dma_semaphore, #tpu.memory_space<semaphore_mem>>, %arg22: memref<80x128xf32, #tpu.memory_space<vmem_shared>>, %arg23: memref<10000x64xf32, #tpu.memory_space<vmem_shared>>) attributes {dimension_semantics = [#tpu.dimension_semantics<core_parallel>, #tpu.dimension_semantics<subcore_parallel>], iteration_bounds = array<i64: 2, 16>, scalar_prefetch = 0 : i64, scratch_operands = 17 : i64, tpu.core_type = #tpu.core_type<sc_vector_subcore>, window_params = [{transform_indices = #map}, {transform_indices = #map}, {transform_indices = #map}, {transform_indices = #map1}, {transform_indices = #map2}]} {
    %mul3A = arith.constant 20000 : i32
    %mul3A_0 = arith.muli %arg1, %mul3A : i32
    "tpu.region"() ({
      %run_scoped3A = tpu.sem_alloc : memref<!tpu.dma_semaphore, #tpu.memory_space<semaphore_mem>>
      %dma_start3A_255 = tpu.memref_slice %arg2[%mul3A_0] : memref<320000xi32, #tpu.memory_space<hbm>> -> memref<20000xi32, #tpu.memory_space<hbm>>
      %dma_start3A_256 = tpu.memref_slice %arg2[%mul3A_0] : memref<320000xi32, #tpu.memory_space<hbm>> -> memref<20000xi32, #tpu.memory_space<hbm>>
      tpu.enqueue_dma source(%dma_start3A_256 : memref<20000xi32, #tpu.memory_space<hbm>>) target(%arg7 : memref<20000xi32, #tpu.memory_space<vmem>>) target_semaphore(%run_scoped3A : memref<!tpu.dma_semaphore, #tpu.memory_space<semaphore_mem>>)
      %dma_wait3A_257 = tpu.memref_slice %arg2[%mul3A_0] : memref<320000xi32, #tpu.memory_space<hbm>> -> memref<20000xi32, #tpu.memory_space<hbm>>
      %dma_wait3A_258 = tpu.memref_slice %arg2[%mul3A_0] : memref<320000xi32, #tpu.memory_space<hbm>> -> memref<20000xi32, #tpu.memory_space<hbm>>
      tpu.wait_dma2 semaphore(%run_scoped3A : memref<!tpu.dma_semaphore, #tpu.memory_space<semaphore_mem>>) src(%dma_wait3A_258 : memref<20000xi32, #tpu.memory_space<hbm>>) dst(%arg7 : memref<20000xi32, #tpu.memory_space<vmem>>)
      tpu.yield
    }) : () -> ()
    "tpu.region"() ({
      %run_scoped3A = tpu.sem_alloc : memref<!tpu.dma_semaphore, #tpu.memory_space<semaphore_mem>>
      tpu.enqueue_dma source(%arg3 : memref<10000xf32, #tpu.memory_space<hbm>>) target(%arg9 : memref<10000xf32, #tpu.memory_space<vmem>>) target_semaphore(%run_scoped3A : memref<!tpu.dma_semaphore, #tpu.memory_space<semaphore_mem>>)
      tpu.wait_dma2 semaphore(%run_scoped3A : memref<!tpu.dma_semaphore, #tpu.memory_space<semaphore_mem>>) src(%arg3 : memref<10000xf32, #tpu.memory_space<hbm>>) dst(%arg9 : memref<10000xf32, #tpu.memory_space<vmem>>)
      tpu.yield
    }) : () -> ()
    "tpu.region"() ({
      %run_scoped3A = tpu.sem_alloc : memref<!tpu.dma_semaphore, #tpu.memory_space<semaphore_mem>>
      tpu.enqueue_dma source(%arg4 : memref<10000xf32, #tpu.memory_space<hbm>>) target(%arg10 : memref<10000xf32, #tpu.memory_space<vmem>>) target_semaphore(%run_scoped3A : memref<!tpu.dma_semaphore, #tpu.memory_space<semaphore_mem>>)
      tpu.wait_dma2 semaphore(%run_scoped3A : memref<!tpu.dma_semaphore, #tpu.memory_space<semaphore_mem>>) src(%arg4 : memref<10000xf32, #tpu.memory_space<hbm>>) dst(%arg10 : memref<10000xf32, #tpu.memory_space<vmem>>)
      tpu.yield
    }) : () -> ()
    %mul3A_1 = arith.constant 10000 : i32
    %mul3A_2 = arith.muli %arg0, %mul3A_1 : i32
    %parallel_loop3A = arith.constant 0 : i32
    %parallel_loop3A_3 = arith.constant 1250 : i32
    %parallel_loop3A_4 = arith.constant 1 : i32
    scf.for %parallel_loop3A_255 = %parallel_loop3A to %parallel_loop3A_3 step %parallel_loop3A_4  : i32 {
      %parallel_loop3A_256 = arith.constant 16 : i32
      %parallel_loop3A_257 = arith.muli %parallel_loop3A_255, %parallel_loop3A_256 : i32
      %parallel_loop3A_258 = arith.index_cast %parallel_loop3A_257 : i32 to index
      %parallel_loop3A_259 = tpu.vector_load %arg7[%parallel_loop3A_258] {strides = array<i32>} : memref<20000xi32, #tpu.memory_space<vmem>>, vector<16xi32>,
      %parallel_loop3A_260 = arith.constant 14 : i32
      %parallel_loop3A_261 = vector.broadcast %parallel_loop3A_260 : i32 to vector<16xi32>
      %parallel_loop3A_262 = arith.shrui %parallel_loop3A_259, %parallel_loop3A_261 : vector<16xi32>
      %parallel_loop3A_263 = arith.index_cast %parallel_loop3A_257 : i32 to index
      %parallel_loop3A_264 = tpu.vector_load %arg8[%parallel_loop3A_263] {strides = array<i32>} : memref<20000xi32, #tpu.memory_space<vmem>>, vector<16xi32>,
      tpu.vector_store %arg8[%parallel_loop3A_263], %parallel_loop3A_262 {strides = array<i32>} : memref<20000xi32, #tpu.memory_space<vmem>>, vector<16xi32>,
      %parallel_loop3A_265 = arith.constant 16383 : i32
      %parallel_loop3A_266 = vector.broadcast %parallel_loop3A_265 : i32 to vector<16xi32>
      %parallel_loop3A_267 = arith.andi %parallel_loop3A_259, %parallel_loop3A_266 : vector<16xi32>
      %parallel_loop3A_268 = vector.broadcast %mul3A_2 : i32 to vector<16xi32>
      %parallel_loop3A_269 = arith.addi %parallel_loop3A_267, %parallel_loop3A_268 : vector<16xi32>
      %parallel_loop3A_270 = arith.index_cast %parallel_loop3A_257 : i32 to index
      %parallel_loop3A_271 = tpu.vector_load %arg7[%parallel_loop3A_270] {strides = array<i32>} : memref<20000xi32, #tpu.memory_space<vmem>>, vector<16xi32>,
      tpu.vector_store %arg7[%parallel_loop3A_270], %parallel_loop3A_269 {strides = array<i32>} : memref<20000xi32, #tpu.memory_space<vmem>>, vector<16xi32>,
    } {sc.loop_unroll_factor = 8 : i64, sc.parallel_access}
    %broadcast_in_dim3A = arith.constant 0.000000e+00 : f32
    %broadcast_in_dim3A_5 = vector.broadcast %broadcast_in_dim3A : f32 to vector<16xf32>
    %swap3A = arith.constant 0 : i32
    %swap3A_6 = arith.index_cast %swap3A : i32 to index
    %swap3A_7 = arith.constant 0 : index
    %swap3A_8 = tpu.vector_load %arg13[%swap3A_6, %swap3A_7] {strides = array<i32>} : memref<5x128xf32, #tpu.memory_space<vmem>>, vector<16xf32>,
    tpu.vector_store %arg13[%swap3A_6, %swap3A_7], %broadcast_in_dim3A_5 {strides = array<i32>} : memref<5x128xf32, #tpu.memory_space<vmem>>, vector<16xf32>,
    %swap3A_9 = arith.constant 0 : i32
    %swap3A_10 = arith.index_cast %swap3A_9 : i32 to index
    %swap3A_11 = arith.constant 16 : index
    %swap3A_12 = tpu.vector_load %arg13[%swap3A_10, %swap3A_11] {strides = array<i32>} : memref<5x128xf32, #tpu.memory_space<vmem>>, vector<16xf32>,
    tpu.vector_store %arg13[%swap3A_10, %swap3A_11], %broadcast_in_dim3A_5 {strides = array<i32>} : memref<5x128xf32, #tpu.memory_space<vmem>>, vector<16xf32>,
    %swap3A_13 = arith.constant 0 : i32
    %swap3A_14 = arith.index_cast %swap3A_13 : i32 to index
    %swap3A_15 = arith.constant 32 : index
    %swap3A_16 = tpu.vector_load %arg13[%swap3A_14, %swap3A_15] {strides = array<i32>} : memref<5x128xf32, #tpu.memory_space<vmem>>, vector<16xf32>,
    tpu.vector_store %arg13[%swap3A_14, %swap3A_15], %broadcast_in_dim3A_5 {strides = array<i32>} : memref<5x128xf32, #tpu.memory_space<vmem>>, vector<16xf32>,
    %swap3A_17 = arith.constant 0 : i32
    %swap3A_18 = arith.index_cast %swap3A_17 : i32 to index
    %swap3A_19 = arith.constant 48 : index
    %swap3A_20 = tpu.vector_load %arg13[%swap3A_18, %swap3A_19] {strides = array<i32>} : memref<5x128xf32, #tpu.memory_space<vmem>>, vector<16xf32>,
    tpu.vector_store %arg13[%swap3A_18, %swap3A_19], %broadcast_in_dim3A_5 {strides = array<i32>} : memref<5x128xf32, #tpu.memory_space<vmem>>, vector<16xf32>,
    %swap3A_21 = arith.constant 0 : i32
    %swap3A_22 = arith.index_cast %swap3A_21 : i32 to index
    %swap3A_23 = arith.constant 64 : index
    %swap3A_24 = tpu.vector_load %arg13[%swap3A_22, %swap3A_23] {strides = array<i32>} : memref<5x128xf32, #tpu.memory_space<vmem>>, vector<16xf32>,
    tpu.vector_store %arg13[%swap3A_22, %swap3A_23], %broadcast_in_dim3A_5 {strides = array<i32>} : memref<5x128xf32, #tpu.memory_space<vmem>>, vector<16xf32>,
    %swap3A_25 = arith.constant 0 : i32
    %swap3A_26 = arith.index_cast %swap3A_25 : i32 to index
    %swap3A_27 = arith.constant 80 : index
    %swap3A_28 = tpu.vector_load %arg13[%swap3A_26, %swap3A_27] {strides = array<i32>} : memref<5x128xf32, #tpu.memory_space<vmem>>, vector<16xf32>,
    tpu.vector_store %arg13[%swap3A_26, %swap3A_27], %broadcast_in_dim3A_5 {strides = array<i32>} : memref<5x128xf32, #tpu.memory_space<vmem>>, vector<16xf32>,
    %swap3A_29 = arith.constant 0 : i32
    %swap3A_30 = arith.index_cast %swap3A_29 : i32 to index
    %swap3A_31 = arith.constant 96 : index
    %swap3A_32 = tpu.vector_load %arg13[%swap3A_30, %swap3A_31] {strides = array<i32>} : memref<5x128xf32, #tpu.memory_space<vmem>>, vector<16xf32>,
    tpu.vector_store %arg13[%swap3A_30, %swap3A_31], %broadcast_in_dim3A_5 {strides = array<i32>} : memref<5x128xf32, #tpu.memory_space<vmem>>, vector<16xf32>,
    %swap3A_33 = arith.constant 0 : i32
    %swap3A_34 = arith.index_cast %swap3A_33 : i32 to index
    %swap3A_35 = arith.constant 112 : index
    %swap3A_36 = tpu.vector_load %arg13[%swap3A_34, %swap3A_35] {strides = array<i32>} : memref<5x128xf32, #tpu.memory_space<vmem>>, vector<16xf32>,
    tpu.vector_store %arg13[%swap3A_34, %swap3A_35], %broadcast_in_dim3A_5 {strides = array<i32>} : memref<5x128xf32, #tpu.memory_space<vmem>>, vector<16xf32>,
    %swap3A_37 = arith.constant 1 : i32
    %swap3A_38 = arith.index_cast %swap3A_37 : i32 to index
    %swap3A_39 = arith.constant 0 : index
    %swap3A_40 = tpu.vector_load %arg13[%swap3A_38, %swap3A_39] {strides = array<i32>} : memref<5x128xf32, #tpu.memory_space<vmem>>, vector<16xf32>,
    tpu.vector_store %arg13[%swap3A_38, %swap3A_39], %broadcast_in_dim3A_5 {strides = array<i32>} : memref<5x128xf32, #tpu.memory_space<vmem>>, vector<16xf32>,
    %swap3A_41 = arith.constant 1 : i32
    %swap3A_42 = arith.index_cast %swap3A_41 : i32 to index
    %swap3A_43 = arith.constant 16 : index
    %swap3A_44 = tpu.vector_load %arg13[%swap3A_42, %swap3A_43] {strides = array<i32>} : memref<5x128xf32, #tpu.memory_space<vmem>>, vector<16xf32>,
    tpu.vector_store %arg13[%swap3A_42, %swap3A_43], %broadcast_in_dim3A_5 {strides = array<i32>} : memref<5x128xf32, #tpu.memory_space<vmem>>, vector<16xf32>,
    %swap3A_45 = arith.constant 1 : i32
    %swap3A_46 = arith.index_cast %swap3A_45 : i32 to index
    %swap3A_47 = arith.constant 32 : index
    %swap3A_48 = tpu.vector_load %arg13[%swap3A_46, %swap3A_47] {strides = array<i32>} : memref<5x128xf32, #tpu.memory_space<vmem>>, vector<16xf32>,
    tpu.vector_store %arg13[%swap3A_46, %swap3A_47], %broadcast_in_dim3A_5 {strides = array<i32>} : memref<5x128xf32, #tpu.memory_space<vmem>>, vector<16xf32>,
    %swap3A_49 = arith.constant 1 : i32
    %swap3A_50 = arith.index_cast %swap3A_49 : i32 to index
    %swap3A_51 = arith.constant 48 : index
    %swap3A_52 = tpu.vector_load %arg13[%swap3A_50, %swap3A_51] {strides = array<i32>} : memref<5x128xf32, #tpu.memory_space<vmem>>, vector<16xf32>,
    tpu.vector_store %arg13[%swap3A_50, %swap3A_51], %broadcast_in_dim3A_5 {strides = array<i32>} : memref<5x128xf32, #tpu.memory_space<vmem>>, vector<16xf32>,
    %swap3A_53 = arith.constant 1 : i32
    %swap3A_54 = arith.index_cast %swap3A_53 : i32 to index
    %swap3A_55 = arith.constant 64 : index
    %swap3A_56 = tpu.vector_load %arg13[%swap3A_54, %swap3A_55] {strides = array<i32>} : memref<5x128xf32, #tpu.memory_space<vmem>>, vector<16xf32>,
    tpu.vector_store %arg13[%swap3A_54, %swap3A_55], %broadcast_in_dim3A_5 {strides = array<i32>} : memref<5x128xf32, #tpu.memory_space<vmem>>, vector<16xf32>,
    %swap3A_57 = arith.constant 1 : i32
    %swap3A_58 = arith.index_cast %swap3A_57 : i32 to index
    %swap3A_59 = arith.constant 80 : index
    %swap3A_60 = tpu.vector_load %arg13[%swap3A_58, %swap3A_59] {strides = array<i32>} : memref<5x128xf32, #tpu.memory_space<vmem>>, vector<16xf32>,
    tpu.vector_store %arg13[%swap3A_58, %swap3A_59], %broadcast_in_dim3A_5 {strides = array<i32>} : memref<5x128xf32, #tpu.memory_space<vmem>>, vector<16xf32>,
    %swap3A_61 = arith.constant 1 : i32
    %swap3A_62 = arith.index_cast %swap3A_61 : i32 to index
    %swap3A_63 = arith.constant 96 : index
    %swap3A_64 = tpu.vector_load %arg13[%swap3A_62, %swap3A_63] {strides = array<i32>} : memref<5x128xf32, #tpu.memory_space<vmem>>, vector<16xf32>,
    tpu.vector_store %arg13[%swap3A_62, %swap3A_63], %broadcast_in_dim3A_5 {strides = array<i32>} : memref<5x128xf32, #tpu.memory_space<vmem>>, vector<16xf32>,
    %swap3A_65 = arith.constant 1 : i32
    %swap3A_66 = arith.index_cast %swap3A_65 : i32 to index
    %swap3A_67 = arith.constant 112 : index
    %swap3A_68 = tpu.vector_load %arg13[%swap3A_66, %swap3A_67] {strides = array<i32>} : memref<5x128xf32, #tpu.memory_space<vmem>>, vector<16xf32>,
    tpu.vector_store %arg13[%swap3A_66, %swap3A_67], %broadcast_in_dim3A_5 {strides = array<i32>} : memref<5x128xf32, #tpu.memory_space<vmem>>, vector<16xf32>,
    %swap3A_69 = arith.constant 2 : i32
    %swap3A_70 = arith.index_cast %swap3A_69 : i32 to index
    %swap3A_71 = arith.constant 0 : index
    %swap3A_72 = tpu.vector_load %arg13[%swap3A_70, %swap3A_71] {strides = array<i32>} : memref<5x128xf32, #tpu.memory_space<vmem>>, vector<16xf32>,
    tpu.vector_store %arg13[%swap3A_70, %swap3A_71], %broadcast_in_dim3A_5 {strides = array<i32>} : memref<5x128xf32, #tpu.memory_space<vmem>>, vector<16xf32>,
    %swap3A_73 = arith.constant 2 : i32
    %swap3A_74 = arith.index_cast %swap3A_73 : i32 to index
    %swap3A_75 = arith.constant 16 : index
    %swap3A_76 = tpu.vector_load %arg13[%swap3A_74, %swap3A_75] {strides = array<i32>} : memref<5x128xf32, #tpu.memory_space<vmem>>, vector<16xf32>,
    tpu.vector_store %arg13[%swap3A_74, %swap3A_75], %broadcast_in_dim3A_5 {strides = array<i32>} : memref<5x128xf32, #tpu.memory_space<vmem>>, vector<16xf32>,
    %swap3A_77 = arith.constant 2 : i32
    %swap3A_78 = arith.index_cast %swap3A_77 : i32 to index
    %swap3A_79 = arith.constant 32 : index
    %swap3A_80 = tpu.vector_load %arg13[%swap3A_78, %swap3A_79] {strides = array<i32>} : memref<5x128xf32, #tpu.memory_space<vmem>>, vector<16xf32>,
    tpu.vector_store %arg13[%swap3A_78, %swap3A_79], %broadcast_in_dim3A_5 {strides = array<i32>} : memref<5x128xf32, #tpu.memory_space<vmem>>, vector<16xf32>,
    %swap3A_81 = arith.constant 2 : i32
    %swap3A_82 = arith.index_cast %swap3A_81 : i32 to index
    %swap3A_83 = arith.constant 48 : index
    %swap3A_84 = tpu.vector_load %arg13[%swap3A_82, %swap3A_83] {strides = array<i32>} : memref<5x128xf32, #tpu.memory_space<vmem>>, vector<16xf32>,
    tpu.vector_store %arg13[%swap3A_82, %swap3A_83], %broadcast_in_dim3A_5 {strides = array<i32>} : memref<5x128xf32, #tpu.memory_space<vmem>>, vector<16xf32>,
    %swap3A_85 = arith.constant 2 : i32
    %swap3A_86 = arith.index_cast %swap3A_85 : i32 to index
    %swap3A_87 = arith.constant 64 : index
    %swap3A_88 = tpu.vector_load %arg13[%swap3A_86, %swap3A_87] {strides = array<i32>} : memref<5x128xf32, #tpu.memory_space<vmem>>, vector<16xf32>,
    tpu.vector_store %arg13[%swap3A_86, %swap3A_87], %broadcast_in_dim3A_5 {strides = array<i32>} : memref<5x128xf32, #tpu.memory_space<vmem>>, vector<16xf32>,
    %swap3A_89 = arith.constant 2 : i32
    %swap3A_90 = arith.index_cast %swap3A_89 : i32 to index
    %swap3A_91 = arith.constant 80 : index
    %swap3A_92 = tpu.vector_load %arg13[%swap3A_90, %swap3A_91] {strides = array<i32>} : memref<5x128xf32, #tpu.memory_space<vmem>>, vector<16xf32>,
    tpu.vector_store %arg13[%swap3A_90, %swap3A_91], %broadcast_in_dim3A_5 {strides = array<i32>} : memref<5x128xf32, #tpu.memory_space<vmem>>, vector<16xf32>,
    %swap3A_93 = arith.constant 2 : i32
    %swap3A_94 = arith.index_cast %swap3A_93 : i32 to index
    %swap3A_95 = arith.constant 96 : index
    %swap3A_96 = tpu.vector_load %arg13[%swap3A_94, %swap3A_95] {strides = array<i32>} : memref<5x128xf32, #tpu.memory_space<vmem>>, vector<16xf32>,
    tpu.vector_store %arg13[%swap3A_94, %swap3A_95], %broadcast_in_dim3A_5 {strides = array<i32>} : memref<5x128xf32, #tpu.memory_space<vmem>>, vector<16xf32>,
    %swap3A_97 = arith.constant 2 : i32
    %swap3A_98 = arith.index_cast %swap3A_97 : i32 to index
    %swap3A_99 = arith.constant 112 : index
    %swap3A_100 = tpu.vector_load %arg13[%swap3A_98, %swap3A_99] {strides = array<i32>} : memref<5x128xf32, #tpu.memory_space<vmem>>, vector<16xf32>,
    tpu.vector_store %arg13[%swap3A_98, %swap3A_99], %broadcast_in_dim3A_5 {strides = array<i32>} : memref<5x128xf32, #tpu.memory_space<vmem>>, vector<16xf32>,
    %swap3A_101 = arith.constant 3 : i32
    %swap3A_102 = arith.index_cast %swap3A_101 : i32 to index
    %swap3A_103 = arith.constant 0 : index
    %swap3A_104 = tpu.vector_load %arg13[%swap3A_102, %swap3A_103] {strides = array<i32>} : memref<5x128xf32, #tpu.memory_space<vmem>>, vector<16xf32>,
    tpu.vector_store %arg13[%swap3A_102, %swap3A_103], %broadcast_in_dim3A_5 {strides = array<i32>} : memref<5x128xf32, #tpu.memory_space<vmem>>, vector<16xf32>,
    %swap3A_105 = arith.constant 3 : i32
    %swap3A_106 = arith.index_cast %swap3A_105 : i32 to index
    %swap3A_107 = arith.constant 16 : index
    %swap3A_108 = tpu.vector_load %arg13[%swap3A_106, %swap3A_107] {strides = array<i32>} : memref<5x128xf32, #tpu.memory_space<vmem>>, vector<16xf32>,
    tpu.vector_store %arg13[%swap3A_106, %swap3A_107], %broadcast_in_dim3A_5 {strides = array<i32>} : memref<5x128xf32, #tpu.memory_space<vmem>>, vector<16xf32>,
    %swap3A_109 = arith.constant 3 : i32
    %swap3A_110 = arith.index_cast %swap3A_109 : i32 to index
    %swap3A_111 = arith.constant 32 : index
    %swap3A_112 = tpu.vector_load %arg13[%swap3A_110, %swap3A_111] {strides = array<i32>} : memref<5x128xf32, #tpu.memory_space<vmem>>, vector<16xf32>,
    tpu.vector_store %arg13[%swap3A_110, %swap3A_111], %broadcast_in_dim3A_5 {strides = array<i32>} : memref<5x128xf32, #tpu.memory_space<vmem>>, vector<16xf32>,
    %swap3A_113 = arith.constant 3 : i32
    %swap3A_114 = arith.index_cast %swap3A_113 : i32 to index
    %swap3A_115 = arith.constant 48 : index
    %swap3A_116 = tpu.vector_load %arg13[%swap3A_114, %swap3A_115] {strides = array<i32>} : memref<5x128xf32, #tpu.memory_space<vmem>>, vector<16xf32>,
    tpu.vector_store %arg13[%swap3A_114, %swap3A_115], %broadcast_in_dim3A_5 {strides = array<i32>} : memref<5x128xf32, #tpu.memory_space<vmem>>, vector<16xf32>,
    %swap3A_117 = arith.constant 3 : i32
    %swap3A_118 = arith.index_cast %swap3A_117 : i32 to index
    %swap3A_119 = arith.constant 64 : index
    %swap3A_120 = tpu.vector_load %arg13[%swap3A_118, %swap3A_119] {strides = array<i32>} : memref<5x128xf32, #tpu.memory_space<vmem>>, vector<16xf32>,
    tpu.vector_store %arg13[%swap3A_118, %swap3A_119], %broadcast_in_dim3A_5 {strides = array<i32>} : memref<5x128xf32, #tpu.memory_space<vmem>>, vector<16xf32>,
    %swap3A_121 = arith.constant 3 : i32
    %swap3A_122 = arith.index_cast %swap3A_121 : i32 to index
    %swap3A_123 = arith.constant 80 : index
    %swap3A_124 = tpu.vector_load %arg13[%swap3A_122, %swap3A_123] {strides = array<i32>} : memref<5x128xf32, #tpu.memory_space<vmem>>, vector<16xf32>,
    tpu.vector_store %arg13[%swap3A_122, %swap3A_123], %broadcast_in_dim3A_5 {strides = array<i32>} : memref<5x128xf32, #tpu.memory_space<vmem>>, vector<16xf32>,
    %swap3A_125 = arith.constant 3 : i32
    %swap3A_126 = arith.index_cast %swap3A_125 : i32 to index
    %swap3A_127 = arith.constant 96 : index
    %swap3A_128 = tpu.vector_load %arg13[%swap3A_126, %swap3A_127] {strides = array<i32>} : memref<5x128xf32, #tpu.memory_space<vmem>>, vector<16xf32>,
    tpu.vector_store %arg13[%swap3A_126, %swap3A_127], %broadcast_in_dim3A_5 {strides = array<i32>} : memref<5x128xf32, #tpu.memory_space<vmem>>, vector<16xf32>,
    %swap3A_129 = arith.constant 3 : i32
    %swap3A_130 = arith.index_cast %swap3A_129 : i32 to index
    %swap3A_131 = arith.constant 112 : index
    %swap3A_132 = tpu.vector_load %arg13[%swap3A_130, %swap3A_131] {strides = array<i32>} : memref<5x128xf32, #tpu.memory_space<vmem>>, vector<16xf32>,
    tpu.vector_store %arg13[%swap3A_130, %swap3A_131], %broadcast_in_dim3A_5 {strides = array<i32>} : memref<5x128xf32, #tpu.memory_space<vmem>>, vector<16xf32>,
    %swap3A_133 = arith.constant 4 : i32
    %swap3A_134 = arith.index_cast %swap3A_133 : i32 to index
    %swap3A_135 = arith.constant 0 : index
    %swap3A_136 = tpu.vector_load %arg13[%swap3A_134, %swap3A_135] {strides = array<i32>} : memref<5x128xf32, #tpu.memory_space<vmem>>, vector<16xf32>,
    tpu.vector_store %arg13[%swap3A_134, %swap3A_135], %broadcast_in_dim3A_5 {strides = array<i32>} : memref<5x128xf32, #tpu.memory_space<vmem>>, vector<16xf32>,
    %swap3A_137 = arith.constant 4 : i32
    %swap3A_138 = arith.index_cast %swap3A_137 : i32 to index
    %swap3A_139 = arith.constant 16 : index
    %swap3A_140 = tpu.vector_load %arg13[%swap3A_138, %swap3A_139] {strides = array<i32>} : memref<5x128xf32, #tpu.memory_space<vmem>>, vector<16xf32>,
    tpu.vector_store %arg13[%swap3A_138, %swap3A_139], %broadcast_in_dim3A_5 {strides = array<i32>} : memref<5x128xf32, #tpu.memory_space<vmem>>, vector<16xf32>,
    %swap3A_141 = arith.constant 4 : i32
    %swap3A_142 = arith.index_cast %swap3A_141 : i32 to index
    %swap3A_143 = arith.constant 32 : index
    %swap3A_144 = tpu.vector_load %arg13[%swap3A_142, %swap3A_143] {strides = array<i32>} : memref<5x128xf32, #tpu.memory_space<vmem>>, vector<16xf32>,
    tpu.vector_store %arg13[%swap3A_142, %swap3A_143], %broadcast_in_dim3A_5 {strides = array<i32>} : memref<5x128xf32, #tpu.memory_space<vmem>>, vector<16xf32>,
    %swap3A_145 = arith.constant 4 : i32
    %swap3A_146 = arith.index_cast %swap3A_145 : i32 to index
    %swap3A_147 = arith.constant 48 : index
    %swap3A_148 = tpu.vector_load %arg13[%swap3A_146, %swap3A_147] {strides = array<i32>} : memref<5x128xf32, #tpu.memory_space<vmem>>, vector<16xf32>,
    tpu.vector_store %arg13[%swap3A_146, %swap3A_147], %broadcast_in_dim3A_5 {strides = array<i32>} : memref<5x128xf32, #tpu.memory_space<vmem>>, vector<16xf32>,
    %swap3A_149 = arith.constant 4 : i32
    %swap3A_150 = arith.index_cast %swap3A_149 : i32 to index
    %swap3A_151 = arith.constant 64 : index
    %swap3A_152 = tpu.vector_load %arg13[%swap3A_150, %swap3A_151] {strides = array<i32>} : memref<5x128xf32, #tpu.memory_space<vmem>>, vector<16xf32>,
    tpu.vector_store %arg13[%swap3A_150, %swap3A_151], %broadcast_in_dim3A_5 {strides = array<i32>} : memref<5x128xf32, #tpu.memory_space<vmem>>, vector<16xf32>,
    %swap3A_153 = arith.constant 4 : i32
    %swap3A_154 = arith.index_cast %swap3A_153 : i32 to index
    %swap3A_155 = arith.constant 80 : index
    %swap3A_156 = tpu.vector_load %arg13[%swap3A_154, %swap3A_155] {strides = array<i32>} : memref<5x128xf32, #tpu.memory_space<vmem>>, vector<16xf32>,
    tpu.vector_store %arg13[%swap3A_154, %swap3A_155], %broadcast_in_dim3A_5 {strides = array<i32>} : memref<5x128xf32, #tpu.memory_space<vmem>>, vector<16xf32>,
    %swap3A_157 = arith.constant 4 : i32
    %swap3A_158 = arith.index_cast %swap3A_157 : i32 to index
    %swap3A_159 = arith.constant 96 : index
    %swap3A_160 = tpu.vector_load %arg13[%swap3A_158, %swap3A_159] {strides = array<i32>} : memref<5x128xf32, #tpu.memory_space<vmem>>, vector<16xf32>,
    tpu.vector_store %arg13[%swap3A_158, %swap3A_159], %broadcast_in_dim3A_5 {strides = array<i32>} : memref<5x128xf32, #tpu.memory_space<vmem>>, vector<16xf32>,
    %swap3A_161 = arith.constant 4 : i32
    %swap3A_162 = arith.index_cast %swap3A_161 : i32 to index
    %swap3A_163 = arith.constant 112 : index
    %swap3A_164 = tpu.vector_load %arg13[%swap3A_162, %swap3A_163] {strides = array<i32>} : memref<5x128xf32, #tpu.memory_space<vmem>>, vector<16xf32>,
    tpu.vector_store %arg13[%swap3A_162, %swap3A_163], %broadcast_in_dim3A_5 {strides = array<i32>} : memref<5x128xf32, #tpu.memory_space<vmem>>, vector<16xf32>,
    %parallel_loop3A_165 = arith.constant 0 : i32
    %parallel_loop3A_166 = arith.constant 80 : i32
    %parallel_loop3A_167 = arith.constant 1 : i32
    scf.for %parallel_loop3A_255 = %parallel_loop3A_165 to %parallel_loop3A_166 step %parallel_loop3A_167  : i32 {
      %parallel_loop3A_256 = arith.index_cast %parallel_loop3A_255 : i32 to index
      %parallel_loop3A_257 = arith.constant 0 : index
      %parallel_loop3A_258 = tpu.vector_load %arg11[%parallel_loop3A_256, %parallel_loop3A_257] {strides = array<i32>} : memref<80x128xf32, #tpu.memory_space<vmem>>, vector<16xf32>,
      tpu.vector_store %arg11[%parallel_loop3A_256, %parallel_loop3A_257], %broadcast_in_dim3A_5 {strides = array<i32>} : memref<80x128xf32, #tpu.memory_space<vmem>>, vector<16xf32>,
      %parallel_loop3A_259 = arith.index_cast %parallel_loop3A_255 : i32 to index
      %parallel_loop3A_260 = arith.constant 16 : index
      %parallel_loop3A_261 = tpu.vector_load %arg11[%parallel_loop3A_259, %parallel_loop3A_260] {strides = array<i32>} : memref<80x128xf32, #tpu.memory_space<vmem>>, vector<16xf32>,
      tpu.vector_store %arg11[%parallel_loop3A_259, %parallel_loop3A_260], %broadcast_in_dim3A_5 {strides = array<i32>} : memref<80x128xf32, #tpu.memory_space<vmem>>, vector<16xf32>,
      %parallel_loop3A_262 = arith.index_cast %parallel_loop3A_255 : i32 to index
      %parallel_loop3A_263 = arith.constant 32 : index
      %parallel_loop3A_264 = tpu.vector_load %arg11[%parallel_loop3A_262, %parallel_loop3A_263] {strides = array<i32>} : memref<80x128xf32, #tpu.memory_space<vmem>>, vector<16xf32>,
      tpu.vector_store %arg11[%parallel_loop3A_262, %parallel_loop3A_263], %broadcast_in_dim3A_5 {strides = array<i32>} : memref<80x128xf32, #tpu.memory_space<vmem>>, vector<16xf32>,
      %parallel_loop3A_265 = arith.index_cast %parallel_loop3A_255 : i32 to index
      %parallel_loop3A_266 = arith.constant 48 : index
      %parallel_loop3A_267 = tpu.vector_load %arg11[%parallel_loop3A_265, %parallel_loop3A_266] {strides = array<i32>} : memref<80x128xf32, #tpu.memory_space<vmem>>, vector<16xf32>,
      tpu.vector_store %arg11[%parallel_loop3A_265, %parallel_loop3A_266], %broadcast_in_dim3A_5 {strides = array<i32>} : memref<80x128xf32, #tpu.memory_space<vmem>>, vector<16xf32>,
      %parallel_loop3A_268 = arith.index_cast %parallel_loop3A_255 : i32 to index
      %parallel_loop3A_269 = arith.constant 64 : index
      %parallel_loop3A_270 = tpu.vector_load %arg11[%parallel_loop3A_268, %parallel_loop3A_269] {strides = array<i32>} : memref<80x128xf32, #tpu.memory_space<vmem>>, vector<16xf32>,
      tpu.vector_store %arg11[%parallel_loop3A_268, %parallel_loop3A_269], %broadcast_in_dim3A_5 {strides = array<i32>} : memref<80x128xf32, #tpu.memory_space<vmem>>, vector<16xf32>,
      %parallel_loop3A_271 = arith.index_cast %parallel_loop3A_255 : i32 to index
      %parallel_loop3A_272 = arith.constant 80 : index
      %parallel_loop3A_273 = tpu.vector_load %arg11[%parallel_loop3A_271, %parallel_loop3A_272] {strides = array<i32>} : memref<80x128xf32, #tpu.memory_space<vmem>>, vector<16xf32>,
      tpu.vector_store %arg11[%parallel_loop3A_271, %parallel_loop3A_272], %broadcast_in_dim3A_5 {strides = array<i32>} : memref<80x128xf32, #tpu.memory_space<vmem>>, vector<16xf32>,
      %parallel_loop3A_274 = arith.index_cast %parallel_loop3A_255 : i32 to index
      %parallel_loop3A_275 = arith.constant 96 : index
      %parallel_loop3A_276 = tpu.vector_load %arg11[%parallel_loop3A_274, %parallel_loop3A_275] {strides = array<i32>} : memref<80x128xf32, #tpu.memory_space<vmem>>, vector<16xf32>,
      tpu.vector_store %arg11[%parallel_loop3A_274, %parallel_loop3A_275], %broadcast_in_dim3A_5 {strides = array<i32>} : memref<80x128xf32, #tpu.memory_space<vmem>>, vector<16xf32>,
      %parallel_loop3A_277 = arith.index_cast %parallel_loop3A_255 : i32 to index
      %parallel_loop3A_278 = arith.constant 112 : index
      %parallel_loop3A_279 = tpu.vector_load %arg11[%parallel_loop3A_277, %parallel_loop3A_278] {strides = array<i32>} : memref<80x128xf32, #tpu.memory_space<vmem>>, vector<16xf32>,
      tpu.vector_store %arg11[%parallel_loop3A_277, %parallel_loop3A_278], %broadcast_in_dim3A_5 {strides = array<i32>} : memref<80x128xf32, #tpu.memory_space<vmem>>, vector<16xf32>,
    } {sc.loop_unroll_factor = 8 : i64, sc.parallel_access}
    %iota3A = tpu.iota {dimensions = array<i32: 0>} : vector<16xi32>
    %add3A = arith.constant 0 : i32
    %add3A_168 = vector.broadcast %add3A : i32 to vector<16xi32>
    %add3A_169 = arith.addi %iota3A, %add3A_168 : vector<16xi32>
    %swap3A_170 = arith.constant 0 : index
    %swap3A_171 = tpu.vector_load %arg12[%swap3A_170] {strides = array<i32>} : memref<80xi32, #tpu.memory_space<vmem>>, vector<16xi32>,
    tpu.vector_store %arg12[%swap3A_170], %add3A_169 {strides = array<i32>} : memref<80xi32, #tpu.memory_space<vmem>>, vector<16xi32>,
    %iota3A_172 = tpu.iota {dimensions = array<i32: 0>} : vector<16xi32>
    %add3A_173 = arith.constant 16 : i32
    %add3A_174 = vector.broadcast %add3A_173 : i32 to vector<16xi32>
    %add3A_175 = arith.addi %iota3A_172, %add3A_174 : vector<16xi32>
    %swap3A_176 = arith.constant 16 : index
    %swap3A_177 = tpu.vector_load %arg12[%swap3A_176] {strides = array<i32>} : memref<80xi32, #tpu.memory_space<vmem>>, vector<16xi32>,
    tpu.vector_store %arg12[%swap3A_176], %add3A_175 {strides = array<i32>} : memref<80xi32, #tpu.memory_space<vmem>>, vector<16xi32>,
    %iota3A_178 = tpu.iota {dimensions = array<i32: 0>} : vector<16xi32>
    %add3A_179 = arith.constant 32 : i32
    %add3A_180 = vector.broadcast %add3A_179 : i32 to vector<16xi32>
    %add3A_181 = arith.addi %iota3A_178, %add3A_180 : vector<16xi32>
    %swap3A_182 = arith.constant 32 : index
    %swap3A_183 = tpu.vector_load %arg12[%swap3A_182] {strides = array<i32>} : memref<80xi32, #tpu.memory_space<vmem>>, vector<16xi32>,
    tpu.vector_store %arg12[%swap3A_182], %add3A_181 {strides = array<i32>} : memref<80xi32, #tpu.memory_space<vmem>>, vector<16xi32>,
    %iota3A_184 = tpu.iota {dimensions = array<i32: 0>} : vector<16xi32>
    %add3A_185 = arith.constant 48 : i32
    %add3A_186 = vector.broadcast %add3A_185 : i32 to vector<16xi32>
    %add3A_187 = arith.addi %iota3A_184, %add3A_186 : vector<16xi32>
    %swap3A_188 = arith.constant 48 : index
    %swap3A_189 = tpu.vector_load %arg12[%swap3A_188] {strides = array<i32>} : memref<80xi32, #tpu.memory_space<vmem>>, vector<16xi32>,
    tpu.vector_store %arg12[%swap3A_188], %add3A_187 {strides = array<i32>} : memref<80xi32, #tpu.memory_space<vmem>>, vector<16xi32>,
    %iota3A_190 = tpu.iota {dimensions = array<i32: 0>} : vector<16xi32>
    %add3A_191 = arith.constant 64 : i32
    %add3A_192 = vector.broadcast %add3A_191 : i32 to vector<16xi32>
    %add3A_193 = arith.addi %iota3A_190, %add3A_192 : vector<16xi32>
    %swap3A_194 = arith.constant 64 : index
    %swap3A_195 = tpu.vector_load %arg12[%swap3A_194] {strides = array<i32>} : memref<80xi32, #tpu.memory_space<vmem>>, vector<16xi32>,
    tpu.vector_store %arg12[%swap3A_194], %add3A_193 {strides = array<i32>} : memref<80xi32, #tpu.memory_space<vmem>>, vector<16xi32>,
    %mul3A_196 = arith.constant 5 : i32
    %mul3A_197 = arith.muli %arg1, %mul3A_196 : i32
    "tpu.region"() ({
      %run_scoped3A = tpu.sem_alloc : memref<!tpu.dma_semaphore, #tpu.memory_space<semaphore_mem>>
      %dma_start3A_255 = arith.constant 0 : i32
      %dma_start3A_256 = tpu.memref_slice %arg22[%mul3A_197, %dma_start3A_255] : memref<80x128xf32, #tpu.memory_space<vmem_shared>> -> memref<5x128xf32, #tpu.memory_space<vmem_shared>>
      %dma_start3A_257 = arith.constant 0 : i32
      %dma_start3A_258 = tpu.memref_slice %arg22[%mul3A_197, %dma_start3A_257] : memref<80x128xf32, #tpu.memory_space<vmem_shared>> -> memref<5x128xf32, #tpu.memory_space<vmem_shared>>
      tpu.enqueue_dma source(%arg13 : memref<5x128xf32, #tpu.memory_space<vmem>>) target(%dma_start3A_258 : memref<5x128xf32, #tpu.memory_space<vmem_shared>>) target_semaphore(%run_scoped3A : memref<!tpu.dma_semaphore, #tpu.memory_space<semaphore_mem>>)
      %dma_wait3A_259 = arith.constant 0 : i32
      %dma_wait3A_260 = tpu.memref_slice %arg22[%mul3A_197, %dma_wait3A_259] : memref<80x128xf32, #tpu.memory_space<vmem_shared>> -> memref<5x128xf32, #tpu.memory_space<vmem_shared>>
      %dma_wait3A_261 = arith.constant 0 : i32
      %dma_wait3A_262 = tpu.memref_slice %arg22[%mul3A_197, %dma_wait3A_261] : memref<80x128xf32, #tpu.memory_space<vmem_shared>> -> memref<5x128xf32, #tpu.memory_space<vmem_shared>>
      tpu.wait_dma2 semaphore(%run_scoped3A : memref<!tpu.dma_semaphore, #tpu.memory_space<semaphore_mem>>) src(%arg13 : memref<5x128xf32, #tpu.memory_space<vmem>>) dst(%dma_wait3A_262 : memref<5x128xf32, #tpu.memory_space<vmem_shared>>)
      tpu.yield
    }) : () -> ()
    %parallel_loop3A_198 = arith.constant 0 : i32
    %parallel_loop3A_199 = arith.constant 1250 : i32
    %parallel_loop3A_200 = arith.constant 1 : i32
    scf.for %parallel_loop3A_255 = %parallel_loop3A_198 to %parallel_loop3A_199 step %parallel_loop3A_200  : i32 {
      %parallel_loop3A_256 = arith.constant 16 : i32
      %parallel_loop3A_257 = arith.muli %parallel_loop3A_255, %parallel_loop3A_256 : i32
      %parallel_loop3A_258 = arith.index_cast %parallel_loop3A_257 : i32 to index
      %parallel_loop3A_259 = tpu.vector_load %arg7[%parallel_loop3A_258] {strides = array<i32>} : memref<20000xi32, #tpu.memory_space<vmem>>, vector<16xi32>,
      %parallel_loop3A_260 = vector.broadcast %mul3A_2 : i32 to vector<16xi32>
      %parallel_loop3A_261 = arith.subi %parallel_loop3A_259, %parallel_loop3A_260 : vector<16xi32>
      %parallel_loop3A_262 = arith.constant 16 : i32
      %parallel_loop3A_263 = arith.muli %parallel_loop3A_255, %parallel_loop3A_262 : i32
      %parallel_loop3A_264 = arith.index_cast %parallel_loop3A_263 : i32 to index
      %parallel_loop3A_265 = tpu.vector_load %arg8[%parallel_loop3A_264] {strides = array<i32>} : memref<20000xi32, #tpu.memory_space<vmem>>, vector<16xi32>,
      %parallel_loop3A_266 = tpu.vector_load_idx %arg9[%parallel_loop3A_261] : memref<10000xf32, #tpu.memory_space<vmem>>[vector<16xi32>], vector<16xf32>,
      %parallel_loop3A_267 = tpu.vector_load_idx %arg10[%parallel_loop3A_265] : memref<10000xf32, #tpu.memory_space<vmem>>[vector<16xi32>], vector<16xf32>,
      %parallel_loop3A_268 = arith.addf %parallel_loop3A_266, %parallel_loop3A_267 : vector<16xf32>
      %parallel_loop3A_269 = arith.constant 0.000000e+00 : f32
      %parallel_loop3A_270 = vector.broadcast %parallel_loop3A_269 : f32 to vector<16xf32>
      %parallel_loop3A_271 = arith.cmpf ogt, %parallel_loop3A_268, %parallel_loop3A_270 : vector<16xf32>
      %parallel_loop3A_272 = arith.constant 2.000000e-01 : f32
      %parallel_loop3A_273 = vector.broadcast %parallel_loop3A_272 : f32 to vector<16xf32>
      %parallel_loop3A_274 = arith.mulf %parallel_loop3A_273, %parallel_loop3A_268 : vector<16xf32>
      %parallel_loop3A_275 = arith.select %parallel_loop3A_271, %parallel_loop3A_268, %parallel_loop3A_274 : vector<16xi1>, vector<16xf32>
      %parallel_loop3A_276 = math.exp %parallel_loop3A_275 : vector<16xf32>
      %parallel_loop3A_277 = arith.constant 7 : i32
      %parallel_loop3A_278 = vector.broadcast %parallel_loop3A_277 : i32 to vector<16xi32>
      %parallel_loop3A_279 = arith.shrui %parallel_loop3A_265, %parallel_loop3A_278 : vector<16xi32>
      %parallel_loop3A_280 = arith.constant 127 : i32
      %parallel_loop3A_281 = vector.broadcast %parallel_loop3A_280 : i32 to vector<16xi32>
      %parallel_loop3A_282 = arith.andi %parallel_loop3A_265, %parallel_loop3A_281 : vector<16xi32>
      tpu.vector_store_idx %arg11[%parallel_loop3A_279, %parallel_loop3A_282], %parallel_loop3A_276 {add = true} : memref<80x128xf32, #tpu.memory_space<vmem>>[vector<16xi32>, vector<16xi32>], vector<16xf32>,
    } {sc.loop_unroll_factor = 8 : i64, sc.parallel_access}
    %parallel_loop3A_201 = arith.constant 0 : i32
    %parallel_loop3A_202 = arith.constant 80 : i32
    %parallel_loop3A_203 = arith.constant 1 : i32
    scf.for %parallel_loop3A_255 = %parallel_loop3A_201 to %parallel_loop3A_202 step %parallel_loop3A_203  : i32 {
      %parallel_loop3A_256 = arith.index_cast %parallel_loop3A_255 : i32 to index
      %parallel_loop3A_257 = arith.constant 0 : index
      %parallel_loop3A_258 = tpu.vector_load %arg14[%parallel_loop3A_256, %parallel_loop3A_257] {strides = array<i32>} : memref<80x64xf32, #tpu.memory_space<vmem>>, vector<16xf32>,
      tpu.vector_store %arg14[%parallel_loop3A_256, %parallel_loop3A_257], %broadcast_in_dim3A_5 {strides = array<i32>} : memref<80x64xf32, #tpu.memory_space<vmem>>, vector<16xf32>,
      %parallel_loop3A_259 = arith.index_cast %parallel_loop3A_255 : i32 to index
      %parallel_loop3A_260 = arith.constant 16 : index
      %parallel_loop3A_261 = tpu.vector_load %arg14[%parallel_loop3A_259, %parallel_loop3A_260] {strides = array<i32>} : memref<80x64xf32, #tpu.memory_space<vmem>>, vector<16xf32>,
      tpu.vector_store %arg14[%parallel_loop3A_259, %parallel_loop3A_260], %broadcast_in_dim3A_5 {strides = array<i32>} : memref<80x64xf32, #tpu.memory_space<vmem>>, vector<16xf32>,
      %parallel_loop3A_262 = arith.index_cast %parallel_loop3A_255 : i32 to index
      %parallel_loop3A_263 = arith.constant 32 : index
      %parallel_loop3A_264 = tpu.vector_load %arg14[%parallel_loop3A_262, %parallel_loop3A_263] {strides = array<i32>} : memref<80x64xf32, #tpu.memory_space<vmem>>, vector<16xf32>,
      tpu.vector_store %arg14[%parallel_loop3A_262, %parallel_loop3A_263], %broadcast_in_dim3A_5 {strides = array<i32>} : memref<80x64xf32, #tpu.memory_space<vmem>>, vector<16xf32>,
      %parallel_loop3A_265 = arith.index_cast %parallel_loop3A_255 : i32 to index
      %parallel_loop3A_266 = arith.constant 48 : index
      %parallel_loop3A_267 = tpu.vector_load %arg14[%parallel_loop3A_265, %parallel_loop3A_266] {strides = array<i32>} : memref<80x64xf32, #tpu.memory_space<vmem>>, vector<16xf32>,
      tpu.vector_store %arg14[%parallel_loop3A_265, %parallel_loop3A_266], %broadcast_in_dim3A_5 {strides = array<i32>} : memref<80x64xf32, #tpu.memory_space<vmem>>, vector<16xf32>,
    } {sc.loop_unroll_factor = 8 : i64, sc.parallel_access}
    %mul3A_204 = arith.constant 625 : i32
    %mul3A_205 = arith.muli %arg1, %mul3A_204 : i32
    %add3A_206 = arith.constant 0 : i32
    %add3A_207 = arith.addi %mul3A_205, %add3A_206 : i32
    "tpu.region"() ({
      %run_scoped3A = tpu.sem_alloc : memref<!tpu.dma_semaphore, #tpu.memory_space<semaphore_mem>>
      %dma_start3A_255 = arith.constant 0 : i32
      %dma_start3A_256 = tpu.memref_slice %arg23[%add3A_207, %dma_start3A_255] : memref<10000x64xf32, #tpu.memory_space<vmem_shared>> -> memref<80x64xf32, #tpu.memory_space<vmem_shared>>
      %dma_start3A_257 = arith.constant 0 : i32
      %dma_start3A_258 = tpu.memref_slice %arg23[%add3A_207, %dma_start3A_257] : memref<10000x64xf32, #tpu.memory_space<vmem_shared>> -> memref<80x64xf32, #tpu.memory_space<vmem_shared>>
      tpu.enqueue_dma source(%arg14 : memref<80x64xf32, #tpu.memory_space<vmem>>) target(%dma_start3A_258 : memref<80x64xf32, #tpu.memory_space<vmem_shared>>) target_semaphore(%run_scoped3A : memref<!tpu.dma_semaphore, #tpu.memory_space<semaphore_mem>>)
      %dma_wait3A_259 = arith.constant 0 : i32
      %dma_wait3A_260 = tpu.memref_slice %arg23[%add3A_207, %dma_wait3A_259] : memref<10000x64xf32, #tpu.memory_space<vmem_shared>> -> memref<80x64xf32, #tpu.memory_space<vmem_shared>>
      %dma_wait3A_261 = arith.constant 0 : i32
      %dma_wait3A_262 = tpu.memref_slice %arg23[%add3A_207, %dma_wait3A_261] : memref<10000x64xf32, #tpu.memory_space<vmem_shared>> -> memref<80x64xf32, #tpu.memory_space<vmem_shared>>
      tpu.wait_dma2 semaphore(%run_scoped3A : memref<!tpu.dma_semaphore, #tpu.memory_space<semaphore_mem>>) src(%arg14 : memref<80x64xf32, #tpu.memory_space<vmem>>) dst(%dma_wait3A_262 : memref<80x64xf32, #tpu.memory_space<vmem_shared>>)
      tpu.yield
    }) : () -> ()
    %mul3A_208 = arith.constant 625 : i32
    %mul3A_209 = arith.muli %arg1, %mul3A_208 : i32
    %add3A_210 = arith.constant 80 : i32
    %add3A_211 = arith.addi %mul3A_209, %add3A_210 : i32
    "tpu.region"() ({
      %run_scoped3A = tpu.sem_alloc : memref<!tpu.dma_semaphore, #tpu.memory_space<semaphore_mem>>
      %dma_start3A_255 = arith.constant 0 : i32
      %dma_start3A_256 = tpu.memref_slice %arg23[%add3A_211, %dma_start3A_255] : memref<10000x64xf32, #tpu.memory_space<vmem_shared>> -> memref<80x64xf32, #tpu.memory_space<vmem_shared>>
      %dma_start3A_257 = arith.constant 0 : i32
      %dma_start3A_258 = tpu.memref_slice %arg23[%add3A_211, %dma_start3A_257] : memref<10000x64xf32, #tpu.memory_space<vmem_shared>> -> memref<80x64xf32, #tpu.memory_space<vmem_shared>>
      tpu.enqueue_dma source(%arg14 : memref<80x64xf32, #tpu.memory_space<vmem>>) target(%dma_start3A_258 : memref<80x64xf32, #tpu.memory_space<vmem_shared>>) target_semaphore(%run_scoped3A : memref<!tpu.dma_semaphore, #tpu.memory_space<semaphore_mem>>)
      %dma_wait3A_259 = arith.constant 0 : i32
      %dma_wait3A_260 = tpu.memref_slice %arg23[%add3A_211, %dma_wait3A_259] : memref<10000x64xf32, #tpu.memory_space<vmem_shared>> -> memref<80x64xf32, #tpu.memory_space<vmem_shared>>
      %dma_wait3A_261 = arith.constant 0 : i32
      %dma_wait3A_262 = tpu.memref_slice %arg23[%add3A_211, %dma_wait3A_261] : memref<10000x64xf32, #tpu.memory_space<vmem_shared>> -> memref<80x64xf32, #tpu.memory_space<vmem_shared>>
      tpu.wait_dma2 semaphore(%run_scoped3A : memref<!tpu.dma_semaphore, #tpu.memory_space<semaphore_mem>>) src(%arg14 : memref<80x64xf32, #tpu.memory_space<vmem>>) dst(%dma_wait3A_262 : memref<80x64xf32, #tpu.memory_space<vmem_shared>>)
      tpu.yield
    }) : () -> ()
    %mul3A_212 = arith.constant 625 : i32
    %mul3A_213 = arith.muli %arg1, %mul3A_212 : i32
    %add3A_214 = arith.constant 160 : i32
    %add3A_215 = arith.addi %mul3A_213, %add3A_214 : i32
    "tpu.region"() ({
      %run_scoped3A = tpu.sem_alloc : memref<!tpu.dma_semaphore, #tpu.memory_space<semaphore_mem>>
      %dma_start3A_255 = arith.constant 0 : i32
      %dma_start3A_256 = tpu.memref_slice %arg23[%add3A_215, %dma_start3A_255] : memref<10000x64xf32, #tpu.memory_space<vmem_shared>> -> memref<80x64xf32, #tpu.memory_space<vmem_shared>>
      %dma_start3A_257 = arith.constant 0 : i32
      %dma_start3A_258 = tpu.memref_slice %arg23[%add3A_215, %dma_start3A_257] : memref<10000x64xf32, #tpu.memory_space<vmem_shared>> -> memref<80x64xf32, #tpu.memory_space<vmem_shared>>
      tpu.enqueue_dma source(%arg14 : memref<80x64xf32, #tpu.memory_space<vmem>>) target(%dma_start3A_258 : memref<80x64xf32, #tpu.memory_space<vmem_shared>>) target_semaphore(%run_scoped3A : memref<!tpu.dma_semaphore, #tpu.memory_space<semaphore_mem>>)
      %dma_wait3A_259 = arith.constant 0 : i32
      %dma_wait3A_260 = tpu.memref_slice %arg23[%add3A_215, %dma_wait3A_259] : memref<10000x64xf32, #tpu.memory_space<vmem_shared>> -> memref<80x64xf32, #tpu.memory_space<vmem_shared>>
      %dma_wait3A_261 = arith.constant 0 : i32
      %dma_wait3A_262 = tpu.memref_slice %arg23[%add3A_215, %dma_wait3A_261] : memref<10000x64xf32, #tpu.memory_space<vmem_shared>> -> memref<80x64xf32, #tpu.memory_space<vmem_shared>>
      tpu.wait_dma2 semaphore(%run_scoped3A : memref<!tpu.dma_semaphore, #tpu.memory_space<semaphore_mem>>) src(%arg14 : memref<80x64xf32, #tpu.memory_space<vmem>>) dst(%dma_wait3A_262 : memref<80x64xf32, #tpu.memory_space<vmem_shared>>)
      tpu.yield
    }) : () -> ()
    %mul3A_216 = arith.constant 625 : i32
    %mul3A_217 = arith.muli %arg1, %mul3A_216 : i32
    %add3A_218 = arith.constant 240 : i32
    %add3A_219 = arith.addi %mul3A_217, %add3A_218 : i32
    "tpu.region"() ({
      %run_scoped3A = tpu.sem_alloc : memref<!tpu.dma_semaphore, #tpu.memory_space<semaphore_mem>>
      %dma_start3A_255 = arith.constant 0 : i32
      %dma_start3A_256 = tpu.memref_slice %arg23[%add3A_219, %dma_start3A_255] : memref<10000x64xf32, #tpu.memory_space<vmem_shared>> -> memref<80x64xf32, #tpu.memory_space<vmem_shared>>
      %dma_start3A_257 = arith.constant 0 : i32
      %dma_start3A_258 = tpu.memref_slice %arg23[%add3A_219, %dma_start3A_257] : memref<10000x64xf32, #tpu.memory_space<vmem_shared>> -> memref<80x64xf32, #tpu.memory_space<vmem_shared>>
      tpu.enqueue_dma source(%arg14 : memref<80x64xf32, #tpu.memory_space<vmem>>) target(%dma_start3A_258 : memref<80x64xf32, #tpu.memory_space<vmem_shared>>) target_semaphore(%run_scoped3A : memref<!tpu.dma_semaphore, #tpu.memory_space<semaphore_mem>>)
      %dma_wait3A_259 = arith.constant 0 : i32
      %dma_wait3A_260 = tpu.memref_slice %arg23[%add3A_219, %dma_wait3A_259] : memref<10000x64xf32, #tpu.memory_space<vmem_shared>> -> memref<80x64xf32, #tpu.memory_space<vmem_shared>>
      %dma_wait3A_261 = arith.constant 0 : i32
      %dma_wait3A_262 = tpu.memref_slice %arg23[%add3A_219, %dma_wait3A_261] : memref<10000x64xf32, #tpu.memory_space<vmem_shared>> -> memref<80x64xf32, #tpu.memory_space<vmem_shared>>
      tpu.wait_dma2 semaphore(%run_scoped3A : memref<!tpu.dma_semaphore, #tpu.memory_space<semaphore_mem>>) src(%arg14 : memref<80x64xf32, #tpu.memory_space<vmem>>) dst(%dma_wait3A_262 : memref<80x64xf32, #tpu.memory_space<vmem_shared>>)
      tpu.yield
    }) : () -> ()
    %mul3A_220 = arith.constant 625 : i32
    %mul3A_221 = arith.muli %arg1, %mul3A_220 : i32
    %add3A_222 = arith.constant 320 : i32
    %add3A_223 = arith.addi %mul3A_221, %add3A_222 : i32
    "tpu.region"() ({
      %run_scoped3A = tpu.sem_alloc : memref<!tpu.dma_semaphore, #tpu.memory_space<semaphore_mem>>
      %dma_start3A_255 = arith.constant 0 : i32
      %dma_start3A_256 = tpu.memref_slice %arg23[%add3A_223, %dma_start3A_255] : memref<10000x64xf32, #tpu.memory_space<vmem_shared>> -> memref<80x64xf32, #tpu.memory_space<vmem_shared>>
      %dma_start3A_257 = arith.constant 0 : i32
      %dma_start3A_258 = tpu.memref_slice %arg23[%add3A_223, %dma_start3A_257] : memref<10000x64xf32, #tpu.memory_space<vmem_shared>> -> memref<80x64xf32, #tpu.memory_space<vmem_shared>>
      tpu.enqueue_dma source(%arg14 : memref<80x64xf32, #tpu.memory_space<vmem>>) target(%dma_start3A_258 : memref<80x64xf32, #tpu.memory_space<vmem_shared>>) target_semaphore(%run_scoped3A : memref<!tpu.dma_semaphore, #tpu.memory_space<semaphore_mem>>)
      %dma_wait3A_259 = arith.constant 0 : i32
      %dma_wait3A_260 = tpu.memref_slice %arg23[%add3A_223, %dma_wait3A_259] : memref<10000x64xf32, #tpu.memory_space<vmem_shared>> -> memref<80x64xf32, #tpu.memory_space<vmem_shared>>
      %dma_wait3A_261 = arith.constant 0 : i32
      %dma_wait3A_262 = tpu.memref_slice %arg23[%add3A_223, %dma_wait3A_261] : memref<10000x64xf32, #tpu.memory_space<vmem_shared>> -> memref<80x64xf32, #tpu.memory_space<vmem_shared>>
      tpu.wait_dma2 semaphore(%run_scoped3A : memref<!tpu.dma_semaphore, #tpu.memory_space<semaphore_mem>>) src(%arg14 : memref<80x64xf32, #tpu.memory_space<vmem>>) dst(%dma_wait3A_262 : memref<80x64xf32, #tpu.memory_space<vmem_shared>>)
      tpu.yield
    }) : () -> ()
    %mul3A_224 = arith.constant 625 : i32
    %mul3A_225 = arith.muli %arg1, %mul3A_224 : i32
    %add3A_226 = arith.constant 400 : i32
    %add3A_227 = arith.addi %mul3A_225, %add3A_226 : i32
    "tpu.region"() ({
      %run_scoped3A = tpu.sem_alloc : memref<!tpu.dma_semaphore, #tpu.memory_space<semaphore_mem>>
      %dma_start3A_255 = arith.constant 0 : i32
      %dma_start3A_256 = tpu.memref_slice %arg23[%add3A_227, %dma_start3A_255] : memref<10000x64xf32, #tpu.memory_space<vmem_shared>> -> memref<80x64xf32, #tpu.memory_space<vmem_shared>>
      %dma_start3A_257 = arith.constant 0 : i32
      %dma_start3A_258 = tpu.memref_slice %arg23[%add3A_227, %dma_start3A_257] : memref<10000x64xf32, #tpu.memory_space<vmem_shared>> -> memref<80x64xf32, #tpu.memory_space<vmem_shared>>
      tpu.enqueue_dma source(%arg14 : memref<80x64xf32, #tpu.memory_space<vmem>>) target(%dma_start3A_258 : memref<80x64xf32, #tpu.memory_space<vmem_shared>>) target_semaphore(%run_scoped3A : memref<!tpu.dma_semaphore, #tpu.memory_space<semaphore_mem>>)
      %dma_wait3A_259 = arith.constant 0 : i32
      %dma_wait3A_260 = tpu.memref_slice %arg23[%add3A_227, %dma_wait3A_259] : memref<10000x64xf32, #tpu.memory_space<vmem_shared>> -> memref<80x64xf32, #tpu.memory_space<vmem_shared>>
      %dma_wait3A_261 = arith.constant 0 : i32
      %dma_wait3A_262 = tpu.memref_slice %arg23[%add3A_227, %dma_wait3A_261] : memref<10000x64xf32, #tpu.memory_space<vmem_shared>> -> memref<80x64xf32, #tpu.memory_space<vmem_shared>>
      tpu.wait_dma2 semaphore(%run_scoped3A : memref<!tpu.dma_semaphore, #tpu.memory_space<semaphore_mem>>) src(%arg14 : memref<80x64xf32, #tpu.memory_space<vmem>>) dst(%dma_wait3A_262 : memref<80x64xf32, #tpu.memory_space<vmem_shared>>)
      tpu.yield
    }) : () -> ()
    %mul3A_228 = arith.constant 625 : i32
    %mul3A_229 = arith.muli %arg1, %mul3A_228 : i32
    %add3A_230 = arith.constant 480 : i32
    %add3A_231 = arith.addi %mul3A_229, %add3A_230 : i32
    "tpu.region"() ({
      %run_scoped3A = tpu.sem_alloc : memref<!tpu.dma_semaphore, #tpu.memory_space<semaphore_mem>>
      %dma_start3A_255 = arith.constant 0 : i32
      %dma_start3A_256 = tpu.memref_slice %arg23[%add3A_231, %dma_start3A_255] : memref<10000x64xf32, #tpu.memory_space<vmem_shared>> -> memref<80x64xf32, #tpu.memory_space<vmem_shared>>
      %dma_start3A_257 = arith.constant 0 : i32
      %dma_start3A_258 = tpu.memref_slice %arg23[%add3A_231, %dma_start3A_257] : memref<10000x64xf32, #tpu.memory_space<vmem_shared>> -> memref<80x64xf32, #tpu.memory_space<vmem_shared>>
      tpu.enqueue_dma source(%arg14 : memref<80x64xf32, #tpu.memory_space<vmem>>) target(%dma_start3A_258 : memref<80x64xf32, #tpu.memory_space<vmem_shared>>) target_semaphore(%run_scoped3A : memref<!tpu.dma_semaphore, #tpu.memory_space<semaphore_mem>>)
      %dma_wait3A_259 = arith.constant 0 : i32
      %dma_wait3A_260 = tpu.memref_slice %arg23[%add3A_231, %dma_wait3A_259] : memref<10000x64xf32, #tpu.memory_space<vmem_shared>> -> memref<80x64xf32, #tpu.memory_space<vmem_shared>>
      %dma_wait3A_261 = arith.constant 0 : i32
      %dma_wait3A_262 = tpu.memref_slice %arg23[%add3A_231, %dma_wait3A_261] : memref<10000x64xf32, #tpu.memory_space<vmem_shared>> -> memref<80x64xf32, #tpu.memory_space<vmem_shared>>
      tpu.wait_dma2 semaphore(%run_scoped3A : memref<!tpu.dma_semaphore, #tpu.memory_space<semaphore_mem>>) src(%arg14 : memref<80x64xf32, #tpu.memory_space<vmem>>) dst(%dma_wait3A_262 : memref<80x64xf32, #tpu.memory_space<vmem_shared>>)
      tpu.yield
    }) : () -> ()
    %mul3A_232 = arith.constant 625 : i32
    %mul3A_233 = arith.muli %arg1, %mul3A_232 : i32
    %add3A_234 = arith.constant 560 : i32
    %add3A_235 = arith.addi %mul3A_233, %add3A_234 : i32
    "tpu.region"() ({
      %run_scoped3A = tpu.sem_alloc : memref<!tpu.dma_semaphore, #tpu.memory_space<semaphore_mem>>
      %dma_start3A_255 = arith.constant 0 : i32
      %dma_start3A_256 = arith.constant 0 : i32
      %dma_start3A_257 = tpu.memref_slice %arg14[%dma_start3A_255, %dma_start3A_256] : memref<80x64xf32, #tpu.memory_space<vmem>> -> memref<65x64xf32, #tpu.memory_space<vmem>>
      %dma_start3A_258 = arith.constant 0 : i32
      %dma_start3A_259 = tpu.memref_slice %arg23[%add3A_235, %dma_start3A_258] : memref<10000x64xf32, #tpu.memory_space<vmem_shared>> -> memref<65x64xf32, #tpu.memory_space<vmem_shared>>
      %dma_start3A_260 = arith.constant 0 : i32
      %dma_start3A_261 = tpu.memref_slice %arg23[%add3A_235, %dma_start3A_260] : memref<10000x64xf32, #tpu.memory_space<vmem_shared>> -> memref<65x64xf32, #tpu.memory_space<vmem_shared>>
      %dma_start3A_262 = arith.constant 0 : i32
      %dma_start3A_263 = arith.constant 0 : i32
      %dma_start3A_264 = tpu.memref_slice %arg14[%dma_start3A_262, %dma_start3A_263] : memref<80x64xf32, #tpu.memory_space<vmem>> -> memref<65x64xf32, #tpu.memory_space<vmem>>
      tpu.enqueue_dma source(%dma_start3A_264 : memref<65x64xf32, #tpu.memory_space<vmem>>) target(%dma_start3A_261 : memref<65x64xf32, #tpu.memory_space<vmem_shared>>) target_semaphore(%run_scoped3A : memref<!tpu.dma_semaphore, #tpu.memory_space<semaphore_mem>>)
      %dma_wait3A_265 = arith.constant 0 : i32
      %dma_wait3A_266 = arith.constant 0 : i32
      %dma_wait3A_267 = tpu.memref_slice %arg14[%dma_wait3A_265, %dma_wait3A_266] : memref<80x64xf32, #tpu.memory_space<vmem>> -> memref<65x64xf32, #tpu.memory_space<vmem>>
      %dma_wait3A_268 = arith.constant 0 : i32
      %dma_wait3A_269 = tpu.memref_slice %arg23[%add3A_235, %dma_wait3A_268] : memref<10000x64xf32, #tpu.memory_space<vmem_shared>> -> memref<65x64xf32, #tpu.memory_space<vmem_shared>>
      %dma_wait3A_270 = arith.constant 0 : i32
      %dma_wait3A_271 = tpu.memref_slice %arg23[%add3A_235, %dma_wait3A_270] : memref<10000x64xf32, #tpu.memory_space<vmem_shared>> -> memref<65x64xf32, #tpu.memory_space<vmem_shared>>
      %dma_wait3A_272 = arith.constant 0 : i32
      %dma_wait3A_273 = arith.constant 0 : i32
      %dma_wait3A_274 = tpu.memref_slice %arg14[%dma_wait3A_272, %dma_wait3A_273] : memref<80x64xf32, #tpu.memory_space<vmem>> -> memref<65x64xf32, #tpu.memory_space<vmem>>
      tpu.wait_dma2 semaphore(%run_scoped3A : memref<!tpu.dma_semaphore, #tpu.memory_space<semaphore_mem>>) src(%dma_wait3A_274 : memref<65x64xf32, #tpu.memory_space<vmem>>) dst(%dma_wait3A_271 : memref<65x64xf32, #tpu.memory_space<vmem_shared>>)
      tpu.yield
    }) : () -> ()
    %barrier3A = arith.constant 0 : index
    tpu.barrier barrier_id(%barrier3A)
    "tpu.region"() ({
      %run_scoped3A = tpu.sem_alloc : memref<!tpu.dma_semaphore, #tpu.memory_space<semaphore_mem>>
      %dma_start3A_255 = arith.constant 0 : i32
      %dma_start3A_256 = arith.constant 0 : i32
      %dma_start3A_257 = tpu.memref_slice %arg22[%dma_start3A_255, %dma_start3A_256] : memref<80x128xf32, #tpu.memory_space<vmem_shared>> -> memref<80x128xf32, #tpu.memory_space<vmem_shared>>
      tpu.enqueue_indirect_dma source(%arg11 : memref<80x128xf32, #tpu.memory_space<vmem>>) target(%dma_start3A_257 : memref<80x128xf32, #tpu.memory_space<vmem_shared>>) offsets(%arg12 : memref<80xi32, #tpu.memory_space<vmem>>) semaphore(%run_scoped3A : memref<!tpu.dma_semaphore, #tpu.memory_space<semaphore_mem>>) {add = true}
      %dma_wait3A_258 = arith.constant 0 : i32
      %dma_wait3A_259 = arith.constant 0 : i32
      %dma_wait3A_260 = tpu.memref_slice %arg22[%dma_wait3A_258, %dma_wait3A_259] : memref<80x128xf32, #tpu.memory_space<vmem_shared>> -> memref<80x128xf32, #tpu.memory_space<vmem_shared>>
      tpu.wait_indirect_dma semaphore(%run_scoped3A : memref<!tpu.dma_semaphore, #tpu.memory_space<semaphore_mem>>) src(%arg11 : memref<80x128xf32, #tpu.memory_space<vmem>>) dst(%dma_wait3A_260 : memref<80x128xf32, #tpu.memory_space<vmem_shared>>)
      tpu.yield
    }) : () -> ()
    %barrier3A_236 = arith.constant 0 : index
    tpu.barrier barrier_id(%barrier3A_236)
    "tpu.region"() ({
      %run_scoped3A = tpu.sem_alloc : memref<!tpu.dma_semaphore, #tpu.memory_space<semaphore_mem>>
      tpu.enqueue_dma source(%arg22 : memref<80x128xf32, #tpu.memory_space<vmem_shared>>) target(%arg11 : memref<80x128xf32, #tpu.memory_space<vmem>>) target_semaphore(%run_scoped3A : memref<!tpu.dma_semaphore, #tpu.memory_space<semaphore_mem>>)
      tpu.wait_dma2 semaphore(%run_scoped3A : memref<!tpu.dma_semaphore, #tpu.memory_space<semaphore_mem>>) src(%arg22 : memref<80x128xf32, #tpu.memory_space<vmem_shared>>) dst(%arg11 : memref<80x128xf32, #tpu.memory_space<vmem>>)
      tpu.yield
    }) : () -> ()
    %dma_start3A = arith.constant 0 : i32
    %dma_start3A_237 = tpu.memref_slice %arg7[%dma_start3A] : memref<20000xi32, #tpu.memory_space<vmem>> -> memref<80xi32, #tpu.memory_space<vmem>>
    %dma_start3A_238 = arith.constant 0 : i32
    %dma_start3A_239 = arith.constant 0 : i32
    %dma_start3A_240 = tpu.memref_slice %arg5[%dma_start3A_238, %dma_start3A_239] : memref<20000x64xf32, #tpu.memory_space<hbm>> -> memref<20000x64xf32, #tpu.memory_space<hbm>>
    tpu.enqueue_indirect_dma source(%dma_start3A_240 : memref<20000x64xf32, #tpu.memory_space<hbm>>) target(%arg14 : memref<80x64xf32, #tpu.memory_space<vmem>>) offsets(%dma_start3A_237 : memref<80xi32, #tpu.memory_space<vmem>>) semaphore(%arg19 : memref<!tpu.dma_semaphore, #tpu.memory_space<semaphore_mem>>)
    %dma_wait3A = arith.constant 0 : i32
    %dma_wait3A_241 = tpu.memref_slice %arg7[%dma_wait3A] : memref<20000xi32, #tpu.memory_space<vmem>> -> memref<80xi32, #tpu.memory_space<vmem>>
    %dma_wait3A_242 = arith.constant 0 : i32
    %dma_wait3A_243 = arith.constant 0 : i32
    %dma_wait3A_244 = tpu.memref_slice %arg5[%dma_wait3A_242, %dma_wait3A_243] : memref<20000x64xf32, #tpu.memory_space<hbm>> -> memref<20000x64xf32, #tpu.memory_space<hbm>>
    tpu.wait_indirect_dma semaphore(%arg19 : memref<!tpu.dma_semaphore, #tpu.memory_space<semaphore_mem>>) src(%dma_wait3A_244 : memref<20000x64xf32, #tpu.memory_space<hbm>>) dst(%arg14 : memref<80x64xf32, #tpu.memory_space<vmem>>)
    %scan3A = arith.constant 0 : i32
    %scan3A_245 = arith.constant 0 : i32
    %scan3A_246 = arith.constant 125 : i32
    %scan3A_247 = arith.addi %scan3A_245, %scan3A_246 : i32
    %scan3A_248 = arith.constant 1 : i32
    scf.for %scan3A_255 = %scan3A_245 to %scan3A_247 step %scan3A_248  : i32 {
      %mul3A_256 = arith.constant 2 : i32
      %mul3A_257 = arith.muli %mul3A_256, %scan3A_255 : i32
      %add3A_258 = arith.constant 1 : i32
      %add3A_259 = arith.addi %mul3A_257, %add3A_258 : i32
      %min3A = arith.constant 249 : i32
      %min3A_260 = arith.minsi %add3A_259, %min3A : i32
      %mul3A_261 = arith.constant 80 : i32
      %mul3A_262 = arith.muli %min3A_260, %mul3A_261 : i32
      %dma_start3A_263 = tpu.memref_slice %arg7[%mul3A_262] : memref<20000xi32, #tpu.memory_space<vmem>> -> memref<80xi32, #tpu.memory_space<vmem>>
      %dma_start3A_264 = arith.constant 0 : i32
      %dma_start3A_265 = arith.constant 0 : i32
      %dma_start3A_266 = tpu.memref_slice %arg5[%dma_start3A_264, %dma_start3A_265] : memref<20000x64xf32, #tpu.memory_space<hbm>> -> memref<20000x64xf32, #tpu.memory_space<hbm>>
      tpu.enqueue_indirect_dma source(%dma_start3A_266 : memref<20000x64xf32, #tpu.memory_space<hbm>>) target(%arg15 : memref<80x64xf32, #tpu.memory_space<vmem>>) offsets(%dma_start3A_263 : memref<80xi32, #tpu.memory_space<vmem>>) semaphore(%arg19 : memref<!tpu.dma_semaphore, #tpu.memory_space<semaphore_mem>>)
      %mul3A_267 = arith.constant 80 : i32
      %mul3A_268 = arith.muli %mul3A_257, %mul3A_267 : i32
      %parallel_loop3A_269 = arith.constant 0 : i32
      %parallel_loop3A_270 = arith.constant 5 : i32
      %parallel_loop3A_271 = arith.constant 1 : i32
      scf.for %parallel_loop3A_317 = %parallel_loop3A_269 to %parallel_loop3A_270 step %parallel_loop3A_271  : i32 {
        %parallel_loop3A_318 = arith.constant 16 : i32
        %parallel_loop3A_319 = arith.muli %parallel_loop3A_317, %parallel_loop3A_318 : i32
        %parallel_loop3A_320 = arith.addi %mul3A_268, %parallel_loop3A_319 : i32
        %parallel_loop3A_321 = arith.index_cast %parallel_loop3A_320 : i32 to index
        %parallel_loop3A_322 = tpu.vector_load %arg7[%parallel_loop3A_321] {strides = array<i32>} : memref<20000xi32, #tpu.memory_space<vmem>>, vector<16xi32>,
        %parallel_loop3A_323 = vector.broadcast %mul3A_2 : i32 to vector<16xi32>
        %parallel_loop3A_324 = arith.subi %parallel_loop3A_322, %parallel_loop3A_323 : vector<16xi32>
        %parallel_loop3A_325 = arith.index_cast %parallel_loop3A_320 : i32 to index
        %parallel_loop3A_326 = tpu.vector_load %arg8[%parallel_loop3A_325] {strides = array<i32>} : memref<20000xi32, #tpu.memory_space<vmem>>, vector<16xi32>,
        %parallel_loop3A_327 = arith.constant 16 : i32
        %parallel_loop3A_328 = arith.muli %parallel_loop3A_317, %parallel_loop3A_327 : i32
        %parallel_loop3A_329 = arith.index_cast %parallel_loop3A_328 : i32 to index
        %parallel_loop3A_330 = tpu.vector_load %arg17[%parallel_loop3A_329] {strides = array<i32>} : memref<80xi32, #tpu.memory_space<vmem>>, vector<16xi32>,
        tpu.vector_store %arg17[%parallel_loop3A_329], %parallel_loop3A_326 {strides = array<i32>} : memref<80xi32, #tpu.memory_space<vmem>>, vector<16xi32>,
        %parallel_loop3A_331 = tpu.vector_load_idx %arg9[%parallel_loop3A_324] : memref<10000xf32, #tpu.memory_space<vmem>>[vector<16xi32>], vector<16xf32>,
        %parallel_loop3A_332 = tpu.vector_load_idx %arg10[%parallel_loop3A_326] : memref<10000xf32, #tpu.memory_space<vmem>>[vector<16xi32>], vector<16xf32>,
        %parallel_loop3A_333 = arith.addf %parallel_loop3A_331, %parallel_loop3A_332 : vector<16xf32>
        %parallel_loop3A_334 = arith.constant 0.000000e+00 : f32
        %parallel_loop3A_335 = vector.broadcast %parallel_loop3A_334 : f32 to vector<16xf32>
        %parallel_loop3A_336 = arith.cmpf ogt, %parallel_loop3A_333, %parallel_loop3A_335 : vector<16xf32>
        %parallel_loop3A_337 = arith.constant 2.000000e-01 : f32
        %parallel_loop3A_338 = vector.broadcast %parallel_loop3A_337 : f32 to vector<16xf32>
        %parallel_loop3A_339 = arith.mulf %parallel_loop3A_338, %parallel_loop3A_333 : vector<16xf32>
        %parallel_loop3A_340 = arith.select %parallel_loop3A_336, %parallel_loop3A_333, %parallel_loop3A_339 : vector<16xi1>, vector<16xf32>
        %parallel_loop3A_341 = math.exp %parallel_loop3A_340 : vector<16xf32>
        %parallel_loop3A_342 = arith.constant 7 : i32
        %parallel_loop3A_343 = vector.broadcast %parallel_loop3A_342 : i32 to vector<16xi32>
        %parallel_loop3A_344 = arith.shrui %parallel_loop3A_326, %parallel_loop3A_343 : vector<16xi32>
        %parallel_loop3A_345 = arith.constant 127 : i32
        %parallel_loop3A_346 = vector.broadcast %parallel_loop3A_345 : i32 to vector<16xi32>
        %parallel_loop3A_347 = arith.andi %parallel_loop3A_326, %parallel_loop3A_346 : vector<16xi32>
        %parallel_loop3A_348 = tpu.vector_load_idx %arg11[%parallel_loop3A_344, %parallel_loop3A_347] : memref<80x128xf32, #tpu.memory_space<vmem>>[vector<16xi32>, vector<16xi32>], vector<16xf32>,
        %parallel_loop3A_349 = arith.constant 1.000000e-16 : f32
        %parallel_loop3A_350 = vector.broadcast %parallel_loop3A_349 : f32 to vector<16xf32>
        %parallel_loop3A_351 = arith.addf %parallel_loop3A_348, %parallel_loop3A_350 : vector<16xf32>
        %parallel_loop3A_352 = arith.divf %parallel_loop3A_341, %parallel_loop3A_351 : vector<16xf32>
        %parallel_loop3A_353 = arith.constant 16 : i32
        %parallel_loop3A_354 = arith.muli %parallel_loop3A_317, %parallel_loop3A_353 : i32
        %parallel_loop3A_355 = arith.index_cast %parallel_loop3A_354 : i32 to index
        %parallel_loop3A_356 = tpu.vector_load %arg16[%parallel_loop3A_355] {strides = array<i32>} : memref<80xf32, #tpu.memory_space<vmem>>, vector<16xf32>,
        tpu.vector_store %arg16[%parallel_loop3A_355], %parallel_loop3A_352 {strides = array<i32>} : memref<80xf32, #tpu.memory_space<vmem>>, vector<16xf32>,
      } {sc.loop_unroll_factor = 5 : i64, sc.parallel_access}
      %parallel_loop3A_272 = arith.constant 0 : i32
      %parallel_loop3A_273 = arith.constant 80 : i32
      %parallel_loop3A_274 = arith.constant 1 : i32
      scf.for %parallel_loop3A_317 = %parallel_loop3A_272 to %parallel_loop3A_273 step %parallel_loop3A_274  : i32 {
        %parallel_loop3A_318 = vector.broadcast %parallel_loop3A_317 : i32 to vector<16xi32>
        %parallel_loop3A_319 = tpu.vector_load_idx %arg16[%parallel_loop3A_318] : memref<80xf32, #tpu.memory_space<vmem>>[vector<16xi32>], vector<16xf32>,
        %parallel_loop3A_320 = arith.index_cast %parallel_loop3A_317 : i32 to index
        %parallel_loop3A_321 = arith.constant 0 : index
        %parallel_loop3A_322 = tpu.vector_load %arg14[%parallel_loop3A_320, %parallel_loop3A_321] {strides = array<i32>} : memref<80x64xf32, #tpu.memory_space<vmem>>, vector<16xf32>,
        %parallel_loop3A_323 = arith.mulf %parallel_loop3A_322, %parallel_loop3A_319 : vector<16xf32>
        %parallel_loop3A_324 = arith.index_cast %parallel_loop3A_317 : i32 to index
        %parallel_loop3A_325 = arith.constant 0 : index
        %parallel_loop3A_326 = tpu.vector_load %arg14[%parallel_loop3A_324, %parallel_loop3A_325] {strides = array<i32>} : memref<80x64xf32, #tpu.memory_space<vmem>>, vector<16xf32>,
        tpu.vector_store %arg14[%parallel_loop3A_324, %parallel_loop3A_325], %parallel_loop3A_323 {strides = array<i32>} : memref<80x64xf32, #tpu.memory_space<vmem>>, vector<16xf32>,
        %parallel_loop3A_327 = arith.index_cast %parallel_loop3A_317 : i32 to index
        %parallel_loop3A_328 = arith.constant 16 : index
        %parallel_loop3A_329 = tpu.vector_load %arg14[%parallel_loop3A_327, %parallel_loop3A_328] {strides = array<i32>} : memref<80x64xf32, #tpu.memory_space<vmem>>, vector<16xf32>,
        %parallel_loop3A_330 = arith.mulf %parallel_loop3A_329, %parallel_loop3A_319 : vector<16xf32>
        %parallel_loop3A_331 = arith.index_cast %parallel_loop3A_317 : i32 to index
        %parallel_loop3A_332 = arith.constant 16 : index
        %parallel_loop3A_333 = tpu.vector_load %arg14[%parallel_loop3A_331, %parallel_loop3A_332] {strides = array<i32>} : memref<80x64xf32, #tpu.memory_space<vmem>>, vector<16xf32>,
        tpu.vector_store %arg14[%parallel_loop3A_331, %parallel_loop3A_332], %parallel_loop3A_330 {strides = array<i32>} : memref<80x64xf32, #tpu.memory_space<vmem>>, vector<16xf32>,
        %parallel_loop3A_334 = arith.index_cast %parallel_loop3A_317 : i32 to index
        %parallel_loop3A_335 = arith.constant 32 : index
        %parallel_loop3A_336 = tpu.vector_load %arg14[%parallel_loop3A_334, %parallel_loop3A_335] {strides = array<i32>} : memref<80x64xf32, #tpu.memory_space<vmem>>, vector<16xf32>,
        %parallel_loop3A_337 = arith.mulf %parallel_loop3A_336, %parallel_loop3A_319 : vector<16xf32>
        %parallel_loop3A_338 = arith.index_cast %parallel_loop3A_317 : i32 to index
        %parallel_loop3A_339 = arith.constant 32 : index
        %parallel_loop3A_340 = tpu.vector_load %arg14[%parallel_loop3A_338, %parallel_loop3A_339] {strides = array<i32>} : memref<80x64xf32, #tpu.memory_space<vmem>>, vector<16xf32>,
        tpu.vector_store %arg14[%parallel_loop3A_338, %parallel_loop3A_339], %parallel_loop3A_337 {strides = array<i32>} : memref<80x64xf32, #tpu.memory_space<vmem>>, vector<16xf32>,
        %parallel_loop3A_341 = arith.index_cast %parallel_loop3A_317 : i32 to index
        %parallel_loop3A_342 = arith.constant 48 : index
        %parallel_loop3A_343 = tpu.vector_load %arg14[%parallel_loop3A_341, %parallel_loop3A_342] {strides = array<i32>} : memref<80x64xf32, #tpu.memory_space<vmem>>, vector<16xf32>,
        %parallel_loop3A_344 = arith.mulf %parallel_loop3A_343, %parallel_loop3A_319 : vector<16xf32>
        %parallel_loop3A_345 = arith.index_cast %parallel_loop3A_317 : i32 to index
        %parallel_loop3A_346 = arith.constant 48 : index
        %parallel_loop3A_347 = tpu.vector_load %arg14[%parallel_loop3A_345, %parallel_loop3A_346] {strides = array<i32>} : memref<80x64xf32, #tpu.memory_space<vmem>>, vector<16xf32>,
        tpu.vector_store %arg14[%parallel_loop3A_345, %parallel_loop3A_346], %parallel_loop3A_344 {strides = array<i32>} : memref<80x64xf32, #tpu.memory_space<vmem>>, vector<16xf32>,
      } {sc.loop_unroll_factor = 8 : i64, sc.parallel_access}
      %dma_start3A_275 = arith.constant 0 : i32
      %dma_start3A_276 = arith.constant 0 : i32
      %dma_start3A_277 = tpu.memref_slice %arg23[%dma_start3A_275, %dma_start3A_276] : memref<10000x64xf32, #tpu.memory_space<vmem_shared>> -> memref<10000x64xf32, #tpu.memory_space<vmem_shared>>
      tpu.enqueue_indirect_dma source(%arg14 : memref<80x64xf32, #tpu.memory_space<vmem>>) target(%dma_start3A_277 : memref<10000x64xf32, #tpu.memory_space<vmem_shared>>) offsets(%arg17 : memref<80xi32, #tpu.memory_space<vmem>>) semaphore(%arg20 : memref<!tpu.dma_semaphore, #tpu.memory_space<semaphore_mem>>) {add = true}
      %dma_wait3A_278 = tpu.memref_slice %arg7[%mul3A_262] : memref<20000xi32, #tpu.memory_space<vmem>> -> memref<80xi32, #tpu.memory_space<vmem>>
      %dma_wait3A_279 = arith.constant 0 : i32
      %dma_wait3A_280 = arith.constant 0 : i32
      %dma_wait3A_281 = tpu.memref_slice %arg5[%dma_wait3A_279, %dma_wait3A_280] : memref<20000x64xf32, #tpu.memory_space<hbm>> -> memref<20000x64xf32, #tpu.memory_space<hbm>>
      tpu.wait_indirect_dma semaphore(%arg19 : memref<!tpu.dma_semaphore, #tpu.memory_space<semaphore_mem>>) src(%dma_wait3A_281 : memref<20000x64xf32, #tpu.memory_space<hbm>>) dst(%arg15 : memref<80x64xf32, #tpu.memory_space<vmem>>)
      %mul3A_282 = arith.constant 2 : i32
      %mul3A_283 = arith.muli %mul3A_282, %scan3A_255 : i32
      %add3A_284 = arith.constant 1 : i32
      %add3A_285 = arith.addi %mul3A_283, %add3A_284 : i32
      %dma_wait3A_286 = arith.constant 0 : i32
      %dma_wait3A_287 = arith.constant 0 : i32
      %dma_wait3A_288 = tpu.memref_slice %arg23[%dma_wait3A_286, %dma_wait3A_287] : memref<10000x64xf32, #tpu.memory_space<vmem_shared>> -> memref<10000x64xf32, #tpu.memory_space<vmem_shared>>
      tpu.wait_indirect_dma semaphore(%arg20 : memref<!tpu.dma_semaphore, #tpu.memory_space<semaphore_mem>>) src(%arg14 : memref<80x64xf32, #tpu.memory_space<vmem>>) dst(%dma_wait3A_288 : memref<10000x64xf32, #tpu.memory_space<vmem_shared>>)
      %add3A_289 = arith.constant 1 : i32
      %add3A_290 = arith.addi %add3A_285, %add3A_289 : i32
      %min3A_291 = arith.constant 249 : i32
      %min3A_292 = arith.minsi %add3A_290, %min3A_291 : i32
      %mul3A_293 = arith.constant 80 : i32
      %mul3A_294 = arith.muli %min3A_292, %mul3A_293 : i32
      %dma_start3A_295 = tpu.memref_slice %arg7[%mul3A_294] : memref<20000xi32, #tpu.memory_space<vmem>> -> memref<80xi32, #tpu.memory_space<vmem>>
      %dma_start3A_296 = arith.constant 0 : i32
      %dma_start3A_297 = arith.constant 0 : i32
      %dma_start3A_298 = tpu.memref_slice %arg5[%dma_start3A_296, %dma_start3A_297] : memref<20000x64xf32, #tpu.memory_space<hbm>> -> memref<20000x64xf32, #tpu.memory_space<hbm>>
      tpu.enqueue_indirect_dma source(%dma_start3A_298 : memref<20000x64xf32, #tpu.memory_space<hbm>>) target(%arg14 : memref<80x64xf32, #tpu.memory_space<vmem>>) offsets(%dma_start3A_295 : memref<80xi32, #tpu.memory_space<vmem>>) semaphore(%arg19 : memref<!tpu.dma_semaphore, #tpu.memory_space<semaphore_mem>>)
      %mul3A_299 = arith.constant 80 : i32
      %mul3A_300 = arith.muli %add3A_285, %mul3A_299 : i32
      %parallel_loop3A_301 = arith.constant 0 : i32
      %parallel_loop3A_302 = arith.constant 5 : i32
      %parallel_loop3A_303 = arith.constant 1 : i32
      scf.for %parallel_loop3A_317 = %parallel_loop3A_301 to %parallel_loop3A_302 step %parallel_loop3A_303  : i32 {
        %parallel_loop3A_318 = arith.constant 16 : i32
        %parallel_loop3A_319 = arith.muli %parallel_loop3A_317, %parallel_loop3A_318 : i32
        %parallel_loop3A_320 = arith.addi %mul3A_300, %parallel_loop3A_319 : i32
        %parallel_loop3A_321 = arith.index_cast %parallel_loop3A_320 : i32 to index
        %parallel_loop3A_322 = tpu.vector_load %arg7[%parallel_loop3A_321] {strides = array<i32>} : memref<20000xi32, #tpu.memory_space<vmem>>, vector<16xi32>,
        %parallel_loop3A_323 = vector.broadcast %mul3A_2 : i32 to vector<16xi32>
        %parallel_loop3A_324 = arith.subi %parallel_loop3A_322, %parallel_loop3A_323 : vector<16xi32>
        %parallel_loop3A_325 = arith.index_cast %parallel_loop3A_320 : i32 to index
        %parallel_loop3A_326 = tpu.vector_load %arg8[%parallel_loop3A_325] {strides = array<i32>} : memref<20000xi32, #tpu.memory_space<vmem>>, vector<16xi32>,
        %parallel_loop3A_327 = arith.constant 16 : i32
        %parallel_loop3A_328 = arith.muli %parallel_loop3A_317, %parallel_loop3A_327 : i32
        %parallel_loop3A_329 = arith.index_cast %parallel_loop3A_328 : i32 to index
        %parallel_loop3A_330 = tpu.vector_load %arg18[%parallel_loop3A_329] {strides = array<i32>} : memref<80xi32, #tpu.memory_space<vmem>>, vector<16xi32>,
        tpu.vector_store %arg18[%parallel_loop3A_329], %parallel_loop3A_326 {strides = array<i32>} : memref<80xi32, #tpu.memory_space<vmem>>, vector<16xi32>,
        %parallel_loop3A_331 = tpu.vector_load_idx %arg9[%parallel_loop3A_324] : memref<10000xf32, #tpu.memory_space<vmem>>[vector<16xi32>], vector<16xf32>,
        %parallel_loop3A_332 = tpu.vector_load_idx %arg10[%parallel_loop3A_326] : memref<10000xf32, #tpu.memory_space<vmem>>[vector<16xi32>], vector<16xf32>,
        %parallel_loop3A_333 = arith.addf %parallel_loop3A_331, %parallel_loop3A_332 : vector<16xf32>
        %parallel_loop3A_334 = arith.constant 0.000000e+00 : f32
        %parallel_loop3A_335 = vector.broadcast %parallel_loop3A_334 : f32 to vector<16xf32>
        %parallel_loop3A_336 = arith.cmpf ogt, %parallel_loop3A_333, %parallel_loop3A_335 : vector<16xf32>
        %parallel_loop3A_337 = arith.constant 2.000000e-01 : f32
        %parallel_loop3A_338 = vector.broadcast %parallel_loop3A_337 : f32 to vector<16xf32>
        %parallel_loop3A_339 = arith.mulf %parallel_loop3A_338, %parallel_loop3A_333 : vector<16xf32>
        %parallel_loop3A_340 = arith.select %parallel_loop3A_336, %parallel_loop3A_333, %parallel_loop3A_339 : vector<16xi1>, vector<16xf32>
        %parallel_loop3A_341 = math.exp %parallel_loop3A_340 : vector<16xf32>
        %parallel_loop3A_342 = arith.constant 7 : i32
        %parallel_loop3A_343 = vector.broadcast %parallel_loop3A_342 : i32 to vector<16xi32>
        %parallel_loop3A_344 = arith.shrui %parallel_loop3A_326, %parallel_loop3A_343 : vector<16xi32>
        %parallel_loop3A_345 = arith.constant 127 : i32
        %parallel_loop3A_346 = vector.broadcast %parallel_loop3A_345 : i32 to vector<16xi32>
        %parallel_loop3A_347 = arith.andi %parallel_loop3A_326, %parallel_loop3A_346 : vector<16xi32>
        %parallel_loop3A_348 = tpu.vector_load_idx %arg11[%parallel_loop3A_344, %parallel_loop3A_347] : memref<80x128xf32, #tpu.memory_space<vmem>>[vector<16xi32>, vector<16xi32>], vector<16xf32>,
        %parallel_loop3A_349 = arith.constant 1.000000e-16 : f32
        %parallel_loop3A_350 = vector.broadcast %parallel_loop3A_349 : f32 to vector<16xf32>
        %parallel_loop3A_351 = arith.addf %parallel_loop3A_348, %parallel_loop3A_350 : vector<16xf32>
        %parallel_loop3A_352 = arith.divf %parallel_loop3A_341, %parallel_loop3A_351 : vector<16xf32>
        %parallel_loop3A_353 = arith.constant 16 : i32
        %parallel_loop3A_354 = arith.muli %parallel_loop3A_317, %parallel_loop3A_353 : i32
        %parallel_loop3A_355 = arith.index_cast %parallel_loop3A_354 : i32 to index
        %parallel_loop3A_356 = tpu.vector_load %arg16[%parallel_loop3A_355] {strides = array<i32>} : memref<80xf32, #tpu.memory_space<vmem>>, vector<16xf32>,
        tpu.vector_store %arg16[%parallel_loop3A_355], %parallel_loop3A_352 {strides = array<i32>} : memref<80xf32, #tpu.memory_space<vmem>>, vector<16xf32>,
      } {sc.loop_unroll_factor = 5 : i64, sc.parallel_access}
      %parallel_loop3A_304 = arith.constant 0 : i32
      %parallel_loop3A_305 = arith.constant 80 : i32
      %parallel_loop3A_306 = arith.constant 1 : i32
      scf.for %parallel_loop3A_317 = %parallel_loop3A_304 to %parallel_loop3A_305 step %parallel_loop3A_306  : i32 {
        %parallel_loop3A_318 = vector.broadcast %parallel_loop3A_317 : i32 to vector<16xi32>
        %parallel_loop3A_319 = tpu.vector_load_idx %arg16[%parallel_loop3A_318] : memref<80xf32, #tpu.memory_space<vmem>>[vector<16xi32>], vector<16xf32>,
        %parallel_loop3A_320 = arith.index_cast %parallel_loop3A_317 : i32 to index
        %parallel_loop3A_321 = arith.constant 0 : index
        %parallel_loop3A_322 = tpu.vector_load %arg15[%parallel_loop3A_320, %parallel_loop3A_321] {strides = array<i32>} : memref<80x64xf32, #tpu.memory_space<vmem>>, vector<16xf32>,
        %parallel_loop3A_323 = arith.mulf %parallel_loop3A_322, %parallel_loop3A_319 : vector<16xf32>
        %parallel_loop3A_324 = arith.index_cast %parallel_loop3A_317 : i32 to index
        %parallel_loop3A_325 = arith.constant 0 : index
        %parallel_loop3A_326 = tpu.vector_load %arg15[%parallel_loop3A_324, %parallel_loop3A_325] {strides = array<i32>} : memref<80x64xf32, #tpu.memory_space<vmem>>, vector<16xf32>,
        tpu.vector_store %arg15[%parallel_loop3A_324, %parallel_loop3A_325], %parallel_loop3A_323 {strides = array<i32>} : memref<80x64xf32, #tpu.memory_space<vmem>>, vector<16xf32>,
        %parallel_loop3A_327 = arith.index_cast %parallel_loop3A_317 : i32 to index
        %parallel_loop3A_328 = arith.constant 16 : index
        %parallel_loop3A_329 = tpu.vector_load %arg15[%parallel_loop3A_327, %parallel_loop3A_328] {strides = array<i32>} : memref<80x64xf32, #tpu.memory_space<vmem>>, vector<16xf32>,
        %parallel_loop3A_330 = arith.mulf %parallel_loop3A_329, %parallel_loop3A_319 : vector<16xf32>
        %parallel_loop3A_331 = arith.index_cast %parallel_loop3A_317 : i32 to index
        %parallel_loop3A_332 = arith.constant 16 : index
        %parallel_loop3A_333 = tpu.vector_load %arg15[%parallel_loop3A_331, %parallel_loop3A_332] {strides = array<i32>} : memref<80x64xf32, #tpu.memory_space<vmem>>, vector<16xf32>,
        tpu.vector_store %arg15[%parallel_loop3A_331, %parallel_loop3A_332], %parallel_loop3A_330 {strides = array<i32>} : memref<80x64xf32, #tpu.memory_space<vmem>>, vector<16xf32>,
        %parallel_loop3A_334 = arith.index_cast %parallel_loop3A_317 : i32 to index
        %parallel_loop3A_335 = arith.constant 32 : index
        %parallel_loop3A_336 = tpu.vector_load %arg15[%parallel_loop3A_334, %parallel_loop3A_335] {strides = array<i32>} : memref<80x64xf32, #tpu.memory_space<vmem>>, vector<16xf32>,
        %parallel_loop3A_337 = arith.mulf %parallel_loop3A_336, %parallel_loop3A_319 : vector<16xf32>
        %parallel_loop3A_338 = arith.index_cast %parallel_loop3A_317 : i32 to index
        %parallel_loop3A_339 = arith.constant 32 : index
        %parallel_loop3A_340 = tpu.vector_load %arg15[%parallel_loop3A_338, %parallel_loop3A_339] {strides = array<i32>} : memref<80x64xf32, #tpu.memory_space<vmem>>, vector<16xf32>,
        tpu.vector_store %arg15[%parallel_loop3A_338, %parallel_loop3A_339], %parallel_loop3A_337 {strides = array<i32>} : memref<80x64xf32, #tpu.memory_space<vmem>>, vector<16xf32>,
        %parallel_loop3A_341 = arith.index_cast %parallel_loop3A_317 : i32 to index
        %parallel_loop3A_342 = arith.constant 48 : index
        %parallel_loop3A_343 = tpu.vector_load %arg15[%parallel_loop3A_341, %parallel_loop3A_342] {strides = array<i32>} : memref<80x64xf32, #tpu.memory_space<vmem>>, vector<16xf32>,
        %parallel_loop3A_344 = arith.mulf %parallel_loop3A_343, %parallel_loop3A_319 : vector<16xf32>
        %parallel_loop3A_345 = arith.index_cast %parallel_loop3A_317 : i32 to index
        %parallel_loop3A_346 = arith.constant 48 : index
        %parallel_loop3A_347 = tpu.vector_load %arg15[%parallel_loop3A_345, %parallel_loop3A_346] {strides = array<i32>} : memref<80x64xf32, #tpu.memory_space<vmem>>, vector<16xf32>,
        tpu.vector_store %arg15[%parallel_loop3A_345, %parallel_loop3A_346], %parallel_loop3A_344 {strides = array<i32>} : memref<80x64xf32, #tpu.memory_space<vmem>>, vector<16xf32>,
      } {sc.loop_unroll_factor = 8 : i64, sc.parallel_access}
      %dma_start3A_307 = arith.constant 0 : i32
      %dma_start3A_308 = arith.constant 0 : i32
      %dma_start3A_309 = tpu.memref_slice %arg23[%dma_start3A_307, %dma_start3A_308] : memref<10000x64xf32, #tpu.memory_space<vmem_shared>> -> memref<10000x64xf32, #tpu.memory_space<vmem_shared>>
      tpu.enqueue_indirect_dma source(%arg15 : memref<80x64xf32, #tpu.memory_space<vmem>>) target(%dma_start3A_309 : memref<10000x64xf32, #tpu.memory_space<vmem_shared>>) offsets(%arg18 : memref<80xi32, #tpu.memory_space<vmem>>) semaphore(%arg21 : memref<!tpu.dma_semaphore, #tpu.memory_space<semaphore_mem>>) {add = true}
      %dma_wait3A_310 = tpu.memref_slice %arg7[%mul3A_294] : memref<20000xi32, #tpu.memory_space<vmem>> -> memref<80xi32, #tpu.memory_space<vmem>>
      %dma_wait3A_311 = arith.constant 0 : i32
      %dma_wait3A_312 = arith.constant 0 : i32
      %dma_wait3A_313 = tpu.memref_slice %arg5[%dma_wait3A_311, %dma_wait3A_312] : memref<20000x64xf32, #tpu.memory_space<hbm>> -> memref<20000x64xf32, #tpu.memory_space<hbm>>
      tpu.wait_indirect_dma semaphore(%arg19 : memref<!tpu.dma_semaphore, #tpu.memory_space<semaphore_mem>>) src(%dma_wait3A_313 : memref<20000x64xf32, #tpu.memory_space<hbm>>) dst(%arg14 : memref<80x64xf32, #tpu.memory_space<vmem>>)
      %dma_wait3A_314 = arith.constant 0 : i32
      %dma_wait3A_315 = arith.constant 0 : i32
      %dma_wait3A_316 = tpu.memref_slice %arg23[%dma_wait3A_314, %dma_wait3A_315] : memref<10000x64xf32, #tpu.memory_space<vmem_shared>> -> memref<10000x64xf32, #tpu.memory_space<vmem_shared>>
      tpu.wait_indirect_dma semaphore(%arg21 : memref<!tpu.dma_semaphore, #tpu.memory_space<semaphore_mem>>) src(%arg15 : memref<80x64xf32, #tpu.memory_space<vmem>>) dst(%dma_wait3A_316 : memref<10000x64xf32, #tpu.memory_space<vmem_shared>>)
    }
    %scan3A_249 = arith.constant 125 : i32
    %barrier3A_250 = arith.constant 0 : index
    tpu.barrier barrier_id(%barrier3A_250)
    %mul3A_251 = arith.constant 625 : i32
    %mul3A_252 = arith.muli %arg1, %mul3A_251 : i32
    %mul3A_253 = arith.constant 625 : i32
    %mul3A_254 = arith.muli %arg1, %mul3A_253 : i32
    "tpu.region"() ({
      %run_scoped3A = tpu.sem_alloc : memref<!tpu.dma_semaphore, #tpu.memory_space<semaphore_mem>>
      %dma_start3A_255 = arith.constant 0 : i32
      %dma_start3A_256 = tpu.memref_slice %arg6[%arg0, %mul3A_254, %dma_start3A_255] : memref<2x10240x64xf32, #tpu.memory_space<hbm>> -> memref<1x625x64xf32, #tpu.memory_space<hbm>>
      %dma_start3A_257 = tpu.memref_squeeze %dma_start3A_256 : memref<1x625x64xf32, #tpu.memory_space<hbm>> -> memref<625x64xf32, #tpu.memory_space<hbm>>
      %dma_start3A_258 = arith.constant 0 : i32
      %dma_start3A_259 = tpu.memref_slice %arg23[%mul3A_252, %dma_start3A_258] : memref<10000x64xf32, #tpu.memory_space<vmem_shared>> -> memref<625x64xf32, #tpu.memory_space<vmem_shared>>
      tpu.enqueue_dma source(%dma_start3A_259 : memref<625x64xf32, #tpu.memory_space<vmem_shared>>) target(%dma_start3A_257 : memref<625x64xf32, #tpu.memory_space<hbm>>) target_semaphore(%run_scoped3A : memref<!tpu.dma_semaphore, #tpu.memory_space<semaphore_mem>>)
      %dma_wait3A_260 = arith.constant 0 : i32
      %dma_wait3A_261 = tpu.memref_slice %arg6[%arg0, %mul3A_254, %dma_wait3A_260] : memref<2x10240x64xf32, #tpu.memory_space<hbm>> -> memref<1x625x64xf32, #tpu.memory_space<hbm>>
      %dma_wait3A_262 = tpu.memref_squeeze %dma_wait3A_261 : memref<1x625x64xf32, #tpu.memory_space<hbm>> -> memref<625x64xf32, #tpu.memory_space<hbm>>
      %dma_wait3A_263 = arith.constant 0 : i32
      %dma_wait3A_264 = tpu.memref_slice %arg23[%mul3A_252, %dma_wait3A_263] : memref<10000x64xf32, #tpu.memory_space<vmem_shared>> -> memref<625x64xf32, #tpu.memory_space<vmem_shared>>
      tpu.wait_dma2 semaphore(%run_scoped3A : memref<!tpu.dma_semaphore, #tpu.memory_space<semaphore_mem>>) src(%dma_wait3A_264 : memref<625x64xf32, #tpu.memory_space<vmem_shared>>) dst(%dma_wait3A_262 : memref<625x64xf32, #tpu.memory_space<hbm>>)
      tpu.yield
    }) : () -> ()
    return
  }
}

#map = affine_map<(d0, d1) -> (0)>
#map1 = affine_map<(d0, d1) -> (0, 0)>
#map2 = affine_map<(d0, d1) -> (0, 0, 0)>
module attributes {stable_mosaic.version = 14 : i64} {
  func.func @_sc_layer_body(%arg0: i32, %arg1: i32, %arg2: memref<320000xi32, #tpu.memory_space<hbm>>, %arg3: memref<10000xf32, #tpu.memory_space<hbm>>, %arg4: memref<10000xf32, #tpu.memory_space<hbm>>, %arg5: memref<20000x64xf32, #tpu.memory_space<hbm>>, %arg6: memref<2x10240x64xf32, #tpu.memory_space<hbm>>, %arg7: memref<20000xi32, #tpu.memory_space<vmem>>, %arg8: memref<20000xi32, #tpu.memory_space<vmem>>, %arg9: memref<10000xf32, #tpu.memory_space<vmem>>, %arg10: memref<10000xf32, #tpu.memory_space<vmem>>, %arg11: memref<80x128xf32, #tpu.memory_space<vmem>>, %arg12: memref<80xi32, #tpu.memory_space<vmem>>, %arg13: memref<5x128xf32, #tpu.memory_space<vmem>>, %arg14: memref<80x64xf32, #tpu.memory_space<vmem>>, %arg15: memref<80x64xf32, #tpu.memory_space<vmem>>, %arg16: memref<80xf32, #tpu.memory_space<vmem>>, %arg17: memref<80xi32, #tpu.memory_space<vmem>>, %arg18: memref<80xi32, #tpu.memory_space<vmem>>, %arg19: memref<!tpu.dma_semaphore, #tpu.memory_space<semaphore_mem>>, %arg20: memref<!tpu.dma_semaphore, #tpu.memory_space<semaphore_mem>>, %arg21: memref<!tpu.dma_semaphore, #tpu.memory_space<semaphore_mem>>, %arg22: memref<80x128xf32, #tpu.memory_space<vmem_shared>>, %arg23: memref<10000x64xf32, #tpu.memory_space<vmem_shared>>) attributes {dimension_semantics = [#tpu.dimension_semantics<core_parallel>, #tpu.dimension_semantics<subcore_parallel>], iteration_bounds = array<i64: 2, 16>, scalar_prefetch = 0 : i64, scratch_operands = 17 : i64, tpu.core_type = #tpu.core_type<sc_vector_subcore>, window_params = [{transform_indices = #map}, {transform_indices = #map}, {transform_indices = #map}, {transform_indices = #map1}, {transform_indices = #map2}]} {
    %mul3A = arith.constant 20000 : i32
    %mul3A_0 = arith.muli %arg1, %mul3A : i32
    "tpu.region"() ({
      %run_scoped3A = tpu.sem_alloc : memref<!tpu.dma_semaphore, #tpu.memory_space<semaphore_mem>>
      %dma_start3A_255 = tpu.memref_slice %arg2[%mul3A_0] : memref<320000xi32, #tpu.memory_space<hbm>> -> memref<20000xi32, #tpu.memory_space<hbm>>
      %dma_start3A_256 = tpu.memref_slice %arg2[%mul3A_0] : memref<320000xi32, #tpu.memory_space<hbm>> -> memref<20000xi32, #tpu.memory_space<hbm>>
      tpu.enqueue_dma source(%dma_start3A_256 : memref<20000xi32, #tpu.memory_space<hbm>>) target(%arg7 : memref<20000xi32, #tpu.memory_space<vmem>>) target_semaphore(%run_scoped3A : memref<!tpu.dma_semaphore, #tpu.memory_space<semaphore_mem>>)
      %dma_wait3A_257 = tpu.memref_slice %arg2[%mul3A_0] : memref<320000xi32, #tpu.memory_space<hbm>> -> memref<20000xi32, #tpu.memory_space<hbm>>
      %dma_wait3A_258 = tpu.memref_slice %arg2[%mul3A_0] : memref<320000xi32, #tpu.memory_space<hbm>> -> memref<20000xi32, #tpu.memory_space<hbm>>
      tpu.wait_dma2 semaphore(%run_scoped3A : memref<!tpu.dma_semaphore, #tpu.memory_space<semaphore_mem>>) src(%dma_wait3A_258 : memref<20000xi32, #tpu.memory_space<hbm>>) dst(%arg7 : memref<20000xi32, #tpu.memory_space<vmem>>)
      tpu.yield
    }) : () -> ()
    "tpu.region"() ({
      %run_scoped3A = tpu.sem_alloc : memref<!tpu.dma_semaphore, #tpu.memory_space<semaphore_mem>>
      tpu.enqueue_dma source(%arg3 : memref<10000xf32, #tpu.memory_space<hbm>>) target(%arg9 : memref<10000xf32, #tpu.memory_space<vmem>>) target_semaphore(%run_scoped3A : memref<!tpu.dma_semaphore, #tpu.memory_space<semaphore_mem>>)
      tpu.wait_dma2 semaphore(%run_scoped3A : memref<!tpu.dma_semaphore, #tpu.memory_space<semaphore_mem>>) src(%arg3 : memref<10000xf32, #tpu.memory_space<hbm>>) dst(%arg9 : memref<10000xf32, #tpu.memory_space<vmem>>)
      tpu.yield
    }) : () -> ()
    "tpu.region"() ({
      %run_scoped3A = tpu.sem_alloc : memref<!tpu.dma_semaphore, #tpu.memory_space<semaphore_mem>>
      tpu.enqueue_dma source(%arg4 : memref<10000xf32, #tpu.memory_space<hbm>>) target(%arg10 : memref<10000xf32, #tpu.memory_space<vmem>>) target_semaphore(%run_scoped3A : memref<!tpu.dma_semaphore, #tpu.memory_space<semaphore_mem>>)
      tpu.wait_dma2 semaphore(%run_scoped3A : memref<!tpu.dma_semaphore, #tpu.memory_space<semaphore_mem>>) src(%arg4 : memref<10000xf32, #tpu.memory_space<hbm>>) dst(%arg10 : memref<10000xf32, #tpu.memory_space<vmem>>)
      tpu.yield
    }) : () -> ()
    %mul3A_1 = arith.constant 10000 : i32
    %mul3A_2 = arith.muli %arg0, %mul3A_1 : i32
    %parallel_loop3A = arith.constant 0 : i32
    %parallel_loop3A_3 = arith.constant 1250 : i32
    %parallel_loop3A_4 = arith.constant 1 : i32
    scf.for %parallel_loop3A_255 = %parallel_loop3A to %parallel_loop3A_3 step %parallel_loop3A_4  : i32 {
      %parallel_loop3A_256 = arith.constant 16 : i32
      %parallel_loop3A_257 = arith.muli %parallel_loop3A_255, %parallel_loop3A_256 : i32
      %parallel_loop3A_258 = arith.index_cast %parallel_loop3A_257 : i32 to index
      %parallel_loop3A_259 = tpu.vector_load %arg7[%parallel_loop3A_258] {strides = array<i32>} : memref<20000xi32, #tpu.memory_space<vmem>>, vector<16xi32>,
      %parallel_loop3A_260 = arith.constant 14 : i32
      %parallel_loop3A_261 = vector.broadcast %parallel_loop3A_260 : i32 to vector<16xi32>
      %parallel_loop3A_262 = arith.shrui %parallel_loop3A_259, %parallel_loop3A_261 : vector<16xi32>
      %parallel_loop3A_263 = arith.index_cast %parallel_loop3A_257 : i32 to index
      %parallel_loop3A_264 = tpu.vector_load %arg8[%parallel_loop3A_263] {strides = array<i32>} : memref<20000xi32, #tpu.memory_space<vmem>>, vector<16xi32>,
      tpu.vector_store %arg8[%parallel_loop3A_263], %parallel_loop3A_262 {strides = array<i32>} : memref<20000xi32, #tpu.memory_space<vmem>>, vector<16xi32>,
      %parallel_loop3A_265 = arith.constant 16383 : i32
      %parallel_loop3A_266 = vector.broadcast %parallel_loop3A_265 : i32 to vector<16xi32>
      %parallel_loop3A_267 = arith.andi %parallel_loop3A_259, %parallel_loop3A_266 : vector<16xi32>
      %parallel_loop3A_268 = vector.broadcast %mul3A_2 : i32 to vector<16xi32>
      %parallel_loop3A_269 = arith.addi %parallel_loop3A_267, %parallel_loop3A_268 : vector<16xi32>
      %parallel_loop3A_270 = arith.index_cast %parallel_loop3A_257 : i32 to index
      %parallel_loop3A_271 = tpu.vector_load %arg7[%parallel_loop3A_270] {strides = array<i32>} : memref<20000xi32, #tpu.memory_space<vmem>>, vector<16xi32>,
      tpu.vector_store %arg7[%parallel_loop3A_270], %parallel_loop3A_269 {strides = array<i32>} : memref<20000xi32, #tpu.memory_space<vmem>>, vector<16xi32>,
    } {sc.loop_unroll_factor = 8 : i64, sc.parallel_access}
    %broadcast_in_dim3A = arith.constant 0.000000e+00 : f32
    %broadcast_in_dim3A_5 = vector.broadcast %broadcast_in_dim3A : f32 to vector<16xf32>
    %swap3A = arith.constant 0 : i32
    %swap3A_6 = arith.index_cast %swap3A : i32 to index
    %swap3A_7 = arith.constant 0 : index
    %swap3A_8 = tpu.vector_load %arg13[%swap3A_6, %swap3A_7] {strides = array<i32>} : memref<5x128xf32, #tpu.memory_space<vmem>>, vector<16xf32>,
    tpu.vector_store %arg13[%swap3A_6, %swap3A_7], %broadcast_in_dim3A_5 {strides = array<i32>} : memref<5x128xf32, #tpu.memory_space<vmem>>, vector<16xf32>,
    %swap3A_9 = arith.constant 0 : i32
    %swap3A_10 = arith.index_cast %swap3A_9 : i32 to index
    %swap3A_11 = arith.constant 16 : index
    %swap3A_12 = tpu.vector_load %arg13[%swap3A_10, %swap3A_11] {strides = array<i32>} : memref<5x128xf32, #tpu.memory_space<vmem>>, vector<16xf32>,
    tpu.vector_store %arg13[%swap3A_10, %swap3A_11], %broadcast_in_dim3A_5 {strides = array<i32>} : memref<5x128xf32, #tpu.memory_space<vmem>>, vector<16xf32>,
    %swap3A_13 = arith.constant 0 : i32
    %swap3A_14 = arith.index_cast %swap3A_13 : i32 to index
    %swap3A_15 = arith.constant 32 : index
    %swap3A_16 = tpu.vector_load %arg13[%swap3A_14, %swap3A_15] {strides = array<i32>} : memref<5x128xf32, #tpu.memory_space<vmem>>, vector<16xf32>,
    tpu.vector_store %arg13[%swap3A_14, %swap3A_15], %broadcast_in_dim3A_5 {strides = array<i32>} : memref<5x128xf32, #tpu.memory_space<vmem>>, vector<16xf32>,
    %swap3A_17 = arith.constant 0 : i32
    %swap3A_18 = arith.index_cast %swap3A_17 : i32 to index
    %swap3A_19 = arith.constant 48 : index
    %swap3A_20 = tpu.vector_load %arg13[%swap3A_18, %swap3A_19] {strides = array<i32>} : memref<5x128xf32, #tpu.memory_space<vmem>>, vector<16xf32>,
    tpu.vector_store %arg13[%swap3A_18, %swap3A_19], %broadcast_in_dim3A_5 {strides = array<i32>} : memref<5x128xf32, #tpu.memory_space<vmem>>, vector<16xf32>,
    %swap3A_21 = arith.constant 0 : i32
    %swap3A_22 = arith.index_cast %swap3A_21 : i32 to index
    %swap3A_23 = arith.constant 64 : index
    %swap3A_24 = tpu.vector_load %arg13[%swap3A_22, %swap3A_23] {strides = array<i32>} : memref<5x128xf32, #tpu.memory_space<vmem>>, vector<16xf32>,
    tpu.vector_store %arg13[%swap3A_22, %swap3A_23], %broadcast_in_dim3A_5 {strides = array<i32>} : memref<5x128xf32, #tpu.memory_space<vmem>>, vector<16xf32>,
    %swap3A_25 = arith.constant 0 : i32
    %swap3A_26 = arith.index_cast %swap3A_25 : i32 to index
    %swap3A_27 = arith.constant 80 : index
    %swap3A_28 = tpu.vector_load %arg13[%swap3A_26, %swap3A_27] {strides = array<i32>} : memref<5x128xf32, #tpu.memory_space<vmem>>, vector<16xf32>,
    tpu.vector_store %arg13[%swap3A_26, %swap3A_27], %broadcast_in_dim3A_5 {strides = array<i32>} : memref<5x128xf32, #tpu.memory_space<vmem>>, vector<16xf32>,
    %swap3A_29 = arith.constant 0 : i32
    %swap3A_30 = arith.index_cast %swap3A_29 : i32 to index
    %swap3A_31 = arith.constant 96 : index
    %swap3A_32 = tpu.vector_load %arg13[%swap3A_30, %swap3A_31] {strides = array<i32>} : memref<5x128xf32, #tpu.memory_space<vmem>>, vector<16xf32>,
    tpu.vector_store %arg13[%swap3A_30, %swap3A_31], %broadcast_in_dim3A_5 {strides = array<i32>} : memref<5x128xf32, #tpu.memory_space<vmem>>, vector<16xf32>,
    %swap3A_33 = arith.constant 0 : i32
    %swap3A_34 = arith.index_cast %swap3A_33 : i32 to index
    %swap3A_35 = arith.constant 112 : index
    %swap3A_36 = tpu.vector_load %arg13[%swap3A_34, %swap3A_35] {strides = array<i32>} : memref<5x128xf32, #tpu.memory_space<vmem>>, vector<16xf32>,
    tpu.vector_store %arg13[%swap3A_34, %swap3A_35], %broadcast_in_dim3A_5 {strides = array<i32>} : memref<5x128xf32, #tpu.memory_space<vmem>>, vector<16xf32>,
    %swap3A_37 = arith.constant 1 : i32
    %swap3A_38 = arith.index_cast %swap3A_37 : i32 to index
    %swap3A_39 = arith.constant 0 : index
    %swap3A_40 = tpu.vector_load %arg13[%swap3A_38, %swap3A_39] {strides = array<i32>} : memref<5x128xf32, #tpu.memory_space<vmem>>, vector<16xf32>,
    tpu.vector_store %arg13[%swap3A_38, %swap3A_39], %broadcast_in_dim3A_5 {strides = array<i32>} : memref<5x128xf32, #tpu.memory_space<vmem>>, vector<16xf32>,
    %swap3A_41 = arith.constant 1 : i32
    %swap3A_42 = arith.index_cast %swap3A_41 : i32 to index
    %swap3A_43 = arith.constant 16 : index
    %swap3A_44 = tpu.vector_load %arg13[%swap3A_42, %swap3A_43] {strides = array<i32>} : memref<5x128xf32, #tpu.memory_space<vmem>>, vector<16xf32>,
    tpu.vector_store %arg13[%swap3A_42, %swap3A_43], %broadcast_in_dim3A_5 {strides = array<i32>} : memref<5x128xf32, #tpu.memory_space<vmem>>, vector<16xf32>,
    %swap3A_45 = arith.constant 1 : i32
    %swap3A_46 = arith.index_cast %swap3A_45 : i32 to index
    %swap3A_47 = arith.constant 32 : index
    %swap3A_48 = tpu.vector_load %arg13[%swap3A_46, %swap3A_47] {strides = array<i32>} : memref<5x128xf32, #tpu.memory_space<vmem>>, vector<16xf32>,
    tpu.vector_store %arg13[%swap3A_46, %swap3A_47], %broadcast_in_dim3A_5 {strides = array<i32>} : memref<5x128xf32, #tpu.memory_space<vmem>>, vector<16xf32>,
    %swap3A_49 = arith.constant 1 : i32
    %swap3A_50 = arith.index_cast %swap3A_49 : i32 to index
    %swap3A_51 = arith.constant 48 : index
    %swap3A_52 = tpu.vector_load %arg13[%swap3A_50, %swap3A_51] {strides = array<i32>} : memref<5x128xf32, #tpu.memory_space<vmem>>, vector<16xf32>,
    tpu.vector_store %arg13[%swap3A_50, %swap3A_51], %broadcast_in_dim3A_5 {strides = array<i32>} : memref<5x128xf32, #tpu.memory_space<vmem>>, vector<16xf32>,
    %swap3A_53 = arith.constant 1 : i32
    %swap3A_54 = arith.index_cast %swap3A_53 : i32 to index
    %swap3A_55 = arith.constant 64 : index
    %swap3A_56 = tpu.vector_load %arg13[%swap3A_54, %swap3A_55] {strides = array<i32>} : memref<5x128xf32, #tpu.memory_space<vmem>>, vector<16xf32>,
    tpu.vector_store %arg13[%swap3A_54, %swap3A_55], %broadcast_in_dim3A_5 {strides = array<i32>} : memref<5x128xf32, #tpu.memory_space<vmem>>, vector<16xf32>,
    %swap3A_57 = arith.constant 1 : i32
    %swap3A_58 = arith.index_cast %swap3A_57 : i32 to index
    %swap3A_59 = arith.constant 80 : index
    %swap3A_60 = tpu.vector_load %arg13[%swap3A_58, %swap3A_59] {strides = array<i32>} : memref<5x128xf32, #tpu.memory_space<vmem>>, vector<16xf32>,
    tpu.vector_store %arg13[%swap3A_58, %swap3A_59], %broadcast_in_dim3A_5 {strides = array<i32>} : memref<5x128xf32, #tpu.memory_space<vmem>>, vector<16xf32>,
    %swap3A_61 = arith.constant 1 : i32
    %swap3A_62 = arith.index_cast %swap3A_61 : i32 to index
    %swap3A_63 = arith.constant 96 : index
    %swap3A_64 = tpu.vector_load %arg13[%swap3A_62, %swap3A_63] {strides = array<i32>} : memref<5x128xf32, #tpu.memory_space<vmem>>, vector<16xf32>,
    tpu.vector_store %arg13[%swap3A_62, %swap3A_63], %broadcast_in_dim3A_5 {strides = array<i32>} : memref<5x128xf32, #tpu.memory_space<vmem>>, vector<16xf32>,
    %swap3A_65 = arith.constant 1 : i32
    %swap3A_66 = arith.index_cast %swap3A_65 : i32 to index
    %swap3A_67 = arith.constant 112 : index
    %swap3A_68 = tpu.vector_load %arg13[%swap3A_66, %swap3A_67] {strides = array<i32>} : memref<5x128xf32, #tpu.memory_space<vmem>>, vector<16xf32>,
    tpu.vector_store %arg13[%swap3A_66, %swap3A_67], %broadcast_in_dim3A_5 {strides = array<i32>} : memref<5x128xf32, #tpu.memory_space<vmem>>, vector<16xf32>,
    %swap3A_69 = arith.constant 2 : i32
    %swap3A_70 = arith.index_cast %swap3A_69 : i32 to index
    %swap3A_71 = arith.constant 0 : index
    %swap3A_72 = tpu.vector_load %arg13[%swap3A_70, %swap3A_71] {strides = array<i32>} : memref<5x128xf32, #tpu.memory_space<vmem>>, vector<16xf32>,
    tpu.vector_store %arg13[%swap3A_70, %swap3A_71], %broadcast_in_dim3A_5 {strides = array<i32>} : memref<5x128xf32, #tpu.memory_space<vmem>>, vector<16xf32>,
    %swap3A_73 = arith.constant 2 : i32
    %swap3A_74 = arith.index_cast %swap3A_73 : i32 to index
    %swap3A_75 = arith.constant 16 : index
    %swap3A_76 = tpu.vector_load %arg13[%swap3A_74, %swap3A_75] {strides = array<i32>} : memref<5x128xf32, #tpu.memory_space<vmem>>, vector<16xf32>,
    tpu.vector_store %arg13[%swap3A_74, %swap3A_75], %broadcast_in_dim3A_5 {strides = array<i32>} : memref<5x128xf32, #tpu.memory_space<vmem>>, vector<16xf32>,
    %swap3A_77 = arith.constant 2 : i32
    %swap3A_78 = arith.index_cast %swap3A_77 : i32 to index
    %swap3A_79 = arith.constant 32 : index
    %swap3A_80 = tpu.vector_load %arg13[%swap3A_78, %swap3A_79] {strides = array<i32>} : memref<5x128xf32, #tpu.memory_space<vmem>>, vector<16xf32>,
    tpu.vector_store %arg13[%swap3A_78, %swap3A_79], %broadcast_in_dim3A_5 {strides = array<i32>} : memref<5x128xf32, #tpu.memory_space<vmem>>, vector<16xf32>,
    %swap3A_81 = arith.constant 2 : i32
    %swap3A_82 = arith.index_cast %swap3A_81 : i32 to index
    %swap3A_83 = arith.constant 48 : index
    %swap3A_84 = tpu.vector_load %arg13[%swap3A_82, %swap3A_83] {strides = array<i32>} : memref<5x128xf32, #tpu.memory_space<vmem>>, vector<16xf32>,
    tpu.vector_store %arg13[%swap3A_82, %swap3A_83], %broadcast_in_dim3A_5 {strides = array<i32>} : memref<5x128xf32, #tpu.memory_space<vmem>>, vector<16xf32>,
    %swap3A_85 = arith.constant 2 : i32
    %swap3A_86 = arith.index_cast %swap3A_85 : i32 to index
    %swap3A_87 = arith.constant 64 : index
    %swap3A_88 = tpu.vector_load %arg13[%swap3A_86, %swap3A_87] {strides = array<i32>} : memref<5x128xf32, #tpu.memory_space<vmem>>, vector<16xf32>,
    tpu.vector_store %arg13[%swap3A_86, %swap3A_87], %broadcast_in_dim3A_5 {strides = array<i32>} : memref<5x128xf32, #tpu.memory_space<vmem>>, vector<16xf32>,
    %swap3A_89 = arith.constant 2 : i32
    %swap3A_90 = arith.index_cast %swap3A_89 : i32 to index
    %swap3A_91 = arith.constant 80 : index
    %swap3A_92 = tpu.vector_load %arg13[%swap3A_90, %swap3A_91] {strides = array<i32>} : memref<5x128xf32, #tpu.memory_space<vmem>>, vector<16xf32>,
    tpu.vector_store %arg13[%swap3A_90, %swap3A_91], %broadcast_in_dim3A_5 {strides = array<i32>} : memref<5x128xf32, #tpu.memory_space<vmem>>, vector<16xf32>,
    %swap3A_93 = arith.constant 2 : i32
    %swap3A_94 = arith.index_cast %swap3A_93 : i32 to index
    %swap3A_95 = arith.constant 96 : index
    %swap3A_96 = tpu.vector_load %arg13[%swap3A_94, %swap3A_95] {strides = array<i32>} : memref<5x128xf32, #tpu.memory_space<vmem>>, vector<16xf32>,
    tpu.vector_store %arg13[%swap3A_94, %swap3A_95], %broadcast_in_dim3A_5 {strides = array<i32>} : memref<5x128xf32, #tpu.memory_space<vmem>>, vector<16xf32>,
    %swap3A_97 = arith.constant 2 : i32
    %swap3A_98 = arith.index_cast %swap3A_97 : i32 to index
    %swap3A_99 = arith.constant 112 : index
    %swap3A_100 = tpu.vector_load %arg13[%swap3A_98, %swap3A_99] {strides = array<i32>} : memref<5x128xf32, #tpu.memory_space<vmem>>, vector<16xf32>,
    tpu.vector_store %arg13[%swap3A_98, %swap3A_99], %broadcast_in_dim3A_5 {strides = array<i32>} : memref<5x128xf32, #tpu.memory_space<vmem>>, vector<16xf32>,
    %swap3A_101 = arith.constant 3 : i32
    %swap3A_102 = arith.index_cast %swap3A_101 : i32 to index
    %swap3A_103 = arith.constant 0 : index
    %swap3A_104 = tpu.vector_load %arg13[%swap3A_102, %swap3A_103] {strides = array<i32>} : memref<5x128xf32, #tpu.memory_space<vmem>>, vector<16xf32>,
    tpu.vector_store %arg13[%swap3A_102, %swap3A_103], %broadcast_in_dim3A_5 {strides = array<i32>} : memref<5x128xf32, #tpu.memory_space<vmem>>, vector<16xf32>,
    %swap3A_105 = arith.constant 3 : i32
    %swap3A_106 = arith.index_cast %swap3A_105 : i32 to index
    %swap3A_107 = arith.constant 16 : index
    %swap3A_108 = tpu.vector_load %arg13[%swap3A_106, %swap3A_107] {strides = array<i32>} : memref<5x128xf32, #tpu.memory_space<vmem>>, vector<16xf32>,
    tpu.vector_store %arg13[%swap3A_106, %swap3A_107], %broadcast_in_dim3A_5 {strides = array<i32>} : memref<5x128xf32, #tpu.memory_space<vmem>>, vector<16xf32>,
    %swap3A_109 = arith.constant 3 : i32
    %swap3A_110 = arith.index_cast %swap3A_109 : i32 to index
    %swap3A_111 = arith.constant 32 : index
    %swap3A_112 = tpu.vector_load %arg13[%swap3A_110, %swap3A_111] {strides = array<i32>} : memref<5x128xf32, #tpu.memory_space<vmem>>, vector<16xf32>,
    tpu.vector_store %arg13[%swap3A_110, %swap3A_111], %broadcast_in_dim3A_5 {strides = array<i32>} : memref<5x128xf32, #tpu.memory_space<vmem>>, vector<16xf32>,
    %swap3A_113 = arith.constant 3 : i32
    %swap3A_114 = arith.index_cast %swap3A_113 : i32 to index
    %swap3A_115 = arith.constant 48 : index
    %swap3A_116 = tpu.vector_load %arg13[%swap3A_114, %swap3A_115] {strides = array<i32>} : memref<5x128xf32, #tpu.memory_space<vmem>>, vector<16xf32>,
    tpu.vector_store %arg13[%swap3A_114, %swap3A_115], %broadcast_in_dim3A_5 {strides = array<i32>} : memref<5x128xf32, #tpu.memory_space<vmem>>, vector<16xf32>,
    %swap3A_117 = arith.constant 3 : i32
    %swap3A_118 = arith.index_cast %swap3A_117 : i32 to index
    %swap3A_119 = arith.constant 64 : index
    %swap3A_120 = tpu.vector_load %arg13[%swap3A_118, %swap3A_119] {strides = array<i32>} : memref<5x128xf32, #tpu.memory_space<vmem>>, vector<16xf32>,
    tpu.vector_store %arg13[%swap3A_118, %swap3A_119], %broadcast_in_dim3A_5 {strides = array<i32>} : memref<5x128xf32, #tpu.memory_space<vmem>>, vector<16xf32>,
    %swap3A_121 = arith.constant 3 : i32
    %swap3A_122 = arith.index_cast %swap3A_121 : i32 to index
    %swap3A_123 = arith.constant 80 : index
    %swap3A_124 = tpu.vector_load %arg13[%swap3A_122, %swap3A_123] {strides = array<i32>} : memref<5x128xf32, #tpu.memory_space<vmem>>, vector<16xf32>,
    tpu.vector_store %arg13[%swap3A_122, %swap3A_123], %broadcast_in_dim3A_5 {strides = array<i32>} : memref<5x128xf32, #tpu.memory_space<vmem>>, vector<16xf32>,
    %swap3A_125 = arith.constant 3 : i32
    %swap3A_126 = arith.index_cast %swap3A_125 : i32 to index
    %swap3A_127 = arith.constant 96 : index
    %swap3A_128 = tpu.vector_load %arg13[%swap3A_126, %swap3A_127] {strides = array<i32>} : memref<5x128xf32, #tpu.memory_space<vmem>>, vector<16xf32>,
    tpu.vector_store %arg13[%swap3A_126, %swap3A_127], %broadcast_in_dim3A_5 {strides = array<i32>} : memref<5x128xf32, #tpu.memory_space<vmem>>, vector<16xf32>,
    %swap3A_129 = arith.constant 3 : i32
    %swap3A_130 = arith.index_cast %swap3A_129 : i32 to index
    %swap3A_131 = arith.constant 112 : index
    %swap3A_132 = tpu.vector_load %arg13[%swap3A_130, %swap3A_131] {strides = array<i32>} : memref<5x128xf32, #tpu.memory_space<vmem>>, vector<16xf32>,
    tpu.vector_store %arg13[%swap3A_130, %swap3A_131], %broadcast_in_dim3A_5 {strides = array<i32>} : memref<5x128xf32, #tpu.memory_space<vmem>>, vector<16xf32>,
    %swap3A_133 = arith.constant 4 : i32
    %swap3A_134 = arith.index_cast %swap3A_133 : i32 to index
    %swap3A_135 = arith.constant 0 : index
    %swap3A_136 = tpu.vector_load %arg13[%swap3A_134, %swap3A_135] {strides = array<i32>} : memref<5x128xf32, #tpu.memory_space<vmem>>, vector<16xf32>,
    tpu.vector_store %arg13[%swap3A_134, %swap3A_135], %broadcast_in_dim3A_5 {strides = array<i32>} : memref<5x128xf32, #tpu.memory_space<vmem>>, vector<16xf32>,
    %swap3A_137 = arith.constant 4 : i32
    %swap3A_138 = arith.index_cast %swap3A_137 : i32 to index
    %swap3A_139 = arith.constant 16 : index
    %swap3A_140 = tpu.vector_load %arg13[%swap3A_138, %swap3A_139] {strides = array<i32>} : memref<5x128xf32, #tpu.memory_space<vmem>>, vector<16xf32>,
    tpu.vector_store %arg13[%swap3A_138, %swap3A_139], %broadcast_in_dim3A_5 {strides = array<i32>} : memref<5x128xf32, #tpu.memory_space<vmem>>, vector<16xf32>,
    %swap3A_141 = arith.constant 4 : i32
    %swap3A_142 = arith.index_cast %swap3A_141 : i32 to index
    %swap3A_143 = arith.constant 32 : index
    %swap3A_144 = tpu.vector_load %arg13[%swap3A_142, %swap3A_143] {strides = array<i32>} : memref<5x128xf32, #tpu.memory_space<vmem>>, vector<16xf32>,
    tpu.vector_store %arg13[%swap3A_142, %swap3A_143], %broadcast_in_dim3A_5 {strides = array<i32>} : memref<5x128xf32, #tpu.memory_space<vmem>>, vector<16xf32>,
    %swap3A_145 = arith.constant 4 : i32
    %swap3A_146 = arith.index_cast %swap3A_145 : i32 to index
    %swap3A_147 = arith.constant 48 : index
    %swap3A_148 = tpu.vector_load %arg13[%swap3A_146, %swap3A_147] {strides = array<i32>} : memref<5x128xf32, #tpu.memory_space<vmem>>, vector<16xf32>,
    tpu.vector_store %arg13[%swap3A_146, %swap3A_147], %broadcast_in_dim3A_5 {strides = array<i32>} : memref<5x128xf32, #tpu.memory_space<vmem>>, vector<16xf32>,
    %swap3A_149 = arith.constant 4 : i32
    %swap3A_150 = arith.index_cast %swap3A_149 : i32 to index
    %swap3A_151 = arith.constant 64 : index
    %swap3A_152 = tpu.vector_load %arg13[%swap3A_150, %swap3A_151] {strides = array<i32>} : memref<5x128xf32, #tpu.memory_space<vmem>>, vector<16xf32>,
    tpu.vector_store %arg13[%swap3A_150, %swap3A_151], %broadcast_in_dim3A_5 {strides = array<i32>} : memref<5x128xf32, #tpu.memory_space<vmem>>, vector<16xf32>,
    %swap3A_153 = arith.constant 4 : i32
    %swap3A_154 = arith.index_cast %swap3A_153 : i32 to index
    %swap3A_155 = arith.constant 80 : index
    %swap3A_156 = tpu.vector_load %arg13[%swap3A_154, %swap3A_155] {strides = array<i32>} : memref<5x128xf32, #tpu.memory_space<vmem>>, vector<16xf32>,
    tpu.vector_store %arg13[%swap3A_154, %swap3A_155], %broadcast_in_dim3A_5 {strides = array<i32>} : memref<5x128xf32, #tpu.memory_space<vmem>>, vector<16xf32>,
    %swap3A_157 = arith.constant 4 : i32
    %swap3A_158 = arith.index_cast %swap3A_157 : i32 to index
    %swap3A_159 = arith.constant 96 : index
    %swap3A_160 = tpu.vector_load %arg13[%swap3A_158, %swap3A_159] {strides = array<i32>} : memref<5x128xf32, #tpu.memory_space<vmem>>, vector<16xf32>,
    tpu.vector_store %arg13[%swap3A_158, %swap3A_159], %broadcast_in_dim3A_5 {strides = array<i32>} : memref<5x128xf32, #tpu.memory_space<vmem>>, vector<16xf32>,
    %swap3A_161 = arith.constant 4 : i32
    %swap3A_162 = arith.index_cast %swap3A_161 : i32 to index
    %swap3A_163 = arith.constant 112 : index
    %swap3A_164 = tpu.vector_load %arg13[%swap3A_162, %swap3A_163] {strides = array<i32>} : memref<5x128xf32, #tpu.memory_space<vmem>>, vector<16xf32>,
    tpu.vector_store %arg13[%swap3A_162, %swap3A_163], %broadcast_in_dim3A_5 {strides = array<i32>} : memref<5x128xf32, #tpu.memory_space<vmem>>, vector<16xf32>,
    %parallel_loop3A_165 = arith.constant 0 : i32
    %parallel_loop3A_166 = arith.constant 80 : i32
    %parallel_loop3A_167 = arith.constant 1 : i32
    scf.for %parallel_loop3A_255 = %parallel_loop3A_165 to %parallel_loop3A_166 step %parallel_loop3A_167  : i32 {
      %parallel_loop3A_256 = arith.index_cast %parallel_loop3A_255 : i32 to index
      %parallel_loop3A_257 = arith.constant 0 : index
      %parallel_loop3A_258 = tpu.vector_load %arg11[%parallel_loop3A_256, %parallel_loop3A_257] {strides = array<i32>} : memref<80x128xf32, #tpu.memory_space<vmem>>, vector<16xf32>,
      tpu.vector_store %arg11[%parallel_loop3A_256, %parallel_loop3A_257], %broadcast_in_dim3A_5 {strides = array<i32>} : memref<80x128xf32, #tpu.memory_space<vmem>>, vector<16xf32>,
      %parallel_loop3A_259 = arith.index_cast %parallel_loop3A_255 : i32 to index
      %parallel_loop3A_260 = arith.constant 16 : index
      %parallel_loop3A_261 = tpu.vector_load %arg11[%parallel_loop3A_259, %parallel_loop3A_260] {strides = array<i32>} : memref<80x128xf32, #tpu.memory_space<vmem>>, vector<16xf32>,
      tpu.vector_store %arg11[%parallel_loop3A_259, %parallel_loop3A_260], %broadcast_in_dim3A_5 {strides = array<i32>} : memref<80x128xf32, #tpu.memory_space<vmem>>, vector<16xf32>,
      %parallel_loop3A_262 = arith.index_cast %parallel_loop3A_255 : i32 to index
      %parallel_loop3A_263 = arith.constant 32 : index
      %parallel_loop3A_264 = tpu.vector_load %arg11[%parallel_loop3A_262, %parallel_loop3A_263] {strides = array<i32>} : memref<80x128xf32, #tpu.memory_space<vmem>>, vector<16xf32>,
      tpu.vector_store %arg11[%parallel_loop3A_262, %parallel_loop3A_263], %broadcast_in_dim3A_5 {strides = array<i32>} : memref<80x128xf32, #tpu.memory_space<vmem>>, vector<16xf32>,
      %parallel_loop3A_265 = arith.index_cast %parallel_loop3A_255 : i32 to index
      %parallel_loop3A_266 = arith.constant 48 : index
      %parallel_loop3A_267 = tpu.vector_load %arg11[%parallel_loop3A_265, %parallel_loop3A_266] {strides = array<i32>} : memref<80x128xf32, #tpu.memory_space<vmem>>, vector<16xf32>,
      tpu.vector_store %arg11[%parallel_loop3A_265, %parallel_loop3A_266], %broadcast_in_dim3A_5 {strides = array<i32>} : memref<80x128xf32, #tpu.memory_space<vmem>>, vector<16xf32>,
      %parallel_loop3A_268 = arith.index_cast %parallel_loop3A_255 : i32 to index
      %parallel_loop3A_269 = arith.constant 64 : index
      %parallel_loop3A_270 = tpu.vector_load %arg11[%parallel_loop3A_268, %parallel_loop3A_269] {strides = array<i32>} : memref<80x128xf32, #tpu.memory_space<vmem>>, vector<16xf32>,
      tpu.vector_store %arg11[%parallel_loop3A_268, %parallel_loop3A_269], %broadcast_in_dim3A_5 {strides = array<i32>} : memref<80x128xf32, #tpu.memory_space<vmem>>, vector<16xf32>,
      %parallel_loop3A_271 = arith.index_cast %parallel_loop3A_255 : i32 to index
      %parallel_loop3A_272 = arith.constant 80 : index
      %parallel_loop3A_273 = tpu.vector_load %arg11[%parallel_loop3A_271, %parallel_loop3A_272] {strides = array<i32>} : memref<80x128xf32, #tpu.memory_space<vmem>>, vector<16xf32>,
      tpu.vector_store %arg11[%parallel_loop3A_271, %parallel_loop3A_272], %broadcast_in_dim3A_5 {strides = array<i32>} : memref<80x128xf32, #tpu.memory_space<vmem>>, vector<16xf32>,
      %parallel_loop3A_274 = arith.index_cast %parallel_loop3A_255 : i32 to index
      %parallel_loop3A_275 = arith.constant 96 : index
      %parallel_loop3A_276 = tpu.vector_load %arg11[%parallel_loop3A_274, %parallel_loop3A_275] {strides = array<i32>} : memref<80x128xf32, #tpu.memory_space<vmem>>, vector<16xf32>,
      tpu.vector_store %arg11[%parallel_loop3A_274, %parallel_loop3A_275], %broadcast_in_dim3A_5 {strides = array<i32>} : memref<80x128xf32, #tpu.memory_space<vmem>>, vector<16xf32>,
      %parallel_loop3A_277 = arith.index_cast %parallel_loop3A_255 : i32 to index
      %parallel_loop3A_278 = arith.constant 112 : index
      %parallel_loop3A_279 = tpu.vector_load %arg11[%parallel_loop3A_277, %parallel_loop3A_278] {strides = array<i32>} : memref<80x128xf32, #tpu.memory_space<vmem>>, vector<16xf32>,
      tpu.vector_store %arg11[%parallel_loop3A_277, %parallel_loop3A_278], %broadcast_in_dim3A_5 {strides = array<i32>} : memref<80x128xf32, #tpu.memory_space<vmem>>, vector<16xf32>,
    } {sc.loop_unroll_factor = 8 : i64, sc.parallel_access}
    %iota3A = tpu.iota {dimensions = array<i32: 0>} : vector<16xi32>
    %add3A = arith.constant 0 : i32
    %add3A_168 = vector.broadcast %add3A : i32 to vector<16xi32>
    %add3A_169 = arith.addi %iota3A, %add3A_168 : vector<16xi32>
    %swap3A_170 = arith.constant 0 : index
    %swap3A_171 = tpu.vector_load %arg12[%swap3A_170] {strides = array<i32>} : memref<80xi32, #tpu.memory_space<vmem>>, vector<16xi32>,
    tpu.vector_store %arg12[%swap3A_170], %add3A_169 {strides = array<i32>} : memref<80xi32, #tpu.memory_space<vmem>>, vector<16xi32>,
    %iota3A_172 = tpu.iota {dimensions = array<i32: 0>} : vector<16xi32>
    %add3A_173 = arith.constant 16 : i32
    %add3A_174 = vector.broadcast %add3A_173 : i32 to vector<16xi32>
    %add3A_175 = arith.addi %iota3A_172, %add3A_174 : vector<16xi32>
    %swap3A_176 = arith.constant 16 : index
    %swap3A_177 = tpu.vector_load %arg12[%swap3A_176] {strides = array<i32>} : memref<80xi32, #tpu.memory_space<vmem>>, vector<16xi32>,
    tpu.vector_store %arg12[%swap3A_176], %add3A_175 {strides = array<i32>} : memref<80xi32, #tpu.memory_space<vmem>>, vector<16xi32>,
    %iota3A_178 = tpu.iota {dimensions = array<i32: 0>} : vector<16xi32>
    %add3A_179 = arith.constant 32 : i32
    %add3A_180 = vector.broadcast %add3A_179 : i32 to vector<16xi32>
    %add3A_181 = arith.addi %iota3A_178, %add3A_180 : vector<16xi32>
    %swap3A_182 = arith.constant 32 : index
    %swap3A_183 = tpu.vector_load %arg12[%swap3A_182] {strides = array<i32>} : memref<80xi32, #tpu.memory_space<vmem>>, vector<16xi32>,
    tpu.vector_store %arg12[%swap3A_182], %add3A_181 {strides = array<i32>} : memref<80xi32, #tpu.memory_space<vmem>>, vector<16xi32>,
    %iota3A_184 = tpu.iota {dimensions = array<i32: 0>} : vector<16xi32>
    %add3A_185 = arith.constant 48 : i32
    %add3A_186 = vector.broadcast %add3A_185 : i32 to vector<16xi32>
    %add3A_187 = arith.addi %iota3A_184, %add3A_186 : vector<16xi32>
    %swap3A_188 = arith.constant 48 : index
    %swap3A_189 = tpu.vector_load %arg12[%swap3A_188] {strides = array<i32>} : memref<80xi32, #tpu.memory_space<vmem>>, vector<16xi32>,
    tpu.vector_store %arg12[%swap3A_188], %add3A_187 {strides = array<i32>} : memref<80xi32, #tpu.memory_space<vmem>>, vector<16xi32>,
    %iota3A_190 = tpu.iota {dimensions = array<i32: 0>} : vector<16xi32>
    %add3A_191 = arith.constant 64 : i32
    %add3A_192 = vector.broadcast %add3A_191 : i32 to vector<16xi32>
    %add3A_193 = arith.addi %iota3A_190, %add3A_192 : vector<16xi32>
    %swap3A_194 = arith.constant 64 : index
    %swap3A_195 = tpu.vector_load %arg12[%swap3A_194] {strides = array<i32>} : memref<80xi32, #tpu.memory_space<vmem>>, vector<16xi32>,
    tpu.vector_store %arg12[%swap3A_194], %add3A_193 {strides = array<i32>} : memref<80xi32, #tpu.memory_space<vmem>>, vector<16xi32>,
    %mul3A_196 = arith.constant 5 : i32
    %mul3A_197 = arith.muli %arg1, %mul3A_196 : i32
    "tpu.region"() ({
      %run_scoped3A = tpu.sem_alloc : memref<!tpu.dma_semaphore, #tpu.memory_space<semaphore_mem>>
      %dma_start3A_255 = arith.constant 0 : i32
      %dma_start3A_256 = tpu.memref_slice %arg22[%mul3A_197, %dma_start3A_255] : memref<80x128xf32, #tpu.memory_space<vmem_shared>> -> memref<5x128xf32, #tpu.memory_space<vmem_shared>>
      %dma_start3A_257 = arith.constant 0 : i32
      %dma_start3A_258 = tpu.memref_slice %arg22[%mul3A_197, %dma_start3A_257] : memref<80x128xf32, #tpu.memory_space<vmem_shared>> -> memref<5x128xf32, #tpu.memory_space<vmem_shared>>
      tpu.enqueue_dma source(%arg13 : memref<5x128xf32, #tpu.memory_space<vmem>>) target(%dma_start3A_258 : memref<5x128xf32, #tpu.memory_space<vmem_shared>>) target_semaphore(%run_scoped3A : memref<!tpu.dma_semaphore, #tpu.memory_space<semaphore_mem>>)
      %dma_wait3A_259 = arith.constant 0 : i32
      %dma_wait3A_260 = tpu.memref_slice %arg22[%mul3A_197, %dma_wait3A_259] : memref<80x128xf32, #tpu.memory_space<vmem_shared>> -> memref<5x128xf32, #tpu.memory_space<vmem_shared>>
      %dma_wait3A_261 = arith.constant 0 : i32
      %dma_wait3A_262 = tpu.memref_slice %arg22[%mul3A_197, %dma_wait3A_261] : memref<80x128xf32, #tpu.memory_space<vmem_shared>> -> memref<5x128xf32, #tpu.memory_space<vmem_shared>>
      tpu.wait_dma2 semaphore(%run_scoped3A : memref<!tpu.dma_semaphore, #tpu.memory_space<semaphore_mem>>) src(%arg13 : memref<5x128xf32, #tpu.memory_space<vmem>>) dst(%dma_wait3A_262 : memref<5x128xf32, #tpu.memory_space<vmem_shared>>)
      tpu.yield
    }) : () -> ()
    %parallel_loop3A_198 = arith.constant 0 : i32
    %parallel_loop3A_199 = arith.constant 1250 : i32
    %parallel_loop3A_200 = arith.constant 1 : i32
    scf.for %parallel_loop3A_255 = %parallel_loop3A_198 to %parallel_loop3A_199 step %parallel_loop3A_200  : i32 {
      %parallel_loop3A_256 = arith.constant 16 : i32
      %parallel_loop3A_257 = arith.muli %parallel_loop3A_255, %parallel_loop3A_256 : i32
      %parallel_loop3A_258 = arith.index_cast %parallel_loop3A_257 : i32 to index
      %parallel_loop3A_259 = tpu.vector_load %arg7[%parallel_loop3A_258] {strides = array<i32>} : memref<20000xi32, #tpu.memory_space<vmem>>, vector<16xi32>,
      %parallel_loop3A_260 = vector.broadcast %mul3A_2 : i32 to vector<16xi32>
      %parallel_loop3A_261 = arith.subi %parallel_loop3A_259, %parallel_loop3A_260 : vector<16xi32>
      %parallel_loop3A_262 = arith.constant 16 : i32
      %parallel_loop3A_263 = arith.muli %parallel_loop3A_255, %parallel_loop3A_262 : i32
      %parallel_loop3A_264 = arith.index_cast %parallel_loop3A_263 : i32 to index
      %parallel_loop3A_265 = tpu.vector_load %arg8[%parallel_loop3A_264] {strides = array<i32>} : memref<20000xi32, #tpu.memory_space<vmem>>, vector<16xi32>,
      %parallel_loop3A_266 = tpu.vector_load_idx %arg9[%parallel_loop3A_261] : memref<10000xf32, #tpu.memory_space<vmem>>[vector<16xi32>], vector<16xf32>,
      %parallel_loop3A_267 = tpu.vector_load_idx %arg10[%parallel_loop3A_265] : memref<10000xf32, #tpu.memory_space<vmem>>[vector<16xi32>], vector<16xf32>,
      %parallel_loop3A_268 = arith.addf %parallel_loop3A_266, %parallel_loop3A_267 : vector<16xf32>
      %parallel_loop3A_269 = arith.constant 0.000000e+00 : f32
      %parallel_loop3A_270 = vector.broadcast %parallel_loop3A_269 : f32 to vector<16xf32>
      %parallel_loop3A_271 = arith.cmpf ogt, %parallel_loop3A_268, %parallel_loop3A_270 : vector<16xf32>
      %parallel_loop3A_272 = arith.constant 2.000000e-01 : f32
      %parallel_loop3A_273 = vector.broadcast %parallel_loop3A_272 : f32 to vector<16xf32>
      %parallel_loop3A_274 = arith.mulf %parallel_loop3A_273, %parallel_loop3A_268 : vector<16xf32>
      %parallel_loop3A_275 = arith.select %parallel_loop3A_271, %parallel_loop3A_268, %parallel_loop3A_274 : vector<16xi1>, vector<16xf32>
      %parallel_loop3A_276 = math.exp %parallel_loop3A_275 : vector<16xf32>
      %parallel_loop3A_277 = arith.constant 7 : i32
      %parallel_loop3A_278 = vector.broadcast %parallel_loop3A_277 : i32 to vector<16xi32>
      %parallel_loop3A_279 = arith.shrui %parallel_loop3A_265, %parallel_loop3A_278 : vector<16xi32>
      %parallel_loop3A_280 = arith.constant 127 : i32
      %parallel_loop3A_281 = vector.broadcast %parallel_loop3A_280 : i32 to vector<16xi32>
      %parallel_loop3A_282 = arith.andi %parallel_loop3A_265, %parallel_loop3A_281 : vector<16xi32>
      tpu.vector_store_idx %arg11[%parallel_loop3A_279, %parallel_loop3A_282], %parallel_loop3A_276 {add = true} : memref<80x128xf32, #tpu.memory_space<vmem>>[vector<16xi32>, vector<16xi32>], vector<16xf32>,
    } {sc.loop_unroll_factor = 8 : i64, sc.parallel_access}
    %parallel_loop3A_201 = arith.constant 0 : i32
    %parallel_loop3A_202 = arith.constant 80 : i32
    %parallel_loop3A_203 = arith.constant 1 : i32
    scf.for %parallel_loop3A_255 = %parallel_loop3A_201 to %parallel_loop3A_202 step %parallel_loop3A_203  : i32 {
      %parallel_loop3A_256 = arith.index_cast %parallel_loop3A_255 : i32 to index
      %parallel_loop3A_257 = arith.constant 0 : index
      %parallel_loop3A_258 = tpu.vector_load %arg14[%parallel_loop3A_256, %parallel_loop3A_257] {strides = array<i32>} : memref<80x64xf32, #tpu.memory_space<vmem>>, vector<16xf32>,
      tpu.vector_store %arg14[%parallel_loop3A_256, %parallel_loop3A_257], %broadcast_in_dim3A_5 {strides = array<i32>} : memref<80x64xf32, #tpu.memory_space<vmem>>, vector<16xf32>,
      %parallel_loop3A_259 = arith.index_cast %parallel_loop3A_255 : i32 to index
      %parallel_loop3A_260 = arith.constant 16 : index
      %parallel_loop3A_261 = tpu.vector_load %arg14[%parallel_loop3A_259, %parallel_loop3A_260] {strides = array<i32>} : memref<80x64xf32, #tpu.memory_space<vmem>>, vector<16xf32>,
      tpu.vector_store %arg14[%parallel_loop3A_259, %parallel_loop3A_260], %broadcast_in_dim3A_5 {strides = array<i32>} : memref<80x64xf32, #tpu.memory_space<vmem>>, vector<16xf32>,
      %parallel_loop3A_262 = arith.index_cast %parallel_loop3A_255 : i32 to index
      %parallel_loop3A_263 = arith.constant 32 : index
      %parallel_loop3A_264 = tpu.vector_load %arg14[%parallel_loop3A_262, %parallel_loop3A_263] {strides = array<i32>} : memref<80x64xf32, #tpu.memory_space<vmem>>, vector<16xf32>,
      tpu.vector_store %arg14[%parallel_loop3A_262, %parallel_loop3A_263], %broadcast_in_dim3A_5 {strides = array<i32>} : memref<80x64xf32, #tpu.memory_space<vmem>>, vector<16xf32>,
      %parallel_loop3A_265 = arith.index_cast %parallel_loop3A_255 : i32 to index
      %parallel_loop3A_266 = arith.constant 48 : index
      %parallel_loop3A_267 = tpu.vector_load %arg14[%parallel_loop3A_265, %parallel_loop3A_266] {strides = array<i32>} : memref<80x64xf32, #tpu.memory_space<vmem>>, vector<16xf32>,
      tpu.vector_store %arg14[%parallel_loop3A_265, %parallel_loop3A_266], %broadcast_in_dim3A_5 {strides = array<i32>} : memref<80x64xf32, #tpu.memory_space<vmem>>, vector<16xf32>,
    } {sc.loop_unroll_factor = 8 : i64, sc.parallel_access}
    %mul3A_204 = arith.constant 625 : i32
    %mul3A_205 = arith.muli %arg1, %mul3A_204 : i32
    %add3A_206 = arith.constant 0 : i32
    %add3A_207 = arith.addi %mul3A_205, %add3A_206 : i32
    "tpu.region"() ({
      %run_scoped3A = tpu.sem_alloc : memref<!tpu.dma_semaphore, #tpu.memory_space<semaphore_mem>>
      %dma_start3A_255 = arith.constant 0 : i32
      %dma_start3A_256 = tpu.memref_slice %arg23[%add3A_207, %dma_start3A_255] : memref<10000x64xf32, #tpu.memory_space<vmem_shared>> -> memref<80x64xf32, #tpu.memory_space<vmem_shared>>
      %dma_start3A_257 = arith.constant 0 : i32
      %dma_start3A_258 = tpu.memref_slice %arg23[%add3A_207, %dma_start3A_257] : memref<10000x64xf32, #tpu.memory_space<vmem_shared>> -> memref<80x64xf32, #tpu.memory_space<vmem_shared>>
      tpu.enqueue_dma source(%arg14 : memref<80x64xf32, #tpu.memory_space<vmem>>) target(%dma_start3A_258 : memref<80x64xf32, #tpu.memory_space<vmem_shared>>) target_semaphore(%run_scoped3A : memref<!tpu.dma_semaphore, #tpu.memory_space<semaphore_mem>>)
      %dma_wait3A_259 = arith.constant 0 : i32
      %dma_wait3A_260 = tpu.memref_slice %arg23[%add3A_207, %dma_wait3A_259] : memref<10000x64xf32, #tpu.memory_space<vmem_shared>> -> memref<80x64xf32, #tpu.memory_space<vmem_shared>>
      %dma_wait3A_261 = arith.constant 0 : i32
      %dma_wait3A_262 = tpu.memref_slice %arg23[%add3A_207, %dma_wait3A_261] : memref<10000x64xf32, #tpu.memory_space<vmem_shared>> -> memref<80x64xf32, #tpu.memory_space<vmem_shared>>
      tpu.wait_dma2 semaphore(%run_scoped3A : memref<!tpu.dma_semaphore, #tpu.memory_space<semaphore_mem>>) src(%arg14 : memref<80x64xf32, #tpu.memory_space<vmem>>) dst(%dma_wait3A_262 : memref<80x64xf32, #tpu.memory_space<vmem_shared>>)
      tpu.yield
    }) : () -> ()
    %mul3A_208 = arith.constant 625 : i32
    %mul3A_209 = arith.muli %arg1, %mul3A_208 : i32
    %add3A_210 = arith.constant 80 : i32
    %add3A_211 = arith.addi %mul3A_209, %add3A_210 : i32
    "tpu.region"() ({
      %run_scoped3A = tpu.sem_alloc : memref<!tpu.dma_semaphore, #tpu.memory_space<semaphore_mem>>
      %dma_start3A_255 = arith.constant 0 : i32
      %dma_start3A_256 = tpu.memref_slice %arg23[%add3A_211, %dma_start3A_255] : memref<10000x64xf32, #tpu.memory_space<vmem_shared>> -> memref<80x64xf32, #tpu.memory_space<vmem_shared>>
      %dma_start3A_257 = arith.constant 0 : i32
      %dma_start3A_258 = tpu.memref_slice %arg23[%add3A_211, %dma_start3A_257] : memref<10000x64xf32, #tpu.memory_space<vmem_shared>> -> memref<80x64xf32, #tpu.memory_space<vmem_shared>>
      tpu.enqueue_dma source(%arg14 : memref<80x64xf32, #tpu.memory_space<vmem>>) target(%dma_start3A_258 : memref<80x64xf32, #tpu.memory_space<vmem_shared>>) target_semaphore(%run_scoped3A : memref<!tpu.dma_semaphore, #tpu.memory_space<semaphore_mem>>)
      %dma_wait3A_259 = arith.constant 0 : i32
      %dma_wait3A_260 = tpu.memref_slice %arg23[%add3A_211, %dma_wait3A_259] : memref<10000x64xf32, #tpu.memory_space<vmem_shared>> -> memref<80x64xf32, #tpu.memory_space<vmem_shared>>
      %dma_wait3A_261 = arith.constant 0 : i32
      %dma_wait3A_262 = tpu.memref_slice %arg23[%add3A_211, %dma_wait3A_261] : memref<10000x64xf32, #tpu.memory_space<vmem_shared>> -> memref<80x64xf32, #tpu.memory_space<vmem_shared>>
      tpu.wait_dma2 semaphore(%run_scoped3A : memref<!tpu.dma_semaphore, #tpu.memory_space<semaphore_mem>>) src(%arg14 : memref<80x64xf32, #tpu.memory_space<vmem>>) dst(%dma_wait3A_262 : memref<80x64xf32, #tpu.memory_space<vmem_shared>>)
      tpu.yield
    }) : () -> ()
    %mul3A_212 = arith.constant 625 : i32
    %mul3A_213 = arith.muli %arg1, %mul3A_212 : i32
    %add3A_214 = arith.constant 160 : i32
    %add3A_215 = arith.addi %mul3A_213, %add3A_214 : i32
    "tpu.region"() ({
      %run_scoped3A = tpu.sem_alloc : memref<!tpu.dma_semaphore, #tpu.memory_space<semaphore_mem>>
      %dma_start3A_255 = arith.constant 0 : i32
      %dma_start3A_256 = tpu.memref_slice %arg23[%add3A_215, %dma_start3A_255] : memref<10000x64xf32, #tpu.memory_space<vmem_shared>> -> memref<80x64xf32, #tpu.memory_space<vmem_shared>>
      %dma_start3A_257 = arith.constant 0 : i32
      %dma_start3A_258 = tpu.memref_slice %arg23[%add3A_215, %dma_start3A_257] : memref<10000x64xf32, #tpu.memory_space<vmem_shared>> -> memref<80x64xf32, #tpu.memory_space<vmem_shared>>
      tpu.enqueue_dma source(%arg14 : memref<80x64xf32, #tpu.memory_space<vmem>>) target(%dma_start3A_258 : memref<80x64xf32, #tpu.memory_space<vmem_shared>>) target_semaphore(%run_scoped3A : memref<!tpu.dma_semaphore, #tpu.memory_space<semaphore_mem>>)
      %dma_wait3A_259 = arith.constant 0 : i32
      %dma_wait3A_260 = tpu.memref_slice %arg23[%add3A_215, %dma_wait3A_259] : memref<10000x64xf32, #tpu.memory_space<vmem_shared>> -> memref<80x64xf32, #tpu.memory_space<vmem_shared>>
      %dma_wait3A_261 = arith.constant 0 : i32
      %dma_wait3A_262 = tpu.memref_slice %arg23[%add3A_215, %dma_wait3A_261] : memref<10000x64xf32, #tpu.memory_space<vmem_shared>> -> memref<80x64xf32, #tpu.memory_space<vmem_shared>>
      tpu.wait_dma2 semaphore(%run_scoped3A : memref<!tpu.dma_semaphore, #tpu.memory_space<semaphore_mem>>) src(%arg14 : memref<80x64xf32, #tpu.memory_space<vmem>>) dst(%dma_wait3A_262 : memref<80x64xf32, #tpu.memory_space<vmem_shared>>)
      tpu.yield
    }) : () -> ()
    %mul3A_216 = arith.constant 625 : i32
    %mul3A_217 = arith.muli %arg1, %mul3A_216 : i32
    %add3A_218 = arith.constant 240 : i32
    %add3A_219 = arith.addi %mul3A_217, %add3A_218 : i32
    "tpu.region"() ({
      %run_scoped3A = tpu.sem_alloc : memref<!tpu.dma_semaphore, #tpu.memory_space<semaphore_mem>>
      %dma_start3A_255 = arith.constant 0 : i32
      %dma_start3A_256 = tpu.memref_slice %arg23[%add3A_219, %dma_start3A_255] : memref<10000x64xf32, #tpu.memory_space<vmem_shared>> -> memref<80x64xf32, #tpu.memory_space<vmem_shared>>
      %dma_start3A_257 = arith.constant 0 : i32
      %dma_start3A_258 = tpu.memref_slice %arg23[%add3A_219, %dma_start3A_257] : memref<10000x64xf32, #tpu.memory_space<vmem_shared>> -> memref<80x64xf32, #tpu.memory_space<vmem_shared>>
      tpu.enqueue_dma source(%arg14 : memref<80x64xf32, #tpu.memory_space<vmem>>) target(%dma_start3A_258 : memref<80x64xf32, #tpu.memory_space<vmem_shared>>) target_semaphore(%run_scoped3A : memref<!tpu.dma_semaphore, #tpu.memory_space<semaphore_mem>>)
      %dma_wait3A_259 = arith.constant 0 : i32
      %dma_wait3A_260 = tpu.memref_slice %arg23[%add3A_219, %dma_wait3A_259] : memref<10000x64xf32, #tpu.memory_space<vmem_shared>> -> memref<80x64xf32, #tpu.memory_space<vmem_shared>>
      %dma_wait3A_261 = arith.constant 0 : i32
      %dma_wait3A_262 = tpu.memref_slice %arg23[%add3A_219, %dma_wait3A_261] : memref<10000x64xf32, #tpu.memory_space<vmem_shared>> -> memref<80x64xf32, #tpu.memory_space<vmem_shared>>
      tpu.wait_dma2 semaphore(%run_scoped3A : memref<!tpu.dma_semaphore, #tpu.memory_space<semaphore_mem>>) src(%arg14 : memref<80x64xf32, #tpu.memory_space<vmem>>) dst(%dma_wait3A_262 : memref<80x64xf32, #tpu.memory_space<vmem_shared>>)
      tpu.yield
    }) : () -> ()
    %mul3A_220 = arith.constant 625 : i32
    %mul3A_221 = arith.muli %arg1, %mul3A_220 : i32
    %add3A_222 = arith.constant 320 : i32
    %add3A_223 = arith.addi %mul3A_221, %add3A_222 : i32
    "tpu.region"() ({
      %run_scoped3A = tpu.sem_alloc : memref<!tpu.dma_semaphore, #tpu.memory_space<semaphore_mem>>
      %dma_start3A_255 = arith.constant 0 : i32
      %dma_start3A_256 = tpu.memref_slice %arg23[%add3A_223, %dma_start3A_255] : memref<10000x64xf32, #tpu.memory_space<vmem_shared>> -> memref<80x64xf32, #tpu.memory_space<vmem_shared>>
      %dma_start3A_257 = arith.constant 0 : i32
      %dma_start3A_258 = tpu.memref_slice %arg23[%add3A_223, %dma_start3A_257] : memref<10000x64xf32, #tpu.memory_space<vmem_shared>> -> memref<80x64xf32, #tpu.memory_space<vmem_shared>>
      tpu.enqueue_dma source(%arg14 : memref<80x64xf32, #tpu.memory_space<vmem>>) target(%dma_start3A_258 : memref<80x64xf32, #tpu.memory_space<vmem_shared>>) target_semaphore(%run_scoped3A : memref<!tpu.dma_semaphore, #tpu.memory_space<semaphore_mem>>)
      %dma_wait3A_259 = arith.constant 0 : i32
      %dma_wait3A_260 = tpu.memref_slice %arg23[%add3A_223, %dma_wait3A_259] : memref<10000x64xf32, #tpu.memory_space<vmem_shared>> -> memref<80x64xf32, #tpu.memory_space<vmem_shared>>
      %dma_wait3A_261 = arith.constant 0 : i32
      %dma_wait3A_262 = tpu.memref_slice %arg23[%add3A_223, %dma_wait3A_261] : memref<10000x64xf32, #tpu.memory_space<vmem_shared>> -> memref<80x64xf32, #tpu.memory_space<vmem_shared>>
      tpu.wait_dma2 semaphore(%run_scoped3A : memref<!tpu.dma_semaphore, #tpu.memory_space<semaphore_mem>>) src(%arg14 : memref<80x64xf32, #tpu.memory_space<vmem>>) dst(%dma_wait3A_262 : memref<80x64xf32, #tpu.memory_space<vmem_shared>>)
      tpu.yield
    }) : () -> ()
    %mul3A_224 = arith.constant 625 : i32
    %mul3A_225 = arith.muli %arg1, %mul3A_224 : i32
    %add3A_226 = arith.constant 400 : i32
    %add3A_227 = arith.addi %mul3A_225, %add3A_226 : i32
    "tpu.region"() ({
      %run_scoped3A = tpu.sem_alloc : memref<!tpu.dma_semaphore, #tpu.memory_space<semaphore_mem>>
      %dma_start3A_255 = arith.constant 0 : i32
      %dma_start3A_256 = tpu.memref_slice %arg23[%add3A_227, %dma_start3A_255] : memref<10000x64xf32, #tpu.memory_space<vmem_shared>> -> memref<80x64xf32, #tpu.memory_space<vmem_shared>>
      %dma_start3A_257 = arith.constant 0 : i32
      %dma_start3A_258 = tpu.memref_slice %arg23[%add3A_227, %dma_start3A_257] : memref<10000x64xf32, #tpu.memory_space<vmem_shared>> -> memref<80x64xf32, #tpu.memory_space<vmem_shared>>
      tpu.enqueue_dma source(%arg14 : memref<80x64xf32, #tpu.memory_space<vmem>>) target(%dma_start3A_258 : memref<80x64xf32, #tpu.memory_space<vmem_shared>>) target_semaphore(%run_scoped3A : memref<!tpu.dma_semaphore, #tpu.memory_space<semaphore_mem>>)
      %dma_wait3A_259 = arith.constant 0 : i32
      %dma_wait3A_260 = tpu.memref_slice %arg23[%add3A_227, %dma_wait3A_259] : memref<10000x64xf32, #tpu.memory_space<vmem_shared>> -> memref<80x64xf32, #tpu.memory_space<vmem_shared>>
      %dma_wait3A_261 = arith.constant 0 : i32
      %dma_wait3A_262 = tpu.memref_slice %arg23[%add3A_227, %dma_wait3A_261] : memref<10000x64xf32, #tpu.memory_space<vmem_shared>> -> memref<80x64xf32, #tpu.memory_space<vmem_shared>>
      tpu.wait_dma2 semaphore(%run_scoped3A : memref<!tpu.dma_semaphore, #tpu.memory_space<semaphore_mem>>) src(%arg14 : memref<80x64xf32, #tpu.memory_space<vmem>>) dst(%dma_wait3A_262 : memref<80x64xf32, #tpu.memory_space<vmem_shared>>)
      tpu.yield
    }) : () -> ()
    %mul3A_228 = arith.constant 625 : i32
    %mul3A_229 = arith.muli %arg1, %mul3A_228 : i32
    %add3A_230 = arith.constant 480 : i32
    %add3A_231 = arith.addi %mul3A_229, %add3A_230 : i32
    "tpu.region"() ({
      %run_scoped3A = tpu.sem_alloc : memref<!tpu.dma_semaphore, #tpu.memory_space<semaphore_mem>>
      %dma_start3A_255 = arith.constant 0 : i32
      %dma_start3A_256 = tpu.memref_slice %arg23[%add3A_231, %dma_start3A_255] : memref<10000x64xf32, #tpu.memory_space<vmem_shared>> -> memref<80x64xf32, #tpu.memory_space<vmem_shared>>
      %dma_start3A_257 = arith.constant 0 : i32
      %dma_start3A_258 = tpu.memref_slice %arg23[%add3A_231, %dma_start3A_257] : memref<10000x64xf32, #tpu.memory_space<vmem_shared>> -> memref<80x64xf32, #tpu.memory_space<vmem_shared>>
      tpu.enqueue_dma source(%arg14 : memref<80x64xf32, #tpu.memory_space<vmem>>) target(%dma_start3A_258 : memref<80x64xf32, #tpu.memory_space<vmem_shared>>) target_semaphore(%run_scoped3A : memref<!tpu.dma_semaphore, #tpu.memory_space<semaphore_mem>>)
      %dma_wait3A_259 = arith.constant 0 : i32
      %dma_wait3A_260 = tpu.memref_slice %arg23[%add3A_231, %dma_wait3A_259] : memref<10000x64xf32, #tpu.memory_space<vmem_shared>> -> memref<80x64xf32, #tpu.memory_space<vmem_shared>>
      %dma_wait3A_261 = arith.constant 0 : i32
      %dma_wait3A_262 = tpu.memref_slice %arg23[%add3A_231, %dma_wait3A_261] : memref<10000x64xf32, #tpu.memory_space<vmem_shared>> -> memref<80x64xf32, #tpu.memory_space<vmem_shared>>
      tpu.wait_dma2 semaphore(%run_scoped3A : memref<!tpu.dma_semaphore, #tpu.memory_space<semaphore_mem>>) src(%arg14 : memref<80x64xf32, #tpu.memory_space<vmem>>) dst(%dma_wait3A_262 : memref<80x64xf32, #tpu.memory_space<vmem_shared>>)
      tpu.yield
    }) : () -> ()
    %mul3A_232 = arith.constant 625 : i32
    %mul3A_233 = arith.muli %arg1, %mul3A_232 : i32
    %add3A_234 = arith.constant 560 : i32
    %add3A_235 = arith.addi %mul3A_233, %add3A_234 : i32
    "tpu.region"() ({
      %run_scoped3A = tpu.sem_alloc : memref<!tpu.dma_semaphore, #tpu.memory_space<semaphore_mem>>
      %dma_start3A_255 = arith.constant 0 : i32
      %dma_start3A_256 = arith.constant 0 : i32
      %dma_start3A_257 = tpu.memref_slice %arg14[%dma_start3A_255, %dma_start3A_256] : memref<80x64xf32, #tpu.memory_space<vmem>> -> memref<65x64xf32, #tpu.memory_space<vmem>>
      %dma_start3A_258 = arith.constant 0 : i32
      %dma_start3A_259 = tpu.memref_slice %arg23[%add3A_235, %dma_start3A_258] : memref<10000x64xf32, #tpu.memory_space<vmem_shared>> -> memref<65x64xf32, #tpu.memory_space<vmem_shared>>
      %dma_start3A_260 = arith.constant 0 : i32
      %dma_start3A_261 = tpu.memref_slice %arg23[%add3A_235, %dma_start3A_260] : memref<10000x64xf32, #tpu.memory_space<vmem_shared>> -> memref<65x64xf32, #tpu.memory_space<vmem_shared>>
      %dma_start3A_262 = arith.constant 0 : i32
      %dma_start3A_263 = arith.constant 0 : i32
      %dma_start3A_264 = tpu.memref_slice %arg14[%dma_start3A_262, %dma_start3A_263] : memref<80x64xf32, #tpu.memory_space<vmem>> -> memref<65x64xf32, #tpu.memory_space<vmem>>
      tpu.enqueue_dma source(%dma_start3A_264 : memref<65x64xf32, #tpu.memory_space<vmem>>) target(%dma_start3A_261 : memref<65x64xf32, #tpu.memory_space<vmem_shared>>) target_semaphore(%run_scoped3A : memref<!tpu.dma_semaphore, #tpu.memory_space<semaphore_mem>>)
      %dma_wait3A_265 = arith.constant 0 : i32
      %dma_wait3A_266 = arith.constant 0 : i32
      %dma_wait3A_267 = tpu.memref_slice %arg14[%dma_wait3A_265, %dma_wait3A_266] : memref<80x64xf32, #tpu.memory_space<vmem>> -> memref<65x64xf32, #tpu.memory_space<vmem>>
      %dma_wait3A_268 = arith.constant 0 : i32
      %dma_wait3A_269 = tpu.memref_slice %arg23[%add3A_235, %dma_wait3A_268] : memref<10000x64xf32, #tpu.memory_space<vmem_shared>> -> memref<65x64xf32, #tpu.memory_space<vmem_shared>>
      %dma_wait3A_270 = arith.constant 0 : i32
      %dma_wait3A_271 = tpu.memref_slice %arg23[%add3A_235, %dma_wait3A_270] : memref<10000x64xf32, #tpu.memory_space<vmem_shared>> -> memref<65x64xf32, #tpu.memory_space<vmem_shared>>
      %dma_wait3A_272 = arith.constant 0 : i32
      %dma_wait3A_273 = arith.constant 0 : i32
      %dma_wait3A_274 = tpu.memref_slice %arg14[%dma_wait3A_272, %dma_wait3A_273] : memref<80x64xf32, #tpu.memory_space<vmem>> -> memref<65x64xf32, #tpu.memory_space<vmem>>
      tpu.wait_dma2 semaphore(%run_scoped3A : memref<!tpu.dma_semaphore, #tpu.memory_space<semaphore_mem>>) src(%dma_wait3A_274 : memref<65x64xf32, #tpu.memory_space<vmem>>) dst(%dma_wait3A_271 : memref<65x64xf32, #tpu.memory_space<vmem_shared>>)
      tpu.yield
    }) : () -> ()
    %barrier3A = arith.constant 0 : index
    tpu.barrier barrier_id(%barrier3A)
    "tpu.region"() ({
      %run_scoped3A = tpu.sem_alloc : memref<!tpu.dma_semaphore, #tpu.memory_space<semaphore_mem>>
      %dma_start3A_255 = arith.constant 0 : i32
      %dma_start3A_256 = arith.constant 0 : i32
      %dma_start3A_257 = tpu.memref_slice %arg22[%dma_start3A_255, %dma_start3A_256] : memref<80x128xf32, #tpu.memory_space<vmem_shared>> -> memref<80x128xf32, #tpu.memory_space<vmem_shared>>
      tpu.enqueue_indirect_dma source(%arg11 : memref<80x128xf32, #tpu.memory_space<vmem>>) target(%dma_start3A_257 : memref<80x128xf32, #tpu.memory_space<vmem_shared>>) offsets(%arg12 : memref<80xi32, #tpu.memory_space<vmem>>) semaphore(%run_scoped3A : memref<!tpu.dma_semaphore, #tpu.memory_space<semaphore_mem>>) {add = true}
      %dma_wait3A_258 = arith.constant 0 : i32
      %dma_wait3A_259 = arith.constant 0 : i32
      %dma_wait3A_260 = tpu.memref_slice %arg22[%dma_wait3A_258, %dma_wait3A_259] : memref<80x128xf32, #tpu.memory_space<vmem_shared>> -> memref<80x128xf32, #tpu.memory_space<vmem_shared>>
      tpu.wait_indirect_dma semaphore(%run_scoped3A : memref<!tpu.dma_semaphore, #tpu.memory_space<semaphore_mem>>) src(%arg11 : memref<80x128xf32, #tpu.memory_space<vmem>>) dst(%dma_wait3A_260 : memref<80x128xf32, #tpu.memory_space<vmem_shared>>)
      tpu.yield
    }) : () -> ()
    %barrier3A_236 = arith.constant 0 : index
    tpu.barrier barrier_id(%barrier3A_236)
    "tpu.region"() ({
      %run_scoped3A = tpu.sem_alloc : memref<!tpu.dma_semaphore, #tpu.memory_space<semaphore_mem>>
      tpu.enqueue_dma source(%arg22 : memref<80x128xf32, #tpu.memory_space<vmem_shared>>) target(%arg11 : memref<80x128xf32, #tpu.memory_space<vmem>>) target_semaphore(%run_scoped3A : memref<!tpu.dma_semaphore, #tpu.memory_space<semaphore_mem>>)
      tpu.wait_dma2 semaphore(%run_scoped3A : memref<!tpu.dma_semaphore, #tpu.memory_space<semaphore_mem>>) src(%arg22 : memref<80x128xf32, #tpu.memory_space<vmem_shared>>) dst(%arg11 : memref<80x128xf32, #tpu.memory_space<vmem>>)
      tpu.yield
    }) : () -> ()
    %dma_start3A = arith.constant 0 : i32
    %dma_start3A_237 = tpu.memref_slice %arg7[%dma_start3A] : memref<20000xi32, #tpu.memory_space<vmem>> -> memref<80xi32, #tpu.memory_space<vmem>>
    %dma_start3A_238 = arith.constant 0 : i32
    %dma_start3A_239 = arith.constant 0 : i32
    %dma_start3A_240 = tpu.memref_slice %arg5[%dma_start3A_238, %dma_start3A_239] : memref<20000x64xf32, #tpu.memory_space<hbm>> -> memref<20000x64xf32, #tpu.memory_space<hbm>>
    tpu.enqueue_indirect_dma source(%dma_start3A_240 : memref<20000x64xf32, #tpu.memory_space<hbm>>) target(%arg14 : memref<80x64xf32, #tpu.memory_space<vmem>>) offsets(%dma_start3A_237 : memref<80xi32, #tpu.memory_space<vmem>>) semaphore(%arg19 : memref<!tpu.dma_semaphore, #tpu.memory_space<semaphore_mem>>)
    %dma_wait3A = arith.constant 0 : i32
    %dma_wait3A_241 = tpu.memref_slice %arg7[%dma_wait3A] : memref<20000xi32, #tpu.memory_space<vmem>> -> memref<80xi32, #tpu.memory_space<vmem>>
    %dma_wait3A_242 = arith.constant 0 : i32
    %dma_wait3A_243 = arith.constant 0 : i32
    %dma_wait3A_244 = tpu.memref_slice %arg5[%dma_wait3A_242, %dma_wait3A_243] : memref<20000x64xf32, #tpu.memory_space<hbm>> -> memref<20000x64xf32, #tpu.memory_space<hbm>>
    tpu.wait_indirect_dma semaphore(%arg19 : memref<!tpu.dma_semaphore, #tpu.memory_space<semaphore_mem>>) src(%dma_wait3A_244 : memref<20000x64xf32, #tpu.memory_space<hbm>>) dst(%arg14 : memref<80x64xf32, #tpu.memory_space<vmem>>)
    %scan3A = arith.constant 0 : i32
    %scan3A_245 = arith.constant 0 : i32
    %scan3A_246 = arith.constant 125 : i32
    %scan3A_247 = arith.addi %scan3A_245, %scan3A_246 : i32
    %scan3A_248 = arith.constant 1 : i32
    scf.for %scan3A_255 = %scan3A_245 to %scan3A_247 step %scan3A_248  : i32 {
      %mul3A_256 = arith.constant 2 : i32
      %mul3A_257 = arith.muli %mul3A_256, %scan3A_255 : i32
      %add3A_258 = arith.constant 1 : i32
      %add3A_259 = arith.addi %mul3A_257, %add3A_258 : i32
      %min3A = arith.constant 249 : i32
      %min3A_260 = arith.minsi %add3A_259, %min3A : i32
      %mul3A_261 = arith.constant 80 : i32
      %mul3A_262 = arith.muli %min3A_260, %mul3A_261 : i32
      %dma_start3A_263 = tpu.memref_slice %arg7[%mul3A_262] : memref<20000xi32, #tpu.memory_space<vmem>> -> memref<80xi32, #tpu.memory_space<vmem>>
      %dma_start3A_264 = arith.constant 0 : i32
      %dma_start3A_265 = arith.constant 0 : i32
      %dma_start3A_266 = tpu.memref_slice %arg5[%dma_start3A_264, %dma_start3A_265] : memref<20000x64xf32, #tpu.memory_space<hbm>> -> memref<20000x64xf32, #tpu.memory_space<hbm>>
      tpu.enqueue_indirect_dma source(%dma_start3A_266 : memref<20000x64xf32, #tpu.memory_space<hbm>>) target(%arg15 : memref<80x64xf32, #tpu.memory_space<vmem>>) offsets(%dma_start3A_263 : memref<80xi32, #tpu.memory_space<vmem>>) semaphore(%arg19 : memref<!tpu.dma_semaphore, #tpu.memory_space<semaphore_mem>>)
      %mul3A_267 = arith.constant 80 : i32
      %mul3A_268 = arith.muli %mul3A_257, %mul3A_267 : i32
      %parallel_loop3A_269 = arith.constant 0 : i32
      %parallel_loop3A_270 = arith.constant 5 : i32
      %parallel_loop3A_271 = arith.constant 1 : i32
      scf.for %parallel_loop3A_317 = %parallel_loop3A_269 to %parallel_loop3A_270 step %parallel_loop3A_271  : i32 {
        %parallel_loop3A_318 = arith.constant 16 : i32
        %parallel_loop3A_319 = arith.muli %parallel_loop3A_317, %parallel_loop3A_318 : i32
        %parallel_loop3A_320 = arith.addi %mul3A_268, %parallel_loop3A_319 : i32
        %parallel_loop3A_321 = arith.index_cast %parallel_loop3A_320 : i32 to index
        %parallel_loop3A_322 = tpu.vector_load %arg7[%parallel_loop3A_321] {strides = array<i32>} : memref<20000xi32, #tpu.memory_space<vmem>>, vector<16xi32>,
        %parallel_loop3A_323 = vector.broadcast %mul3A_2 : i32 to vector<16xi32>
        %parallel_loop3A_324 = arith.subi %parallel_loop3A_322, %parallel_loop3A_323 : vector<16xi32>
        %parallel_loop3A_325 = arith.index_cast %parallel_loop3A_320 : i32 to index
        %parallel_loop3A_326 = tpu.vector_load %arg8[%parallel_loop3A_325] {strides = array<i32>} : memref<20000xi32, #tpu.memory_space<vmem>>, vector<16xi32>,
        %parallel_loop3A_327 = arith.constant 16 : i32
        %parallel_loop3A_328 = arith.muli %parallel_loop3A_317, %parallel_loop3A_327 : i32
        %parallel_loop3A_329 = arith.index_cast %parallel_loop3A_328 : i32 to index
        %parallel_loop3A_330 = tpu.vector_load %arg17[%parallel_loop3A_329] {strides = array<i32>} : memref<80xi32, #tpu.memory_space<vmem>>, vector<16xi32>,
        tpu.vector_store %arg17[%parallel_loop3A_329], %parallel_loop3A_326 {strides = array<i32>} : memref<80xi32, #tpu.memory_space<vmem>>, vector<16xi32>,
        %parallel_loop3A_331 = tpu.vector_load_idx %arg9[%parallel_loop3A_324] : memref<10000xf32, #tpu.memory_space<vmem>>[vector<16xi32>], vector<16xf32>,
        %parallel_loop3A_332 = tpu.vector_load_idx %arg10[%parallel_loop3A_326] : memref<10000xf32, #tpu.memory_space<vmem>>[vector<16xi32>], vector<16xf32>,
        %parallel_loop3A_333 = arith.addf %parallel_loop3A_331, %parallel_loop3A_332 : vector<16xf32>
        %parallel_loop3A_334 = arith.constant 0.000000e+00 : f32
        %parallel_loop3A_335 = vector.broadcast %parallel_loop3A_334 : f32 to vector<16xf32>
        %parallel_loop3A_336 = arith.cmpf ogt, %parallel_loop3A_333, %parallel_loop3A_335 : vector<16xf32>
        %parallel_loop3A_337 = arith.constant 2.000000e-01 : f32
        %parallel_loop3A_338 = vector.broadcast %parallel_loop3A_337 : f32 to vector<16xf32>
        %parallel_loop3A_339 = arith.mulf %parallel_loop3A_338, %parallel_loop3A_333 : vector<16xf32>
        %parallel_loop3A_340 = arith.select %parallel_loop3A_336, %parallel_loop3A_333, %parallel_loop3A_339 : vector<16xi1>, vector<16xf32>
        %parallel_loop3A_341 = math.exp %parallel_loop3A_340 : vector<16xf32>
        %parallel_loop3A_342 = arith.constant 7 : i32
        %parallel_loop3A_343 = vector.broadcast %parallel_loop3A_342 : i32 to vector<16xi32>
        %parallel_loop3A_344 = arith.shrui %parallel_loop3A_326, %parallel_loop3A_343 : vector<16xi32>
        %parallel_loop3A_345 = arith.constant 127 : i32
        %parallel_loop3A_346 = vector.broadcast %parallel_loop3A_345 : i32 to vector<16xi32>
        %parallel_loop3A_347 = arith.andi %parallel_loop3A_326, %parallel_loop3A_346 : vector<16xi32>
        %parallel_loop3A_348 = tpu.vector_load_idx %arg11[%parallel_loop3A_344, %parallel_loop3A_347] : memref<80x128xf32, #tpu.memory_space<vmem>>[vector<16xi32>, vector<16xi32>], vector<16xf32>,
        %parallel_loop3A_349 = arith.constant 1.000000e-16 : f32
        %parallel_loop3A_350 = vector.broadcast %parallel_loop3A_349 : f32 to vector<16xf32>
        %parallel_loop3A_351 = arith.addf %parallel_loop3A_348, %parallel_loop3A_350 : vector<16xf32>
        %parallel_loop3A_352 = arith.divf %parallel_loop3A_341, %parallel_loop3A_351 : vector<16xf32>
        %parallel_loop3A_353 = arith.constant 16 : i32
        %parallel_loop3A_354 = arith.muli %parallel_loop3A_317, %parallel_loop3A_353 : i32
        %parallel_loop3A_355 = arith.index_cast %parallel_loop3A_354 : i32 to index
        %parallel_loop3A_356 = tpu.vector_load %arg16[%parallel_loop3A_355] {strides = array<i32>} : memref<80xf32, #tpu.memory_space<vmem>>, vector<16xf32>,
        tpu.vector_store %arg16[%parallel_loop3A_355], %parallel_loop3A_352 {strides = array<i32>} : memref<80xf32, #tpu.memory_space<vmem>>, vector<16xf32>,
      } {sc.loop_unroll_factor = 5 : i64, sc.parallel_access}
      %parallel_loop3A_272 = arith.constant 0 : i32
      %parallel_loop3A_273 = arith.constant 80 : i32
      %parallel_loop3A_274 = arith.constant 1 : i32
      scf.for %parallel_loop3A_317 = %parallel_loop3A_272 to %parallel_loop3A_273 step %parallel_loop3A_274  : i32 {
        %parallel_loop3A_318 = vector.broadcast %parallel_loop3A_317 : i32 to vector<16xi32>
        %parallel_loop3A_319 = tpu.vector_load_idx %arg16[%parallel_loop3A_318] : memref<80xf32, #tpu.memory_space<vmem>>[vector<16xi32>], vector<16xf32>,
        %parallel_loop3A_320 = arith.index_cast %parallel_loop3A_317 : i32 to index
        %parallel_loop3A_321 = arith.constant 0 : index
        %parallel_loop3A_322 = tpu.vector_load %arg14[%parallel_loop3A_320, %parallel_loop3A_321] {strides = array<i32>} : memref<80x64xf32, #tpu.memory_space<vmem>>, vector<16xf32>,
        %parallel_loop3A_323 = arith.mulf %parallel_loop3A_322, %parallel_loop3A_319 : vector<16xf32>
        %parallel_loop3A_324 = arith.index_cast %parallel_loop3A_317 : i32 to index
        %parallel_loop3A_325 = arith.constant 0 : index
        %parallel_loop3A_326 = tpu.vector_load %arg14[%parallel_loop3A_324, %parallel_loop3A_325] {strides = array<i32>} : memref<80x64xf32, #tpu.memory_space<vmem>>, vector<16xf32>,
        tpu.vector_store %arg14[%parallel_loop3A_324, %parallel_loop3A_325], %parallel_loop3A_323 {strides = array<i32>} : memref<80x64xf32, #tpu.memory_space<vmem>>, vector<16xf32>,
        %parallel_loop3A_327 = arith.index_cast %parallel_loop3A_317 : i32 to index
        %parallel_loop3A_328 = arith.constant 16 : index
        %parallel_loop3A_329 = tpu.vector_load %arg14[%parallel_loop3A_327, %parallel_loop3A_328] {strides = array<i32>} : memref<80x64xf32, #tpu.memory_space<vmem>>, vector<16xf32>,
        %parallel_loop3A_330 = arith.mulf %parallel_loop3A_329, %parallel_loop3A_319 : vector<16xf32>
        %parallel_loop3A_331 = arith.index_cast %parallel_loop3A_317 : i32 to index
        %parallel_loop3A_332 = arith.constant 16 : index
        %parallel_loop3A_333 = tpu.vector_load %arg14[%parallel_loop3A_331, %parallel_loop3A_332] {strides = array<i32>} : memref<80x64xf32, #tpu.memory_space<vmem>>, vector<16xf32>,
        tpu.vector_store %arg14[%parallel_loop3A_331, %parallel_loop3A_332], %parallel_loop3A_330 {strides = array<i32>} : memref<80x64xf32, #tpu.memory_space<vmem>>, vector<16xf32>,
        %parallel_loop3A_334 = arith.index_cast %parallel_loop3A_317 : i32 to index
        %parallel_loop3A_335 = arith.constant 32 : index
        %parallel_loop3A_336 = tpu.vector_load %arg14[%parallel_loop3A_334, %parallel_loop3A_335] {strides = array<i32>} : memref<80x64xf32, #tpu.memory_space<vmem>>, vector<16xf32>,
        %parallel_loop3A_337 = arith.mulf %parallel_loop3A_336, %parallel_loop3A_319 : vector<16xf32>
        %parallel_loop3A_338 = arith.index_cast %parallel_loop3A_317 : i32 to index
        %parallel_loop3A_339 = arith.constant 32 : index
        %parallel_loop3A_340 = tpu.vector_load %arg14[%parallel_loop3A_338, %parallel_loop3A_339] {strides = array<i32>} : memref<80x64xf32, #tpu.memory_space<vmem>>, vector<16xf32>,
        tpu.vector_store %arg14[%parallel_loop3A_338, %parallel_loop3A_339], %parallel_loop3A_337 {strides = array<i32>} : memref<80x64xf32, #tpu.memory_space<vmem>>, vector<16xf32>,
        %parallel_loop3A_341 = arith.index_cast %parallel_loop3A_317 : i32 to index
        %parallel_loop3A_342 = arith.constant 48 : index
        %parallel_loop3A_343 = tpu.vector_load %arg14[%parallel_loop3A_341, %parallel_loop3A_342] {strides = array<i32>} : memref<80x64xf32, #tpu.memory_space<vmem>>, vector<16xf32>,
        %parallel_loop3A_344 = arith.mulf %parallel_loop3A_343, %parallel_loop3A_319 : vector<16xf32>
        %parallel_loop3A_345 = arith.index_cast %parallel_loop3A_317 : i32 to index
        %parallel_loop3A_346 = arith.constant 48 : index
        %parallel_loop3A_347 = tpu.vector_load %arg14[%parallel_loop3A_345, %parallel_loop3A_346] {strides = array<i32>} : memref<80x64xf32, #tpu.memory_space<vmem>>, vector<16xf32>,
        tpu.vector_store %arg14[%parallel_loop3A_345, %parallel_loop3A_346], %parallel_loop3A_344 {strides = array<i32>} : memref<80x64xf32, #tpu.memory_space<vmem>>, vector<16xf32>,
      } {sc.loop_unroll_factor = 8 : i64, sc.parallel_access}
      %dma_start3A_275 = arith.constant 0 : i32
      %dma_start3A_276 = arith.constant 0 : i32
      %dma_start3A_277 = tpu.memref_slice %arg23[%dma_start3A_275, %dma_start3A_276] : memref<10000x64xf32, #tpu.memory_space<vmem_shared>> -> memref<10000x64xf32, #tpu.memory_space<vmem_shared>>
      tpu.enqueue_indirect_dma source(%arg14 : memref<80x64xf32, #tpu.memory_space<vmem>>) target(%dma_start3A_277 : memref<10000x64xf32, #tpu.memory_space<vmem_shared>>) offsets(%arg17 : memref<80xi32, #tpu.memory_space<vmem>>) semaphore(%arg20 : memref<!tpu.dma_semaphore, #tpu.memory_space<semaphore_mem>>) {add = true}
      %dma_wait3A_278 = tpu.memref_slice %arg7[%mul3A_262] : memref<20000xi32, #tpu.memory_space<vmem>> -> memref<80xi32, #tpu.memory_space<vmem>>
      %dma_wait3A_279 = arith.constant 0 : i32
      %dma_wait3A_280 = arith.constant 0 : i32
      %dma_wait3A_281 = tpu.memref_slice %arg5[%dma_wait3A_279, %dma_wait3A_280] : memref<20000x64xf32, #tpu.memory_space<hbm>> -> memref<20000x64xf32, #tpu.memory_space<hbm>>
      tpu.wait_indirect_dma semaphore(%arg19 : memref<!tpu.dma_semaphore, #tpu.memory_space<semaphore_mem>>) src(%dma_wait3A_281 : memref<20000x64xf32, #tpu.memory_space<hbm>>) dst(%arg15 : memref<80x64xf32, #tpu.memory_space<vmem>>)
      %mul3A_282 = arith.constant 2 : i32
      %mul3A_283 = arith.muli %mul3A_282, %scan3A_255 : i32
      %add3A_284 = arith.constant 1 : i32
      %add3A_285 = arith.addi %mul3A_283, %add3A_284 : i32
      %dma_wait3A_286 = arith.constant 0 : i32
      %dma_wait3A_287 = arith.constant 0 : i32
      %dma_wait3A_288 = tpu.memref_slice %arg23[%dma_wait3A_286, %dma_wait3A_287] : memref<10000x64xf32, #tpu.memory_space<vmem_shared>> -> memref<10000x64xf32, #tpu.memory_space<vmem_shared>>
      tpu.wait_indirect_dma semaphore(%arg20 : memref<!tpu.dma_semaphore, #tpu.memory_space<semaphore_mem>>) src(%arg14 : memref<80x64xf32, #tpu.memory_space<vmem>>) dst(%dma_wait3A_288 : memref<10000x64xf32, #tpu.memory_space<vmem_shared>>)
      %add3A_289 = arith.constant 1 : i32
      %add3A_290 = arith.addi %add3A_285, %add3A_289 : i32
      %min3A_291 = arith.constant 249 : i32
      %min3A_292 = arith.minsi %add3A_290, %min3A_291 : i32
      %mul3A_293 = arith.constant 80 : i32
      %mul3A_294 = arith.muli %min3A_292, %mul3A_293 : i32
      %dma_start3A_295 = tpu.memref_slice %arg7[%mul3A_294] : memref<20000xi32, #tpu.memory_space<vmem>> -> memref<80xi32, #tpu.memory_space<vmem>>
      %dma_start3A_296 = arith.constant 0 : i32
      %dma_start3A_297 = arith.constant 0 : i32
      %dma_start3A_298 = tpu.memref_slice %arg5[%dma_start3A_296, %dma_start3A_297] : memref<20000x64xf32, #tpu.memory_space<hbm>> -> memref<20000x64xf32, #tpu.memory_space<hbm>>
      tpu.enqueue_indirect_dma source(%dma_start3A_298 : memref<20000x64xf32, #tpu.memory_space<hbm>>) target(%arg14 : memref<80x64xf32, #tpu.memory_space<vmem>>) offsets(%dma_start3A_295 : memref<80xi32, #tpu.memory_space<vmem>>) semaphore(%arg19 : memref<!tpu.dma_semaphore, #tpu.memory_space<semaphore_mem>>)
      %mul3A_299 = arith.constant 80 : i32
      %mul3A_300 = arith.muli %add3A_285, %mul3A_299 : i32
      %parallel_loop3A_301 = arith.constant 0 : i32
      %parallel_loop3A_302 = arith.constant 5 : i32
      %parallel_loop3A_303 = arith.constant 1 : i32
      scf.for %parallel_loop3A_317 = %parallel_loop3A_301 to %parallel_loop3A_302 step %parallel_loop3A_303  : i32 {
        %parallel_loop3A_318 = arith.constant 16 : i32
        %parallel_loop3A_319 = arith.muli %parallel_loop3A_317, %parallel_loop3A_318 : i32
        %parallel_loop3A_320 = arith.addi %mul3A_300, %parallel_loop3A_319 : i32
        %parallel_loop3A_321 = arith.index_cast %parallel_loop3A_320 : i32 to index
        %parallel_loop3A_322 = tpu.vector_load %arg7[%parallel_loop3A_321] {strides = array<i32>} : memref<20000xi32, #tpu.memory_space<vmem>>, vector<16xi32>,
        %parallel_loop3A_323 = vector.broadcast %mul3A_2 : i32 to vector<16xi32>
        %parallel_loop3A_324 = arith.subi %parallel_loop3A_322, %parallel_loop3A_323 : vector<16xi32>
        %parallel_loop3A_325 = arith.index_cast %parallel_loop3A_320 : i32 to index
        %parallel_loop3A_326 = tpu.vector_load %arg8[%parallel_loop3A_325] {strides = array<i32>} : memref<20000xi32, #tpu.memory_space<vmem>>, vector<16xi32>,
        %parallel_loop3A_327 = arith.constant 16 : i32
        %parallel_loop3A_328 = arith.muli %parallel_loop3A_317, %parallel_loop3A_327 : i32
        %parallel_loop3A_329 = arith.index_cast %parallel_loop3A_328 : i32 to index
        %parallel_loop3A_330 = tpu.vector_load %arg18[%parallel_loop3A_329] {strides = array<i32>} : memref<80xi32, #tpu.memory_space<vmem>>, vector<16xi32>,
        tpu.vector_store %arg18[%parallel_loop3A_329], %parallel_loop3A_326 {strides = array<i32>} : memref<80xi32, #tpu.memory_space<vmem>>, vector<16xi32>,
        %parallel_loop3A_331 = tpu.vector_load_idx %arg9[%parallel_loop3A_324] : memref<10000xf32, #tpu.memory_space<vmem>>[vector<16xi32>], vector<16xf32>,
        %parallel_loop3A_332 = tpu.vector_load_idx %arg10[%parallel_loop3A_326] : memref<10000xf32, #tpu.memory_space<vmem>>[vector<16xi32>], vector<16xf32>,
        %parallel_loop3A_333 = arith.addf %parallel_loop3A_331, %parallel_loop3A_332 : vector<16xf32>
        %parallel_loop3A_334 = arith.constant 0.000000e+00 : f32
        %parallel_loop3A_335 = vector.broadcast %parallel_loop3A_334 : f32 to vector<16xf32>
        %parallel_loop3A_336 = arith.cmpf ogt, %parallel_loop3A_333, %parallel_loop3A_335 : vector<16xf32>
        %parallel_loop3A_337 = arith.constant 2.000000e-01 : f32
        %parallel_loop3A_338 = vector.broadcast %parallel_loop3A_337 : f32 to vector<16xf32>
        %parallel_loop3A_339 = arith.mulf %parallel_loop3A_338, %parallel_loop3A_333 : vector<16xf32>
        %parallel_loop3A_340 = arith.select %parallel_loop3A_336, %parallel_loop3A_333, %parallel_loop3A_339 : vector<16xi1>, vector<16xf32>
        %parallel_loop3A_341 = math.exp %parallel_loop3A_340 : vector<16xf32>
        %parallel_loop3A_342 = arith.constant 7 : i32
        %parallel_loop3A_343 = vector.broadcast %parallel_loop3A_342 : i32 to vector<16xi32>
        %parallel_loop3A_344 = arith.shrui %parallel_loop3A_326, %parallel_loop3A_343 : vector<16xi32>
        %parallel_loop3A_345 = arith.constant 127 : i32
        %parallel_loop3A_346 = vector.broadcast %parallel_loop3A_345 : i32 to vector<16xi32>
        %parallel_loop3A_347 = arith.andi %parallel_loop3A_326, %parallel_loop3A_346 : vector<16xi32>
        %parallel_loop3A_348 = tpu.vector_load_idx %arg11[%parallel_loop3A_344, %parallel_loop3A_347] : memref<80x128xf32, #tpu.memory_space<vmem>>[vector<16xi32>, vector<16xi32>], vector<16xf32>,
        %parallel_loop3A_349 = arith.constant 1.000000e-16 : f32
        %parallel_loop3A_350 = vector.broadcast %parallel_loop3A_349 : f32 to vector<16xf32>
        %parallel_loop3A_351 = arith.addf %parallel_loop3A_348, %parallel_loop3A_350 : vector<16xf32>
        %parallel_loop3A_352 = arith.divf %parallel_loop3A_341, %parallel_loop3A_351 : vector<16xf32>
        %parallel_loop3A_353 = arith.constant 16 : i32
        %parallel_loop3A_354 = arith.muli %parallel_loop3A_317, %parallel_loop3A_353 : i32
        %parallel_loop3A_355 = arith.index_cast %parallel_loop3A_354 : i32 to index
        %parallel_loop3A_356 = tpu.vector_load %arg16[%parallel_loop3A_355] {strides = array<i32>} : memref<80xf32, #tpu.memory_space<vmem>>, vector<16xf32>,
        tpu.vector_store %arg16[%parallel_loop3A_355], %parallel_loop3A_352 {strides = array<i32>} : memref<80xf32, #tpu.memory_space<vmem>>, vector<16xf32>,
      } {sc.loop_unroll_factor = 5 : i64, sc.parallel_access}
      %parallel_loop3A_304 = arith.constant 0 : i32
      %parallel_loop3A_305 = arith.constant 80 : i32
      %parallel_loop3A_306 = arith.constant 1 : i32
      scf.for %parallel_loop3A_317 = %parallel_loop3A_304 to %parallel_loop3A_305 step %parallel_loop3A_306  : i32 {
        %parallel_loop3A_318 = vector.broadcast %parallel_loop3A_317 : i32 to vector<16xi32>
        %parallel_loop3A_319 = tpu.vector_load_idx %arg16[%parallel_loop3A_318] : memref<80xf32, #tpu.memory_space<vmem>>[vector<16xi32>], vector<16xf32>,
        %parallel_loop3A_320 = arith.index_cast %parallel_loop3A_317 : i32 to index
        %parallel_loop3A_321 = arith.constant 0 : index
        %parallel_loop3A_322 = tpu.vector_load %arg15[%parallel_loop3A_320, %parallel_loop3A_321] {strides = array<i32>} : memref<80x64xf32, #tpu.memory_space<vmem>>, vector<16xf32>,
        %parallel_loop3A_323 = arith.mulf %parallel_loop3A_322, %parallel_loop3A_319 : vector<16xf32>
        %parallel_loop3A_324 = arith.index_cast %parallel_loop3A_317 : i32 to index
        %parallel_loop3A_325 = arith.constant 0 : index
        %parallel_loop3A_326 = tpu.vector_load %arg15[%parallel_loop3A_324, %parallel_loop3A_325] {strides = array<i32>} : memref<80x64xf32, #tpu.memory_space<vmem>>, vector<16xf32>,
        tpu.vector_store %arg15[%parallel_loop3A_324, %parallel_loop3A_325], %parallel_loop3A_323 {strides = array<i32>} : memref<80x64xf32, #tpu.memory_space<vmem>>, vector<16xf32>,
        %parallel_loop3A_327 = arith.index_cast %parallel_loop3A_317 : i32 to index
        %parallel_loop3A_328 = arith.constant 16 : index
        %parallel_loop3A_329 = tpu.vector_load %arg15[%parallel_loop3A_327, %parallel_loop3A_328] {strides = array<i32>} : memref<80x64xf32, #tpu.memory_space<vmem>>, vector<16xf32>,
        %parallel_loop3A_330 = arith.mulf %parallel_loop3A_329, %parallel_loop3A_319 : vector<16xf32>
        %parallel_loop3A_331 = arith.index_cast %parallel_loop3A_317 : i32 to index
        %parallel_loop3A_332 = arith.constant 16 : index
        %parallel_loop3A_333 = tpu.vector_load %arg15[%parallel_loop3A_331, %parallel_loop3A_332] {strides = array<i32>} : memref<80x64xf32, #tpu.memory_space<vmem>>, vector<16xf32>,
        tpu.vector_store %arg15[%parallel_loop3A_331, %parallel_loop3A_332], %parallel_loop3A_330 {strides = array<i32>} : memref<80x64xf32, #tpu.memory_space<vmem>>, vector<16xf32>,
        %parallel_loop3A_334 = arith.index_cast %parallel_loop3A_317 : i32 to index
        %parallel_loop3A_335 = arith.constant 32 : index
        %parallel_loop3A_336 = tpu.vector_load %arg15[%parallel_loop3A_334, %parallel_loop3A_335] {strides = array<i32>} : memref<80x64xf32, #tpu.memory_space<vmem>>, vector<16xf32>,
        %parallel_loop3A_337 = arith.mulf %parallel_loop3A_336, %parallel_loop3A_319 : vector<16xf32>
        %parallel_loop3A_338 = arith.index_cast %parallel_loop3A_317 : i32 to index
        %parallel_loop3A_339 = arith.constant 32 : index
        %parallel_loop3A_340 = tpu.vector_load %arg15[%parallel_loop3A_338, %parallel_loop3A_339] {strides = array<i32>} : memref<80x64xf32, #tpu.memory_space<vmem>>, vector<16xf32>,
        tpu.vector_store %arg15[%parallel_loop3A_338, %parallel_loop3A_339], %parallel_loop3A_337 {strides = array<i32>} : memref<80x64xf32, #tpu.memory_space<vmem>>, vector<16xf32>,
        %parallel_loop3A_341 = arith.index_cast %parallel_loop3A_317 : i32 to index
        %parallel_loop3A_342 = arith.constant 48 : index
        %parallel_loop3A_343 = tpu.vector_load %arg15[%parallel_loop3A_341, %parallel_loop3A_342] {strides = array<i32>} : memref<80x64xf32, #tpu.memory_space<vmem>>, vector<16xf32>,
        %parallel_loop3A_344 = arith.mulf %parallel_loop3A_343, %parallel_loop3A_319 : vector<16xf32>
        %parallel_loop3A_345 = arith.index_cast %parallel_loop3A_317 : i32 to index
        %parallel_loop3A_346 = arith.constant 48 : index
        %parallel_loop3A_347 = tpu.vector_load %arg15[%parallel_loop3A_345, %parallel_loop3A_346] {strides = array<i32>} : memref<80x64xf32, #tpu.memory_space<vmem>>, vector<16xf32>,
        tpu.vector_store %arg15[%parallel_loop3A_345, %parallel_loop3A_346], %parallel_loop3A_344 {strides = array<i32>} : memref<80x64xf32, #tpu.memory_space<vmem>>, vector<16xf32>,
      } {sc.loop_unroll_factor = 8 : i64, sc.parallel_access}
      %dma_start3A_307 = arith.constant 0 : i32
      %dma_start3A_308 = arith.constant 0 : i32
      %dma_start3A_309 = tpu.memref_slice %arg23[%dma_start3A_307, %dma_start3A_308] : memref<10000x64xf32, #tpu.memory_space<vmem_shared>> -> memref<10000x64xf32, #tpu.memory_space<vmem_shared>>
      tpu.enqueue_indirect_dma source(%arg15 : memref<80x64xf32, #tpu.memory_space<vmem>>) target(%dma_start3A_309 : memref<10000x64xf32, #tpu.memory_space<vmem_shared>>) offsets(%arg18 : memref<80xi32, #tpu.memory_space<vmem>>) semaphore(%arg21 : memref<!tpu.dma_semaphore, #tpu.memory_space<semaphore_mem>>) {add = true}
      %dma_wait3A_310 = tpu.memref_slice %arg7[%mul3A_294] : memref<20000xi32, #tpu.memory_space<vmem>> -> memref<80xi32, #tpu.memory_space<vmem>>
      %dma_wait3A_311 = arith.constant 0 : i32
      %dma_wait3A_312 = arith.constant 0 : i32
      %dma_wait3A_313 = tpu.memref_slice %arg5[%dma_wait3A_311, %dma_wait3A_312] : memref<20000x64xf32, #tpu.memory_space<hbm>> -> memref<20000x64xf32, #tpu.memory_space<hbm>>
      tpu.wait_indirect_dma semaphore(%arg19 : memref<!tpu.dma_semaphore, #tpu.memory_space<semaphore_mem>>) src(%dma_wait3A_313 : memref<20000x64xf32, #tpu.memory_space<hbm>>) dst(%arg14 : memref<80x64xf32, #tpu.memory_space<vmem>>)
      %dma_wait3A_314 = arith.constant 0 : i32
      %dma_wait3A_315 = arith.constant 0 : i32
      %dma_wait3A_316 = tpu.memref_slice %arg23[%dma_wait3A_314, %dma_wait3A_315] : memref<10000x64xf32, #tpu.memory_space<vmem_shared>> -> memref<10000x64xf32, #tpu.memory_space<vmem_shared>>
      tpu.wait_indirect_dma semaphore(%arg21 : memref<!tpu.dma_semaphore, #tpu.memory_space<semaphore_mem>>) src(%arg15 : memref<80x64xf32, #tpu.memory_space<vmem>>) dst(%dma_wait3A_316 : memref<10000x64xf32, #tpu.memory_space<vmem_shared>>)
    }
    %scan3A_249 = arith.constant 125 : i32
    %barrier3A_250 = arith.constant 0 : index
    tpu.barrier barrier_id(%barrier3A_250)
    %mul3A_251 = arith.constant 625 : i32
    %mul3A_252 = arith.muli %arg1, %mul3A_251 : i32
    %mul3A_253 = arith.constant 625 : i32
    %mul3A_254 = arith.muli %arg1, %mul3A_253 : i32
    "tpu.region"() ({
      %run_scoped3A = tpu.sem_alloc : memref<!tpu.dma_semaphore, #tpu.memory_space<semaphore_mem>>
      %dma_start3A_255 = arith.constant 0 : i32
      %dma_start3A_256 = tpu.memref_slice %arg6[%arg0, %mul3A_254, %dma_start3A_255] : memref<2x10240x64xf32, #tpu.memory_space<hbm>> -> memref<1x625x64xf32, #tpu.memory_space<hbm>>
      %dma_start3A_257 = tpu.memref_squeeze %dma_start3A_256 : memref<1x625x64xf32, #tpu.memory_space<hbm>> -> memref<625x64xf32, #tpu.memory_space<hbm>>
      %dma_start3A_258 = arith.constant 0 : i32
      %dma_start3A_259 = tpu.memref_slice %arg23[%mul3A_252, %dma_start3A_258] : memref<10000x64xf32, #tpu.memory_space<vmem_shared>> -> memref<625x64xf32, #tpu.memory_space<vmem_shared>>
      tpu.enqueue_dma source(%dma_start3A_259 : memref<625x64xf32, #tpu.memory_space<vmem_shared>>) target(%dma_start3A_257 : memref<625x64xf32, #tpu.memory_space<hbm>>) target_semaphore(%run_scoped3A : memref<!tpu.dma_semaphore, #tpu.memory_space<semaphore_mem>>)
      %dma_wait3A_260 = arith.constant 0 : i32
      %dma_wait3A_261 = tpu.memref_slice %arg6[%arg0, %mul3A_254, %dma_wait3A_260] : memref<2x10240x64xf32, #tpu.memory_space<hbm>> -> memref<1x625x64xf32, #tpu.memory_space<hbm>>
      %dma_wait3A_262 = tpu.memref_squeeze %dma_wait3A_261 : memref<1x625x64xf32, #tpu.memory_space<hbm>> -> memref<625x64xf32, #tpu.memory_space<hbm>>
      %dma_wait3A_263 = arith.constant 0 : i32
      %dma_wait3A_264 = tpu.memref_slice %arg23[%mul3A_252, %dma_wait3A_263] : memref<10000x64xf32, #tpu.memory_space<vmem_shared>> -> memref<625x64xf32, #tpu.memory_space<vmem_shared>>
      tpu.wait_dma2 semaphore(%run_scoped3A : memref<!tpu.dma_semaphore, #tpu.memory_space<semaphore_mem>>) src(%dma_wait3A_264 : memref<625x64xf32, #tpu.memory_space<vmem_shared>>) dst(%dma_wait3A_262 : memref<625x64xf32, #tpu.memory_space<hbm>>)
      tpu.yield
    }) : () -> ()
    return
  }
}

module attributes {stable_mosaic.version = 14 : i64} {
  func.func @_mm1_body(%arg0: i32, %arg1: memref<2000x128xf32, #tpu.memory_space<vmem>>, %arg2: memref<128x128xf32, #tpu.memory_space<vmem>>, %arg3: memref<128x8xf32, #tpu.memory_space<vmem>>, %arg4: memref<2000x128xf32, #tpu.memory_space<vmem>>, %arg5: memref<2000x8xf32, #tpu.memory_space<vmem>>) attributes {dimension_semantics = [#tpu.dimension_semantics<arbitrary>], iteration_bounds = array<i64: 5>, scalar_prefetch = 0 : i64, scratch_operands = 0 : i64, tpu.core_type = #tpu.core_type<tc>, window_params = [{transform_indices = @transform_0, window_bounds = array<i64: 2000, 128>}, {pipeline_mode = #tpu.pipeline_mode<synchronous>, transform_indices = @transform_1, window_bounds = array<i64: 128, 128>}, {pipeline_mode = #tpu.pipeline_mode<synchronous>, transform_indices = @transform_2, window_bounds = array<i64: 128, 8>}, {transform_indices = @transform_3, window_bounds = array<i64: 2000, 128>}, {transform_indices = @transform_4, window_bounds = array<i64: 2000, 8>}]} {
    %get3A = arith.constant 0 : index
    %get3A_0 = arith.constant 0 : index
    %get3A_1 = vector.load %arg1[%get3A, %get3A_0] : memref<2000x128xf32, #tpu.memory_space<vmem>>, vector<2000x128xf32>
    %get3A_2 = arith.constant 0 : index
    %get3A_3 = arith.constant 0 : index
    %get3A_4 = vector.load %arg2[%get3A_2, %get3A_3] : memref<128x128xf32, #tpu.memory_space<vmem>>, vector<128x128xf32>
    %dot_general3A = arith.constant dense<0.000000e+00> : vector<2000x128xf32>
    %dot_general3A_5 = tpu.matmul %get3A_1, %get3A_4, %dot_general3A {dimension_numbers = #tpu.dot_dimension_numbers<[1], [0], [0], [1], [0, 0, 1, 1], [], []>, transpose_lhs_hint = false} : vector<2000x128xf32>, vector<128x128xf32>, vector<2000x128xf32> -> vector<2000x128xf32>
    %swap3A = arith.constant 0 : index
    %swap3A_6 = arith.constant 0 : index
    %swap3A_7 = vector.load %arg4[%swap3A, %swap3A_6] : memref<2000x128xf32, #tpu.memory_space<vmem>>, vector<2000x128xf32>
    tpu.vector_store %arg4[%swap3A, %swap3A_6], %dot_general3A_5 {strides = array<i32>} : memref<2000x128xf32, #tpu.memory_space<vmem>>, vector<2000x128xf32>,
    %get3A_8 = arith.constant 0 : index
    %get3A_9 = arith.constant 0 : index
    %get3A_10 = vector.load %arg3[%get3A_8, %get3A_9] : memref<128x8xf32, #tpu.memory_space<vmem>>, vector<128x8xf32>
    %dot_general3A_11 = arith.constant dense<0.000000e+00> : vector<2000x8xf32>
    %dot_general3A_12 = tpu.matmul %get3A_1, %get3A_10, %dot_general3A_11 {dimension_numbers = #tpu.dot_dimension_numbers<[1], [0], [0], [1], [0, 0, 1, 1], [], []>, transpose_lhs_hint = false} : vector<2000x128xf32>, vector<128x8xf32>, vector<2000x8xf32> -> vector<2000x8xf32>
    %swap3A_13 = arith.constant 0 : index
    %swap3A_14 = arith.constant 0 : index
    %swap3A_15 = vector.load %arg5[%swap3A_13, %swap3A_14] : memref<2000x8xf32, #tpu.memory_space<vmem>>, vector<2000x8xf32>
    tpu.vector_store %arg5[%swap3A_13, %swap3A_14], %dot_general3A_12 {strides = array<i32>} : memref<2000x8xf32, #tpu.memory_space<vmem>>, vector<2000x8xf32>,
    return
  }
  func.func @transform_0(%arg0: i32) -> (i32, i32) {
    %c0_i32 = arith.constant 0 : i32
    %c0_i32_0 = arith.constant 0 : i32
    return %arg0, %c0_i32 : i32, i32
  }
  func.func @transform_1(%arg0: i32) -> (i32, i32) {
    %c0_i32 = arith.constant 0 : i32
    %c0_i32_0 = arith.constant 0 : i32
    %c0_i32_1 = arith.constant 0 : i32
    return %c0_i32, %c0_i32_0 : i32, i32
  }
  func.func @transform_2(%arg0: i32) -> (i32, i32) {
    %c0_i32 = arith.constant 0 : i32
    %c0_i32_0 = arith.constant 0 : i32
    %c0_i32_1 = arith.constant 0 : i32
    return %c0_i32, %c0_i32_0 : i32, i32
  }
  func.func @transform_3(%arg0: i32) -> (i32, i32) {
    %c0_i32 = arith.constant 0 : i32
    %c0_i32_0 = arith.constant 0 : i32
    return %arg0, %c0_i32 : i32, i32
  }
  func.func @transform_4(%arg0: i32) -> (i32, i32) {
    %c0_i32 = arith.constant 0 : i32
    %c0_i32_0 = arith.constant 0 : i32
    return %arg0, %c0_i32 : i32, i32
  }
}

module attributes {stable_mosaic.version = 14 : i64} {
  func.func @_mm2_body(%arg0: i32, %arg1: memref<2000x64xf32, #tpu.memory_space<vmem>>, %arg2: memref<2000x64xf32, #tpu.memory_space<vmem>>, %arg3: memref<1x128xf32, #tpu.memory_space<vmem>>, %arg4: memref<128x128xf32, #tpu.memory_space<vmem>>, %arg5: memref<128x8xf32, #tpu.memory_space<vmem>>, %arg6: memref<2000x128xf32, #tpu.memory_space<vmem>>, %arg7: memref<2000x8xf32, #tpu.memory_space<vmem>>) attributes {dimension_semantics = [#tpu.dimension_semantics<arbitrary>], iteration_bounds = array<i64: 5>, scalar_prefetch = 0 : i64, scratch_operands = 0 : i64, tpu.core_type = #tpu.core_type<tc>, window_params = [{transform_indices = @transform_0, window_bounds = array<i64: 2000, 64>}, {transform_indices = @transform_1, window_bounds = array<i64: 2000, 64>}, {pipeline_mode = #tpu.pipeline_mode<synchronous>, transform_indices = @transform_2, window_bounds = array<i64: 1, 128>}, {pipeline_mode = #tpu.pipeline_mode<synchronous>, transform_indices = @transform_3, window_bounds = array<i64: 128, 128>}, {pipeline_mode = #tpu.pipeline_mode<synchronous>, transform_indices = @transform_4, window_bounds = array<i64: 128, 8>}, {transform_indices = @transform_5, window_bounds = array<i64: 2000, 128>}, {transform_indices = @transform_6, window_bounds = array<i64: 2000, 8>}]} {
    %get3A = arith.constant 0 : index
    %get3A_0 = arith.constant 0 : index
    %get3A_1 = vector.load %arg1[%get3A, %get3A_0] : memref<2000x64xf32, #tpu.memory_space<vmem>>, vector<2000x64xf32>
    %get3A_2 = arith.constant 0 : index
    %get3A_3 = arith.constant 0 : index
    %get3A_4 = vector.load %arg2[%get3A_2, %get3A_3] : memref<2000x64xf32, #tpu.memory_space<vmem>>, vector<2000x64xf32>
    %concatenate3A = tpu.concatenate %get3A_1, %get3A_4 in 1 : vector<2000x64xf32>, vector<2000x64xf32> -> vector<2000x128xf32>
    %get3A_5 = arith.constant 0 : index
    %get3A_6 = arith.constant 0 : index
    %get3A_7 = vector.load %arg3[%get3A_5, %get3A_6] : memref<1x128xf32, #tpu.memory_space<vmem>>, vector<1x128xf32>
    %add3A = vector.broadcast %get3A_7 : vector<1x128xf32> to vector<2000x128xf32>
    %add3A_8 = arith.addf %concatenate3A, %add3A : vector<2000x128xf32>
    %max3A = arith.constant 0.000000e+00 : f32
    %max3A_9 = vector.broadcast %max3A : f32 to vector<2000x128xf32>
    %max3A_10 = arith.maximumf %add3A_8, %max3A_9 : vector<2000x128xf32>
    %get3A_11 = arith.constant 0 : index
    %get3A_12 = arith.constant 0 : index
    %get3A_13 = vector.load %arg4[%get3A_11, %get3A_12] : memref<128x128xf32, #tpu.memory_space<vmem>>, vector<128x128xf32>
    %dot_general3A = arith.constant dense<0.000000e+00> : vector<2000x128xf32>
    %dot_general3A_14 = tpu.matmul %max3A_10, %get3A_13, %dot_general3A {dimension_numbers = #tpu.dot_dimension_numbers<[1], [0], [0], [1], [0, 0, 1, 1], [], []>, transpose_lhs_hint = false} : vector<2000x128xf32>, vector<128x128xf32>, vector<2000x128xf32> -> vector<2000x128xf32>
    %swap3A = arith.constant 0 : index
    %swap3A_15 = arith.constant 0 : index
    %swap3A_16 = vector.load %arg6[%swap3A, %swap3A_15] : memref<2000x128xf32, #tpu.memory_space<vmem>>, vector<2000x128xf32>
    tpu.vector_store %arg6[%swap3A, %swap3A_15], %dot_general3A_14 {strides = array<i32>} : memref<2000x128xf32, #tpu.memory_space<vmem>>, vector<2000x128xf32>,
    %get3A_17 = arith.constant 0 : index
    %get3A_18 = arith.constant 0 : index
    %get3A_19 = vector.load %arg5[%get3A_17, %get3A_18] : memref<128x8xf32, #tpu.memory_space<vmem>>, vector<128x8xf32>
    %dot_general3A_20 = arith.constant dense<0.000000e+00> : vector<2000x8xf32>
    %dot_general3A_21 = tpu.matmul %max3A_10, %get3A_19, %dot_general3A_20 {dimension_numbers = #tpu.dot_dimension_numbers<[1], [0], [0], [1], [0, 0, 1, 1], [], []>, transpose_lhs_hint = false} : vector<2000x128xf32>, vector<128x8xf32>, vector<2000x8xf32> -> vector<2000x8xf32>
    %swap3A_22 = arith.constant 0 : index
    %swap3A_23 = arith.constant 0 : index
    %swap3A_24 = vector.load %arg7[%swap3A_22, %swap3A_23] : memref<2000x8xf32, #tpu.memory_space<vmem>>, vector<2000x8xf32>
    tpu.vector_store %arg7[%swap3A_22, %swap3A_23], %dot_general3A_21 {strides = array<i32>} : memref<2000x8xf32, #tpu.memory_space<vmem>>, vector<2000x8xf32>,
    return
  }
  func.func @transform_0(%arg0: i32) -> (i32, i32) {
    %c0_i32 = arith.constant 0 : i32
    %c0_i32_0 = arith.constant 0 : i32
    return %arg0, %c0_i32 : i32, i32
  }
  func.func @transform_1(%arg0: i32) -> (i32, i32) {
    %c0_i32 = arith.constant 0 : i32
    %c0_i32_0 = arith.constant 0 : i32
    return %arg0, %c0_i32 : i32, i32
  }
  func.func @transform_2(%arg0: i32) -> (i32, i32) {
    %c0_i32 = arith.constant 0 : i32
    %c0_i32_0 = arith.constant 0 : i32
    %c0_i32_1 = arith.constant 0 : i32
    return %c0_i32, %c0_i32_0 : i32, i32
  }
  func.func @transform_3(%arg0: i32) -> (i32, i32) {
    %c0_i32 = arith.constant 0 : i32
    %c0_i32_0 = arith.constant 0 : i32
    %c0_i32_1 = arith.constant 0 : i32
    return %c0_i32, %c0_i32_0 : i32, i32
  }
  func.func @transform_4(%arg0: i32) -> (i32, i32) {
    %c0_i32 = arith.constant 0 : i32
    %c0_i32_0 = arith.constant 0 : i32
    %c0_i32_1 = arith.constant 0 : i32
    return %c0_i32, %c0_i32_0 : i32, i32
  }
  func.func @transform_5(%arg0: i32) -> (i32, i32) {
    %c0_i32 = arith.constant 0 : i32
    %c0_i32_0 = arith.constant 0 : i32
    return %arg0, %c0_i32 : i32, i32
  }
  func.func @transform_6(%arg0: i32) -> (i32, i32) {
    %c0_i32 = arith.constant 0 : i32
    %c0_i32_0 = arith.constant 0 : i32
    return %arg0, %c0_i32 : i32, i32
  }
}

module attributes {stable_mosaic.version = 14 : i64} {
  func.func @_pool_body(%arg0: i32, %arg1: memref<2000x64xf32, #tpu.memory_space<vmem>>, %arg2: memref<2000x64xf32, #tpu.memory_space<vmem>>, %arg3: memref<1x128xf32, #tpu.memory_space<vmem>>, %arg4: memref<1x1x2000xi32, #tpu.memory_space<vmem>>, %arg5: memref<64x128xf32, #tpu.memory_space<vmem>>, %arg6: memref<64x128xf32, #tpu.memory_space<vmem>>) attributes {dimension_semantics = [#tpu.dimension_semantics<arbitrary>], iteration_bounds = array<i64: 5>, scalar_prefetch = 0 : i64, scratch_operands = 0 : i64, tpu.core_type = #tpu.core_type<tc>, window_params = [{transform_indices = @transform_0, window_bounds = array<i64: 2000, 64>}, {transform_indices = @transform_1, window_bounds = array<i64: 2000, 64>}, {pipeline_mode = #tpu.pipeline_mode<synchronous>, transform_indices = @transform_2, window_bounds = array<i64: 1, 128>}, {transform_indices = @transform_3, window_bounds = array<i64: 1, 1, 2000>}, {pipeline_mode = #tpu.pipeline_mode<synchronous>, transform_indices = @transform_4, window_bounds = array<i64: 64, 128>}, {pipeline_mode = #tpu.pipeline_mode<synchronous>, transform_indices = @transform_5, window_bounds = array<i64: 64, 128>}]} {
    %get3A = arith.constant 0 : index
    %get3A_0 = arith.constant 0 : index
    %get3A_1 = vector.load %arg1[%get3A, %get3A_0] : memref<2000x64xf32, #tpu.memory_space<vmem>>, vector<2000x64xf32>
    %get3A_2 = arith.constant 0 : index
    %get3A_3 = arith.constant 0 : index
    %get3A_4 = vector.load %arg2[%get3A_2, %get3A_3] : memref<2000x64xf32, #tpu.memory_space<vmem>>, vector<2000x64xf32>
    %concatenate3A = tpu.concatenate %get3A_1, %get3A_4 in 1 : vector<2000x64xf32>, vector<2000x64xf32> -> vector<2000x128xf32>
    %get3A_5 = arith.constant 0 : index
    %get3A_6 = arith.constant 0 : index
    %get3A_7 = vector.load %arg3[%get3A_5, %get3A_6] : memref<1x128xf32, #tpu.memory_space<vmem>>, vector<1x128xf32>
    %add3A = vector.broadcast %get3A_7 : vector<1x128xf32> to vector<2000x128xf32>
    %add3A_8 = arith.addf %concatenate3A, %add3A : vector<2000x128xf32>
    %max3A = arith.constant 0.000000e+00 : f32
    %max3A_9 = vector.broadcast %max3A : f32 to vector<2000x128xf32>
    %max3A_10 = arith.maximumf %add3A_8, %max3A_9 : vector<2000x128xf32>
    %get3A_11 = arith.constant 0 : index
    %get3A_12 = arith.constant 0 : index
    %get3A_13 = arith.constant 0 : index
    %get3A_14 = vector.load %arg4[%get3A_11, %get3A_12, %get3A_13] : memref<1x1x2000xi32, #tpu.memory_space<vmem>>, vector<1x1x2000xi32>
    %reshape3A = vector.shape_cast %get3A_14 : vector<1x1x2000xi32> to vector<1x2000xi32>
    %iota3A = tpu.iota {dimensions = array<i32: 0>} : vector<64x2000xi32>
    %eq3A = vector.broadcast %reshape3A : vector<1x2000xi32> to vector<64x2000xi32>
    %eq3A_15 = arith.cmpi eq, %iota3A, %eq3A : vector<64x2000xi32>
    %convert_element_type3A = arith.extui %eq3A_15 : vector<64x2000xi1> to vector<64x2000xi32>
    %convert_element_type3A_16 = arith.sitofp %convert_element_type3A : vector<64x2000xi32> to vector<64x2000xf32>
    %dot_general3A = arith.constant dense<0.000000e+00> : vector<64x128xf32>
    %dot_general3A_17 = tpu.matmul %convert_element_type3A_16, %max3A_10, %dot_general3A {dimension_numbers = #tpu.dot_dimension_numbers<[1], [0], [0], [1], [0, 0, 1, 1], [], []>, transpose_lhs_hint = false} : vector<64x2000xf32>, vector<2000x128xf32>, vector<64x128xf32> -> vector<64x128xf32>
    %reduce_sum3A = arith.constant dense<0.000000e+00> : vector<64xf32>
    %reduce_sum3A_18 = vector.multi_reduction <add>, %convert_element_type3A_16, %reduce_sum3A [1] : vector<64x2000xf32> to vector<64xf32>
    %broadcast_in_dim3A = vector.shape_cast %reduce_sum3A_18 : vector<64xf32> to vector<64x1xf32>
    %eq3A_19 = arith.constant 0 : i32
    %eq3A_20 = arith.cmpi eq, %arg0, %eq3A_19 : i32
    %convert_element_type3A_21 = arith.extui %eq3A_20 : i1 to i32
    %cond3A = arith.constant 0 : i32
    %cond3A_22 = arith.cmpi ne, %convert_element_type3A_21, %cond3A : i32
    scf.if %cond3A_22 {
      %broadcast_in_dim3A_43 = arith.constant 0.000000e+00 : f32
      %broadcast_in_dim3A_44 = vector.broadcast %broadcast_in_dim3A_43 : f32 to vector<64x128xf32>
      %swap3A_45 = arith.constant 0 : index
      %swap3A_46 = arith.constant 0 : index
      %swap3A_47 = vector.load %arg5[%swap3A_45, %swap3A_46] : memref<64x128xf32, #tpu.memory_space<vmem>>, vector<64x128xf32>
      tpu.vector_store %arg5[%swap3A_45, %swap3A_46], %broadcast_in_dim3A_44 {strides = array<i32>} : memref<64x128xf32, #tpu.memory_space<vmem>>, vector<64x128xf32>,
      %broadcast_in_dim3A_48 = arith.constant 0.000000e+00 : f32
      %broadcast_in_dim3A_49 = vector.broadcast %broadcast_in_dim3A_48 : f32 to vector<64x128xf32>
      %swap3A_50 = arith.constant 0 : index
      %swap3A_51 = arith.constant 0 : index
      %swap3A_52 = vector.load %arg6[%swap3A_50, %swap3A_51] : memref<64x128xf32, #tpu.memory_space<vmem>>, vector<64x128xf32>
      tpu.vector_store %arg6[%swap3A_50, %swap3A_51], %broadcast_in_dim3A_49 {strides = array<i32>} : memref<64x128xf32, #tpu.memory_space<vmem>>, vector<64x128xf32>,
    } else {
    }
    %get3A_23 = arith.constant 0 : index
    %get3A_24 = arith.constant 0 : index
    %get3A_25 = vector.load %arg5[%get3A_23, %get3A_24] : memref<64x128xf32, #tpu.memory_space<vmem>>, vector<64x128xf32>
    %add3A_26 = arith.addf %get3A_25, %dot_general3A_17 : vector<64x128xf32>
    %swap3A = arith.constant 0 : index
    %swap3A_27 = arith.constant 0 : index
    %swap3A_28 = vector.load %arg5[%swap3A, %swap3A_27] : memref<64x128xf32, #tpu.memory_space<vmem>>, vector<64x128xf32>
    tpu.vector_store %arg5[%swap3A, %swap3A_27], %add3A_26 {strides = array<i32>} : memref<64x128xf32, #tpu.memory_space<vmem>>, vector<64x128xf32>,
    %get3A_29 = arith.constant 0 : index
    %get3A_30 = arith.constant 0 : index
    %get3A_31 = vector.load %arg6[%get3A_29, %get3A_30] : memref<64x128xf32, #tpu.memory_space<vmem>>, vector<64x128xf32>
    %broadcast_in_dim3A_32 = vector.shape_cast %broadcast_in_dim3A : vector<64x1xf32> to vector<64x1xf32>
    %broadcast_in_dim3A_33 = vector.broadcast %broadcast_in_dim3A_32 : vector<64x1xf32> to vector<64x128xf32>
    %add3A_34 = arith.addf %get3A_31, %broadcast_in_dim3A_33 : vector<64x128xf32>
    %swap3A_35 = arith.constant 0 : index
    %swap3A_36 = arith.constant 0 : index
    %swap3A_37 = vector.load %arg6[%swap3A_35, %swap3A_36] : memref<64x128xf32, #tpu.memory_space<vmem>>, vector<64x128xf32>
    tpu.vector_store %arg6[%swap3A_35, %swap3A_36], %add3A_34 {strides = array<i32>} : memref<64x128xf32, #tpu.memory_space<vmem>>, vector<64x128xf32>,
    %eq3A_38 = arith.constant 4 : i32
    %eq3A_39 = arith.cmpi eq, %arg0, %eq3A_38 : i32
    %convert_element_type3A_40 = arith.extui %eq3A_39 : i1 to i32
    %cond3A_41 = arith.constant 0 : i32
    %cond3A_42 = arith.cmpi ne, %convert_element_type3A_40, %cond3A_41 : i32
    scf.if %cond3A_42 {
      %get3A_43 = arith.constant 0 : index
      %get3A_44 = arith.constant 0 : index
      %get3A_45 = vector.load %arg5[%get3A_43, %get3A_44] : memref<64x128xf32, #tpu.memory_space<vmem>>, vector<64x128xf32>
      %get3A_46 = arith.constant 0 : index
      %get3A_47 = arith.constant 0 : index
      %get3A_48 = vector.load %arg6[%get3A_46, %get3A_47] : memref<64x128xf32, #tpu.memory_space<vmem>>, vector<64x128xf32>
      %max3A_49 = arith.constant 1.000000e+00 : f32
      %max3A_50 = vector.broadcast %max3A_49 : f32 to vector<64x128xf32>
      %max3A_51 = arith.maximumf %get3A_48, %max3A_50 : vector<64x128xf32>
      %div3A = arith.divf %get3A_45, %max3A_51 : vector<64x128xf32>
      %swap3A_52 = arith.constant 0 : index
      %swap3A_53 = arith.constant 0 : index
      %swap3A_54 = vector.load %arg5[%swap3A_52, %swap3A_53] : memref<64x128xf32, #tpu.memory_space<vmem>>, vector<64x128xf32>
      tpu.vector_store %arg5[%swap3A_52, %swap3A_53], %div3A {strides = array<i32>} : memref<64x128xf32, #tpu.memory_space<vmem>>, vector<64x128xf32>,
    } else {
    }
    return
  }
  func.func @transform_0(%arg0: i32) -> (i32, i32) {
    %c0_i32 = arith.constant 0 : i32
    %c0_i32_0 = arith.constant 0 : i32
    return %arg0, %c0_i32 : i32, i32
  }
  func.func @transform_1(%arg0: i32) -> (i32, i32) {
    %c0_i32 = arith.constant 0 : i32
    %c0_i32_0 = arith.constant 0 : i32
    return %arg0, %c0_i32 : i32, i32
  }
  func.func @transform_2(%arg0: i32) -> (i32, i32) {
    %c0_i32 = arith.constant 0 : i32
    %c0_i32_0 = arith.constant 0 : i32
    %c0_i32_1 = arith.constant 0 : i32
    return %c0_i32, %c0_i32_0 : i32, i32
  }
  func.func @transform_3(%arg0: i32) -> (i32, i32, i32) {
    %c0_i32 = arith.constant 0 : i32
    %c0_i32_0 = arith.constant 0 : i32
    %c0_i32_1 = arith.constant 0 : i32
    return %arg0, %c0_i32, %c0_i32_0 : i32, i32, i32
  }
  func.func @transform_4(%arg0: i32) -> (i32, i32) {
    %c0_i32 = arith.constant 0 : i32
    %c0_i32_0 = arith.constant 0 : i32
    %c0_i32_1 = arith.constant 0 : i32
    return %c0_i32, %c0_i32_0 : i32, i32
  }
  func.func @transform_5(%arg0: i32) -> (i32, i32) {
    %c0_i32 = arith.constant 0 : i32
    %c0_i32_0 = arith.constant 0 : i32
    %c0_i32_1 = arith.constant 0 : i32
    return %c0_i32, %c0_i32_0 : i32, i32
  }
}

</mosaic_0001>

<sc_bundles>
// kernel: kernel.10.cloned.1.call-start
scs
__scs_entry_jumppad:
0x0: {  	(pc) =	sbr.rel $0x88, $3  }
0x1: {  	(tag) =	ssettag $0x0;
	lr =	simm.s32 $0x1  }
0x2: {  	[smem:$0x3F96] =	sst lr;
	_ =	strace $0xD0000000  }
0x3: {  	_ = 	snop  }
0x4: {  	_ = 	snop  }
0x5: {  	_ = 	snop  }
0x6: {  	_ = 	snop  }
0x7: {  	_ = 	snop  }
__scs_overlays_trampoline_lowered:
0x8: {  	[smem:$0x3FA5] =	sst s0  }
0x9: {  	[smem:$0x3FA6] =	sst s1  }
0xa: {  	[smem:$0x3FA7] =	sst s2  }
0xb: {  	[smem:$0x3FA8] =	sst s3  }
0xc: {  	[smem:$0x3FA9] =	sst s4  }
0xd: {  	[smem:$0x3FAA] =	sst s5  }
0xe: {  	[smem:$0x3FAB] =	sst s6  }
0xf: {  	[smem:$0x3FAC] =	sst s7  }
0x10: {  	[smem:$0x3FAD] =	sst s8  }
0x11: {  	[smem:$0x3FAE] =	sst s9;
	s0 =	simm.s32 @!p0 $0x0  }
0x12: {  	s1 =	sld [smem:$0x3F94];
	s0 =	simm.s32 @p0 $0x1  }
0x13: {  	[smem:$0x3FAF] =	sst s0;
	s0 =	simm.s32 @!p1 $0x0  }
0x14: {  	s2 =	sld [smem:$0x3F93];
	s0 =	simm.s32 @p1 $0x1  }
0x15: {  	[smem:$0x3FB0] =	sst s0;
	s0 =	simm.s32 @!p2 $0x0  }
0x16: {  	s3 =	sld [smem:$0x3FDB];
	s0 =	simm.s32 @p2 $0x1  }
0x17: {  	s4 =	simm.s32 $0x1BF5;
	[smem:$0x3FB2] =	sst s0  }
0x18: {  	s0 =	sld [smem:$0x3F95];
	_ =	swait.ge [sflag:s4], $0x0  }
0x19: {  	s7 =	sld [smem:$0x3F96]  }
0x1a: {  	s8 =	sadd.s32 $0xFFFFE003, lr  }
0x1b: {  	s9 =	sadd.s32 $0xFFFFFEF7, lr;
	s5 =	simm.s32 $0xFFFFFFFF;
	p2 =	slt.u32 s8, $0xFFFFF086  }
0x1c: {  	p1 =	slt.u32 s9, $0xF7A;
	s5 =	simm.s32 @!p2 $0x0  }
0x1d: {  	s5 =	simm.s32 @p1 $0x1;
	p0 =	seq.s32 s7, s2  }
0x1e: {  	s7 =	smul.u32 @!p0 $0xF7A, s2;
	p2 =	seq.s32 @!p0 s5, $0x0  }
0x1f: {  	s9 =	smul.u32 $0xF7A, s1;
	s8 =	simm.s32 @!p0 $0x1BF5;
	p2 =	por !p2, p0  }
0x20: {  	[sflag:s8] =	ssyncset.s32 @!p0 $0xFFFFF086;
	s6 =	sadd.s32 @!p0 s3, s7;
	s7 =	simm.s32 @!p0 $0x108  }
0x21: {  	s3 =	sadd.s32 s3, s9;
	s6 =	sadd.s32 @!p0 $0x88, s6;
	s7 =	simm.s32 @p2 $0x1082  }
0x22: {  	[simem:s7], [sflag:s8] =	dma.local @!p0 [hbm:s6], $0xF7A  }
0x23: {  	s9 =	sor.u32 $0xD0000000, s2;
	s6 =	simm.s32 $0x108;
	_ =	swait.ge @!p0 [sflag:s8], $0x0  }
0x24: {  	s3 =	sadd.s32 $0x88, s3;
	s6 =	simm.s32 @!p1 $0x1082;
	[sflag:s4] =	ssyncset.s32 $0xFFFFF086  }
0x25: {  	[simem:s6], [sflag:s4] =	dma.local [hbm:s3], $0xF7A  }
0x26: {  	[smem:$0x3F96] =	sst s1;
	(tag) =	ssettag s2;
	_ =	strace s9  }
0x27: {  	s1 =	sld [smem:$0x3FA6]  }
0x28: {  	s2 =	sld [smem:$0x3FA7]  }
0x29: {  	s4 =	sld [smem:$0x3FA9]  }
0x2a: {  	p0 =	seq.s32 s5, $0x0;
	s5 =	sld [smem:$0x3FAA]  }
0x2b: {  	s6 =	sld [smem:$0x3FAB]  }
0x2c: {  	s7 =	sld [smem:$0x3FAC]  }
0x2d: {  	s3 =	simm.s32 $0x108;
	s8 =	sld [smem:$0x3FAD]  }
0x2e: {  	s3 =	simm.s32 @!p0 $0x1082;
	s9 =	sld [smem:$0x3FAE]  }
0x2f: {  	lr =	sadd.s32 s0, s3;
	s0 =	sld [smem:$0x3FA5]  }
0x30: {  	s3 =	sld [smem:$0x3FA8]  }
0x31: {  	[smem:$0x3FB1] =	sst s10  }
0x32: {  	s10 =	sld [smem:$0x3FAF];
	_ =	sdelay $0x3  }
0x33: {  	p0 =	seq.s32 s10, $0x1;
	s10 =	sld [smem:$0x3FB1];
	_ =	sdelay $0x3  }
0x34: {  	[smem:$0x3FB1] =	sst s10  }
0x35: {  	s10 =	sld [smem:$0x3FB0];
	_ =	sdelay $0x3  }
0x36: {  	p1 =	seq.s32 s10, $0x1;
	s10 =	sld [smem:$0x3FB1];
	_ =	sdelay $0x3  }
0x37: {  	[smem:$0x3FB1] =	sst s10  }
0x38: {  	s10 =	sld [smem:$0x3FB2]  }
0x39: {  	_ = 	snop;
	(pc) =	sbr.ind lr, $3  }
0x3a: {  	_ = 	snop  }
0x3b: {  	_ = 	snop  }
0x3c: {  	p2 =	seq.s32 s10, $0x1;
	s10 =	sld [smem:$0x3FB1]  }
0x3d: {  	_ =	shalt  }
0x3e: {  	_ =	shalt  }
0x3f: {  	_ =	shalt  }
0x40: {  	_ =	shalt  }
0x41: {  	_ =	shalt  }
0x42: {  	_ =	shalt  }
0x43: {  	_ =	shalt  }
0x44: {  	_ =	shalt  }
0x45: {  	_ =	shalt  }
0x46: {  	_ =	shalt  }
0x47: {  	_ =	shalt  }
0x48: {  	_ =	shalt  }
0x49: {  	_ =	shalt  }
0x4a: {  	_ =	shalt  }
0x4b: {  	_ =	shalt  }
0x4c: {  	_ =	shalt  }
0x4d: {  	_ =	shalt  }
0x4e: {  	_ =	shalt  }
0x4f: {  	_ =	shalt  }
0x50: {  	_ =	shalt  }
0x51: {  	_ =	shalt  }
0x52: {  	_ =	shalt  }
0x53: {  	_ =	shalt  }
0x54: {  	_ =	shalt  }
0x55: {  	_ =	shalt  }
0x56: {  	_ =	shalt  }
0x57: {  	_ =	shalt  }
0x58: {  	_ =	shalt  }
0x59: {  	_ =	shalt  }
0x5a: {  	_ =	shalt  }
0x5b: {  	_ =	shalt  }
0x5c: {  	_ =	shalt  }
0x5d: {  	_ =	shalt  }
0x5e: {  	_ =	shalt  }
0x5f: {  	_ =	shalt  }
0x60: {  	_ =	shalt  }
0x61: {  	_ =	shalt  }
0x62: {  	_ =	shalt  }
0x63: {  	_ =	shalt  }
0x64: {  	_ =	shalt  }
0x65: {  	_ =	shalt  }
0x66: {  	_ =	shalt  }
0x67: {  	_ =	shalt  }
0x68: {  	_ =	shalt  }
0x69: {  	_ =	shalt  }
0x6a: {  	_ =	shalt  }
0x6b: {  	_ =	shalt  }
0x6c: {  	_ =	shalt  }
0x6d: {  	_ =	shalt  }
0x6e: {  	_ =	shalt  }
0x6f: {  	_ =	shalt  }
0x70: {  	_ =	shalt  }
0x71: {  	_ =	shalt  }
0x72: {  	_ =	shalt  }
0x73: {  	_ =	shalt  }
0x74: {  	_ =	shalt  }
0x75: {  	_ =	shalt  }
0x76: {  	_ =	shalt  }
0x77: {  	_ =	shalt  }
0x78: {  	_ =	shalt  }
0x79: {  	_ =	shalt  }
0x7a: {  	_ =	shalt  }
0x7b: {  	_ =	shalt  }
0x7c: {  	_ =	shalt  }
0x7d: {  	_ =	shalt  }
0x7e: {  	_ =	shalt  }
0x7f: {  	_ =	shalt  }
0x80: {  	_ =	shalt  }
0x81: {  	_ =	shalt  }
0x82: {  	_ =	shalt  }
0x83: {  	_ =	shalt  }
0x84: {  	_ =	shalt  }
0x85: {  	_ =	shalt  }
0x86: {  	_ =	shalt  }
0x87: {  	_ =	shalt  }
.Lfunc_end0:
.L_simem_size_0:
called_computation.1_lowered:
.L_overlay_start_0:
0x88: {  	s2 =	sld [smem:$0x3FD9]  }
0x89: {  	s3 =	sld [smem:$0x3FFE];
	_ =	sdelay $0x1  }
0x8a: {  	s1 =	srdreg.scid  }
0x8b: {  	s0 =	sand.u32 $0x1, s1  }
0x8c: {  	s16 =	sshll.u32 s0, $0xA;
	s2 =	sadd.s32 s3, s2  }
0x8d: {  	s2 =	sadd.s32 s2, s16  }
0x8e: {  	[smem:$0x3FBD] =	sst s2  }
0x8f: {  	_ = 	snop  }
0x90: {  	(tm) =	ssettm $0x1  }
0x91: {  	s17 =	sld [smem:$0x3FFB];
	_ =	sdelay $0x3  }
0x92: {  	_ =	strace s17  }
0x93: {  	s2 =	sld [smem:$0x3FFC];
	_ =	sdelay $0x3  }
0x94: {  	_ =	strace s2  }
0x95: {  	s2 =	sld [smem:$0x3FFD];
	_ =	sdelay $0x3  }
0x96: {  	_ =	strace s2  }
0x97: {  	_ =	strace $0x8FFFFFFF  }
0x98: {  	s18 =	sld [smem:$0x3FDB];
	_ =	sdelay $0x1  }
0x99: {  	s19 =	simm.s32 $_scs_section_size  }
0x9a: {  	s4 =	simm.s32 $_size__tile_overlayer_lowered;
	s5 =	simm.s32 $_tile_overlayer_lowered  }
0x9b: {  	s22 =	simm.s32 $0x1BFF;
	s21 =	sshll.u32 s5, $0x1;
	s2 =	sadd.s32 s19, s18  }
0x9c: {  	s6 =	simm.s32 $0x0;
	s20 =	sshll.u32 s4, $0x1;
	s4 =	sadd.s32 s21, s2  }
0x9d: {  	[timem:s6], [sflag:s22] =	dma.local [hbm:s4], s20  }
0x9e: {  	_ =	swait.ge [sflag:s22], s20  }
0x9f: {  	s3 =	ssub.s32 $0x0, s20;
	[sflag:s22] =	ssyncset.done $0x0  }
0xa0: {  	[sflag:s22] =	ssyncadd.s32 s3;
	_ =	sdelay $0x1  }
0xa1: {  	s23 =	simm.s32 $0x1B8B  }
0xa2: {  	_ =	swait.ge [sflag:s23], $0x1  }
0xa3: {  	[sflag:s23] =	ssyncset.done $0x0  }
0xa4: {  	s25 =	simm.s32 $0x1B8E;
	s24 =	sld [smem:$0x3FFE];
	[sflag:s23] =	ssyncadd.s32 $0xFFFFFFFF  }
0xa5: {  	s26 =	simm.s32 $execute0_lowered;
	[smem:$0x3FD2] =	sst s25  }
0xa6: {  	s4 =	sshll.u32 s26, $0x1;
	_ =	strace $0x80000049;
	[dreg:$0x1] =	wrdreg $0xFFFFFFFF  }
0xa7: {  	s28 =	simm.s32 $_size_execute0_lowered;
	s2 =	sadd.s32 s2, s4;
	[dreg:$0x0] =	wrdreg $0x0  }
0xa8: {  	s4 =	sshll.u32 s28, $0x1;
	[dreg:$0x2] =	wrdreg s2  }
0xa9: {  	[dreg:$0x3] =	wrdreg s4  }
0xaa: {  	[dreg:$0x4] =	wrdreg $0xC0  }
0xab: {  	_ =	task [dreg:s6], $0x5FFFF  }
0xac: {  	[dreg:$0x1] =	wrdreg $0xFFFFFFFF  }
0xad: {  	[dreg:$0x0] =	wrdreg $0x60  }
0xae: {  	[dreg:$0x2] =	wrdreg s24  }
0xaf: {  	[dreg:$0x3] =	wrdreg $0x13E200  }
0xb0: {  	[dreg:$0x4] =	wrdreg $0x140A00  }
0xb1: {  	[dreg:$0x5] =	wrdreg $0x9  }
0xb2: {  	_ =	task.clear_ibuf [dreg:s6], $0x6FFFF;
	_ =	strace $0x90000049  }
0xb3: {  	s29 =	simm.s32 $0x9;
	_ =	strace $0x8000004B  }
0xb4: {  	_ =	swait.ge [sflag:s29], $0x1  }
0xb5: {  	[sflag:s29] =	ssyncadd.s32 $0xFFFFFFFF  }
0xb6: {  	_ =	strace $0x9000004B  }
0xb7: {  	_ =	sfence  }
0xb8: {  	s30 =	sld [smem:$0x0];
	_ =	sdelay $0x2  }
0xb9: {  	s31 =	sshll.u32 s1, $0xD;
	s1 =	sshrl.u32 s1, $0x2  }
0xba: {  	s3 =	sand.u32 $0x4000, s31;
	s1 =	sadd.s32 s1, s30  }
0xbb: {  	s0 =	sor.u32 s3, s0;
	s1 =	sshll.u32 s1, $0x11  }
0xbc: {  	s0 =	sor.u32 s1, s0  }
0xbd: {  	s0 =	sadd.s32 $0x8F2B, s0  }
0xbe: {  	[sflag:s0] =	ssyncadd.remote.s32 $0x1  }
0xbf: {  	_ =	sfence.sel $0xFFFF  }
0xc0: {  	[dreg:$0x0] =	wrdreg $0xFFFFFFFF;
	(pc) =	sbr.abs _section_cstart, $3  }
0xc1: {  	[dreg:$0x1] =	wrdreg $0xFFFFFFFF  }
0xc2: {  	_ =	task.clear_ibuf [dreg:s6], $0x2FFFF;
	_ =	strace $0x9FFFFFFF  }
0xc3: {  	(tm) =	ssettm $0x7FFFFFFF  }
tec
execute0_lowered:
.L_overlay_start_1:
0x0: {  	(tag) =	ssettag $0x1  }
0x1: {  	s0 =	rddreg [dreg:$0x0]  }
0x2: {  	s11 =	rddreg [dreg:$0x1]  }
0x3: {  	s3 =	rddreg [dreg:$0x2]  }
0x4: {  	s10 =	stileid.u32;
	s2 =	srdreg.scid  }
0x5: {  	s4 =	simm.s32 $0x0;
	s29 =	simm.s32 $0x1;
	s30 =	simm.s32 $0x12930  }
0x6: {  	s31 =	simm.s32 $0x13D30;
	s28 =	simm.s32 $0x13DD0;
	s1 =	smul.u32 $0x9C4, s10  }
0x7: {  	s2 =	sand.u32 $0x1, s2;
	s5 =	smul.u32 $0x9C40, s10;
	[smem:$0x7FF] =	sst s4  }
0x8: {  	s7 =	sadd.s32 $0xAC00, s0;
	s19 =	sadd.s32 $0xA600, s0;
	s9 =	smul.u32 $0x27100, s10  }
0x9: {  	s10 =	smul.u32 $0xA00, s10;
	_ =	strace $0x8000004A;
	[dreg:$0x4] =	wrdreg s7  }
0xa: {  	s6 =	smul.u32 $0xA0000, s2;
	[dreg:$0x5] =	wrdreg s19;
	s7 =	sadd.s32 $0xB200, s0  }
0xb: {  	s8 =	ssub.s32 $0x2, s2;
	s2 =	smul.u32 $0x2710, s2;
	s1 =	sadd.s32 s1, s0  }
0xc: {  	s20 =	sshrl.u32 s8, $0x1;
	s21 =	sshrl.u32 s9, $0x2;
	s22 =	sshrl.u32 s10, $0x2  }
0xd: {  	s10 =	sadd.s32 s5, s3;
	s6 =	sadd.s32 s5, s6;
	s1 =	sadd.s32 $0x800, s1  }
0xe: {  	v1 =	vmov s2;
	s2 =	simm.s32 $0x0;
	s6 =	sshrl.u32 s6, $0x3;
	[dreg:$0x6] =	wrdreg s1  }
0xf: {  	s1 =	sadd.s32 s21, s3;
	s21 =	simm.s32 $0x9C40;
	s0 =	sadd.s32 s6, s0  }
0x10: {  	s6 =	ssub.s32 s8, s20;
	s8 =	sadd.s32 s22, s11;
	s23 =	sadd.s32 $0x1400, s1  }
0x11: {  	s24 =	sadd.s32 $0x2800, s1;
	s25 =	sadd.s32 $0x3C00, s1;
	[dreg:$0x7] =	wrdreg s8  }
0x12: {  	s26 =	sadd.s32 $0x5000, s1;
	s15 =	sadd.s32 $0x6400, s1;
	[dreg:$0x8] =	wrdreg s23  }
0x13: {  	s16 =	sadd.s32 $0x7800, s1;
	s17 =	sadd.s32 $0x8C00, s1;
	[dreg:$0x9] =	wrdreg s24  }
0x14: {  	s20 =	simm.s32 $0x4;
	s22 =	simm.s32 $0xC350;
	[dreg:$0xa] =	wrdreg s25  }
0x15: {  	v0 =	vlaneseq.u32;
	v2 =	vimm.f32 $0.0e+00;
	v7 =	vimm.s32 $0x0;
	s1 =	simm.s32 $0x3;
	[dreg:$0xb] =	wrdreg s26;
	s18 =	sadd.s32 $0x32400, s0  }
0x16: {  	vm0 =	vcmask $0x300;
	v3 =	vor.u32 $0x10, v0;
	v4 =	vor.u32 $0x20, v0;
	s19 =	smax.u32 s6, $0x1;
	s24 =	simm.s32 $0xEA60;
	s25 =	simm.s32 $0x11530  }
0x17: {  	v5 =	vor.u32 $0x30, v0;
	v6 =	vor.u32 $0x40, v0;
	v7 =	vsel vm0, $0x3, v7;
	s26 =	simm.s32 $0x50;
	s0 =	simm.s32 $0x13D80;
	s23 =	simm.s32 $0x2  }
.LBB2_1:
0x18: {  	s5 =	rddreg [dreg:$0x6]  }
0x19: {  	[tilespmem:s4], [sflag:$0x4] =	stream.linear.gather [hbm4b:s5+s4], $0x4E20, $0x38;
	[tilespmem:$0x1DCE0] =	vst v63  }
0x1a: {  	_ =	swait.ge [sflag:s20], $0x4E20  }
0x1b: {  	[sflag:s20] =	ssyncset.done $0x0  }
0x1c: {  	s13 =	rddreg [dreg:$0x4];
	[sflag:s20] =	ssyncadd.s32 $0xFFFFB1E0  }
0x1d: {  	[tilespmem:s21], [sflag:$0x4] =	stream.linear.gather [hbm4b:s13+s4], $0x2710, $0x38;
	[tilespmem:$0x1DCE0] =	vst v63  }
0x1e: {  	_ =	swait.ge [sflag:s20], $0x2710  }
0x1f: {  	[sflag:s20] =	ssyncset.done $0x0  }
0x20: {  	s14 =	rddreg [dreg:$0x5];
	[sflag:s20] =	ssyncadd.s32 $0xFFFFD8F0  }
0x21: {  	[tilespmem:s22], [sflag:$0x4] =	stream.linear.gather [hbm4b:s14+s4], $0x2710, $0x38;
	[tilespmem:$0x1DCE0] =	vst v63  }
0x22: {  	_ =	swait.ge [sflag:s20], $0x2710  }
0x23: {  	[sflag:s20] =	ssyncset.done $0x0  }
0x24: {  	s5 =	simm.s32 $0x40;
	[sflag:s20] =	ssyncadd.s32 $0xFFFFD8F0  }
0x25: {  	v8 =	vld [tilespmem:s5+$0xFFFFFFC0]  }
0x26: {  	v9 =	vld [tilespmem:s5+$0x30]  }
0x27: {  	v14 =	vld [tilespmem:s5+$0xFFFFFFE0];
	_ =	sdelay $0x1  }
0x28: {  	v10 =	vld [tilespmem:s5+$0xFFFFFFF0]  }
0x29: {  	s6 =	simm.s32 $0x4E60;
	v13 =	vld [tilespmem:s5+$0x10];
	v12 =	vshrl.u32 v8, $0xE  }
0x2a: {  	v16 =	vld [tilespmem:s5+$0x20];
	v15 =	vshrl.u32 v9, $0xE;
	[tilespmem:s6+$0xFFFFFFC0] =	vst v12  }
0x2b: {  	v11 =	vld [tilespmem:s5+$0xFFFFFFD0];
	v9 =	vand.u32 $0x3FFF, v9;
	v17 =	vshrl.u32 v14, $0xE;
	[tilespmem:s6+$0x30] =	vst v15  }
0x2c: {  	v8 =	vand.u32 $0x3FFF, v8;
	v9 =	vadd.s32 v1, v9;
	[tilespmem:s6+$0xFFFFFFE0] =	vst v17  }
0x2d: {  	v12 =	vshrl.u32 v10, $0xE;
	[tilespmem:s5+$0x30] =	vst v9;
	v9 =	vadd.s32 v1, v8;
	v8 =	vld [tilespmem:s5+$0x0]  }
0x2e: {  	[tilespmem:s6+$0xFFFFFFF0] =	vst v12  }
0x2f: {  	v10 =	vand.u32 $0x3FFF, v10;
	v15 =	vshrl.u32 v16, $0xE;
	[tilespmem:s5+$0xFFFFFFC0] =	vst v9;
	v9 =	vshrl.u32 v13, $0xE  }
0x30: {  	v12 =	vshrl.u32 v11, $0xE;
	[tilespmem:s6+$0x10] =	vst v9;
	v9 =	vand.u32 $0x3FFF, v13;
	v13 =	vand.u32 $0x3FFF, v14  }
0x31: {  	v10 =	vadd.s32 v1, v10;
	[tilespmem:s6+$0xFFFFFFD0] =	vst v12;
	v14 =	vand.u32 $0x3FFF, v11;
	v12 =	vadd.s32 v1, v13  }
0x32: {  	s8 =	simm.s32 $0x0;
	s11 =	simm.s32 $0xC0;
	s9 =	simm.s32 $0x4E60;
	[tilespmem:s6+$0x20] =	vst v15;
	v13 =	vadd.s32 v1, v14;
	v14 =	vand.u32 $0x3FFF, v16;
	v11 =	vand.u32 $0x3FFF, v8  }
.LBB2_2:
0x33: {  	v15 =	vld [tilespmem:s11+$0xFFFFFFC0];
	s8 =	sadd.s32 $0x8, s8;
	[tilespmem:s5+$0xFFFFFFF0] =	vst v10;
	s6 =	sadd.s32 $0x80, s6  }
0x34: {  	v10 =	vld [tilespmem:s11+$0x30];
	p0 =	slt.u32 s8, $0x4D8;
	[tilespmem:s5+$0xFFFFFFE0] =	vst v12  }
0x35: {  	v12 =	vld [tilespmem:s11+$0xFFFFFFF0];
	[tilespmem:s5+$0xFFFFFFD0] =	vst v13;
	v13 =	vadd.s32 v1, v14  }
0x36: {  	v8 =	vshrl.u32 v8, $0xE;
	v14 =	vld [tilespmem:s11+$0xFFFFFFD0];
	[tilespmem:s5+$0x20] =	vst v13  }
0x37: {  	v9 =	vadd.s32 v1, v9;
	v13 =	vld [tilespmem:s11+$0xFFFFFFE0];
	[tilespmem:s9+$0x0] =	vst v8;
	v8 =	vadd.s32 v1, v11;
	s9 =	smov.u32 s6  }
0x38: {  	v11 =	vshrl.u32 v15, $0xE;
	v15 =	vand.u32 $0x3FFF, v15;
	v16 =	vld [tilespmem:s11+$0x10];
	[tilespmem:s5+$0x0] =	vst v8  }
0x39: {  	v15 =	vadd.s32 v1, v15;
	v8 =	vld [tilespmem:s11+$0x0];
	v17 =	vshrl.u32 v10, $0xE;
	v10 =	vand.u32 $0x3FFF, v10;
	[tilespmem:s5+$0x10] =	vst v9;
	s5 =	smov.u32 s11  }
0x3a: {  	[tilespmem:s6+$0xFFFFFFC0] =	vst v11;
	v9 =	vadd.s32 v1, v10  }
0x3b: {  	v11 =	vshrl.u32 v12, $0xE;
	v10 =	vand.u32 $0x3FFF, v12;
	v18 =	vld [tilespmem:s11+$0x20];
	[tilespmem:s6+$0x30] =	vst v17  }
0x3c: {  	v17 =	vshrl.u32 v14, $0xE;
	v10 =	vadd.s32 v1, v10;
	[tilespmem:s11+$0x30] =	vst v9  }
0x3d: {  	[tilespmem:s6+$0xFFFFFFF0] =	vst v11;
	v9 =	vand.u32 $0x3FFF, v16  }
.Ltmp0:
0x3e: {  	v11 =	vand.u32 $0x3FFF, v13;
	[tilespmem:s11+$0xFFFFFFC0] =	vst v15;
	v15 =	vshrl.u32 v13, $0xE;
	v13 =	vshrl.u32 v16, $0xE;
	(pc) =	sbr.rel @p0 .LBB2_2-.Ltmp0, $4  }
0x3f: {  	v14 =	vand.u32 $0x3FFF, v14;
	v12 =	vadd.s32 v1, v11;
	v11 =	vand.u32 $0x3FFF, v8;
	[tilespmem:s6+$0x10] =	vst v13  }
0x40: {  	v13 =	vadd.s32 v1, v14;
	[tilespmem:s6+$0xFFFFFFD0] =	vst v17;
	v16 =	vshrl.u32 v18, $0xE;
	v14 =	vand.u32 $0x3FFF, v18  }
0x41: {  	[tilespmem:s6+$0x20] =	vst v16  }
0x42: {  	s11 =	sadd.s32 $0x80, s11;
	[tilespmem:s6+$0xFFFFFFE0] =	vst v15  }
0x43: {  	[tilespmem:s5+$0xFFFFFFF0] =	vst v10  }
0x44: {  	[tilespmem:s5+$0xFFFFFFE0] =	vst v12  }
0x45: {  	[tilespmem:s5+$0xFFFFFFD0] =	vst v13;
	v63 =	vadd.s32 v1, v14  }
0x46: {  	v8 =	vshrl.u32 v8, $0xE;
	[tilespmem:s5+$0x20] =	vst v63  }
0x47: {  	v9 =	vadd.s32 v1, v9;
	[tilespmem:s9+$0x0] =	vst v8  }
0x48: {  	v8 =	vadd.s32 v1, v11;
	[tilespmem:s5+$0x10] =	vst v9  }
0x49: {  	s6 =	simm.s32 $0x0;
	[tilespmem:s5+$0x0] =	vst v8  }
.LBB2_4:
0x4a: {  	s5 =	sshra.s32 s6, $0x2  }
0x4b: {  	v8 =	vld [tilespmem:s5+$0x4E00];
	_ =	sdelay $0x1  }
0x4c: {  	p0 =	sne.s32 s6, $0x40  }
.Ltmp1:
0x4d: {  	_ = 	snop;
	(pc) =	sbr.rel @p0 .LBB2_4-.Ltmp1, $4  }
0x4e: {  	_ = 	snop  }
0x4f: {  	v9 =	vshrl.u32 v8, $0xE;
	v8 =	vand.u32 $0x3FFF, v8  }
0x50: {  	[tilespmem:s5+$0x9C20] =	vst v9;
	v8 =	vadd.s32 v1, v8  }
0x51: {  	s6 =	sadd.s32 $0x40, s6;
	[tilespmem:s5+$0x4E00] =	vst v8  }
0x52: {  	[tilespmem:$0x112B0] =	vst v2  }
0x53: {  	[tilespmem:$0x112C0] =	vst v2  }
0x54: {  	[tilespmem:$0x112D0] =	vst v2  }
0x55: {  	[tilespmem:$0x112E0] =	vst v2  }
0x56: {  	[tilespmem:$0x112F0] =	vst v2  }
0x57: {  	[tilespmem:$0x11300] =	vst v2  }
0x58: {  	[tilespmem:$0x11310] =	vst v2  }
0x59: {  	[tilespmem:$0x11320] =	vst v2  }
0x5a: {  	[tilespmem:$0x11330] =	vst v2  }
0x5b: {  	[tilespmem:$0x11340] =	vst v2  }
0x5c: {  	[tilespmem:$0x11350] =	vst v2  }
0x5d: {  	[tilespmem:$0x11360] =	vst v2  }
0x5e: {  	[tilespmem:$0x11370] =	vst v2  }
0x5f: {  	[tilespmem:$0x11380] =	vst v2  }
0x60: {  	[tilespmem:$0x11390] =	vst v2  }
0x61: {  	[tilespmem:$0x113A0] =	vst v2  }
0x62: {  	[tilespmem:$0x113B0] =	vst v2  }
0x63: {  	[tilespmem:$0x113C0] =	vst v2  }
0x64: {  	[tilespmem:$0x113D0] =	vst v2  }
0x65: {  	[tilespmem:$0x113E0] =	vst v2  }
0x66: {  	[tilespmem:$0x113F0] =	vst v2  }
0x67: {  	[tilespmem:$0x11400] =	vst v2  }
0x68: {  	[tilespmem:$0x11410] =	vst v2  }
0x69: {  	[tilespmem:$0x11420] =	vst v2  }
0x6a: {  	[tilespmem:$0x11430] =	vst v2  }
0x6b: {  	[tilespmem:$0x11440] =	vst v2  }
0x6c: {  	[tilespmem:$0x11450] =	vst v2  }
0x6d: {  	[tilespmem:$0x11460] =	vst v2  }
0x6e: {  	[tilespmem:$0x11470] =	vst v2  }
0x6f: {  	[tilespmem:$0x11480] =	vst v2  }
0x70: {  	[tilespmem:$0x11490] =	vst v2  }
0x71: {  	[tilespmem:$0x114A0] =	vst v2  }
0x72: {  	[tilespmem:$0x114B0] =	vst v2  }
0x73: {  	[tilespmem:$0x114C0] =	vst v2  }
0x74: {  	[tilespmem:$0x114D0] =	vst v2  }
0x75: {  	[tilespmem:$0x114E0] =	vst v2  }
0x76: {  	[tilespmem:$0x114F0] =	vst v2  }
0x77: {  	[tilespmem:$0x11500] =	vst v2  }
0x78: {  	[tilespmem:$0x11510] =	vst v2  }
0x79: {  	[tilespmem:$0x11520] =	vst v2;
	s5 =	simm.s32 $0xEC60  }
0x7a: {  	[tilespmem:s5+$0xFFFFFE00] =	vst v2  }
0x7b: {  	[tilespmem:s5+$0x1F0] =	vst v2  }
0x7c: {  	[tilespmem:s5+$0x1E0] =	vst v2  }
0x7d: {  	[tilespmem:s5+$0x1D0] =	vst v2  }
0x7e: {  	[tilespmem:s5+$0x1C0] =	vst v2  }
0x7f: {  	[tilespmem:s5+$0x1B0] =	vst v2  }
0x80: {  	[tilespmem:s5+$0x1A0] =	vst v2  }
0x81: {  	[tilespmem:s5+$0x190] =	vst v2  }
0x82: {  	[tilespmem:s5+$0x180] =	vst v2  }
0x83: {  	[tilespmem:s5+$0x170] =	vst v2  }
0x84: {  	[tilespmem:s5+$0x160] =	vst v2  }
0x85: {  	[tilespmem:s5+$0x150] =	vst v2  }
0x86: {  	[tilespmem:s5+$0x140] =	vst v2  }
0x87: {  	[tilespmem:s5+$0x130] =	vst v2  }
0x88: {  	[tilespmem:s5+$0x120] =	vst v2  }
0x89: {  	[tilespmem:s5+$0x110] =	vst v2  }
0x8a: {  	[tilespmem:s5+$0x100] =	vst v2  }
0x8b: {  	[tilespmem:s5+$0xF0] =	vst v2  }
0x8c: {  	[tilespmem:s5+$0xE0] =	vst v2  }
0x8d: {  	[tilespmem:s5+$0xD0] =	vst v2  }
0x8e: {  	[tilespmem:s5+$0xC0] =	vst v2  }
0x8f: {  	[tilespmem:s5+$0xB0] =	vst v2  }
0x90: {  	[tilespmem:s5+$0xA0] =	vst v2  }
0x91: {  	[tilespmem:s5+$0x90] =	vst v2  }
0x92: {  	[tilespmem:s5+$0x80] =	vst v2  }
0x93: {  	[tilespmem:s5+$0x70] =	vst v2  }
0x94: {  	[tilespmem:s5+$0x60] =	vst v2  }
0x95: {  	[tilespmem:s5+$0x50] =	vst v2  }
0x96: {  	[tilespmem:s5+$0x40] =	vst v2  }
0x97: {  	[tilespmem:s5+$0x30] =	vst v2  }
0x98: {  	[tilespmem:s5+$0x20] =	vst v2  }
0x99: {  	[tilespmem:s5+$0x10] =	vst v2  }
0x9a: {  	[tilespmem:s5+$0x0] =	vst v2  }
0x9b: {  	[tilespmem:s5+$0xFFFFFFF0] =	vst v2  }
0x9c: {  	[tilespmem:s5+$0xFFFFFFE0] =	vst v2  }
0x9d: {  	[tilespmem:s5+$0xFFFFFFD0] =	vst v2  }
0x9e: {  	[tilespmem:s5+$0xFFFFFFC0] =	vst v2  }
0x9f: {  	[tilespmem:s5+$0xFFFFFFB0] =	vst v2  }
0xa0: {  	[tilespmem:s5+$0xFFFFFFA0] =	vst v2  }
0xa1: {  	[tilespmem:s5+$0xFFFFFF90] =	vst v2  }
0xa2: {  	[tilespmem:s5+$0xFFFFFF80] =	vst v2  }
0xa3: {  	[tilespmem:s5+$0xFFFFFF70] =	vst v2  }
0xa4: {  	[tilespmem:s5+$0xFFFFFF60] =	vst v2  }
0xa5: {  	[tilespmem:s5+$0xFFFFFF50] =	vst v2  }
0xa6: {  	[tilespmem:s5+$0xFFFFFF40] =	vst v2  }
0xa7: {  	[tilespmem:s5+$0xFFFFFF30] =	vst v2  }
0xa8: {  	[tilespmem:s5+$0xFFFFFF20] =	vst v2  }
0xa9: {  	[tilespmem:s5+$0xFFFFFF10] =	vst v2  }
0xaa: {  	[tilespmem:s5+$0xFFFFFF00] =	vst v2  }
0xab: {  	[tilespmem:s5+$0xFFFFFEF0] =	vst v2  }
0xac: {  	[tilespmem:s5+$0xFFFFFEE0] =	vst v2  }
0xad: {  	[tilespmem:s5+$0xFFFFFED0] =	vst v2  }
0xae: {  	[tilespmem:s5+$0xFFFFFEC0] =	vst v2  }
0xaf: {  	[tilespmem:s5+$0xFFFFFEB0] =	vst v2  }
0xb0: {  	[tilespmem:s5+$0xFFFFFEA0] =	vst v2  }
0xb1: {  	[tilespmem:s5+$0xFFFFFE90] =	vst v2  }
0xb2: {  	[tilespmem:s5+$0xFFFFFE80] =	vst v2  }
0xb3: {  	[tilespmem:s5+$0xFFFFFE70] =	vst v2  }
0xb4: {  	[tilespmem:s5+$0xFFFFFE60] =	vst v2  }
0xb5: {  	[tilespmem:s5+$0xFFFFFE50] =	vst v2  }
0xb6: {  	[tilespmem:s5+$0xFFFFFE40] =	vst v2  }
0xb7: {  	[tilespmem:s5+$0xFFFFFE30] =	vst v2  }
0xb8: {  	s6 =	simm.s32 $0x0;
	[tilespmem:s5+$0xFFFFFE20] =	vst v2  }
.LBB2_6:
0xb9: {  	s6 =	sadd.s32 $0x8, s6;
	[tilespmem:s5+$0xFFFFFE10] =	vst v2;
	s5 =	sadd.s32 $0x400, s5  }
0xba: {  	[tilespmem:s5+$0xFFFFFE00] =	vst v2;
	p0 =	slt.u32 s6, $0x48  }
0xbb: {  	[tilespmem:s5+$0x1F0] =	vst v2  }
0xbc: {  	[tilespmem:s5+$0x1E0] =	vst v2  }
0xbd: {  	[tilespmem:s5+$0x1D0] =	vst v2  }
0xbe: {  	[tilespmem:s5+$0x1C0] =	vst v2  }
0xbf: {  	[tilespmem:s5+$0x1B0] =	vst v2  }
0xc0: {  	[tilespmem:s5+$0x1A0] =	vst v2  }
0xc1: {  	[tilespmem:s5+$0x190] =	vst v2  }
0xc2: {  	[tilespmem:s5+$0x180] =	vst v2  }
0xc3: {  	[tilespmem:s5+$0x170] =	vst v2  }
0xc4: {  	[tilespmem:s5+$0x160] =	vst v2  }
0xc5: {  	[tilespmem:s5+$0x150] =	vst v2  }
0xc6: {  	[tilespmem:s5+$0x140] =	vst v2  }
0xc7: {  	[tilespmem:s5+$0x130] =	vst v2  }
0xc8: {  	[tilespmem:s5+$0x120] =	vst v2  }
0xc9: {  	[tilespmem:s5+$0x110] =	vst v2  }
0xca: {  	[tilespmem:s5+$0x100] =	vst v2  }
0xcb: {  	[tilespmem:s5+$0xF0] =	vst v2  }
0xcc: {  	[tilespmem:s5+$0xE0] =	vst v2  }
0xcd: {  	[tilespmem:s5+$0xD0] =	vst v2  }
0xce: {  	[tilespmem:s5+$0xC0] =	vst v2  }
0xcf: {  	[tilespmem:s5+$0xB0] =	vst v2  }
0xd0: {  	[tilespmem:s5+$0xA0] =	vst v2  }
0xd1: {  	[tilespmem:s5+$0x90] =	vst v2  }
0xd2: {  	[tilespmem:s5+$0x80] =	vst v2  }
0xd3: {  	[tilespmem:s5+$0x70] =	vst v2  }
0xd4: {  	[tilespmem:s5+$0x60] =	vst v2  }
0xd5: {  	[tilespmem:s5+$0x50] =	vst v2  }
0xd6: {  	[tilespmem:s5+$0x40] =	vst v2  }
0xd7: {  	[tilespmem:s5+$0x30] =	vst v2  }
0xd8: {  	[tilespmem:s5+$0x20] =	vst v2  }
0xd9: {  	[tilespmem:s5+$0x10] =	vst v2  }
0xda: {  	[tilespmem:s5+$0x0] =	vst v2  }
0xdb: {  	[tilespmem:s5+$0xFFFFFFF0] =	vst v2  }
0xdc: {  	[tilespmem:s5+$0xFFFFFFE0] =	vst v2  }
0xdd: {  	[tilespmem:s5+$0xFFFFFFD0] =	vst v2  }
0xde: {  	[tilespmem:s5+$0xFFFFFFC0] =	vst v2  }
0xdf: {  	[tilespmem:s5+$0xFFFFFFB0] =	vst v2  }
0xe0: {  	[tilespmem:s5+$0xFFFFFFA0] =	vst v2  }
0xe1: {  	[tilespmem:s5+$0xFFFFFF90] =	vst v2  }
0xe2: {  	[tilespmem:s5+$0xFFFFFF80] =	vst v2  }
0xe3: {  	[tilespmem:s5+$0xFFFFFF70] =	vst v2  }
0xe4: {  	[tilespmem:s5+$0xFFFFFF60] =	vst v2  }
0xe5: {  	[tilespmem:s5+$0xFFFFFF50] =	vst v2  }
0xe6: {  	[tilespmem:s5+$0xFFFFFF40] =	vst v2  }
0xe7: {  	[tilespmem:s5+$0xFFFFFF30] =	vst v2  }
0xe8: {  	[tilespmem:s5+$0xFFFFFF20] =	vst v2  }
0xe9: {  	[tilespmem:s5+$0xFFFFFF10] =	vst v2  }
0xea: {  	[tilespmem:s5+$0xFFFFFF00] =	vst v2  }
0xeb: {  	[tilespmem:s5+$0xFFFFFEF0] =	vst v2  }
0xec: {  	[tilespmem:s5+$0xFFFFFEE0] =	vst v2  }
0xed: {  	[tilespmem:s5+$0xFFFFFED0] =	vst v2  }
0xee: {  	[tilespmem:s5+$0xFFFFFEC0] =	vst v2  }
0xef: {  	[tilespmem:s5+$0xFFFFFEB0] =	vst v2  }
0xf0: {  	[tilespmem:s5+$0xFFFFFEA0] =	vst v2  }
0xf1: {  	[tilespmem:s5+$0xFFFFFE90] =	vst v2  }
0xf2: {  	[tilespmem:s5+$0xFFFFFE80] =	vst v2  }
0xf3: {  	[tilespmem:s5+$0xFFFFFE70] =	vst v2  }
.Ltmp2:
0xf4: {  	[tilespmem:s5+$0xFFFFFE60] =	vst v2;
	(pc) =	sbr.rel @p0 .LBB2_6-.Ltmp2, $4  }
0xf5: {  	[tilespmem:s5+$0xFFFFFE50] =	vst v2  }
0xf6: {  	[tilespmem:s5+$0xFFFFFE40] =	vst v2  }
0xf7: {  	[tilespmem:s5+$0xFFFFFE30] =	vst v2  }
0xf8: {  	[tilespmem:s5+$0xFFFFFE20] =	vst v2  }
0xf9: {  	[tilespmem:s5+$0xFFFFFE10] =	vst v2  }
0xfa: {  	[tilespmem:$0x11260] =	vst v0  }
0xfb: {  	[tilespmem:$0x11270] =	vst v3  }
0xfc: {  	[tilespmem:$0x11280] =	vst v4  }
0xfd: {  	[tilespmem:$0x11290] =	vst v5  }
0xfe: {  	s6 =	simm.s32 $0x112B0;
	[tilespmem:$0x112A0] =	vst v6;
	s5 =	rddreg [dreg:$0x7]  }
0xff: {  	[spmem:s5] =	stream.linear.scatter [tilespmem:s6], [sflag:$0x4], $0x280, $0x38;
	[tilespmem:$0x1DCE0] =	vst v63  }
0x100: {  	_ =	swait.ge [sflag:s20], $0x280  }
0x101: {  	[sflag:s20] =	ssyncset.done $0x0  }
0x102: {  	s14 =	simm.s32 $0x40;
	[sflag:s20] =	ssyncadd.s32 $0xFFFFFD80  }
0x103: {  	v8 =	vld [tilespmem:s14+$0x30]  }
0x104: {  	v10 =	vld [tilespmem:s14+$0xFFFFFFD0]  }
0x105: {  	s5 =	simm.s32 $0x4E60;
	v11 =	vld [tilespmem:s14+$0xFFFFFFE0]  }
0x106: {  	v25 =	vld [tilespmem:s5+$0x30]  }
0x107: {  	v13 =	vld [tilespmem:s14+$0x0]  }
0x108: {  	v12 =	vld [tilespmem:s14+$0xFFFFFFF0]  }
0x109: {  	v14 =	vld [tilespmem:s14+$0x10]  }
0x10a: {  	v15 =	vld [tilespmem:s14+$0x20]  }
0x10b: {  	v17 =	vld [tilespmem:s14+$0xFFFFFFC0];
	v9 =	vsub.s32 v8, v1;
	v8 =	vand.u32 $0x7, v8;
	v19 =	vsub.s32 v11, v1  }
0x10c: {  	v23 =	vsub.s32 v13, v1;
	v26 =	vand.u32 $0x7, v13;
	v13 =	vld [tilespmem:s5+$0x10];
	v9 =	vand.u32 $0xFFFFFFF8, v9  }
0x10d: {  	v11 =	vand.u32 $0x7, v11;
	v19 =	vand.u32 $0xFFFFFFF8, v19;
	v16 =	vor.u32 v8, v9;
	v8 =	vld [tilespmem:s5+$0xFFFFFFC0]  }
0x10e: {  	v9 =	vsub.s32 v10, v1;
	v19 =	vor.u32 v11, v19;
	v11 =	vld [tilespmem:s5+$0x0]  }
0x10f: {  	v10 =	vand.u32 $0x7, v10;
	v18 =	vand.u32 $0xFFFFFFF8, v9;
	v9 =	vld [tilespmem:s5+$0xFFFFFFD0]  }
0x110: {  	v20 =	vld.idx.msk [tilespmem:v25+s22+$0x0], $0xffff;
	v18 =	vor.u32 v10, v18;
	v10 =	vsub.s32 v12, v1  }
0x111: {  	v21 =	vand.u32 $0x7, v12;
	v12 =	vld [tilespmem:s5+$0xFFFFFFE0];
	v22 =	vand.u32 $0xFFFFFFF8, v10;
	v10 =	vsub.s32 v17, v1  }
0x112: {  	v27 =	vand.u32 $0x7, v14;
	v17 =	vand.u32 $0x7, v17;
	v24 =	vand.u32 $0xFFFFFFF8, v10;
	v10 =	vld [tilespmem:s5+$0xFFFFFFF0]  }
0x113: {  	v23 =	vand.u32 $0xFFFFFFF8, v23;
	v16 =	vld.idx.msk [tilespmem:v16+s21+$0x0], $0xffff;
	v17 =	vor.u32 v17, v24;
	v24 =	vsub.s32 v14, v1  }
0x114: {  	v21 =	vor.u32 v21, v22;
	v14 =	vld [tilespmem:s5+$0x20];
	v22 =	vand.u32 $0xFFFFFFF8, v24;
	v24 =	vsub.s32 v15, v1  }
0x115: {  	v23 =	vor.u32 v26, v23;
	v19 =	vld.idx.msk [tilespmem:v19+s21+$0x0], $0xffff;
	v15 =	vand.u32 $0x7, v15;
	v24 =	vand.u32 $0xFFFFFFF8, v24  }
0x116: {  	v18 =	vld.idx.msk [tilespmem:v18+s21+$0x0], $0xffff;
	v15 =	vor.u32 v15, v24  }
0x117: {  	v22 =	vor.u32 v27, v22;
	v27 =	vld.idx.msk [tilespmem:v11+s22+$0x0], $0xffff  }
0x118: {  	v17 =	vld.idx.msk [tilespmem:v17+s21+$0x0], $0xffff;
	v16 =	vadd.f32 v20, v16  }
0x119: {  	v20 =	vld.idx.msk [tilespmem:v21+s21+$0x0], $0xffff  }
0x11a: {  	v21 =	vld.idx.msk [tilespmem:v23+s21+$0x0], $0xffff;
	v23 =	vmul.f32 $2.000000030e-01, v16  }
0x11b: {  	vm0 =	vgt.f32 v16, $0.0e+00;
	v24 =	vld.idx.msk [tilespmem:v15+s21+$0x0], $0xffff  }
0x11c: {  	v15 =	vsel vm0, v16, v23;
	v16 =	vld.idx.msk [tilespmem:v8+s22+$0x0], $0xffff  }
0x11d: {  	v23 =	vld.idx.msk [tilespmem:v9+s22+$0x0], $0xffff;
	v15 =	vmul.f32 $1.442695020e+00, v15  }
0x11e: {  	v26 =	vld.idx.msk [tilespmem:v12+s22+$0x0], $0xffff  }
0x11f: {  	v28 =	vld.idx.msk [tilespmem:v13+s22+$0x0], $0xffff;
	(erf) = vpow2.f32 v15  }
0x120: {  	v22 =	vld.idx.msk [tilespmem:v22+s21+$0x0], $0xffff  }
0x121: {  	v15 =	vld.idx.msk [tilespmem:v10+s22+$0x0], $0xffff;
	v29 =	vadd.f32 v16, v17  }
0x122: {  	v30 =	vld.idx.msk [tilespmem:v14+s22+$0x0], $0xffff;
	v31 =	vadd.f32 v23, v18  }
0x123: {  	v16 =	vadd.f32 v26, v19;
	v18 =	vadd.f32 v27, v21;
	vm3 =	vgt.f32 v29, $0.0e+00  }
0x124: {  	v23 =	vmul.f32 $2.000000030e-01, v29;
	vm4 =	vgt.f32 v31, $0.0e+00;
	v26 =	vmul.f32 $2.000000030e-01, v31  }
0x125: {  	vm0 =	vgt.f32 v16, $0.0e+00;
	v19 =	vmul.f32 $2.000000030e-01, v16;
	vm2 =	vgt.f32 v18, $0.0e+00  }
0x126: {  	v17 =	vadd.f32 v15, v20;
	v15 =	vadd.f32 v28, v22;
	v22 =	vmul.f32 $2.000000030e-01, v18  }
0x127: {  	v20 =	vadd.f32 v30, v24;
	v24 =	vsel vm3, v29, v23;
	v26 =	vsel vm4, v31, v26  }
0x128: {  	vm1 =	vgt.f32 v17, $0.0e+00;
	v21 =	vmul.f32 $2.000000030e-01, v17;
	vm3 =	vgt.f32 v15, $0.0e+00;
	v27 =	vpop (erf)  }
0x129: {  	s8 =	simm.s32 $0xC0;
	s6 =	simm.s32 $0x0;
	v23 =	vmul.f32 $2.000000030e-01, v15;
	vm4 =	vgt.f32 v20, $0.0e+00;
	[tilespmem:v25+s24+$0x0] =	vst.idx.add.f32.msk $0xffff, v27;
	v25 =	vmul.f32 $2.000000030e-01, v20  }
.LBB2_8:
0x12a: {  	v27 =	vld [tilespmem:s8+$0x30];
	s6 =	sadd.s32 $0x8, s6;
	v16 =	vsel vm0, v16, v19;
	v17 =	vsel vm1, v17, v21;
	v18 =	vsel vm2, v18, v22  }
0x12b: {  	v21 =	vmul.f32 $1.442695020e+00, v24;
	v22 =	vsel vm3, v15, v23;
	v19 =	vld [tilespmem:s8+$0xFFFFFFD0];
	p0 =	slt.u32 s6, $0x4D8;
	v20 =	vsel vm4, v20, v25  }
0x12c: {  	v24 =	vmul.f32 $1.442695020e+00, v26;
	s5 =	sadd.s32 $0x80, s5;
	v16 =	vmul.f32 $1.442695020e+00, v16;
	v23 =	vld [tilespmem:s8+$0xFFFFFFE0]  }
0x12d: {  	v17 =	vmul.f32 $1.442695020e+00, v17;
	v18 =	vmul.f32 $1.442695020e+00, v18;
	v15 =	vld [tilespmem:s5+$0x30]  }
0x12e: {  	v22 =	vmul.f32 $1.442695020e+00, v22;
	v20 =	vmul.f32 $1.442695020e+00, v20;
	v25 =	vld [tilespmem:s8+$0xFFFFFFF0]  }
0x12f: {  	v26 =	vld [tilespmem:s8+$0x0];
	v28 =	vsub.s32 v27, v1;
	(erf) = vpow2.f32 v21  }
0x130: {  	v27 =	vand.u32 $0x7, v27;
	v21 =	vsub.s32 v19, v1;
	v29 =	vld [tilespmem:s8+$0x10];
	v28 =	vand.u32 $0xFFFFFFF8, v28  }
0x131: {  	v21 =	vand.u32 $0xFFFFFFF8, v21;
	v30 =	vsub.s32 v23, v1;
	v31 =	vld [tilespmem:s8+$0x20];
	v27 =	vor.u32 v27, v28  }
0x132: {  	v19 =	vand.u32 $0x7, v19;
	v23 =	vand.u32 $0x7, v23;
	v28 =	vld [tilespmem:s8+$0xFFFFFFC0];
	v30 =	vand.u32 $0xFFFFFFF8, v30  }
0x133: {  	v19 =	vor.u32 v19, v21;
	v32 =	vld [tilespmem:s5+$0xFFFFFFC0];
	v21 =	vsub.s32 v25, v1;
	v25 =	vand.u32 $0x7, v25  }
0x134: {  	v33 =	vld [tilespmem:s5+$0xFFFFFFD0];
	v21 =	vand.u32 $0xFFFFFFF8, v21;
	v34 =	vsub.s32 v26, v1;
	v26 =	vand.u32 $0x7, v26  }
0x135: {  	v34 =	vand.u32 $0xFFFFFFF8, v34;
	v35 =	vsub.s32 v29, v1;
	v29 =	vand.u32 $0x7, v29;
	v36 =	vld.idx.msk [tilespmem:v15+s22+$0x0], $0xffff  }
0x136: {  	v35 =	vand.u32 $0xFFFFFFF8, v35;
	v37 =	vsub.s32 v31, v1;
	v31 =	vand.u32 $0x7, v31;
	v27 =	vld.idx.msk [tilespmem:v27+s21+$0x0], $0xffff  }
0x137: {  	v38 =	vsub.s32 v28, v1;
	v28 =	vand.u32 $0x7, v28;
	v39 =	vld [tilespmem:s5+$0xFFFFFFE0];
	v37 =	vand.u32 $0xFFFFFFF8, v37  }
0x138: {  	v23 =	vor.u32 v23, v30;
	v21 =	vor.u32 v25, v21;
	v38 =	vand.u32 $0xFFFFFFF8, v38;
	v30 =	vld [tilespmem:s5+$0xFFFFFFF0];
	v25 =	vpop (erf)  }
0x139: {  	v26 =	vor.u32 v26, v34;
	v29 =	vor.u32 v29, v35;
	v28 =	vor.u32 v28, v38;
	v38 =	vld [tilespmem:s5+$0x0]  }
0x13a: {  	v31 =	vor.u32 v31, v37;
	v34 =	vld [tilespmem:s5+$0x10];
	(erf) = vpow2.f32 v24  }
0x13b: {  	v35 =	vld [tilespmem:s5+$0x20];
	(erf) = vpow2.f32 v16  }
0x13c: {  	v16 =	vld.idx.msk [tilespmem:v19+s21+$0x0], $0xffff;
	v19 =	vadd.f32 v36, v27;
	(erf) = vpow2.f32 v17  }
0x13d: {  	v17 =	vld.idx.msk [tilespmem:v23+s21+$0x0], $0xffff;
	(erf) = vpow2.f32 v18  }
0x13e: {  	v18 =	vld.idx.msk [tilespmem:v28+s21+$0x0], $0xffff;
	v23 =	vmul.f32 $2.000000030e-01, v19;
	(erf) = vpow2.f32 v22  }
0x13f: {  	vm0 =	vgt.f32 v19, $0.0e+00;
	v21 =	vld.idx.msk [tilespmem:v21+s21+$0x0], $0xffff;
	(erf) = vpow2.f32 v20  }
0x140: {  	v20 =	vld.idx.msk [tilespmem:v26+s21+$0x0], $0xffff;
	v19 =	vsel vm0, v19, v23  }
0x141: {  	v22 =	vld.idx.msk [tilespmem:v29+s21+$0x0], $0xffff;
	v26 =	vmul.f32 $1.442695020e+00, v19  }
0x142: {  	v23 =	vld.idx.msk [tilespmem:v31+s21+$0x0], $0xffff  }
0x143: {  	v24 =	vld.idx.msk [tilespmem:v32+s22+$0x0], $0xffff;
	(erf) = vpow2.f32 v26;
	v19 =	vpop (erf)  }
0x144: {  	v26 =	vld.idx.msk [tilespmem:v33+s22+$0x0], $0xffff;
	v27 =	vpop (erf)  }
0x145: {  	v28 =	vld.idx.msk [tilespmem:v39+s22+$0x0], $0xffff;
	v29 =	vpop (erf)  }
0x146: {  	v31 =	vld.idx.msk [tilespmem:v30+s22+$0x0], $0xffff;
	v36 =	vpop (erf)  }
0x147: {  	v37 =	vld.idx.msk [tilespmem:v38+s22+$0x0], $0xffff;
	v40 =	vpop (erf)  }
0x148: {  	v41 =	vld.idx.msk [tilespmem:v34+s22+$0x0], $0xffff;
	v42 =	vpop (erf)  }
0x149: {  	v24 =	vadd.f32 v24, v18;
	v43 =	vld.idx.msk [tilespmem:v35+s22+$0x0], $0xffff  }
0x14a: {  	v26 =	vadd.f32 v26, v16;
	[tilespmem:v8+s24+$0x0] =	vst.idx.add.f32.msk $0xffff, v25;
	v8 =	vmov v32  }
0x14b: {  	vm3 =	vgt.f32 v24, $0.0e+00;
	v25 =	vmul.f32 $2.000000030e-01, v24;
	v16 =	vadd.f32 v28, v17;
	[tilespmem:v9+s24+$0x0] =	vst.idx.add.f32.msk $0xffff, v19;
	v9 =	vmovc v33  }
0x14c: {  	vm4 =	vgt.f32 v26, $0.0e+00;
	v28 =	vmul.f32 $2.000000030e-01, v26;
	v17 =	vadd.f32 v31, v21;
	v21 =	vpop (erf);
	[tilespmem:v12+s24+$0x0] =	vst.idx.add.f32.msk $0xffff, v27  }
.Ltmp3:
0x14d: {  	s9 =	simm.s32 $0x0;
	vm0 =	vgt.f32 v16, $0.0e+00;
	v19 =	vmul.f32 $2.000000030e-01, v16;
	v18 =	vadd.f32 v37, v20;
	v12 =	vmovc v39;
	[tilespmem:v15+s24+$0x0] =	vst.idx.add.f32.msk $0xffff, v21;
	(pc) =	sbr.rel @p0 .LBB2_8-.Ltmp3, $4  }
0x14e: {  	vm1 =	vgt.f32 v17, $0.0e+00;
	v21 =	vmul.f32 $2.000000030e-01, v17;
	v15 =	vadd.f32 v41, v22;
	[tilespmem:v10+s24+$0x0] =	vst.idx.add.f32.msk $0xffff, v29;
	v10 =	vmovc v30  }
0x14f: {  	vm2 =	vgt.f32 v18, $0.0e+00;
	v22 =	vmul.f32 $2.000000030e-01, v18;
	v20 =	vadd.f32 v43, v23;
	[tilespmem:v11+s24+$0x0] =	vst.idx.add.f32.msk $0xffff, v36;
	v11 =	vmovc v38  }
0x150: {  	v24 =	vsel vm3, v24, v25;
	vm3 =	vgt.f32 v15, $0.0e+00;
	v23 =	vmul.f32 $2.000000030e-01, v15;
	[tilespmem:v13+s24+$0x0] =	vst.idx.add.f32.msk $0xffff, v40;
	v13 =	vmovc v34  }
0x151: {  	s8 =	sadd.s32 $0x80, s8;
	v26 =	vsel vm4, v26, v28;
	vm4 =	vgt.f32 v20, $0.0e+00;
	v25 =	vmul.f32 $2.000000030e-01, v20;
	[tilespmem:v14+s24+$0x0] =	vst.idx.add.f32.msk $0xffff, v42;
	v14 =	vmovc v35  }
0x152: {  	v24 =	vmul.f32 $1.442695020e+00, v24  }
0x153: {  	v16 =	vsel vm0, v16, v19;
	v58 =	vmul.f32 $1.442695020e+00, v26  }
0x154: {  	v17 =	vsel vm1, v17, v21;
	v16 =	vmul.f32 $1.442695020e+00, v16;
	(erf) = vpow2.f32 v24  }
0x155: {  	v18 =	vsel vm2, v18, v22;
	v17 =	vmul.f32 $1.442695020e+00, v17;
	(erf) = vpow2.f32 v58  }
0x156: {  	v15 =	vsel vm3, v15, v23;
	v18 =	vmul.f32 $1.442695020e+00, v18;
	(erf) = vpow2.f32 v16  }
0x157: {  	v59 =	vsel vm4, v20, v25;
	v15 =	vmul.f32 $1.442695020e+00, v15;
	(erf) = vpow2.f32 v17  }
0x158: {  	v16 =	vmul.f32 $1.442695020e+00, v59;
	(erf) = vpow2.f32 v18  }
0x159: {  	(erf) = vpow2.f32 v15  }
0x15a: {  	(erf) = vpow2.f32 v16;
	_ =	sdelay $0x2  }
0x15b: {  	v60 =	vpop (erf)  }
0x15c: {  	v61 =	vpop (erf);
	[tilespmem:v8+s24+$0x0] =	vst.idx.add.f32.msk $0xffff, v60  }
0x15d: {  	v8 =	vpop (erf);
	[tilespmem:v9+s24+$0x0] =	vst.idx.add.f32.msk $0xffff, v61  }
0x15e: {  	v62 =	vpop (erf);
	[tilespmem:v12+s24+$0x0] =	vst.idx.add.f32.msk $0xffff, v8  }
0x15f: {  	v8 =	vpop (erf);
	[tilespmem:v10+s24+$0x0] =	vst.idx.add.f32.msk $0xffff, v62  }
0x160: {  	v63 =	vpop (erf);
	[tilespmem:v11+s24+$0x0] =	vst.idx.add.f32.msk $0xffff, v8  }
0x161: {  	v8 =	vpop (erf);
	[tilespmem:v13+s24+$0x0] =	vst.idx.add.f32.msk $0xffff, v63  }
0x162: {  	[tilespmem:v14+s24+$0x0] =	vst.idx.add.f32.msk $0xffff, v8  }
.LBB2_10:
0x163: {  	s5 =	sshra.s32 s9, $0x2  }
0x164: {  	v8 =	vld [tilespmem:s5+$0x4E00];
	_ =	sdelay $0x2  }
0x165: {  	v10 =	vld [tilespmem:s5+$0x9C20];
	_ =	sdelay $0x1  }
0x166: {  	v9 =	vsub.s32 v8, v1  }
0x167: {  	v8 =	vand.u32 $0x7, v8;
	v9 =	vand.u32 $0xFFFFFFF8, v9  }
0x168: {  	v8 =	vor.u32 v8, v9;
	_ =	sdelay $0x3  }
0x169: {  	v63 =	vld.idx.msk [tilespmem:v10+s22+$0x0], $0xffff  }
0x16a: {  	v8 =	vld.idx.msk [tilespmem:v8+s21+$0x0], $0xffff;
	_ =	sdelay $0x4  }
0x16b: {  	v8 =	vadd.f32 v63, v8;
	_ =	sdelay $0x1  }
0x16c: {  	v9 =	vmul.f32 $2.000000030e-01, v8  }
0x16d: {  	vm0 =	vgt.f32 v8, $0.0e+00  }
0x16e: {  	v8 =	vsel vm0, v8, v9  }
0x16f: {  	v8 =	vmul.f32 $1.442695020e+00, v8;
	_ =	sdelay $0x1  }
0x170: {  	(erf) = vpow2.f32 v8;
	_ =	sdelay $0x4  }
0x171: {  	p0 =	sne.s32 s9, $0x40  }
.Ltmp4:
0x172: {  	_ = 	snop;
	(pc) =	sbr.rel @p0 .LBB2_10-.Ltmp4, $3  }
0x173: {  	_ =	sdelay $0x1  }
0x174: {  	v8 =	vpop (erf)  }
0x175: {  	s9 =	sadd.s32 $0x40, s9;
	[tilespmem:v10+s24+$0x0] =	vst.idx.add.f32.msk $0xffff, v8  }
0x176: {  	s5 =	simm.s32 $0x11630  }
0x177: {  	[tilespmem:s5+$0xFFFFFF00] =	vst v2  }
0x178: {  	[tilespmem:s5+$0xF0] =	vst v2  }
0x179: {  	[tilespmem:s5+$0xE0] =	vst v2  }
0x17a: {  	[tilespmem:s5+$0xD0] =	vst v2  }
0x17b: {  	[tilespmem:s5+$0xC0] =	vst v2  }
0x17c: {  	[tilespmem:s5+$0xB0] =	vst v2  }
0x17d: {  	[tilespmem:s5+$0xA0] =	vst v2  }
0x17e: {  	[tilespmem:s5+$0x90] =	vst v2  }
0x17f: {  	[tilespmem:s5+$0x80] =	vst v2  }
0x180: {  	[tilespmem:s5+$0x70] =	vst v2  }
0x181: {  	[tilespmem:s5+$0x60] =	vst v2  }
0x182: {  	[tilespmem:s5+$0x50] =	vst v2  }
0x183: {  	[tilespmem:s5+$0x40] =	vst v2  }
0x184: {  	[tilespmem:s5+$0x30] =	vst v2  }
0x185: {  	[tilespmem:s5+$0x20] =	vst v2  }
0x186: {  	[tilespmem:s5+$0x10] =	vst v2  }
0x187: {  	[tilespmem:s5+$0x0] =	vst v2  }
0x188: {  	[tilespmem:s5+$0xFFFFFFF0] =	vst v2  }
0x189: {  	[tilespmem:s5+$0xFFFFFFE0] =	vst v2  }
0x18a: {  	[tilespmem:s5+$0xFFFFFFD0] =	vst v2  }
0x18b: {  	[tilespmem:s5+$0xFFFFFFC0] =	vst v2  }
0x18c: {  	[tilespmem:s5+$0xFFFFFFB0] =	vst v2  }
0x18d: {  	[tilespmem:s5+$0xFFFFFFA0] =	vst v2  }
0x18e: {  	[tilespmem:s5+$0xFFFFFF90] =	vst v2  }
0x18f: {  	[tilespmem:s5+$0xFFFFFF80] =	vst v2  }
0x190: {  	[tilespmem:s5+$0xFFFFFF70] =	vst v2  }
0x191: {  	[tilespmem:s5+$0xFFFFFF60] =	vst v2  }
0x192: {  	[tilespmem:s5+$0xFFFFFF50] =	vst v2  }
0x193: {  	[tilespmem:s5+$0xFFFFFF40] =	vst v2  }
0x194: {  	[tilespmem:s5+$0xFFFFFF30] =	vst v2  }
0x195: {  	s6 =	simm.s32 $0x0;
	[tilespmem:s5+$0xFFFFFF20] =	vst v2  }
.LBB2_12:
0x196: {  	s6 =	sadd.s32 $0x8, s6;
	[tilespmem:s5+$0xFFFFFF10] =	vst v2;
	s5 =	sadd.s32 $0x200, s5  }
0x197: {  	[tilespmem:s5+$0xFFFFFF00] =	vst v2;
	p0 =	slt.u32 s6, $0x48  }
0x198: {  	[tilespmem:s5+$0xF0] =	vst v2  }
0x199: {  	[tilespmem:s5+$0xE0] =	vst v2  }
0x19a: {  	[tilespmem:s5+$0xD0] =	vst v2  }
0x19b: {  	[tilespmem:s5+$0xC0] =	vst v2  }
0x19c: {  	[tilespmem:s5+$0xB0] =	vst v2  }
0x19d: {  	[tilespmem:s5+$0xA0] =	vst v2  }
0x19e: {  	[tilespmem:s5+$0x90] =	vst v2  }
0x19f: {  	[tilespmem:s5+$0x80] =	vst v2  }
0x1a0: {  	[tilespmem:s5+$0x70] =	vst v2  }
0x1a1: {  	[tilespmem:s5+$0x60] =	vst v2  }
0x1a2: {  	[tilespmem:s5+$0x50] =	vst v2  }
0x1a3: {  	[tilespmem:s5+$0x40] =	vst v2  }
0x1a4: {  	[tilespmem:s5+$0x30] =	vst v2  }
0x1a5: {  	[tilespmem:s5+$0x20] =	vst v2  }
0x1a6: {  	[tilespmem:s5+$0x10] =	vst v2  }
0x1a7: {  	[tilespmem:s5+$0x0] =	vst v2  }
0x1a8: {  	[tilespmem:s5+$0xFFFFFFF0] =	vst v2  }
0x1a9: {  	[tilespmem:s5+$0xFFFFFFE0] =	vst v2  }
0x1aa: {  	[tilespmem:s5+$0xFFFFFFD0] =	vst v2  }
0x1ab: {  	[tilespmem:s5+$0xFFFFFFC0] =	vst v2  }
0x1ac: {  	[tilespmem:s5+$0xFFFFFFB0] =	vst v2  }
0x1ad: {  	[tilespmem:s5+$0xFFFFFFA0] =	vst v2  }
0x1ae: {  	[tilespmem:s5+$0xFFFFFF90] =	vst v2  }
0x1af: {  	[tilespmem:s5+$0xFFFFFF80] =	vst v2  }
0x1b0: {  	[tilespmem:s5+$0xFFFFFF70] =	vst v2  }
.Ltmp5:
0x1b1: {  	[tilespmem:s5+$0xFFFFFF60] =	vst v2;
	(pc) =	sbr.rel @p0 .LBB2_12-.Ltmp5, $4  }
0x1b2: {  	[tilespmem:s5+$0xFFFFFF50] =	vst v2  }
0x1b3: {  	[tilespmem:s5+$0xFFFFFF40] =	vst v2  }
0x1b4: {  	[tilespmem:s5+$0xFFFFFF30] =	vst v2  }
0x1b5: {  	[tilespmem:s5+$0xFFFFFF20] =	vst v2  }
0x1b6: {  	[tilespmem:s5+$0xFFFFFF10] =	vst v2  }
0x1b7: {  	[spmem:s10] =	stream.linear.scatter [tilespmem:s25], [sflag:$0x4], $0x1400, $0x38;
	[tilespmem:$0x1DCE0] =	vst v63  }
0x1b8: {  	_ =	swait.ge [sflag:s20], $0x1400  }
0x1b9: {  	[sflag:s20] =	ssyncset.done $0x0  }
0x1ba: {  	s9 =	rddreg [dreg:$0x8];
	[sflag:s20] =	ssyncadd.s32 $0xFFFFEC00  }
0x1bb: {  	[spmem:s9] =	stream.linear.scatter [tilespmem:s25], [sflag:$0x4], $0x1400, $0x38;
	[tilespmem:$0x1DCE0] =	vst v63  }
0x1bc: {  	_ =	swait.ge [sflag:s20], $0x1400  }
0x1bd: {  	[sflag:s20] =	ssyncset.done $0x0  }
0x1be: {  	s11 =	rddreg [dreg:$0x9];
	[sflag:s20] =	ssyncadd.s32 $0xFFFFEC00  }
0x1bf: {  	[spmem:s11] =	stream.linear.scatter [tilespmem:s25], [sflag:$0x4], $0x1400, $0x38;
	[tilespmem:$0x1DCE0] =	vst v63  }
0x1c0: {  	_ =	swait.ge [sflag:s20], $0x1400  }
0x1c1: {  	[sflag:s20] =	ssyncset.done $0x0  }
0x1c2: {  	s12 =	rddreg [dreg:$0xa];
	[sflag:s20] =	ssyncadd.s32 $0xFFFFEC00  }
0x1c3: {  	[spmem:s12] =	stream.linear.scatter [tilespmem:s25], [sflag:$0x4], $0x1400, $0x38;
	[tilespmem:$0x1DCE0] =	vst v63  }
0x1c4: {  	_ =	swait.ge [sflag:s20], $0x1400  }
0x1c5: {  	[sflag:s20] =	ssyncset.done $0x0  }
0x1c6: {  	s13 =	rddreg [dreg:$0xb];
	[sflag:s20] =	ssyncadd.s32 $0xFFFFEC00  }
0x1c7: {  	[spmem:s13] =	stream.linear.scatter [tilespmem:s25], [sflag:$0x4], $0x1400, $0x38;
	[tilespmem:$0x1DCE0] =	vst v63  }
0x1c8: {  	_ =	swait.ge [sflag:s20], $0x1400  }
0x1c9: {  	[sflag:s20] =	ssyncset.done $0x0  }
0x1ca: {  	[sflag:s20] =	ssyncadd.s32 $0xFFFFEC00  }
0x1cb: {  	[spmem:s15] =	stream.linear.scatter [tilespmem:s25], [sflag:$0x4], $0x1400, $0x38;
	[tilespmem:$0x1DCE0] =	vst v63  }
0x1cc: {  	_ =	swait.ge [sflag:s20], $0x1400  }
0x1cd: {  	[sflag:s20] =	ssyncset.done $0x0  }
0x1ce: {  	[sflag:s20] =	ssyncadd.s32 $0xFFFFEC00  }
0x1cf: {  	[spmem:s16] =	stream.linear.scatter [tilespmem:s25], [sflag:$0x4], $0x1400, $0x38;
	[tilespmem:$0x1DCE0] =	vst v63  }
0x1d0: {  	_ =	swait.ge [sflag:s20], $0x1400  }
0x1d1: {  	[sflag:s20] =	ssyncset.done $0x0  }
0x1d2: {  	[sflag:s20] =	ssyncadd.s32 $0xFFFFEC00  }
0x1d3: {  	[spmem:s17] =	stream.linear.scatter [tilespmem:s25], [sflag:$0x4], $0x1040, $0x38;
	[tilespmem:$0x1DCE0] =	vst v63  }
0x1d4: {  	_ =	swait.ge [sflag:s20], $0x1040  }
0x1d5: {  	[sflag:s20] =	ssyncset.done $0x0  }
0x1d6: {  	[sflag:s20] =	ssyncadd.s32 $0xFFFFEFC0  }
0x1d7: {  	[bflag:$0x0] =	sbarrier.arrive $0xFFFF  }
0x1d8: {  	s6 =	simm.s32 $0x11260;
	s14 =	rddreg [dreg:$0x1]  }
0x1d9: {  	[spmem:s14] =	stream.indirect.scatter.add.f32 [tilespmem:s24], [sflag:$0x4], $0x80, s6, s26, $0xb8;
	[tilespmem:$0x1DCE0] =	vst v63  }
0x1da: {  	_ =	swait.ge [sflag:s20], $0x2800  }
0x1db: {  	[sflag:s20] =	ssyncset.done $0x0  }
0x1dc: {  	[sflag:s20] =	ssyncadd.s32 $0xFFFFD800  }
0x1dd: {  	[bflag:$0x0] =	sbarrier.arrive $0xFFFF  }
0x1de: {  	[tilespmem:s24], [sflag:$0x4] =	stream.linear.gather [spmem:s14], $0x2800, $0x38;
	[tilespmem:$0x1DCE0] =	vst v63  }
0x1df: {  	_ =	swait.ge [sflag:s20], $0x2800  }
0x1e0: {  	[sflag:s20] =	ssyncset.done $0x0  }
0x1e1: {  	s5 =	simm.s32 $0x0;
	[sflag:s20] =	ssyncadd.s32 $0xFFFFD800  }
0x1e2: {  	[tilespmem:s25], [sflag:$0x1] =	stream.indirect.gather [hbm4b:s7+s26], $0x40, s5, s26, $0xb8;
	[tilespmem:$0x1DCE0] =	vst v63  }
0x1e3: {  	_ =	swait.ge [sflag:s29], $0x1400  }
0x1e4: {  	[sflag:s29] =	ssyncset.done $0x0  }
0x1e5: {  	s6 =	simm.s32 $0x0;
	[sflag:s29] =	ssyncadd.s32 $0xFFFFEC00  }
.LBB2_14:
0x1e6: {  	s8 =	sshllo.u32 s6, $0x1  }
0x1e7: {  	s9 =	smul.u32 $0x140, s8;
	_ =	sdelay $0x1  }
0x1e8: {  	s11 =	smul.u32 $0xA0, s6;
	s9 =	sshra.s32 s9, $0x2  }
0x1e9: {  	[tilespmem:s30], [sflag:$0x1] =	stream.indirect.gather [hbm4b:s7+s26], $0x40, s9, s26, $0xb8;
	[tilespmem:$0x1DCE0] =	vst v63  }
0x1ea: {  	v8 =	vld [tilespmem:s11+$0x0];
	_ =	sdelay $0x1  }
0x1eb: {  	v10 =	vld [tilespmem:s11+$0x10];
	_ =	sdelay $0x1  }
0x1ec: {  	v11 =	vld [tilespmem:s11+$0x4E20]  }
0x1ed: {  	v12 =	vld [tilespmem:s11+$0x4E30];
	v9 =	vsub.s32 v8, v1  }
0x1ee: {  	v13 =	vld [tilespmem:s11+$0x20];
	v8 =	vand.u32 $0x7, v8;
	v9 =	vand.u32 $0xFFFFFFF8, v9  }
0x1ef: {  	v15 =	vld [tilespmem:s11+$0x40];
	v8 =	vor.u32 v8, v9;
	v9 =	vsub.s32 v10, v1  }
0x1f0: {  	v17 =	vld [tilespmem:s11+$0x4E40];
	v10 =	vand.u32 $0x7, v10;
	v9 =	vand.u32 $0xFFFFFFF8, v9  }
0x1f1: {  	v9 =	vor.u32 v10, v9;
	v10 =	vld [tilespmem:s11+$0x30]  }
0x1f2: {  	v18 =	vld [tilespmem:s11+$0x4E50]  }
0x1f3: {  	v20 =	vld [tilespmem:s11+$0x4E60];
	[tilespmem:$0x13D80] =	vst v11;
	v16 =	vsub.s32 v13, v1  }
0x1f4: {  	v13 =	vand.u32 $0x7, v13;
	v16 =	vand.u32 $0xFFFFFFF8, v16;
	v14 =	vld.idx.msk [tilespmem:v11+s22+$0x0], $0xffff  }
0x1f5: {  	[tilespmem:$0x13D90] =	vst v12;
	v13 =	vor.u32 v13, v16;
	v8 =	vld.idx.msk [tilespmem:v8+s21+$0x0], $0xffff  }
0x1f6: {  	v19 =	vld.idx.msk [tilespmem:v12+s22+$0x0], $0xffff;
	v16 =	vsub.s32 v10, v1  }
0x1f7: {  	v9 =	vld.idx.msk [tilespmem:v9+s21+$0x0], $0xffff;
	v10 =	vand.u32 $0x7, v10;
	v16 =	vand.u32 $0xFFFFFFF8, v16  }
0x1f8: {  	v11 =	vld.idx.msk [tilespmem:v11+s24+$0x0], $0xffff;
	v10 =	vor.u32 v10, v16;
	v16 =	vsub.s32 v15, v1  }
0x1f9: {  	[tilespmem:$0x13DA0] =	vst v17;
	v12 =	vld.idx.msk [tilespmem:v12+s24+$0x0], $0xffff;
	v15 =	vand.u32 $0x7, v15;
	v16 =	vand.u32 $0xFFFFFFF8, v16  }
0x1fa: {  	v13 =	vld.idx.msk [tilespmem:v13+s21+$0x0], $0xffff;
	v8 =	vadd.f32 v14, v8;
	v15 =	vor.u32 v15, v16  }
0x1fb: {  	[tilespmem:$0x13DB0] =	vst v18;
	v14 =	vld.idx.msk [tilespmem:v17+s22+$0x0], $0xffff  }
0x1fc: {  	v16 =	vmul.f32 $2.000000030e-01, v8;
	v9 =	vadd.f32 v19, v9;
	v19 =	vld.idx.msk [tilespmem:v18+s22+$0x0], $0xffff  }
0x1fd: {  	[tilespmem:$0x13DC0] =	vst v20;
	vm0 =	vgt.f32 v8, $0.0e+00;
	v10 =	vld.idx.msk [tilespmem:v10+s21+$0x0], $0xffff  }
0x1fe: {  	v21 =	vld.idx.msk [tilespmem:v20+s22+$0x0], $0xffff;
	v8 =	vsel vm0, v8, v16;
	v16 =	vmul.f32 $2.000000030e-01, v9  }
0x1ff: {  	vm12 =	vgt.f32 v9, $0.0e+00;
	v8 =	vmul.f32 $1.442695020e+00, v8;
	v15 =	vld.idx.msk [tilespmem:v15+s21+$0x0], $0xffff  }
0x200: {  	v11 =	vadd.f32 $1.000000020e-16, v11;
	v13 =	vadd.f32 v14, v13;
	v9 =	vsel vm12, v9, v16  }
0x201: {  	(erf) = vpow2.f32 v8;
	v8 =	vmul.f32 $1.442695020e+00, v9;
	v9 =	vld.idx.msk [tilespmem:v17+s24+$0x0], $0xffff  }
0x202: {  	(erf) = vrcp.f32 v11;
	v11 =	vmul.f32 $2.000000030e-01, v13;
	v10 =	vadd.f32 v19, v10  }
0x203: {  	vm13 =	vgt.f32 v13, $0.0e+00;
	(erf) = vpow2.f32 v8;
	v8 =	vadd.f32 $1.000000020e-16, v12;
	v12 =	vld.idx.msk [tilespmem:v18+s24+$0x0], $0xffff  }
0x204: {  	v11 =	vsel vm13, v13, v11;
	v13 =	vmul.f32 $2.000000030e-01, v10;
	v14 =	vadd.f32 v21, v15  }
0x205: {  	(erf) = vrcp.f32 v8;
	v8 =	vmul.f32 $1.442695020e+00, v11;
	vm14 =	vgt.f32 v10, $0.0e+00;
	v11 =	vld.idx.msk [tilespmem:v20+s24+$0x0], $0xffff  }
0x206: {  	v9 =	vadd.f32 $1.000000020e-16, v9;
	v10 =	vsel vm14, v10, v13;
	v13 =	vmul.f32 $2.000000030e-01, v14  }
0x207: {  	(erf) = vpow2.f32 v8;
	vm15 =	vgt.f32 v14, $0.0e+00;
	v8 =	vmul.f32 $1.442695020e+00, v10  }
0x208: {  	(erf) = vrcp.f32 v9;
	v9 =	vadd.f32 $1.000000020e-16, v12;
	v10 =	vsel vm15, v14, v13  }
0x209: {  	(erf) = vpow2.f32 v8;
	v8 =	vmul.f32 $1.442695020e+00, v10  }
0x20a: {  	(erf) = vrcp.f32 v9;
	v9 =	vadd.f32 $1.000000020e-16, v11;
	_ =	sdelay $0x2  }
0x20b: {  	(erf) = vpow2.f32 v8;
	v8 =	vpop (erf)  }
0x20c: {  	(erf) = vrcp.f32 v9;
	v9 =	vpop (erf)  }
0x20d: {  	v10 =	vpop (erf)  }
0x20e: {  	v11 =	vpop (erf)  }
0x20f: {  	v12 =	vpop (erf)  }
0x210: {  	v13 =	vpop (erf)  }
0x211: {  	v8 =	vmul.f32 v8, v9;
	v14 =	vpop (erf)  }
0x212: {  	v9 =	vmul.f32 v10, v11;
	v10 =	vmul.f32 v12, v13;
	v13 =	vmov s5;
	v15 =	vpop (erf)  }
0x213: {  	s12 =	simm.s32 $0x1;
	s13 =	simm.s32 $0x2;
	v13 =	vshrl.u32 v13, $0x3;
	v11 =	vmul.f32 v14, v15  }
0x214: {  	v16 =	vpop (erf);
	v14 =	vmov s12;
	s12 =	simm.s32 $0x4;
	v15 =	vmov s13;
	s13 =	simm.s32 $0x5;
	v13 =	vshll.u32 v13, v7  }
0x215: {  	v12 =	vpop (erf);
	v17 =	vmov s12;
	v18 =	vmov s13;
	v14 =	vshrl.u32 v14, $0x3  }
0x216: {  	s14 =	simm.s32 $0x3;
	v15 =	vshrl.u32 v15, $0x3;
	v13 =	vbroadcast v13, $0x0;
	v12 =	vmul.f32 v16, v12  }
0x217: {  	v16 =	vmov s14;
	v17 =	vshrl.u32 v17, $0x3;
	v18 =	vshrl.u32 v18, $0x3  }
0x218: {  	[tilespmem:$0x13D30] =	vst v8;
	v14 =	vshll.u32 v14, v7;
	v15 =	vshll.u32 v15, v7;
	v16 =	vshrl.u32 v16, $0x3  }
0x219: {  	[tilespmem:$0x13D40] =	vst v9;
	v17 =	vshll.u32 v17, v7;
	v14 =	vadd.s32 $0x1, v14;
	v15 =	vadd.s32 $0x2, v15  }
0x21a: {  	s11 =	simm.s32 $0x7;
	[tilespmem:$0x13D50] =	vst v10;
	v16 =	vshll.u32 v16, v7;
	v14 =	vbroadcast v14, $0x0;
	v15 =	vbroadcast v15, $0x0  }
0x21b: {  	[tilespmem:$0x13D60] =	vst v11;
	v10 =	vadd.s32 $0x4, v17;
	v17 =	vmov s11;
	v16 =	vadd.s32 $0x3, v16  }
0x21c: {  	s9 =	simm.s32 $0x11630;
	v8 =	vshll.u32 v18, v7;
	[tilespmem:$0x13D70] =	vst v12;
	v11 =	vshrl.u32 v17, $0x3;
	v16 =	vbroadcast v16, $0x0  }
0x21d: {  	v8 =	vadd.s32 $0x5, v8;
	v10 =	vbroadcast v10, $0x0;
	v17 =	vld [tilespmem:s9+$0xFFFFFF00];
	v11 =	vshll.u32 v11, v7  }
0x21e: {  	v8 =	vbroadcast v8, $0x0;
	v18 =	vld [tilespmem:s9+$0xFFFFFF10];
	v11 =	vadd.s32 $0x7, v11  }
0x21f: {  	v12 =	vld.idx.msk [tilespmem:v13+s31+$0x0], $0xffff;
	v11 =	vbroadcast v11, $0x0  }
0x220: {  	v13 =	vld.idx.msk [tilespmem:v14+s31+$0x0], $0xffff  }
0x221: {  	s14 =	simm.s32 $0x6;
	v14 =	vld.idx.msk [tilespmem:v15+s31+$0x0], $0xffff  }
0x222: {  	v19 =	vmov s14;
	v15 =	vld.idx.msk [tilespmem:v16+s31+$0x0], $0xffff  }
0x223: {  	v19 =	vshrl.u32 v19, $0x3;
	v16 =	vld.idx.msk [tilespmem:v10+s31+$0x0], $0xffff  }
0x224: {  	v9 =	vshll.u32 v19, v7;
	v10 =	vld.idx.msk [tilespmem:v8+s31+$0x0], $0xffff  }
0x225: {  	v9 =	vadd.s32 $0x6, v9;
	v8 =	vld.idx.msk [tilespmem:v11+s31+$0x0], $0xffff  }
0x226: {  	v9 =	vbroadcast v9, $0x0;
	v11 =	vld [tilespmem:s9+$0xF0]  }
0x227: {  	v19 =	vld [tilespmem:s9+$0xFFFFFF20]  }
0x228: {  	v20 =	vld [tilespmem:s9+$0xFFFFFF30]  }
0x229: {  	v21 =	vld [tilespmem:s9+$0xFFFFFF40]  }
0x22a: {  	v22 =	vld [tilespmem:s9+$0xFFFFFF50];
	v17 =	vmul.f32 v17, v12  }
0x22b: {  	v23 =	vld [tilespmem:s9+$0xFFFFFF60];
	v11 =	vmul.f32 v11, v8  }
0x22c: {  	v18 =	vmul.f32 v18, v12;
	v9 =	vld.idx.msk [tilespmem:v9+s31+$0x0], $0xffff;
	[tilespmem:s9+$0xFFFFFF00] =	vst v17  }
0x22d: {  	v17 =	vld [tilespmem:s9+$0xFFFFFF70];
	[tilespmem:s9+$0xF0] =	vst v11;
	v11 =	vmul.f32 v19, v12  }
0x22e: {  	[tilespmem:s9+$0xFFFFFF10] =	vst v18;
	v18 =	vld [tilespmem:s9+$0xFFFFFF80];
	v12 =	vmul.f32 v20, v12  }
0x22f: {  	v19 =	vld [tilespmem:s9+$0xFFFFFF90];
	[tilespmem:s9+$0xFFFFFF20] =	vst v11;
	v11 =	vmul.f32 v21, v13  }
0x230: {  	v20 =	vld [tilespmem:s9+$0xFFFFFFA0];
	[tilespmem:s9+$0xFFFFFF30] =	vst v12;
	v12 =	vmul.f32 v22, v13  }
0x231: {  	s12 =	simm.s32 $0x8;
	v21 =	vld [tilespmem:s9+$0xFFFFFFB0];
	[tilespmem:s9+$0xFFFFFF40] =	vst v11;
	v11 =	vmul.f32 v23, v13  }
0x232: {  	v22 =	vmov s12;
	[tilespmem:s9+$0xFFFFFF50] =	vst v12;
	v12 =	vmul.f32 v17, v13;
	v13 =	vld [tilespmem:s9+$0xFFFFFFC0]  }
0x233: {  	s13 =	simm.s32 $0x9;
	s14 =	simm.s32 $0xA;
	v17 =	vshrl.u32 v22, $0x3;
	[tilespmem:s9+$0xFFFFFF60] =	vst v11;
	v11 =	vmul.f32 v18, v14;
	v18 =	vld [tilespmem:s9+$0xFFFFFFD0]  }
0x234: {  	v22 =	vmov s13;
	v23 =	vmov s14;
	s13 =	simm.s32 $0xB;
	s14 =	simm.s32 $0xC;
	[tilespmem:s9+$0xFFFFFF70] =	vst v12;
	v12 =	vmul.f32 v19, v14;
	v19 =	vld [tilespmem:s9+$0xFFFFFFE0]  }
0x235: {  	v24 =	vmov s13;
	v25 =	vmov s14;
	s13 =	simm.s32 $0xD;
	[tilespmem:s9+$0xFFFFFF80] =	vst v11;
	v11 =	vmul.f32 v20, v14;
	v20 =	vld [tilespmem:s9+$0xFFFFFFF0]  }
0x236: {  	s14 =	simm.s32 $0xE;
	v17 =	vshll.u32 v17, v7;
	v26 =	vmov s13;
	[tilespmem:s9+$0xFFFFFF90] =	vst v12;
	v12 =	vmul.f32 v21, v14;
	v14 =	vld [tilespmem:s9+$0x0]  }
0x237: {  	v27 =	vmov s14;
	v21 =	vshrl.u32 v22, $0x3;
	[tilespmem:s9+$0xFFFFFFA0] =	vst v11;
	v11 =	vmul.f32 v13, v15;
	v13 =	vld [tilespmem:s9+$0x10]  }
0x238: {  	v22 =	vshrl.u32 v23, $0x3;
	v23 =	vshrl.u32 v24, $0x3;
	v24 =	vld [tilespmem:s9+$0x20];
	[tilespmem:s9+$0xFFFFFFB0] =	vst v12;
	v18 =	vmul.f32 v18, v15  }
0x239: {  	v25 =	vshrl.u32 v25, $0x3;
	v26 =	vshrl.u32 v26, $0x3;
	[tilespmem:s9+$0xFFFFFFC0] =	vst v11;
	v11 =	vmul.f32 v19, v15;
	v19 =	vld [tilespmem:s9+$0x30]  }
0x23a: {  	v25 =	vshll.u32 v25, v7;
	v26 =	vshll.u32 v26, v7;
	[tilespmem:s9+$0xFFFFFFD0] =	vst v18;
	v15 =	vmul.f32 v20, v15;
	v18 =	vld [tilespmem:s9+$0x40]  }
0x23b: {  	v20 =	vshll.u32 v21, v7;
	v21 =	vshll.u32 v22, v7;
	v22 =	vld [tilespmem:s9+$0x50];
	[tilespmem:s9+$0xFFFFFFE0] =	vst v11;
	v11 =	vmul.f32 v14, v16  }
0x23c: {  	v12 =	vbroadcast v17, $0x0;
	v17 =	vshrl.u32 v27, $0x3;
	v27 =	vld [tilespmem:s9+$0x60];
	[tilespmem:s9+$0xFFFFFFF0] =	vst v15;
	v15 =	vmul.f32 v13, v16  }
0x23d: {  	v17 =	vshll.u32 v17, v7;
	v24 =	vmul.f32 v24, v16;
	v14 =	vshll.u32 v23, v7;
	v13 =	vld [tilespmem:s9+$0x70];
	[tilespmem:s9+$0x0] =	vst v11  }
0x23e: {  	v20 =	vadd.s32 $0x1, v20;
	v21 =	vadd.s32 $0x2, v21;
	v11 =	vld [tilespmem:s9+$0x80];
	[tilespmem:s9+$0x10] =	vst v15;
	v15 =	vmul.f32 v19, v16  }
0x23f: {  	v23 =	vadd.s32 $0x3, v14;
	[tilespmem:s9+$0x20] =	vst v24;
	v14 =	vld [tilespmem:s9+$0x90];
	v19 =	vadd.s32 $0x4, v25;
	v24 =	vmul.f32 v18, v10  }
0x240: {  	v16 =	vbroadcast v20, $0x0;
	v20 =	vadd.s32 $0x5, v26;
	v22 =	vmul.f32 v22, v10;
	[tilespmem:s9+$0x30] =	vst v15;
	v15 =	vld [tilespmem:s9+$0xA0]  }
0x241: {  	s11 =	sshll.u32 s6, $0x1;
	s12 =	simm.s32 $0x10;
	s13 =	simm.s32 $0xF;
	v18 =	vbroadcast v21, $0x0;
	v21 =	vadd.s32 $0x6, v17;
	v17 =	vld [tilespmem:s9+$0xB0];
	[tilespmem:s9+$0x40] =	vst v24;
	v24 =	vmul.f32 v27, v10  }
.LBB2_15:
0x242: {  	p0 =	slt.u32 s12, $0x48;
	v23 =	vbroadcast v23, $0x0;
	v25 =	vmov s13;
	[tilespmem:s9+$0x50] =	vst v22;
	v10 =	vmul.f32 v13, v10;
	v13 =	vld [tilespmem:s9+$0xC0]  }
0x243: {  	v19 =	vbroadcast v19, $0x0;
	v22 =	vshrl.u32 v25, $0x3;
	[tilespmem:s9+$0x60] =	vst v24;
	v11 =	vmul.f32 v11, v9;
	v24 =	vld [tilespmem:s9+$0xD0]  }
0x244: {  	v20 =	vbroadcast v20, $0x0;
	v22 =	vshll.u32 v22, v7;
	[tilespmem:s9+$0x70] =	vst v10;
	v10 =	vmul.f32 v14, v9;
	v14 =	vld [tilespmem:s9+$0xE0]  }
0x245: {  	v21 =	vbroadcast v21, $0x0;
	v12 =	vld.idx.msk [tilespmem:v12+s31+$0x0], $0xffff;
	v22 =	vadd.s32 $0x7, v22;
	[tilespmem:s9+$0x80] =	vst v11;
	v11 =	vmul.f32 v15, v9  }
0x246: {  	v15 =	vld.idx.msk [tilespmem:v16+s31+$0x0], $0xffff;
	v16 =	vbroadcast v22, $0x0;
	[tilespmem:s9+$0x90] =	vst v10;
	v9 =	vmul.f32 v17, v9  }
0x247: {  	v17 =	vld.idx.msk [tilespmem:v18+s31+$0x0], $0xffff;
	[tilespmem:s9+$0xA0] =	vst v11;
	v10 =	vmul.f32 v13, v8  }
0x248: {  	v13 =	vld.idx.msk [tilespmem:v23+s31+$0x0], $0xffff;
	[tilespmem:s9+$0xB0] =	vst v9;
	v9 =	vmul.f32 v24, v8  }
0x249: {  	v11 =	vld.idx.msk [tilespmem:v19+s31+$0x0], $0xffff;
	[tilespmem:s9+$0xC0] =	vst v10;
	v8 =	vmul.f32 v14, v8  }
0x24a: {  	v10 =	vld.idx.msk [tilespmem:v20+s31+$0x0], $0xffff;
	[tilespmem:s9+$0xD0] =	vst v9  }
0x24b: {  	v9 =	vld.idx.msk [tilespmem:v21+s31+$0x0], $0xffff;
	[tilespmem:s9+$0xE0] =	vst v8  }
0x24c: {  	s9 =	sadd.s32 $0x200, s9;
	v8 =	vld.idx.msk [tilespmem:v16+s31+$0x0], $0xffff  }
0x24d: {  	v14 =	vld [tilespmem:s9+$0xF0]  }
0x24e: {  	v16 =	vld [tilespmem:s9+$0xFFFFFF00]  }
0x24f: {  	v18 =	vld [tilespmem:s9+$0xFFFFFF10]  }
0x250: {  	v19 =	vld [tilespmem:s9+$0xFFFFFF20]  }
0x251: {  	v20 =	vld [tilespmem:s9+$0xFFFFFF30]  }
0x252: {  	v21 =	vld [tilespmem:s9+$0xFFFFFF40];
	v14 =	vmul.f32 v14, v8  }
0x253: {  	v16 =	vmul.f32 v16, v12;
	v22 =	vld [tilespmem:s9+$0xFFFFFF50]  }
0x254: {  	v18 =	vmul.f32 v18, v12;
	v23 =	vld [tilespmem:s9+$0xFFFFFF60];
	[tilespmem:s9+$0xF0] =	vst v14  }
0x255: {  	[tilespmem:s9+$0xFFFFFF00] =	vst v16;
	v14 =	vmul.f32 v19, v12;
	v16 =	vld [tilespmem:s9+$0xFFFFFF70]  }
0x256: {  	[tilespmem:s9+$0xFFFFFF10] =	vst v18;
	v12 =	vmul.f32 v20, v12;
	v18 =	vld [tilespmem:s9+$0xFFFFFF80]  }
0x257: {  	[tilespmem:s9+$0xFFFFFF20] =	vst v14;
	v14 =	vmul.f32 v21, v15;
	v19 =	vld [tilespmem:s9+$0xFFFFFF90]  }
0x258: {  	[tilespmem:s9+$0xFFFFFF30] =	vst v12;
	v12 =	vmul.f32 v22, v15;
	v20 =	vld [tilespmem:s9+$0xFFFFFFA0]  }
0x259: {  	[tilespmem:s9+$0xFFFFFF40] =	vst v14;
	v14 =	vmul.f32 v23, v15;
	v21 =	vld [tilespmem:s9+$0xFFFFFFB0]  }
0x25a: {  	v22 =	vmov s12;
	[tilespmem:s9+$0xFFFFFF50] =	vst v12;
	v12 =	vmul.f32 v16, v15;
	v15 =	vld [tilespmem:s9+$0xFFFFFFC0]  }
0x25b: {  	s13 =	sadd.s32 $0x1, s12;
	s14 =	sadd.s32 $0x2, s12;
	v16 =	vshrl.u32 v22, $0x3;
	[tilespmem:s9+$0xFFFFFF60] =	vst v14;
	v14 =	vmul.f32 v18, v17;
	v18 =	vld [tilespmem:s9+$0xFFFFFFD0]  }
0x25c: {  	v23 =	vmov s14;
	s14 =	sadd.s32 $0x4, s12;
	v22 =	vmov s13;
	s13 =	sadd.s32 $0x3, s12;
	[tilespmem:s9+$0xFFFFFF70] =	vst v12;
	v12 =	vmul.f32 v19, v17;
	v19 =	vld [tilespmem:s9+$0xFFFFFFE0]  }
0x25d: {  	v25 =	vmov s14;
	s14 =	sadd.s32 $0x6, s12;
	v24 =	vmov s13;
	s13 =	sadd.s32 $0x5, s12;
	[tilespmem:s9+$0xFFFFFF80] =	vst v14;
	v14 =	vmul.f32 v20, v17;
	v20 =	vld [tilespmem:s9+$0xFFFFFFF0]  }
0x25e: {  	v27 =	vmov s14;
	v26 =	vmov s13;
	[tilespmem:s9+$0xFFFFFF90] =	vst v12;
	v12 =	vmul.f32 v21, v17;
	v17 =	vld [tilespmem:s9+$0x0]  }
0x25f: {  	v16 =	vshll.u32 v16, v7;
	v21 =	vshrl.u32 v22, $0x3;
	[tilespmem:s9+$0xFFFFFFA0] =	vst v14;
	v14 =	vmul.f32 v15, v13;
	v15 =	vld [tilespmem:s9+$0x10]  }
0x260: {  	v22 =	vshrl.u32 v23, $0x3;
	v23 =	vshrl.u32 v24, $0x3;
	[tilespmem:s9+$0xFFFFFFB0] =	vst v12;
	v18 =	vmul.f32 v18, v13;
	v24 =	vld [tilespmem:s9+$0x20]  }
0x261: {  	v25 =	vshrl.u32 v25, $0x3;
	v26 =	vshrl.u32 v26, $0x3;
	[tilespmem:s9+$0xFFFFFFC0] =	vst v14;
	v14 =	vmul.f32 v19, v13;
	v19 =	vld [tilespmem:s9+$0x30]  }
0x262: {  	v12 =	vbroadcast v16, $0x0;
	v16 =	vshrl.u32 v27, $0x3;
	[tilespmem:s9+$0xFFFFFFD0] =	vst v18;
	v13 =	vmul.f32 v20, v13;
	v18 =	vld [tilespmem:s9+$0x40]  }
0x263: {  	v20 =	vshll.u32 v21, v7;
	v21 =	vshll.u32 v22, v7;
	[tilespmem:s9+$0xFFFFFFE0] =	vst v14;
	v14 =	vmul.f32 v17, v11;
	v17 =	vld [tilespmem:s9+$0x50]  }
0x264: {  	v25 =	vshll.u32 v25, v7;
	v22 =	vshll.u32 v23, v7;
	[tilespmem:s9+$0xFFFFFFF0] =	vst v13;
	v15 =	vmul.f32 v15, v11;
	v27 =	vld [tilespmem:s9+$0x60]  }
.Ltmp6:
0x265: {  	v26 =	vshll.u32 v26, v7;
	v28 =	vshll.u32 v16, v7;
	[tilespmem:s9+$0x0] =	vst v14;
	v14 =	vmul.f32 v24, v11;
	v13 =	vld [tilespmem:s9+$0x70];
	(pc) =	sbr.rel @p0 .LBB2_15-.Ltmp6, $4  }
0x266: {  	v16 =	vadd.s32 $0x1, v20;
	v21 =	vadd.s32 $0x2, v21;
	[tilespmem:s9+$0x10] =	vst v15;
	v15 =	vmul.f32 v19, v11;
	v11 =	vld [tilespmem:s9+$0x80]  }
0x267: {  	v23 =	vadd.s32 $0x3, v22;
	v19 =	vadd.s32 $0x4, v25;
	[tilespmem:s9+$0x20] =	vst v14;
	v24 =	vmul.f32 v18, v10;
	v14 =	vld [tilespmem:s9+$0x90]  }
0x268: {  	v20 =	vadd.s32 $0x5, v26;
	v16 =	vbroadcast v16, $0x0;
	[tilespmem:s9+$0x30] =	vst v15;
	v22 =	vmul.f32 v17, v10;
	v15 =	vld [tilespmem:s9+$0xA0]  }
0x269: {  	s13 =	sadd.s32 $0x7, s12;
	s12 =	sadd.s32 $0x8, s12;
	v18 =	vbroadcast v21, $0x0;
	v21 =	vadd.s32 $0x6, v28;
	[tilespmem:s9+$0x40] =	vst v24;
	v24 =	vmul.f32 v27, v10;
	v17 =	vld [tilespmem:s9+$0xB0]  }
0x26a: {  	_ = 	snop  }
0x26b: {  	v26 =	vld [tilespmem:s9+$0xC0]  }
0x26c: {  	v27 =	vld [tilespmem:s9+$0xD0]  }
0x26d: {  	v25 =	vmov s13;
	v28 =	vld [tilespmem:s9+$0xE0]  }
0x26e: {  	v12 =	vld.idx.msk [tilespmem:v12+s31+$0x0], $0xffff;
	v25 =	vshrl.u32 v25, $0x3  }
0x26f: {  	v23 =	vbroadcast v23, $0x0;
	v16 =	vld.idx.msk [tilespmem:v16+s31+$0x0], $0xffff;
	v10 =	vmul.f32 v13, v10;
	v25 =	vshll.u32 v25, v7  }
0x270: {  	v20 =	vbroadcast v20, $0x0;
	[tilespmem:s9+$0x50] =	vst v22;
	s12 =	sadd.s32 $0x200, s9;
	v18 =	vld.idx.msk [tilespmem:v18+s31+$0x0], $0xffff;
	v11 =	vmul.f32 v11, v9;
	v25 =	vadd.s32 $0x7, v25  }
0x271: {  	v22 =	vld [tilespmem:s12+$0xFFFFFF60];
	[tilespmem:s9+$0x70] =	vst v10;
	v10 =	vmul.f32 v14, v9;
	v25 =	vbroadcast v25, $0x0  }
0x272: {  	v21 =	vbroadcast v21, $0x0;
	[tilespmem:s9+$0x80] =	vst v11;
	v11 =	vmul.f32 v15, v9;
	v15 =	vld [tilespmem:s12+$0xF0]  }
0x273: {  	[tilespmem:s9+$0x90] =	vst v10;
	v10 =	vld [tilespmem:s12+$0xFFFFFF00]  }
0x274: {  	v9 =	vmul.f32 v17, v9;
	v17 =	vld [tilespmem:s12+$0xFFFFFF10]  }
0x275: {  	v23 =	vld.idx.msk [tilespmem:v23+s31+$0x0], $0xffff  }
0x276: {  	v13 =	vld.idx.msk [tilespmem:v20+s31+$0x0], $0xffff  }
0x277: {  	v19 =	vbroadcast v19, $0x0;
	[tilespmem:s9+$0xA0] =	vst v11;
	v11 =	vmul.f32 v26, v8;
	v14 =	vld.idx.msk [tilespmem:v25+s31+$0x0], $0xffff  }
0x278: {  	v20 =	vld.idx.msk [tilespmem:v21+s31+$0x0], $0xffff;
	[tilespmem:s9+$0xB0] =	vst v9;
	v9 =	vmul.f32 v27, v8  }
0x279: {  	v21 =	vld [tilespmem:s12+$0xFFFFFF20];
	v8 =	vmul.f32 v28, v8;
	[tilespmem:s9+$0xC0] =	vst v11  }
0x27a: {  	v11 =	vld [tilespmem:s12+$0xFFFFFF30];
	[tilespmem:s9+$0xD0] =	vst v9  }
0x27b: {  	v9 =	vld [tilespmem:s12+$0xFFFFFF40];
	[tilespmem:s9+$0xE0] =	vst v8;
	v8 =	vmul.f32 v10, v12  }
0x27c: {  	[tilespmem:s9+$0x60] =	vst v24;
	v10 =	vld [tilespmem:s12+$0xFFFFFF50];
	v15 =	vmul.f32 v15, v14  }
0x27d: {  	v19 =	vld.idx.msk [tilespmem:v19+s31+$0x0], $0xffff;
	v17 =	vmul.f32 v17, v12;
	[tilespmem:s12+$0xFFFFFF00] =	vst v8  }
0x27e: {  	v8 =	vmul.f32 v21, v12;
	[tilespmem:s12+$0xF0] =	vst v15;
	v15 =	vld [tilespmem:s12+$0xFFFFFF70]  }
0x27f: {  	[tilespmem:s12+$0xFFFFFF10] =	vst v17;
	v11 =	vmul.f32 v11, v12;
	v12 =	vld [tilespmem:s12+$0xFFFFFF80]  }
0x280: {  	[tilespmem:s12+$0xFFFFFF20] =	vst v8;
	v8 =	vmul.f32 v9, v16;
	v9 =	vld [tilespmem:s12+$0xFFFFFF90]  }
0x281: {  	[tilespmem:s12+$0xFFFFFF30] =	vst v11;
	v10 =	vmul.f32 v10, v16;
	v11 =	vld [tilespmem:s12+$0xFFFFFFA0]  }
0x282: {  	v17 =	vld [tilespmem:s12+$0xFFFFFFB0];
	[tilespmem:s12+$0xFFFFFF40] =	vst v8;
	v8 =	vmul.f32 v22, v16  }
0x283: {  	[tilespmem:s12+$0xFFFFFF50] =	vst v10;
	v10 =	vmul.f32 v15, v16;
	v15 =	vld [tilespmem:s12+$0xFFFFFFC0]  }
0x284: {  	[tilespmem:s12+$0xFFFFFF60] =	vst v8;
	v8 =	vmul.f32 v12, v18;
	v12 =	vld [tilespmem:s12+$0xFFFFFFD0]  }
0x285: {  	v9 =	vmul.f32 v9, v18;
	[tilespmem:s12+$0xFFFFFF70] =	vst v10;
	v10 =	vld [tilespmem:s12+$0xFFFFFFE0]  }
0x286: {  	[tilespmem:s12+$0xFFFFFF80] =	vst v8;
	v8 =	vmul.f32 v11, v18;
	v11 =	vld [tilespmem:s12+$0xFFFFFFF0]  }
0x287: {  	[tilespmem:s12+$0xFFFFFF90] =	vst v9;
	v9 =	vmul.f32 v17, v18;
	v16 =	vld [tilespmem:s12+$0x0]  }
0x288: {  	[tilespmem:s12+$0xFFFFFFA0] =	vst v8;
	v8 =	vmul.f32 v15, v23;
	v15 =	vld [tilespmem:s12+$0x10]  }
0x289: {  	[tilespmem:s12+$0xFFFFFFB0] =	vst v9;
	v9 =	vmul.f32 v12, v23;
	v12 =	vld [tilespmem:s12+$0x20]  }
0x28a: {  	[tilespmem:s12+$0xFFFFFFC0] =	vst v8;
	v8 =	vmul.f32 v10, v23;
	v10 =	vld [tilespmem:s12+$0x30]  }
0x28b: {  	[tilespmem:s12+$0xFFFFFFD0] =	vst v9;
	v9 =	vmul.f32 v11, v23;
	v11 =	vld [tilespmem:s12+$0x40]  }
0x28c: {  	[tilespmem:s12+$0xFFFFFFE0] =	vst v8;
	v8 =	vmul.f32 v16, v19;
	v16 =	vld [tilespmem:s12+$0x50]  }
0x28d: {  	[tilespmem:s12+$0xFFFFFFF0] =	vst v9;
	v9 =	vmul.f32 v15, v19;
	v15 =	vld [tilespmem:s12+$0x60]  }
0x28e: {  	[tilespmem:s12+$0x0] =	vst v8;
	v8 =	vmul.f32 v12, v19;
	v12 =	vld [tilespmem:s12+$0x70]  }
0x28f: {  	[tilespmem:s12+$0x10] =	vst v9;
	v9 =	vmul.f32 v10, v19;
	v10 =	vld [tilespmem:s12+$0x80]  }
0x290: {  	[tilespmem:s12+$0x20] =	vst v8;
	v8 =	vmul.f32 v11, v13;
	v11 =	vld [tilespmem:s12+$0x90]  }
0x291: {  	[tilespmem:s12+$0x30] =	vst v9;
	v9 =	vmul.f32 v16, v13;
	v16 =	vld [tilespmem:s12+$0xA0]  }
0x292: {  	[tilespmem:s12+$0x40] =	vst v8;
	v8 =	vmul.f32 v15, v13;
	v15 =	vld [tilespmem:s12+$0xB0]  }
0x293: {  	[tilespmem:s12+$0x50] =	vst v9;
	v9 =	vmul.f32 v12, v13;
	v12 =	vld [tilespmem:s12+$0xC0]  }
0x294: {  	[tilespmem:s12+$0x60] =	vst v8;
	v8 =	vmul.f32 v10, v20;
	v10 =	vld [tilespmem:s12+$0xD0]  }
0x295: {  	[tilespmem:s12+$0x70] =	vst v9;
	v9 =	vmul.f32 v11, v20;
	v11 =	vld [tilespmem:s12+$0xE0]  }
0x296: {  	[tilespmem:s12+$0x80] =	vst v8;
	v8 =	vmul.f32 v16, v20  }
0x297: {  	[tilespmem:s12+$0x90] =	vst v9;
	v9 =	vmul.f32 v15, v20  }
0x298: {  	[tilespmem:s12+$0xA0] =	vst v8;
	v8 =	vmul.f32 v12, v14  }
0x299: {  	[tilespmem:s12+$0xB0] =	vst v9;
	v9 =	vmul.f32 v10, v14  }
0x29a: {  	[tilespmem:s12+$0xC0] =	vst v8;
	v8 =	vmul.f32 v11, v14  }
0x29b: {  	[tilespmem:s12+$0xD0] =	vst v9  }
0x29c: {  	[tilespmem:s12+$0xE0] =	vst v8  }
0x29d: {  	[spmem:s3] =	stream.indirect.scatter.add.f32 [tilespmem:s25], [sflag:$0x2], $0x40, s0, s26, $0xb8;
	[tilespmem:$0x1DCE0] =	vst v63  }
0x29e: {  	_ =	swait.ge [sflag:s29], $0x1400  }
0x29f: {  	s11 =	smin.u32 s11, $0xF7;
	[sflag:s29] =	ssyncset.done $0x0  }
0x2a0: {  	s9 =	smul.u32 $0x140, s11;
	[sflag:s29] =	ssyncadd.s32 $0xFFFFEC00  }
0x2a1: {  	_ =	swait.ge [sflag:s23], $0x1400  }
0x2a2: {  	s9 =	sshrl.u32 s9, $0x2;
	[sflag:s23] =	ssyncset.done $0x0  }
0x2a3: {  	s8 =	smul.u32 $0x50, s8;
	s9 =	sadd.s32 $0xA0, s9;
	[sflag:s23] =	ssyncadd.s32 $0xFFFFEC00  }
0x2a4: {  	[tilespmem:s25], [sflag:$0x1] =	stream.indirect.gather [hbm4b:s7+s26], $0x40, s9, s26, $0xb8;
	[tilespmem:$0x1DCE0] =	vst v63  }
0x2a5: {  	v8 =	vld [tilespmem:s8+$0x0];
	_ =	sdelay $0x1  }
0x2a6: {  	v10 =	vld [tilespmem:s8+$0x10];
	_ =	sdelay $0x1  }
0x2a7: {  	v11 =	vld [tilespmem:s8+$0x4E20]  }
0x2a8: {  	v12 =	vld [tilespmem:s8+$0x4E30];
	v9 =	vsub.s32 v8, v1  }
0x2a9: {  	v13 =	vld [tilespmem:s8+$0x20];
	v8 =	vand.u32 $0x7, v8;
	v9 =	vand.u32 $0xFFFFFFF8, v9  }
0x2aa: {  	v15 =	vld [tilespmem:s8+$0x40];
	v8 =	vor.u32 v8, v9;
	v9 =	vsub.s32 v10, v1  }
0x2ab: {  	v17 =	vld [tilespmem:s8+$0x4E40];
	v10 =	vand.u32 $0x7, v10;
	v9 =	vand.u32 $0xFFFFFFF8, v9  }
0x2ac: {  	v9 =	vor.u32 v10, v9;
	v10 =	vld [tilespmem:s8+$0x30]  }
0x2ad: {  	v18 =	vld [tilespmem:s8+$0x4E50]  }
0x2ae: {  	v20 =	vld [tilespmem:s8+$0x4E60];
	[tilespmem:$0x13DD0] =	vst v11;
	v16 =	vsub.s32 v13, v1  }
0x2af: {  	v13 =	vand.u32 $0x7, v13;
	v16 =	vand.u32 $0xFFFFFFF8, v16;
	v14 =	vld.idx.msk [tilespmem:v11+s22+$0x0], $0xffff  }
0x2b0: {  	[tilespmem:$0x13DE0] =	vst v12;
	v13 =	vor.u32 v13, v16;
	v8 =	vld.idx.msk [tilespmem:v8+s21+$0x0], $0xffff  }
0x2b1: {  	v19 =	vld.idx.msk [tilespmem:v12+s22+$0x0], $0xffff;
	v16 =	vsub.s32 v10, v1  }
0x2b2: {  	v9 =	vld.idx.msk [tilespmem:v9+s21+$0x0], $0xffff;
	v10 =	vand.u32 $0x7, v10;
	v16 =	vand.u32 $0xFFFFFFF8, v16  }
0x2b3: {  	v11 =	vld.idx.msk [tilespmem:v11+s24+$0x0], $0xffff;
	v10 =	vor.u32 v10, v16;
	v16 =	vsub.s32 v15, v1  }
0x2b4: {  	[tilespmem:$0x13DF0] =	vst v17;
	v12 =	vld.idx.msk [tilespmem:v12+s24+$0x0], $0xffff;
	v15 =	vand.u32 $0x7, v15;
	v16 =	vand.u32 $0xFFFFFFF8, v16  }
0x2b5: {  	v13 =	vld.idx.msk [tilespmem:v13+s21+$0x0], $0xffff;
	v8 =	vadd.f32 v14, v8;
	v15 =	vor.u32 v15, v16  }
0x2b6: {  	[tilespmem:$0x13E00] =	vst v18;
	v14 =	vld.idx.msk [tilespmem:v17+s22+$0x0], $0xffff  }
0x2b7: {  	v16 =	vmul.f32 $2.000000030e-01, v8;
	v9 =	vadd.f32 v19, v9;
	v19 =	vld.idx.msk [tilespmem:v18+s22+$0x0], $0xffff  }
0x2b8: {  	[tilespmem:$0x13E10] =	vst v20;
	vm0 =	vgt.f32 v8, $0.0e+00;
	v10 =	vld.idx.msk [tilespmem:v10+s21+$0x0], $0xffff  }
0x2b9: {  	v21 =	vld.idx.msk [tilespmem:v20+s22+$0x0], $0xffff;
	v8 =	vsel vm0, v8, v16;
	v16 =	vmul.f32 $2.000000030e-01, v9  }
0x2ba: {  	vm12 =	vgt.f32 v9, $0.0e+00;
	v8 =	vmul.f32 $1.442695020e+00, v8;
	v15 =	vld.idx.msk [tilespmem:v15+s21+$0x0], $0xffff  }
0x2bb: {  	v11 =	vadd.f32 $1.000000020e-16, v11;
	v13 =	vadd.f32 v14, v13;
	v9 =	vsel vm12, v9, v16  }
0x2bc: {  	(erf) = vpow2.f32 v8;
	v8 =	vmul.f32 $1.442695020e+00, v9;
	v9 =	vld.idx.msk [tilespmem:v17+s24+$0x0], $0xffff  }
0x2bd: {  	(erf) = vrcp.f32 v11;
	v11 =	vmul.f32 $2.000000030e-01, v13;
	v10 =	vadd.f32 v19, v10  }
0x2be: {  	vm13 =	vgt.f32 v13, $0.0e+00;
	(erf) = vpow2.f32 v8;
	v8 =	vadd.f32 $1.000000020e-16, v12;
	v12 =	vld.idx.msk [tilespmem:v18+s24+$0x0], $0xffff  }
0x2bf: {  	v11 =	vsel vm13, v13, v11;
	v13 =	vmul.f32 $2.000000030e-01, v10;
	v14 =	vadd.f32 v21, v15  }
0x2c0: {  	(erf) = vrcp.f32 v8;
	v8 =	vmul.f32 $1.442695020e+00, v11;
	vm14 =	vgt.f32 v10, $0.0e+00;
	v11 =	vld.idx.msk [tilespmem:v20+s24+$0x0], $0xffff  }
0x2c1: {  	v9 =	vadd.f32 $1.000000020e-16, v9;
	v10 =	vsel vm14, v10, v13;
	v13 =	vmul.f32 $2.000000030e-01, v14  }
0x2c2: {  	(erf) = vpow2.f32 v8;
	vm15 =	vgt.f32 v14, $0.0e+00;
	v8 =	vmul.f32 $1.442695020e+00, v10  }
0x2c3: {  	(erf) = vrcp.f32 v9;
	v9 =	vadd.f32 $1.000000020e-16, v12;
	v10 =	vsel vm15, v14, v13  }
0x2c4: {  	(erf) = vpow2.f32 v8;
	v8 =	vmul.f32 $1.442695020e+00, v10  }
0x2c5: {  	(erf) = vrcp.f32 v9;
	v9 =	vadd.f32 $1.000000020e-16, v11;
	_ =	sdelay $0x2  }
0x2c6: {  	(erf) = vpow2.f32 v8;
	v8 =	vpop (erf)  }
0x2c7: {  	(erf) = vrcp.f32 v9;
	v9 =	vpop (erf)  }
0x2c8: {  	v10 =	vpop (erf)  }
0x2c9: {  	v11 =	vpop (erf)  }
0x2ca: {  	v12 =	vpop (erf)  }
0x2cb: {  	s12 =	simm.s32 $0x0;
	v8 =	vmul.f32 v8, v9;
	v13 =	vpop (erf)  }
0x2cc: {  	v9 =	vmul.f32 v10, v11;
	v14 =	vpop (erf);
	v10 =	vmul.f32 v12, v13;
	v13 =	vmov s12;
	s12 =	simm.s32 $0x4  }
0x2cd: {  	s13 =	simm.s32 $0x1;
	s14 =	simm.s32 $0x2;
	v15 =	vpop (erf);
	v13 =	vshrl.u32 v13, $0x3;
	v17 =	vmov s12  }
0x2ce: {  	v11 =	vmul.f32 v14, v15;
	v14 =	vmov s13;
	v15 =	vmov s14;
	s13 =	simm.s32 $0x5  }
0x2cf: {  	v16 =	vpop (erf);
	v13 =	vshll.u32 v13, v7;
	v17 =	vshrl.u32 v17, $0x3;
	v18 =	vmov s13  }
0x2d0: {  	s11 =	simm.s32 $0x3;
	v12 =	vpop (erf);
	v14 =	vshrl.u32 v14, $0x3;
	v15 =	vshrl.u32 v15, $0x3;
	v13 =	vbroadcast v13, $0x0  }
0x2d1: {  	v17 =	vshll.u32 v17, v7;
	v12 =	vmul.f32 v16, v12;
	v16 =	vmov s11  }
0x2d2: {  	[tilespmem:$0x13D30] =	vst v8;
	v18 =	vshrl.u32 v18, $0x3;
	v14 =	vshll.u32 v14, v7;
	v15 =	vshll.u32 v15, v7  }
0x2d3: {  	[tilespmem:$0x13D50] =	vst v10;
	v10 =	vadd.s32 $0x4, v17;
	v16 =	vshrl.u32 v16, $0x3;
	v14 =	vadd.s32 $0x1, v14  }
0x2d4: {  	[tilespmem:$0x13D40] =	vst v9;
	s11 =	simm.s32 $0x7;
	v15 =	vadd.s32 $0x2, v15;
	v16 =	vshll.u32 v16, v7;
	v14 =	vbroadcast v14, $0x0  }
0x2d5: {  	[tilespmem:$0x13D60] =	vst v11;
	v17 =	vmov s11;
	v15 =	vbroadcast v15, $0x0;
	v16 =	vadd.s32 $0x3, v16  }
0x2d6: {  	s8 =	simm.s32 $0x12A30;
	v8 =	vshll.u32 v18, v7;
	v11 =	vshrl.u32 v17, $0x3;
	[tilespmem:$0x13D70] =	vst v12;
	v16 =	vbroadcast v16, $0x0  }
0x2d7: {  	v10 =	vbroadcast v10, $0x0;
	v8 =	vadd.s32 $0x5, v8;
	v11 =	vshll.u32 v11, v7;
	v17 =	vld [tilespmem:s8+$0xFFFFFF00]  }
0x2d8: {  	v8 =	vbroadcast v8, $0x0;
	v18 =	vld [tilespmem:s8+$0xFFFFFF10];
	v11 =	vadd.s32 $0x7, v11  }
0x2d9: {  	v12 =	vld.idx.msk [tilespmem:v13+s31+$0x0], $0xffff;
	v11 =	vbroadcast v11, $0x0  }
0x2da: {  	v13 =	vld.idx.msk [tilespmem:v14+s31+$0x0], $0xffff  }
0x2db: {  	s14 =	simm.s32 $0x6;
	v14 =	vld.idx.msk [tilespmem:v15+s31+$0x0], $0xffff  }
0x2dc: {  	v19 =	vmov s14;
	v15 =	vld.idx.msk [tilespmem:v16+s31+$0x0], $0xffff  }
0x2dd: {  	v19 =	vshrl.u32 v19, $0x3;
	v16 =	vld.idx.msk [tilespmem:v10+s31+$0x0], $0xffff  }
0x2de: {  	v9 =	vshll.u32 v19, v7;
	v10 =	vld.idx.msk [tilespmem:v8+s31+$0x0], $0xffff  }
0x2df: {  	v9 =	vadd.s32 $0x6, v9;
	v8 =	vld.idx.msk [tilespmem:v11+s31+$0x0], $0xffff  }
0x2e0: {  	v9 =	vbroadcast v9, $0x0;
	v11 =	vld [tilespmem:s8+$0xF0]  }
0x2e1: {  	v19 =	vld [tilespmem:s8+$0xFFFFFF20]  }
0x2e2: {  	v20 =	vld [tilespmem:s8+$0xFFFFFF30]  }
0x2e3: {  	v21 =	vld [tilespmem:s8+$0xFFFFFF40]  }
0x2e4: {  	v22 =	vld [tilespmem:s8+$0xFFFFFF50];
	v17 =	vmul.f32 v17, v12  }
0x2e5: {  	v23 =	vld [tilespmem:s8+$0xFFFFFF60];
	v11 =	vmul.f32 v11, v8  }
0x2e6: {  	v9 =	vld.idx.msk [tilespmem:v9+s31+$0x0], $0xffff;
	v18 =	vmul.f32 v18, v12;
	[tilespmem:s8+$0xFFFFFF00] =	vst v17  }
0x2e7: {  	v17 =	vld [tilespmem:s8+$0xFFFFFF70];
	[tilespmem:s8+$0xF0] =	vst v11;
	v11 =	vmul.f32 v19, v12  }
0x2e8: {  	[tilespmem:s8+$0xFFFFFF10] =	vst v18;
	v18 =	vld [tilespmem:s8+$0xFFFFFF80];
	v12 =	vmul.f32 v20, v12  }
0x2e9: {  	v19 =	vld [tilespmem:s8+$0xFFFFFF90];
	[tilespmem:s8+$0xFFFFFF20] =	vst v11;
	v11 =	vmul.f32 v21, v13  }
0x2ea: {  	v20 =	vld [tilespmem:s8+$0xFFFFFFA0];
	[tilespmem:s8+$0xFFFFFF30] =	vst v12;
	v12 =	vmul.f32 v22, v13  }
0x2eb: {  	v21 =	vld [tilespmem:s8+$0xFFFFFFB0];
	[tilespmem:s8+$0xFFFFFF40] =	vst v11;
	v11 =	vmul.f32 v23, v13  }
0x2ec: {  	s12 =	simm.s32 $0x8;
	s11 =	simm.s32 $0xB;
	[tilespmem:s8+$0xFFFFFF50] =	vst v12;
	v12 =	vmul.f32 v17, v13;
	v13 =	vld [tilespmem:s8+$0xFFFFFFC0]  }
0x2ed: {  	v24 =	vmov s11;
	v22 =	vmov s12;
	s12 =	simm.s32 $0xC;
	[tilespmem:s8+$0xFFFFFF60] =	vst v11;
	v11 =	vmul.f32 v18, v14;
	v18 =	vld [tilespmem:s8+$0xFFFFFFD0]  }
0x2ee: {  	s13 =	simm.s32 $0x9;
	s14 =	simm.s32 $0xA;
	v25 =	vmov s12;
	v17 =	vshrl.u32 v22, $0x3;
	[tilespmem:s8+$0xFFFFFF70] =	vst v12;
	v12 =	vmul.f32 v19, v14;
	v19 =	vld [tilespmem:s8+$0xFFFFFFE0]  }
0x2ef: {  	v22 =	vmov s13;
	v23 =	vmov s14;
	s13 =	simm.s32 $0xD;
	[tilespmem:s8+$0xFFFFFF80] =	vst v11;
	v11 =	vmul.f32 v20, v14;
	v20 =	vld [tilespmem:s8+$0xFFFFFFF0]  }
0x2f0: {  	s14 =	simm.s32 $0xE;
	v25 =	vshrl.u32 v25, $0x3;
	v26 =	vmov s13;
	[tilespmem:s8+$0xFFFFFF90] =	vst v12;
	v12 =	vmul.f32 v21, v14;
	v14 =	vld [tilespmem:s8+$0x0]  }
0x2f1: {  	v27 =	vmov s14;
	v21 =	vshrl.u32 v22, $0x3;
	[tilespmem:s8+$0xFFFFFFA0] =	vst v11;
	v11 =	vmul.f32 v13, v15;
	v13 =	vld [tilespmem:s8+$0x10]  }
0x2f2: {  	v22 =	vshrl.u32 v23, $0x3;
	v23 =	vshrl.u32 v24, $0x3;
	v24 =	vld [tilespmem:s8+$0x20];
	[tilespmem:s8+$0xFFFFFFB0] =	vst v12;
	v18 =	vmul.f32 v18, v15  }
0x2f3: {  	v17 =	vshll.u32 v17, v7;
	v26 =	vshrl.u32 v26, $0x3;
	[tilespmem:s8+$0xFFFFFFC0] =	vst v11;
	v11 =	vmul.f32 v19, v15;
	v19 =	vld [tilespmem:s8+$0x30]  }
0x2f4: {  	v25 =	vshll.u32 v25, v7;
	v26 =	vshll.u32 v26, v7;
	[tilespmem:s8+$0xFFFFFFD0] =	vst v18;
	v15 =	vmul.f32 v20, v15;
	v18 =	vld [tilespmem:s8+$0x40]  }
0x2f5: {  	v20 =	vshll.u32 v21, v7;
	v21 =	vshll.u32 v22, v7;
	v22 =	vld [tilespmem:s8+$0x50];
	[tilespmem:s8+$0xFFFFFFE0] =	vst v11;
	v11 =	vmul.f32 v14, v16  }
0x2f6: {  	v12 =	vbroadcast v17, $0x0;
	v17 =	vshrl.u32 v27, $0x3;
	v27 =	vld [tilespmem:s8+$0x60];
	[tilespmem:s8+$0xFFFFFFF0] =	vst v15;
	v15 =	vmul.f32 v13, v16  }
0x2f7: {  	v17 =	vshll.u32 v17, v7;
	v24 =	vmul.f32 v24, v16;
	v14 =	vshll.u32 v23, v7;
	v13 =	vld [tilespmem:s8+$0x70];
	[tilespmem:s8+$0x0] =	vst v11  }
0x2f8: {  	v20 =	vadd.s32 $0x1, v20;
	v21 =	vadd.s32 $0x2, v21;
	v11 =	vld [tilespmem:s8+$0x80];
	[tilespmem:s8+$0x10] =	vst v15;
	v15 =	vmul.f32 v19, v16  }
0x2f9: {  	v23 =	vadd.s32 $0x3, v14;
	[tilespmem:s8+$0x20] =	vst v24;
	v14 =	vld [tilespmem:s8+$0x90];
	v19 =	vadd.s32 $0x4, v25;
	v24 =	vmul.f32 v18, v10  }
0x2fa: {  	v16 =	vbroadcast v20, $0x0;
	v20 =	vadd.s32 $0x5, v26;
	v22 =	vmul.f32 v22, v10;
	[tilespmem:s8+$0x30] =	vst v15;
	v15 =	vld [tilespmem:s8+$0xA0]  }
0x2fb: {  	s9 =	simm.s32 $0x10;
	s11 =	simm.s32 $0xF;
	v18 =	vbroadcast v21, $0x0;
	v21 =	vadd.s32 $0x6, v17;
	v17 =	vld [tilespmem:s8+$0xB0];
	[tilespmem:s8+$0x40] =	vst v24;
	v24 =	vmul.f32 v27, v10  }
.LBB2_17:
0x2fc: {  	p0 =	slt.u32 s9, $0x48;
	v23 =	vbroadcast v23, $0x0;
	v25 =	vmov s11;
	[tilespmem:s8+$0x50] =	vst v22;
	v10 =	vmul.f32 v13, v10;
	v13 =	vld [tilespmem:s8+$0xC0]  }
0x2fd: {  	v19 =	vbroadcast v19, $0x0;
	v22 =	vshrl.u32 v25, $0x3;
	[tilespmem:s8+$0x60] =	vst v24;
	v11 =	vmul.f32 v11, v9;
	v24 =	vld [tilespmem:s8+$0xD0]  }
0x2fe: {  	v20 =	vbroadcast v20, $0x0;
	v22 =	vshll.u32 v22, v7;
	[tilespmem:s8+$0x70] =	vst v10;
	v10 =	vmul.f32 v14, v9;
	v14 =	vld [tilespmem:s8+$0xE0]  }
0x2ff: {  	v21 =	vbroadcast v21, $0x0;
	v12 =	vld.idx.msk [tilespmem:v12+s31+$0x0], $0xffff;
	v22 =	vadd.s32 $0x7, v22;
	[tilespmem:s8+$0x80] =	vst v11;
	v11 =	vmul.f32 v15, v9  }
0x300: {  	v15 =	vld.idx.msk [tilespmem:v16+s31+$0x0], $0xffff;
	v16 =	vbroadcast v22, $0x0;
	[tilespmem:s8+$0x90] =	vst v10;
	v9 =	vmul.f32 v17, v9  }
0x301: {  	v17 =	vld.idx.msk [tilespmem:v18+s31+$0x0], $0xffff;
	[tilespmem:s8+$0xA0] =	vst v11;
	v10 =	vmul.f32 v13, v8  }
0x302: {  	v13 =	vld.idx.msk [tilespmem:v23+s31+$0x0], $0xffff;
	[tilespmem:s8+$0xB0] =	vst v9;
	v9 =	vmul.f32 v24, v8  }
0x303: {  	v11 =	vld.idx.msk [tilespmem:v19+s31+$0x0], $0xffff;
	[tilespmem:s8+$0xC0] =	vst v10;
	v8 =	vmul.f32 v14, v8  }
0x304: {  	v10 =	vld.idx.msk [tilespmem:v20+s31+$0x0], $0xffff;
	[tilespmem:s8+$0xD0] =	vst v9  }
0x305: {  	v9 =	vld.idx.msk [tilespmem:v21+s31+$0x0], $0xffff;
	[tilespmem:s8+$0xE0] =	vst v8  }
0x306: {  	s8 =	sadd.s32 $0x200, s8;
	v8 =	vld.idx.msk [tilespmem:v16+s31+$0x0], $0xffff  }
0x307: {  	v14 =	vld [tilespmem:s8+$0xF0]  }
0x308: {  	v16 =	vld [tilespmem:s8+$0xFFFFFF00]  }
0x309: {  	v18 =	vld [tilespmem:s8+$0xFFFFFF10]  }
0x30a: {  	v19 =	vld [tilespmem:s8+$0xFFFFFF20]  }
0x30b: {  	v20 =	vld [tilespmem:s8+$0xFFFFFF30]  }
0x30c: {  	v21 =	vld [tilespmem:s8+$0xFFFFFF40];
	v14 =	vmul.f32 v14, v8  }
0x30d: {  	v16 =	vmul.f32 v16, v12;
	v22 =	vld [tilespmem:s8+$0xFFFFFF50]  }
0x30e: {  	v18 =	vmul.f32 v18, v12;
	v23 =	vld [tilespmem:s8+$0xFFFFFF60];
	[tilespmem:s8+$0xF0] =	vst v14  }
0x30f: {  	[tilespmem:s8+$0xFFFFFF00] =	vst v16;
	v14 =	vmul.f32 v19, v12;
	v16 =	vld [tilespmem:s8+$0xFFFFFF70]  }
0x310: {  	[tilespmem:s8+$0xFFFFFF10] =	vst v18;
	v12 =	vmul.f32 v20, v12;
	v18 =	vld [tilespmem:s8+$0xFFFFFF80]  }
0x311: {  	[tilespmem:s8+$0xFFFFFF20] =	vst v14;
	v14 =	vmul.f32 v21, v15;
	v19 =	vld [tilespmem:s8+$0xFFFFFF90]  }
0x312: {  	[tilespmem:s8+$0xFFFFFF30] =	vst v12;
	v12 =	vmul.f32 v22, v15;
	v20 =	vld [tilespmem:s8+$0xFFFFFFA0]  }
0x313: {  	[tilespmem:s8+$0xFFFFFF40] =	vst v14;
	v14 =	vmul.f32 v23, v15;
	v21 =	vld [tilespmem:s8+$0xFFFFFFB0]  }
0x314: {  	v22 =	vmov s9;
	[tilespmem:s8+$0xFFFFFF50] =	vst v12;
	v12 =	vmul.f32 v16, v15;
	v15 =	vld [tilespmem:s8+$0xFFFFFFC0]  }
0x315: {  	s11 =	sadd.s32 $0x1, s9;
	s12 =	sadd.s32 $0x2, s9;
	v16 =	vshrl.u32 v22, $0x3;
	[tilespmem:s8+$0xFFFFFF60] =	vst v14;
	v14 =	vmul.f32 v18, v17;
	v18 =	vld [tilespmem:s8+$0xFFFFFFD0]  }
0x316: {  	v23 =	vmov s12;
	s12 =	sadd.s32 $0x4, s9;
	v22 =	vmov s11;
	s11 =	sadd.s32 $0x3, s9;
	[tilespmem:s8+$0xFFFFFF70] =	vst v12;
	v12 =	vmul.f32 v19, v17;
	v19 =	vld [tilespmem:s8+$0xFFFFFFE0]  }
0x317: {  	v25 =	vmov s12;
	s12 =	sadd.s32 $0x6, s9;
	v24 =	vmov s11;
	s11 =	sadd.s32 $0x5, s9;
	[tilespmem:s8+$0xFFFFFF80] =	vst v14;
	v14 =	vmul.f32 v20, v17;
	v20 =	vld [tilespmem:s8+$0xFFFFFFF0]  }
0x318: {  	v27 =	vmov s12;
	v26 =	vmov s11;
	[tilespmem:s8+$0xFFFFFF90] =	vst v12;
	v12 =	vmul.f32 v21, v17;
	v17 =	vld [tilespmem:s8+$0x0]  }
0x319: {  	v16 =	vshll.u32 v16, v7;
	v21 =	vshrl.u32 v22, $0x3;
	[tilespmem:s8+$0xFFFFFFA0] =	vst v14;
	v14 =	vmul.f32 v15, v13;
	v15 =	vld [tilespmem:s8+$0x10]  }
0x31a: {  	v22 =	vshrl.u32 v23, $0x3;
	v23 =	vshrl.u32 v24, $0x3;
	[tilespmem:s8+$0xFFFFFFB0] =	vst v12;
	v18 =	vmul.f32 v18, v13;
	v24 =	vld [tilespmem:s8+$0x20]  }
0x31b: {  	v25 =	vshrl.u32 v25, $0x3;
	v26 =	vshrl.u32 v26, $0x3;
	[tilespmem:s8+$0xFFFFFFC0] =	vst v14;
	v14 =	vmul.f32 v19, v13;
	v19 =	vld [tilespmem:s8+$0x30]  }
0x31c: {  	v12 =	vbroadcast v16, $0x0;
	v16 =	vshrl.u32 v27, $0x3;
	[tilespmem:s8+$0xFFFFFFD0] =	vst v18;
	v13 =	vmul.f32 v20, v13;
	v18 =	vld [tilespmem:s8+$0x40]  }
0x31d: {  	v20 =	vshll.u32 v21, v7;
	v21 =	vshll.u32 v22, v7;
	[tilespmem:s8+$0xFFFFFFE0] =	vst v14;
	v14 =	vmul.f32 v17, v11;
	v17 =	vld [tilespmem:s8+$0x50]  }
0x31e: {  	v25 =	vshll.u32 v25, v7;
	v22 =	vshll.u32 v23, v7;
	[tilespmem:s8+$0xFFFFFFF0] =	vst v13;
	v15 =	vmul.f32 v15, v11;
	v27 =	vld [tilespmem:s8+$0x60]  }
.Ltmp7:
0x31f: {  	v26 =	vshll.u32 v26, v7;
	v28 =	vshll.u32 v16, v7;
	[tilespmem:s8+$0x0] =	vst v14;
	v14 =	vmul.f32 v24, v11;
	v13 =	vld [tilespmem:s8+$0x70];
	(pc) =	sbr.rel @p0 .LBB2_17-.Ltmp7, $4  }
0x320: {  	v16 =	vadd.s32 $0x1, v20;
	v21 =	vadd.s32 $0x2, v21;
	[tilespmem:s8+$0x10] =	vst v15;
	v15 =	vmul.f32 v19, v11;
	v11 =	vld [tilespmem:s8+$0x80]  }
0x321: {  	v23 =	vadd.s32 $0x3, v22;
	v19 =	vadd.s32 $0x4, v25;
	[tilespmem:s8+$0x20] =	vst v14;
	v24 =	vmul.f32 v18, v10;
	v14 =	vld [tilespmem:s8+$0x90]  }
0x322: {  	v20 =	vadd.s32 $0x5, v26;
	v16 =	vbroadcast v16, $0x0;
	[tilespmem:s8+$0x30] =	vst v15;
	v22 =	vmul.f32 v17, v10;
	v15 =	vld [tilespmem:s8+$0xA0]  }
0x323: {  	s11 =	sadd.s32 $0x7, s9;
	s9 =	sadd.s32 $0x8, s9;
	v18 =	vbroadcast v21, $0x0;
	v21 =	vadd.s32 $0x6, v28;
	[tilespmem:s8+$0x40] =	vst v24;
	v24 =	vmul.f32 v27, v10;
	v17 =	vld [tilespmem:s8+$0xB0]  }
0x324: {  	_ = 	snop  }
0x325: {  	v26 =	vld [tilespmem:s8+$0xC0]  }
0x326: {  	v27 =	vld [tilespmem:s8+$0xD0]  }
0x327: {  	v28 =	vld [tilespmem:s8+$0xE0]  }
0x328: {  	v12 =	vld.idx.msk [tilespmem:v12+s31+$0x0], $0xffff  }
0x329: {  	v16 =	vld.idx.msk [tilespmem:v16+s31+$0x0], $0xffff  }
0x32a: {  	s9 =	sadd.s32 $0x200, s8;
	v18 =	vld.idx.msk [tilespmem:v18+s31+$0x0], $0xffff  }
0x32b: {  	v58 =	vld [tilespmem:s9+$0xF0]  }
0x32c: {  	v60 =	vld [tilespmem:s9+$0xFFFFFF00]  }
0x32d: {  	v62 =	vld [tilespmem:s9+$0xFFFFFF10]  }
0x32e: {  	v10 =	vmul.f32 v13, v10;
	[tilespmem:s8+$0x60] =	vst v24;
	v24 =	vld [tilespmem:s9+$0xFFFFFF20]  }
0x32f: {  	[tilespmem:s8+$0x50] =	vst v22;
	v11 =	vmul.f32 v11, v9;
	v29 =	vld [tilespmem:s9+$0xFFFFFF70]  }
0x330: {  	v30 =	vld [tilespmem:s9+$0xFFFFFF80];
	[tilespmem:s8+$0x70] =	vst v10;
	v56 =	vmul.f32 v14, v9  }
0x331: {  	v31 =	vld [tilespmem:s9+$0xFFFFFF90];
	[tilespmem:s8+$0x80] =	vst v11;
	v57 =	vmul.f32 v15, v9  }
0x332: {  	v32 =	vld [tilespmem:s9+$0xFFFFFFA0];
	[tilespmem:s8+$0x90] =	vst v56;
	v59 =	vmul.f32 v17, v9  }
0x333: {  	v33 =	vld [tilespmem:s9+$0xFFFFFFB0];
	[tilespmem:s8+$0xA0] =	vst v57;
	v61 =	vmul.f32 v26, v8  }
0x334: {  	v35 =	vld [tilespmem:s9+$0xFFFFFFC0];
	v63 =	vmul.f32 v27, v8;
	[tilespmem:s8+$0xB0] =	vst v59  }
0x335: {  	v23 =	vbroadcast v23, $0x0;
	v36 =	vld [tilespmem:s9+$0xFFFFFFD0];
	v8 =	vmul.f32 v28, v8;
	[tilespmem:s8+$0xC0] =	vst v61  }
0x336: {  	v26 =	vld [tilespmem:s9+$0xFFFFFF40];
	v17 =	vmul.f32 v62, v12;
	[tilespmem:s8+$0xD0] =	vst v63  }
0x337: {  	v37 =	vld [tilespmem:s9+$0xFFFFFFE0];
	[tilespmem:s8+$0xE0] =	vst v8;
	v8 =	vmul.f32 v60, v12  }
0x338: {  	v28 =	vld [tilespmem:s9+$0xFFFFFF60];
	v34 =	vmul.f32 v29, v16;
	[tilespmem:s9+$0xFFFFFF10] =	vst v17  }
0x339: {  	v19 =	vbroadcast v19, $0x0;
	v27 =	vld [tilespmem:s9+$0xFFFFFF50];
	[tilespmem:s9+$0xFFFFFF00] =	vst v8;
	v8 =	vmul.f32 v24, v12  }
0x33a: {  	v38 =	vld [tilespmem:s9+$0xFFFFFFF0];
	v9 =	vmul.f32 v31, v18;
	[tilespmem:s9+$0xFFFFFF70] =	vst v34  }
0x33b: {  	v23 =	vld.idx.msk [tilespmem:v23+s31+$0x0], $0xffff;
	[tilespmem:s9+$0xFFFFFF20] =	vst v8;
	v8 =	vmul.f32 v26, v16  }
0x33c: {  	v40 =	vld [tilespmem:s9+$0x0];
	v39 =	vmul.f32 v33, v18;
	[tilespmem:s9+$0xFFFFFF90] =	vst v9  }
0x33d: {  	v20 =	vbroadcast v20, $0x0;
	v41 =	vld [tilespmem:s9+$0x10];
	[tilespmem:s9+$0xFFFFFF40] =	vst v8;
	v8 =	vmul.f32 v28, v16  }
0x33e: {  	v43 =	vld [tilespmem:s9+$0x20];
	[tilespmem:s9+$0xFFFFFFB0] =	vst v39;
	v10 =	vmul.f32 v27, v16  }
0x33f: {  	v25 =	vmov s11;
	v19 =	vld.idx.msk [tilespmem:v19+s31+$0x0], $0xffff;
	[tilespmem:s9+$0xFFFFFF60] =	vst v8;
	v8 =	vmul.f32 v30, v18  }
0x340: {  	v25 =	vshrl.u32 v25, $0x3;
	v44 =	vld [tilespmem:s9+$0x30];
	v42 =	vmul.f32 v36, v23;
	[tilespmem:s9+$0xFFFFFF50] =	vst v10  }
0x341: {  	v21 =	vbroadcast v21, $0x0;
	v46 =	vld [tilespmem:s9+$0x40];
	v25 =	vshll.u32 v25, v7;
	[tilespmem:s9+$0xFFFFFF80] =	vst v8;
	v8 =	vmul.f32 v32, v18  }
0x342: {  	v47 =	vld [tilespmem:s9+$0x50];
	v25 =	vadd.s32 $0x7, v25;
	v45 =	vmul.f32 v38, v23;
	[tilespmem:s9+$0xFFFFFFD0] =	vst v42  }
0x343: {  	v25 =	vbroadcast v25, $0x0;
	v13 =	vld.idx.msk [tilespmem:v20+s31+$0x0], $0xffff;
	[tilespmem:s9+$0xFFFFFFA0] =	vst v8;
	v8 =	vmul.f32 v35, v23  }
0x344: {  	v49 =	vld [tilespmem:s9+$0x60];
	v48 =	vmul.f32 v41, v19;
	[tilespmem:s9+$0xFFFFFFF0] =	vst v45  }
0x345: {  	v50 =	vld [tilespmem:s9+$0x70];
	[tilespmem:s9+$0xFFFFFFC0] =	vst v8;
	v8 =	vmul.f32 v37, v23  }
0x346: {  	v53 =	vld [tilespmem:s9+$0x90];
	v51 =	vmul.f32 v44, v19;
	[tilespmem:s9+$0x10] =	vst v48  }
0x347: {  	v20 =	vld.idx.msk [tilespmem:v21+s31+$0x0], $0xffff;
	[tilespmem:s9+$0xFFFFFFE0] =	vst v8;
	v8 =	vmul.f32 v40, v19  }
0x348: {  	v56 =	vld [tilespmem:s9+$0xB0];
	v54 =	vmul.f32 v47, v13;
	[tilespmem:s9+$0x30] =	vst v51  }
0x349: {  	v14 =	vld.idx.msk [tilespmem:v25+s31+$0x0], $0xffff;
	[tilespmem:s9+$0x0] =	vst v8;
	v8 =	vmul.f32 v43, v19  }
0x34a: {  	v52 =	vld [tilespmem:s9+$0x80];
	v57 =	vmul.f32 v50, v13;
	[tilespmem:s9+$0x50] =	vst v54  }
0x34b: {  	[tilespmem:s9+$0x20] =	vst v8;
	v8 =	vmul.f32 v46, v13  }
0x34c: {  	v55 =	vld [tilespmem:s9+$0xA0];
	v60 =	vmul.f32 v53, v20;
	[tilespmem:s9+$0x70] =	vst v57  }
0x34d: {  	v25 =	vld [tilespmem:s9+$0xFFFFFF30];
	[tilespmem:s9+$0x40] =	vst v8;
	v8 =	vmul.f32 v49, v13  }
0x34e: {  	v62 =	vmul.f32 v56, v20;
	[tilespmem:s9+$0x90] =	vst v60;
	v15 =	vmul.f32 v58, v14;
	v58 =	vld [tilespmem:s9+$0xC0]  }
0x34f: {  	v59 =	vld [tilespmem:s9+$0xD0];
	[tilespmem:s9+$0x60] =	vst v8;
	v8 =	vmul.f32 v52, v20  }
0x350: {  	v61 =	vld [tilespmem:s9+$0xE0];
	[tilespmem:s9+$0xB0] =	vst v62  }
0x351: {  	[tilespmem:s9+$0x80] =	vst v8;
	v8 =	vmul.f32 v55, v20  }
0x352: {  	v11 =	vmul.f32 v25, v12;
	[tilespmem:s9+$0xF0] =	vst v15  }
0x353: {  	[tilespmem:s9+$0xA0] =	vst v8;
	v8 =	vmul.f32 v58, v14  }
0x354: {  	v63 =	vmul.f32 v59, v14;
	[tilespmem:s9+$0xFFFFFF30] =	vst v11  }
0x355: {  	[tilespmem:s9+$0xC0] =	vst v8;
	v8 =	vmul.f32 v61, v14  }
0x356: {  	[tilespmem:s9+$0xD0] =	vst v63  }
0x357: {  	s6 =	sadd.s32 $0x1, s6;
	[tilespmem:s9+$0xE0] =	vst v8  }
0x358: {  	[spmem:s3] =	stream.indirect.scatter.add.f32 [tilespmem:s30], [sflag:$0x3], $0x40, s28, s26, $0xb8;
	[tilespmem:$0x1DCE0] =	vst v63  }
0x359: {  	p0 =	sne.s32 s6, $0x7D;
	_ =	swait.ge [sflag:s29], $0x1400  }
.Ltmp8:
0x35a: {  	[sflag:s29] =	ssyncset.done $0x0;
	(pc) =	sbr.rel @p0 .LBB2_14-.Ltmp8, $4  }
0x35b: {  	[sflag:s29] =	ssyncadd.s32 $0xFFFFEC00  }
0x35c: {  	_ =	swait.ge [sflag:s1], $0x1400  }
0x35d: {  	[sflag:s1] =	ssyncset.done $0x0  }
0x35e: {  	[sflag:s1] =	ssyncadd.s32 $0xFFFFEC00  }
0x35f: {  	s5 =	stileid.u32;
	s2 =	sadd.s32 $0x1, s2  }
0x360: {  	[bflag:$0x0] =	sbarrier.arrive $0xFFFF;
	s5 =	sshll.u32 s5, $0x6;
	p0 =	sne.s32 s2, s19  }
.Ltmp9:
0x361: {  	s6 =	sshrl.u32 s10, $0x3;
	s5 =	sor.u32 $0x1C04, s5;
	(pc) =	sbr.rel @p0 .LBB2_1-.Ltmp9, $4  }
0x362: {  	[hbm:s18], [sflag:s5] =	dma.local [spmem:s6], $0x1388  }
0x363: {  	_ =	swait.ge [sflag:s20], $0x1388  }
0x364: {  	[sflag:s20] =	ssyncset.done $0x0  }
0x365: {  	[sflag:s20] =	ssyncadd.s32 $0xFFFFEC78  }
0x366: {  	_ =	sfence.sel $0x180000  }
0x367: {  	[bflag:$0x0] =	sbarrier.arrive $0xFFFF  }
0x368: {  	_ =	strace $0x9000004A  }
0x369: {  	s0 =	stileid.u32;
	[bflag:$0x2] =	sbarrier.arrive $0xFFFF  }
0x36a: {  	p0 =	sne.s32 s0, $0x0;
	s0 =	rddreg [dreg:$0x3]  }
0x36b: {  	s0 =	sadd.s32 @!p0 $0x100000, s0  }
0x36c: {  	[sflag:s0] =	ssyncadd.tile.s32 @!p0 $0x1;
	_ =	shalt  }
.Lfunc_end2:
_tile_overlayer_lowered:
.L_overlay_start_2:
0x36d: {  	(tag) =	ssettag $0x2  }
0x36e: {  	s0 =	rddreg [dreg:$0x0];
	s2 =	stileid.u32  }
0x36f: {  	s1 =	rddreg [dreg:$0x1];
	p0 =	sne.s32 s2, $0x0  }
0x370: {  	s3 =	rddreg [dreg:$0x2];
	[bflag:$0x3] =	sbarrier.arrive $0xFFFF;
	s2 =	simm.s32 @!p0 $0x1C04  }
0x371: {  	[timem:s3], [sflag:s2] =	dma.local @!p0 [hbm:s0], s1  }
0x372: {  	s0 =	simm.s32 @!p0 $0x4  }
0x373: {  	_ =	swait.ge @!p0 [sflag:s0], s1  }
0x374: {  	s1 =	ssub.s32 @!p0 $0x0, s1;
	[sflag:s0] =	ssyncset.done @!p0 $0x0  }
0x375: {  	[sflag:s0] =	ssyncadd.s32 @!p0 s1  }
0x376: {  	[bflag:$0x3] =	sbarrier.arrive $0xFFFF  }
0x377: {  	_ =	shalt  }

// kernel: kernel.7.cloned.1.call-start
scs
__scs_entry_jumppad:
0x0: {  	(pc) =	sbr.rel $0x88, $3  }
0x1: {  	(tag) =	ssettag $0x0;
	lr =	simm.s32 $0x1  }
0x2: {  	[smem:$0x3F96] =	sst lr;
	_ =	strace $0xD0000000  }
0x3: {  	_ = 	snop  }
0x4: {  	_ = 	snop  }
0x5: {  	_ = 	snop  }
0x6: {  	_ = 	snop  }
0x7: {  	_ = 	snop  }
__scs_overlays_trampoline_lowered:
0x8: {  	[smem:$0x3FA5] =	sst s0  }
0x9: {  	[smem:$0x3FA6] =	sst s1  }
0xa: {  	[smem:$0x3FA7] =	sst s2  }
0xb: {  	[smem:$0x3FA8] =	sst s3  }
0xc: {  	[smem:$0x3FA9] =	sst s4  }
0xd: {  	[smem:$0x3FAA] =	sst s5  }
0xe: {  	[smem:$0x3FAB] =	sst s6  }
0xf: {  	[smem:$0x3FAC] =	sst s7  }
0x10: {  	[smem:$0x3FAD] =	sst s8  }
0x11: {  	[smem:$0x3FAE] =	sst s9;
	s0 =	simm.s32 @!p0 $0x0  }
0x12: {  	s1 =	sld [smem:$0x3F94];
	s0 =	simm.s32 @p0 $0x1  }
0x13: {  	[smem:$0x3FAF] =	sst s0;
	s0 =	simm.s32 @!p1 $0x0  }
0x14: {  	s2 =	sld [smem:$0x3F93];
	s0 =	simm.s32 @p1 $0x1  }
0x15: {  	[smem:$0x3FB0] =	sst s0;
	s0 =	simm.s32 @!p2 $0x0  }
0x16: {  	s3 =	sld [smem:$0x3FDB];
	s0 =	simm.s32 @p2 $0x1  }
0x17: {  	s4 =	simm.s32 $0x1BF5;
	[smem:$0x3FB2] =	sst s0  }
0x18: {  	s0 =	sld [smem:$0x3F95];
	_ =	swait.ge [sflag:s4], $0x0  }
0x19: {  	s7 =	sld [smem:$0x3F96]  }
0x1a: {  	s8 =	sadd.s32 $0xFFFFE003, lr  }
0x1b: {  	s9 =	sadd.s32 $0xFFFFFEF7, lr;
	s5 =	simm.s32 $0xFFFFFFFF;
	p2 =	slt.u32 s8, $0xFFFFF086  }
0x1c: {  	p1 =	slt.u32 s9, $0xF7A;
	s5 =	simm.s32 @!p2 $0x0  }
0x1d: {  	s5 =	simm.s32 @p1 $0x1;
	p0 =	seq.s32 s7, s2  }
0x1e: {  	s7 =	smul.u32 @!p0 $0xF7A, s2;
	p2 =	seq.s32 @!p0 s5, $0x0  }
0x1f: {  	s9 =	smul.u32 $0xF7A, s1;
	s8 =	simm.s32 @!p0 $0x1BF5;
	p2 =	por !p2, p0  }
0x20: {  	[sflag:s8] =	ssyncset.s32 @!p0 $0xFFFFF086;
	s6 =	sadd.s32 @!p0 s3, s7;
	s7 =	simm.s32 @!p0 $0x108  }
0x21: {  	s3 =	sadd.s32 s3, s9;
	s6 =	sadd.s32 @!p0 $0x88, s6;
	s7 =	simm.s32 @p2 $0x1082  }
0x22: {  	[simem:s7], [sflag:s8] =	dma.local @!p0 [hbm:s6], $0xF7A  }
0x23: {  	s9 =	sor.u32 $0xD0000000, s2;
	s6 =	simm.s32 $0x108;
	_ =	swait.ge @!p0 [sflag:s8], $0x0  }
0x24: {  	s3 =	sadd.s32 $0x88, s3;
	s6 =	simm.s32 @!p1 $0x1082;
	[sflag:s4] =	ssyncset.s32 $0xFFFFF086  }
0x25: {  	[simem:s6], [sflag:s4] =	dma.local [hbm:s3], $0xF7A  }
0x26: {  	[smem:$0x3F96] =	sst s1;
	(tag) =	ssettag s2;
	_ =	strace s9  }
0x27: {  	s1 =	sld [smem:$0x3FA6]  }
0x28: {  	s2 =	sld [smem:$0x3FA7]  }
0x29: {  	s4 =	sld [smem:$0x3FA9]  }
0x2a: {  	p0 =	seq.s32 s5, $0x0;
	s5 =	sld [smem:$0x3FAA]  }
0x2b: {  	s6 =	sld [smem:$0x3FAB]  }
0x2c: {  	s7 =	sld [smem:$0x3FAC]  }
0x2d: {  	s3 =	simm.s32 $0x108;
	s8 =	sld [smem:$0x3FAD]  }
0x2e: {  	s3 =	simm.s32 @!p0 $0x1082;
	s9 =	sld [smem:$0x3FAE]  }
0x2f: {  	lr =	sadd.s32 s0, s3;
	s0 =	sld [smem:$0x3FA5]  }
0x30: {  	s3 =	sld [smem:$0x3FA8]  }
0x31: {  	[smem:$0x3FB1] =	sst s10  }
0x32: {  	s10 =	sld [smem:$0x3FAF];
	_ =	sdelay $0x3  }
0x33: {  	p0 =	seq.s32 s10, $0x1;
	s10 =	sld [smem:$0x3FB1];
	_ =	sdelay $0x3  }
0x34: {  	[smem:$0x3FB1] =	sst s10  }
0x35: {  	s10 =	sld [smem:$0x3FB0];
	_ =	sdelay $0x3  }
0x36: {  	p1 =	seq.s32 s10, $0x1;
	s10 =	sld [smem:$0x3FB1];
	_ =	sdelay $0x3  }
0x37: {  	[smem:$0x3FB1] =	sst s10  }
0x38: {  	s10 =	sld [smem:$0x3FB2]  }
0x39: {  	_ = 	snop;
	(pc) =	sbr.ind lr, $3  }
0x3a: {  	_ = 	snop  }
0x3b: {  	_ = 	snop  }
0x3c: {  	p2 =	seq.s32 s10, $0x1;
	s10 =	sld [smem:$0x3FB1]  }
0x3d: {  	_ =	shalt  }
0x3e: {  	_ =	shalt  }
0x3f: {  	_ =	shalt  }
0x40: {  	_ =	shalt  }
0x41: {  	_ =	shalt  }
0x42: {  	_ =	shalt  }
0x43: {  	_ =	shalt  }
0x44: {  	_ =	shalt  }
0x45: {  	_ =	shalt  }
0x46: {  	_ =	shalt  }
0x47: {  	_ =	shalt  }
0x48: {  	_ =	shalt  }
0x49: {  	_ =	shalt  }
0x4a: {  	_ =	shalt  }
0x4b: {  	_ =	shalt  }
0x4c: {  	_ =	shalt  }
0x4d: {  	_ =	shalt  }
0x4e: {  	_ =	shalt  }
0x4f: {  	_ =	shalt  }
0x50: {  	_ =	shalt  }
0x51: {  	_ =	shalt  }
0x52: {  	_ =	shalt  }
0x53: {  	_ =	shalt  }
0x54: {  	_ =	shalt  }
0x55: {  	_ =	shalt  }
0x56: {  	_ =	shalt  }
0x57: {  	_ =	shalt  }
0x58: {  	_ =	shalt  }
0x59: {  	_ =	shalt  }
0x5a: {  	_ =	shalt  }
0x5b: {  	_ =	shalt  }
0x5c: {  	_ =	shalt  }
0x5d: {  	_ =	shalt  }
0x5e: {  	_ =	shalt  }
0x5f: {  	_ =	shalt  }
0x60: {  	_ =	shalt  }
0x61: {  	_ =	shalt  }
0x62: {  	_ =	shalt  }
0x63: {  	_ =	shalt  }
0x64: {  	_ =	shalt  }
0x65: {  	_ =	shalt  }
0x66: {  	_ =	shalt  }
0x67: {  	_ =	shalt  }
0x68: {  	_ =	shalt  }
0x69: {  	_ =	shalt  }
0x6a: {  	_ =	shalt  }
0x6b: {  	_ =	shalt  }
0x6c: {  	_ =	shalt  }
0x6d: {  	_ =	shalt  }
0x6e: {  	_ =	shalt  }
0x6f: {  	_ =	shalt  }
0x70: {  	_ =	shalt  }
0x71: {  	_ =	shalt  }
0x72: {  	_ =	shalt  }
0x73: {  	_ =	shalt  }
0x74: {  	_ =	shalt  }
0x75: {  	_ =	shalt  }
0x76: {  	_ =	shalt  }
0x77: {  	_ =	shalt  }
0x78: {  	_ =	shalt  }
0x79: {  	_ =	shalt  }
0x7a: {  	_ =	shalt  }
0x7b: {  	_ =	shalt  }
0x7c: {  	_ =	shalt  }
0x7d: {  	_ =	shalt  }
0x7e: {  	_ =	shalt  }
0x7f: {  	_ =	shalt  }
0x80: {  	_ =	shalt  }
0x81: {  	_ =	shalt  }
0x82: {  	_ =	shalt  }
0x83: {  	_ =	shalt  }
0x84: {  	_ =	shalt  }
0x85: {  	_ =	shalt  }
0x86: {  	_ =	shalt  }
0x87: {  	_ =	shalt  }
.Lfunc_end0:
.L_simem_size_0:
called_computation_lowered:
.L_overlay_start_0:
0x88: {  	s2 =	sld [smem:$0x3FD9]  }
0x89: {  	s3 =	sld [smem:$0x3FFE];
	_ =	sdelay $0x1  }
0x8a: {  	s1 =	srdreg.scid  }
0x8b: {  	s0 =	sand.u32 $0x1, s1  }
0x8c: {  	s16 =	sshll.u32 s0, $0xA;
	s2 =	sadd.s32 s3, s2  }
0x8d: {  	s2 =	sadd.s32 s2, s16  }
0x8e: {  	[smem:$0x3FBD] =	sst s2  }
0x8f: {  	_ = 	snop  }
0x90: {  	(tm) =	ssettm $0x1  }
0x91: {  	s17 =	sld [smem:$0x3FFB];
	_ =	sdelay $0x3  }
0x92: {  	_ =	strace s17  }
0x93: {  	s2 =	sld [smem:$0x3FFC];
	_ =	sdelay $0x3  }
0x94: {  	_ =	strace s2  }
0x95: {  	s2 =	sld [smem:$0x3FFD];
	_ =	sdelay $0x3  }
0x96: {  	_ =	strace s2  }
0x97: {  	_ =	strace $0x8FFFFFFF  }
0x98: {  	s18 =	sld [smem:$0x3FDB];
	_ =	sdelay $0x1  }
0x99: {  	s19 =	simm.s32 $_scs_section_size  }
0x9a: {  	s4 =	simm.s32 $_size__tile_overlayer_lowered;
	s5 =	simm.s32 $_tile_overlayer_lowered  }
0x9b: {  	s22 =	simm.s32 $0x1BFF;
	s21 =	sshll.u32 s5, $0x1;
	s2 =	sadd.s32 s19, s18  }
0x9c: {  	s6 =	simm.s32 $0x0;
	s20 =	sshll.u32 s4, $0x1;
	s4 =	sadd.s32 s21, s2  }
0x9d: {  	[timem:s6], [sflag:s22] =	dma.local [hbm:s4], s20  }
0x9e: {  	_ =	swait.ge [sflag:s22], s20  }
0x9f: {  	s3 =	ssub.s32 $0x0, s20;
	[sflag:s22] =	ssyncset.done $0x0  }
0xa0: {  	[sflag:s22] =	ssyncadd.s32 s3;
	_ =	sdelay $0x1  }
0xa1: {  	s23 =	simm.s32 $0x1B8B  }
0xa2: {  	_ =	swait.ge [sflag:s23], $0x1  }
0xa3: {  	[sflag:s23] =	ssyncset.done $0x0  }
0xa4: {  	s25 =	simm.s32 $0x1B8E;
	s24 =	sld [smem:$0x3FFE];
	[sflag:s23] =	ssyncadd.s32 $0xFFFFFFFF  }
0xa5: {  	s26 =	simm.s32 $execute0_lowered;
	[smem:$0x3FD2] =	sst s25  }
0xa6: {  	s4 =	sshll.u32 s26, $0x1;
	_ =	strace $0x80000046;
	[dreg:$0x1] =	wrdreg $0xFFFFFFFF  }
0xa7: {  	s28 =	simm.s32 $_size_execute0_lowered;
	s2 =	sadd.s32 s2, s4;
	[dreg:$0x0] =	wrdreg $0x0  }
0xa8: {  	s4 =	sshll.u32 s28, $0x1;
	[dreg:$0x2] =	wrdreg s2  }
0xa9: {  	[dreg:$0x3] =	wrdreg s4  }
0xaa: {  	[dreg:$0x4] =	wrdreg $0xC0  }
0xab: {  	_ =	task [dreg:s6], $0x5FFFF  }
0xac: {  	[dreg:$0x1] =	wrdreg $0xFFFFFFFF  }
0xad: {  	[dreg:$0x0] =	wrdreg $0x60  }
0xae: {  	[dreg:$0x2] =	wrdreg s24  }
0xaf: {  	[dreg:$0x3] =	wrdreg $0x13E200  }
0xb0: {  	[dreg:$0x4] =	wrdreg $0x140A00  }
0xb1: {  	[dreg:$0x5] =	wrdreg $0x9  }
0xb2: {  	_ =	task.clear_ibuf [dreg:s6], $0x6FFFF;
	_ =	strace $0x90000046  }
0xb3: {  	s29 =	simm.s32 $0x9;
	_ =	strace $0x80000048  }
0xb4: {  	_ =	swait.ge [sflag:s29], $0x1  }
0xb5: {  	[sflag:s29] =	ssyncadd.s32 $0xFFFFFFFF  }
0xb6: {  	_ =	strace $0x90000048  }
0xb7: {  	_ =	sfence  }
0xb8: {  	s30 =	sld [smem:$0x0];
	_ =	sdelay $0x2  }
0xb9: {  	s31 =	sshll.u32 s1, $0xD;
	s1 =	sshrl.u32 s1, $0x2  }
0xba: {  	s3 =	sand.u32 $0x4000, s31;
	s1 =	sadd.s32 s1, s30  }
0xbb: {  	s0 =	sor.u32 s3, s0;
	s1 =	sshll.u32 s1, $0x11  }
0xbc: {  	s0 =	sor.u32 s1, s0  }
0xbd: {  	s0 =	sadd.s32 $0x8F2B, s0  }
0xbe: {  	[sflag:s0] =	ssyncadd.remote.s32 $0x1  }
0xbf: {  	_ =	sfence.sel $0xFFFF  }
0xc0: {  	[dreg:$0x0] =	wrdreg $0xFFFFFFFF;
	(pc) =	sbr.abs _section_cstart, $3  }
0xc1: {  	[dreg:$0x1] =	wrdreg $0xFFFFFFFF  }
0xc2: {  	_ =	task.clear_ibuf [dreg:s6], $0x2FFFF;
	_ =	strace $0x9FFFFFFF  }
0xc3: {  	(tm) =	ssettm $0x7FFFFFFF  }
tec
execute0_lowered:
.L_overlay_start_1:
0x0: {  	(tag) =	ssettag $0x1  }
0x1: {  	s0 =	rddreg [dreg:$0x0]  }
0x2: {  	s11 =	rddreg [dreg:$0x1]  }
0x3: {  	s3 =	rddreg [dreg:$0x2]  }
0x4: {  	s10 =	stileid.u32;
	s2 =	srdreg.scid  }
0x5: {  	s4 =	simm.s32 $0x0;
	s29 =	simm.s32 $0x1;
	s30 =	simm.s32 $0x12930  }
0x6: {  	s31 =	simm.s32 $0x13D30;
	s28 =	simm.s32 $0x13DD0;
	s1 =	smul.u32 $0x9C4, s10  }
0x7: {  	s2 =	sand.u32 $0x1, s2;
	s5 =	smul.u32 $0x9C40, s10;
	[smem:$0x7FF] =	sst s4  }
0x8: {  	s7 =	sadd.s32 $0xAC00, s0;
	s19 =	sadd.s32 $0xA600, s0;
	s9 =	smul.u32 $0x27100, s10  }
0x9: {  	s10 =	smul.u32 $0xA00, s10;
	_ =	strace $0x80000047;
	[dreg:$0x4] =	wrdreg s7  }
0xa: {  	s6 =	smul.u32 $0xA0000, s2;
	[dreg:$0x5] =	wrdreg s19;
	s7 =	sadd.s32 $0xB200, s0  }
0xb: {  	s8 =	ssub.s32 $0x2, s2;
	s2 =	smul.u32 $0x2710, s2;
	s1 =	sadd.s32 s1, s0  }
0xc: {  	s20 =	sshrl.u32 s8, $0x1;
	s21 =	sshrl.u32 s9, $0x2;
	s22 =	sshrl.u32 s10, $0x2  }
0xd: {  	s10 =	sadd.s32 s5, s3;
	s6 =	sadd.s32 s5, s6;
	s1 =	sadd.s32 $0x800, s1  }
0xe: {  	v1 =	vmov s2;
	s2 =	simm.s32 $0x0;
	s6 =	sshrl.u32 s6, $0x3;
	[dreg:$0x6] =	wrdreg s1  }
0xf: {  	s1 =	sadd.s32 s21, s3;
	s21 =	simm.s32 $0x9C40;
	s0 =	sadd.s32 s6, s0  }
0x10: {  	s6 =	ssub.s32 s8, s20;
	s8 =	sadd.s32 s22, s11;
	s23 =	sadd.s32 $0x1400, s1  }
0x11: {  	s24 =	sadd.s32 $0x2800, s1;
	s25 =	sadd.s32 $0x3C00, s1;
	[dreg:$0x7] =	wrdreg s8  }
0x12: {  	s26 =	sadd.s32 $0x5000, s1;
	s15 =	sadd.s32 $0x6400, s1;
	[dreg:$0x8] =	wrdreg s23  }
0x13: {  	s16 =	sadd.s32 $0x7800, s1;
	s17 =	sadd.s32 $0x8C00, s1;
	[dreg:$0x9] =	wrdreg s24  }
0x14: {  	s20 =	simm.s32 $0x4;
	s22 =	simm.s32 $0xC350;
	[dreg:$0xa] =	wrdreg s25  }
0x15: {  	v0 =	vlaneseq.u32;
	v2 =	vimm.f32 $0.0e+00;
	v7 =	vimm.s32 $0x0;
	s1 =	simm.s32 $0x3;
	[dreg:$0xb] =	wrdreg s26;
	s18 =	sadd.s32 $0x32400, s0  }
0x16: {  	vm0 =	vcmask $0x300;
	v3 =	vor.u32 $0x10, v0;
	v4 =	vor.u32 $0x20, v0;
	s19 =	smax.u32 s6, $0x1;
	s24 =	simm.s32 $0xEA60;
	s25 =	simm.s32 $0x11530  }
0x17: {  	v5 =	vor.u32 $0x30, v0;
	v6 =	vor.u32 $0x40, v0;
	v7 =	vsel vm0, $0x3, v7;
	s26 =	simm.s32 $0x50;
	s0 =	simm.s32 $0x13D80;
	s23 =	simm.s32 $0x2  }
.LBB2_1:
0x18: {  	s5 =	rddreg [dreg:$0x6]  }
0x19: {  	[tilespmem:s4], [sflag:$0x4] =	stream.linear.gather [hbm4b:s5+s4], $0x4E20, $0x38;
	[tilespmem:$0x1DCE0] =	vst v63  }
0x1a: {  	_ =	swait.ge [sflag:s20], $0x4E20  }
0x1b: {  	[sflag:s20] =	ssyncset.done $0x0  }
0x1c: {  	s13 =	rddreg [dreg:$0x4];
	[sflag:s20] =	ssyncadd.s32 $0xFFFFB1E0  }
0x1d: {  	[tilespmem:s21], [sflag:$0x4] =	stream.linear.gather [hbm4b:s13+s4], $0x2710, $0x38;
	[tilespmem:$0x1DCE0] =	vst v63  }
0x1e: {  	_ =	swait.ge [sflag:s20], $0x2710  }
0x1f: {  	[sflag:s20] =	ssyncset.done $0x0  }
0x20: {  	s14 =	rddreg [dreg:$0x5];
	[sflag:s20] =	ssyncadd.s32 $0xFFFFD8F0  }
0x21: {  	[tilespmem:s22], [sflag:$0x4] =	stream.linear.gather [hbm4b:s14+s4], $0x2710, $0x38;
	[tilespmem:$0x1DCE0] =	vst v63  }
0x22: {  	_ =	swait.ge [sflag:s20], $0x2710  }
0x23: {  	[sflag:s20] =	ssyncset.done $0x0  }
0x24: {  	s5 =	simm.s32 $0x40;
	[sflag:s20] =	ssyncadd.s32 $0xFFFFD8F0  }
0x25: {  	v8 =	vld [tilespmem:s5+$0xFFFFFFC0]  }
0x26: {  	v9 =	vld [tilespmem:s5+$0x30]  }
0x27: {  	v14 =	vld [tilespmem:s5+$0xFFFFFFE0];
	_ =	sdelay $0x1  }
0x28: {  	v10 =	vld [tilespmem:s5+$0xFFFFFFF0]  }
0x29: {  	s6 =	simm.s32 $0x4E60;
	v13 =	vld [tilespmem:s5+$0x10];
	v12 =	vshrl.u32 v8, $0xE  }
0x2a: {  	v16 =	vld [tilespmem:s5+$0x20];
	v15 =	vshrl.u32 v9, $0xE;
	[tilespmem:s6+$0xFFFFFFC0] =	vst v12  }
0x2b: {  	v11 =	vld [tilespmem:s5+$0xFFFFFFD0];
	v9 =	vand.u32 $0x3FFF, v9;
	v17 =	vshrl.u32 v14, $0xE;
	[tilespmem:s6+$0x30] =	vst v15  }
0x2c: {  	v8 =	vand.u32 $0x3FFF, v8;
	v9 =	vadd.s32 v1, v9;
	[tilespmem:s6+$0xFFFFFFE0] =	vst v17  }
0x2d: {  	v12 =	vshrl.u32 v10, $0xE;
	[tilespmem:s5+$0x30] =	vst v9;
	v9 =	vadd.s32 v1, v8;
	v8 =	vld [tilespmem:s5+$0x0]  }
0x2e: {  	[tilespmem:s6+$0xFFFFFFF0] =	vst v12  }
0x2f: {  	v10 =	vand.u32 $0x3FFF, v10;
	v15 =	vshrl.u32 v16, $0xE;
	[tilespmem:s5+$0xFFFFFFC0] =	vst v9;
	v9 =	vshrl.u32 v13, $0xE  }
0x30: {  	v12 =	vshrl.u32 v11, $0xE;
	[tilespmem:s6+$0x10] =	vst v9;
	v9 =	vand.u32 $0x3FFF, v13;
	v13 =	vand.u32 $0x3FFF, v14  }
0x31: {  	v10 =	vadd.s32 v1, v10;
	[tilespmem:s6+$0xFFFFFFD0] =	vst v12;
	v14 =	vand.u32 $0x3FFF, v11;
	v12 =	vadd.s32 v1, v13  }
0x32: {  	s8 =	simm.s32 $0x0;
	s11 =	simm.s32 $0xC0;
	s9 =	simm.s32 $0x4E60;
	[tilespmem:s6+$0x20] =	vst v15;
	v13 =	vadd.s32 v1, v14;
	v14 =	vand.u32 $0x3FFF, v16;
	v11 =	vand.u32 $0x3FFF, v8  }
.LBB2_2:
0x33: {  	v15 =	vld [tilespmem:s11+$0xFFFFFFC0];
	s8 =	sadd.s32 $0x8, s8;
	[tilespmem:s5+$0xFFFFFFF0] =	vst v10;
	s6 =	sadd.s32 $0x80, s6  }
0x34: {  	v10 =	vld [tilespmem:s11+$0x30];
	p0 =	slt.u32 s8, $0x4D8;
	[tilespmem:s5+$0xFFFFFFE0] =	vst v12  }
0x35: {  	v12 =	vld [tilespmem:s11+$0xFFFFFFF0];
	[tilespmem:s5+$0xFFFFFFD0] =	vst v13;
	v13 =	vadd.s32 v1, v14  }
0x36: {  	v8 =	vshrl.u32 v8, $0xE;
	v14 =	vld [tilespmem:s11+$0xFFFFFFD0];
	[tilespmem:s5+$0x20] =	vst v13  }
0x37: {  	v9 =	vadd.s32 v1, v9;
	v13 =	vld [tilespmem:s11+$0xFFFFFFE0];
	[tilespmem:s9+$0x0] =	vst v8;
	v8 =	vadd.s32 v1, v11;
	s9 =	smov.u32 s6  }
0x38: {  	v11 =	vshrl.u32 v15, $0xE;
	v15 =	vand.u32 $0x3FFF, v15;
	v16 =	vld [tilespmem:s11+$0x10];
	[tilespmem:s5+$0x0] =	vst v8  }
0x39: {  	v15 =	vadd.s32 v1, v15;
	v8 =	vld [tilespmem:s11+$0x0];
	v17 =	vshrl.u32 v10, $0xE;
	v10 =	vand.u32 $0x3FFF, v10;
	[tilespmem:s5+$0x10] =	vst v9;
	s5 =	smov.u32 s11  }
0x3a: {  	[tilespmem:s6+$0xFFFFFFC0] =	vst v11;
	v9 =	vadd.s32 v1, v10  }
0x3b: {  	v11 =	vshrl.u32 v12, $0xE;
	v10 =	vand.u32 $0x3FFF, v12;
	v18 =	vld [tilespmem:s11+$0x20];
	[tilespmem:s6+$0x30] =	vst v17  }
0x3c: {  	v17 =	vshrl.u32 v14, $0xE;
	v10 =	vadd.s32 v1, v10;
	[tilespmem:s11+$0x30] =	vst v9  }
0x3d: {  	[tilespmem:s6+$0xFFFFFFF0] =	vst v11;
	v9 =	vand.u32 $0x3FFF, v16  }
.Ltmp0:
0x3e: {  	v11 =	vand.u32 $0x3FFF, v13;
	[tilespmem:s11+$0xFFFFFFC0] =	vst v15;
	v15 =	vshrl.u32 v13, $0xE;
	v13 =	vshrl.u32 v16, $0xE;
	(pc) =	sbr.rel @p0 .LBB2_2-.Ltmp0, $4  }
0x3f: {  	v14 =	vand.u32 $0x3FFF, v14;
	v12 =	vadd.s32 v1, v11;
	v11 =	vand.u32 $0x3FFF, v8;
	[tilespmem:s6+$0x10] =	vst v13  }
0x40: {  	v13 =	vadd.s32 v1, v14;
	[tilespmem:s6+$0xFFFFFFD0] =	vst v17;
	v16 =	vshrl.u32 v18, $0xE;
	v14 =	vand.u32 $0x3FFF, v18  }
0x41: {  	[tilespmem:s6+$0x20] =	vst v16  }
0x42: {  	s11 =	sadd.s32 $0x80, s11;
	[tilespmem:s6+$0xFFFFFFE0] =	vst v15  }
0x43: {  	[tilespmem:s5+$0xFFFFFFF0] =	vst v10  }
0x44: {  	[tilespmem:s5+$0xFFFFFFE0] =	vst v12  }
0x45: {  	[tilespmem:s5+$0xFFFFFFD0] =	vst v13;
	v63 =	vadd.s32 v1, v14  }
0x46: {  	v8 =	vshrl.u32 v8, $0xE;
	[tilespmem:s5+$0x20] =	vst v63  }
0x47: {  	v9 =	vadd.s32 v1, v9;
	[tilespmem:s9+$0x0] =	vst v8  }
0x48: {  	v8 =	vadd.s32 v1, v11;
	[tilespmem:s5+$0x10] =	vst v9  }
0x49: {  	s6 =	simm.s32 $0x0;
	[tilespmem:s5+$0x0] =	vst v8  }
.LBB2_4:
0x4a: {  	s5 =	sshra.s32 s6, $0x2  }
0x4b: {  	v8 =	vld [tilespmem:s5+$0x4E00];
	_ =	sdelay $0x1  }
0x4c: {  	p0 =	sne.s32 s6, $0x40  }
.Ltmp1:
0x4d: {  	_ = 	snop;
	(pc) =	sbr.rel @p0 .LBB2_4-.Ltmp1, $4  }
0x4e: {  	_ = 	snop  }
0x4f: {  	v9 =	vshrl.u32 v8, $0xE;
	v8 =	vand.u32 $0x3FFF, v8  }
0x50: {  	[tilespmem:s5+$0x9C20] =	vst v9;
	v8 =	vadd.s32 v1, v8  }
0x51: {  	s6 =	sadd.s32 $0x40, s6;
	[tilespmem:s5+$0x4E00] =	vst v8  }
0x52: {  	[tilespmem:$0x112B0] =	vst v2  }
0x53: {  	[tilespmem:$0x112C0] =	vst v2  }
0x54: {  	[tilespmem:$0x112D0] =	vst v2  }
0x55: {  	[tilespmem:$0x112E0] =	vst v2  }
0x56: {  	[tilespmem:$0x112F0] =	vst v2  }
0x57: {  	[tilespmem:$0x11300] =	vst v2  }
0x58: {  	[tilespmem:$0x11310] =	vst v2  }
0x59: {  	[tilespmem:$0x11320] =	vst v2  }
0x5a: {  	[tilespmem:$0x11330] =	vst v2  }
0x5b: {  	[tilespmem:$0x11340] =	vst v2  }
0x5c: {  	[tilespmem:$0x11350] =	vst v2  }
0x5d: {  	[tilespmem:$0x11360] =	vst v2  }
0x5e: {  	[tilespmem:$0x11370] =	vst v2  }
0x5f: {  	[tilespmem:$0x11380] =	vst v2  }
0x60: {  	[tilespmem:$0x11390] =	vst v2  }
0x61: {  	[tilespmem:$0x113A0] =	vst v2  }
0x62: {  	[tilespmem:$0x113B0] =	vst v2  }
0x63: {  	[tilespmem:$0x113C0] =	vst v2  }
0x64: {  	[tilespmem:$0x113D0] =	vst v2  }
0x65: {  	[tilespmem:$0x113E0] =	vst v2  }
0x66: {  	[tilespmem:$0x113F0] =	vst v2  }
0x67: {  	[tilespmem:$0x11400] =	vst v2  }
0x68: {  	[tilespmem:$0x11410] =	vst v2  }
0x69: {  	[tilespmem:$0x11420] =	vst v2  }
0x6a: {  	[tilespmem:$0x11430] =	vst v2  }
0x6b: {  	[tilespmem:$0x11440] =	vst v2  }
0x6c: {  	[tilespmem:$0x11450] =	vst v2  }
0x6d: {  	[tilespmem:$0x11460] =	vst v2  }
0x6e: {  	[tilespmem:$0x11470] =	vst v2  }
0x6f: {  	[tilespmem:$0x11480] =	vst v2  }
0x70: {  	[tilespmem:$0x11490] =	vst v2  }
0x71: {  	[tilespmem:$0x114A0] =	vst v2  }
0x72: {  	[tilespmem:$0x114B0] =	vst v2  }
0x73: {  	[tilespmem:$0x114C0] =	vst v2  }
0x74: {  	[tilespmem:$0x114D0] =	vst v2  }
0x75: {  	[tilespmem:$0x114E0] =	vst v2  }
0x76: {  	[tilespmem:$0x114F0] =	vst v2  }
0x77: {  	[tilespmem:$0x11500] =	vst v2  }
0x78: {  	[tilespmem:$0x11510] =	vst v2  }
0x79: {  	[tilespmem:$0x11520] =	vst v2;
	s5 =	simm.s32 $0xEC60  }
0x7a: {  	[tilespmem:s5+$0xFFFFFE00] =	vst v2  }
0x7b: {  	[tilespmem:s5+$0x1F0] =	vst v2  }
0x7c: {  	[tilespmem:s5+$0x1E0] =	vst v2  }
0x7d: {  	[tilespmem:s5+$0x1D0] =	vst v2  }
0x7e: {  	[tilespmem:s5+$0x1C0] =	vst v2  }
0x7f: {  	[tilespmem:s5+$0x1B0] =	vst v2  }
0x80: {  	[tilespmem:s5+$0x1A0] =	vst v2  }
0x81: {  	[tilespmem:s5+$0x190] =	vst v2  }
0x82: {  	[tilespmem:s5+$0x180] =	vst v2  }
0x83: {  	[tilespmem:s5+$0x170] =	vst v2  }
0x84: {  	[tilespmem:s5+$0x160] =	vst v2  }
0x85: {  	[tilespmem:s5+$0x150] =	vst v2  }
0x86: {  	[tilespmem:s5+$0x140] =	vst v2  }
0x87: {  	[tilespmem:s5+$0x130] =	vst v2  }
0x88: {  	[tilespmem:s5+$0x120] =	vst v2  }
0x89: {  	[tilespmem:s5+$0x110] =	vst v2  }
0x8a: {  	[tilespmem:s5+$0x100] =	vst v2  }
0x8b: {  	[tilespmem:s5+$0xF0] =	vst v2  }
0x8c: {  	[tilespmem:s5+$0xE0] =	vst v2  }
0x8d: {  	[tilespmem:s5+$0xD0] =	vst v2  }
0x8e: {  	[tilespmem:s5+$0xC0] =	vst v2  }
0x8f: {  	[tilespmem:s5+$0xB0] =	vst v2  }
0x90: {  	[tilespmem:s5+$0xA0] =	vst v2  }
0x91: {  	[tilespmem:s5+$0x90] =	vst v2  }
0x92: {  	[tilespmem:s5+$0x80] =	vst v2  }
0x93: {  	[tilespmem:s5+$0x70] =	vst v2  }
0x94: {  	[tilespmem:s5+$0x60] =	vst v2  }
0x95: {  	[tilespmem:s5+$0x50] =	vst v2  }
0x96: {  	[tilespmem:s5+$0x40] =	vst v2  }
0x97: {  	[tilespmem:s5+$0x30] =	vst v2  }
0x98: {  	[tilespmem:s5+$0x20] =	vst v2  }
0x99: {  	[tilespmem:s5+$0x10] =	vst v2  }
0x9a: {  	[tilespmem:s5+$0x0] =	vst v2  }
0x9b: {  	[tilespmem:s5+$0xFFFFFFF0] =	vst v2  }
0x9c: {  	[tilespmem:s5+$0xFFFFFFE0] =	vst v2  }
0x9d: {  	[tilespmem:s5+$0xFFFFFFD0] =	vst v2  }
0x9e: {  	[tilespmem:s5+$0xFFFFFFC0] =	vst v2  }
0x9f: {  	[tilespmem:s5+$0xFFFFFFB0] =	vst v2  }
0xa0: {  	[tilespmem:s5+$0xFFFFFFA0] =	vst v2  }
0xa1: {  	[tilespmem:s5+$0xFFFFFF90] =	vst v2  }
0xa2: {  	[tilespmem:s5+$0xFFFFFF80] =	vst v2  }
0xa3: {  	[tilespmem:s5+$0xFFFFFF70] =	vst v2  }
0xa4: {  	[tilespmem:s5+$0xFFFFFF60] =	vst v2  }
0xa5: {  	[tilespmem:s5+$0xFFFFFF50] =	vst v2  }
0xa6: {  	[tilespmem:s5+$0xFFFFFF40] =	vst v2  }
0xa7: {  	[tilespmem:s5+$0xFFFFFF30] =	vst v2  }
0xa8: {  	[tilespmem:s5+$0xFFFFFF20] =	vst v2  }
0xa9: {  	[tilespmem:s5+$0xFFFFFF10] =	vst v2  }
0xaa: {  	[tilespmem:s5+$0xFFFFFF00] =	vst v2  }
0xab: {  	[tilespmem:s5+$0xFFFFFEF0] =	vst v2  }
0xac: {  	[tilespmem:s5+$0xFFFFFEE0] =	vst v2  }
0xad: {  	[tilespmem:s5+$0xFFFFFED0] =	vst v2  }
0xae: {  	[tilespmem:s5+$0xFFFFFEC0] =	vst v2  }
0xaf: {  	[tilespmem:s5+$0xFFFFFEB0] =	vst v2  }
0xb0: {  	[tilespmem:s5+$0xFFFFFEA0] =	vst v2  }
0xb1: {  	[tilespmem:s5+$0xFFFFFE90] =	vst v2  }
0xb2: {  	[tilespmem:s5+$0xFFFFFE80] =	vst v2  }
0xb3: {  	[tilespmem:s5+$0xFFFFFE70] =	vst v2  }
0xb4: {  	[tilespmem:s5+$0xFFFFFE60] =	vst v2  }
0xb5: {  	[tilespmem:s5+$0xFFFFFE50] =	vst v2  }
0xb6: {  	[tilespmem:s5+$0xFFFFFE40] =	vst v2  }
0xb7: {  	[tilespmem:s5+$0xFFFFFE30] =	vst v2  }
0xb8: {  	s6 =	simm.s32 $0x0;
	[tilespmem:s5+$0xFFFFFE20] =	vst v2  }
.LBB2_6:
0xb9: {  	s6 =	sadd.s32 $0x8, s6;
	[tilespmem:s5+$0xFFFFFE10] =	vst v2;
	s5 =	sadd.s32 $0x400, s5  }
0xba: {  	[tilespmem:s5+$0xFFFFFE00] =	vst v2;
	p0 =	slt.u32 s6, $0x48  }
0xbb: {  	[tilespmem:s5+$0x1F0] =	vst v2  }
0xbc: {  	[tilespmem:s5+$0x1E0] =	vst v2  }
0xbd: {  	[tilespmem:s5+$0x1D0] =	vst v2  }
0xbe: {  	[tilespmem:s5+$0x1C0] =	vst v2  }
0xbf: {  	[tilespmem:s5+$0x1B0] =	vst v2  }
0xc0: {  	[tilespmem:s5+$0x1A0] =	vst v2  }
0xc1: {  	[tilespmem:s5+$0x190] =	vst v2  }
0xc2: {  	[tilespmem:s5+$0x180] =	vst v2  }
0xc3: {  	[tilespmem:s5+$0x170] =	vst v2  }
0xc4: {  	[tilespmem:s5+$0x160] =	vst v2  }
0xc5: {  	[tilespmem:s5+$0x150] =	vst v2  }
0xc6: {  	[tilespmem:s5+$0x140] =	vst v2  }
0xc7: {  	[tilespmem:s5+$0x130] =	vst v2  }
0xc8: {  	[tilespmem:s5+$0x120] =	vst v2  }
0xc9: {  	[tilespmem:s5+$0x110] =	vst v2  }
0xca: {  	[tilespmem:s5+$0x100] =	vst v2  }
0xcb: {  	[tilespmem:s5+$0xF0] =	vst v2  }
0xcc: {  	[tilespmem:s5+$0xE0] =	vst v2  }
0xcd: {  	[tilespmem:s5+$0xD0] =	vst v2  }
0xce: {  	[tilespmem:s5+$0xC0] =	vst v2  }
0xcf: {  	[tilespmem:s5+$0xB0] =	vst v2  }
0xd0: {  	[tilespmem:s5+$0xA0] =	vst v2  }
0xd1: {  	[tilespmem:s5+$0x90] =	vst v2  }
0xd2: {  	[tilespmem:s5+$0x80] =	vst v2  }
0xd3: {  	[tilespmem:s5+$0x70] =	vst v2  }
0xd4: {  	[tilespmem:s5+$0x60] =	vst v2  }
0xd5: {  	[tilespmem:s5+$0x50] =	vst v2  }
0xd6: {  	[tilespmem:s5+$0x40] =	vst v2  }
0xd7: {  	[tilespmem:s5+$0x30] =	vst v2  }
0xd8: {  	[tilespmem:s5+$0x20] =	vst v2  }
0xd9: {  	[tilespmem:s5+$0x10] =	vst v2  }
0xda: {  	[tilespmem:s5+$0x0] =	vst v2  }
0xdb: {  	[tilespmem:s5+$0xFFFFFFF0] =	vst v2  }
0xdc: {  	[tilespmem:s5+$0xFFFFFFE0] =	vst v2  }
0xdd: {  	[tilespmem:s5+$0xFFFFFFD0] =	vst v2  }
0xde: {  	[tilespmem:s5+$0xFFFFFFC0] =	vst v2  }
0xdf: {  	[tilespmem:s5+$0xFFFFFFB0] =	vst v2  }
0xe0: {  	[tilespmem:s5+$0xFFFFFFA0] =	vst v2  }
0xe1: {  	[tilespmem:s5+$0xFFFFFF90] =	vst v2  }
0xe2: {  	[tilespmem:s5+$0xFFFFFF80] =	vst v2  }
0xe3: {  	[tilespmem:s5+$0xFFFFFF70] =	vst v2  }
0xe4: {  	[tilespmem:s5+$0xFFFFFF60] =	vst v2  }
0xe5: {  	[tilespmem:s5+$0xFFFFFF50] =	vst v2  }
0xe6: {  	[tilespmem:s5+$0xFFFFFF40] =	vst v2  }
0xe7: {  	[tilespmem:s5+$0xFFFFFF30] =	vst v2  }
0xe8: {  	[tilespmem:s5+$0xFFFFFF20] =	vst v2  }
0xe9: {  	[tilespmem:s5+$0xFFFFFF10] =	vst v2  }
0xea: {  	[tilespmem:s5+$0xFFFFFF00] =	vst v2  }
0xeb: {  	[tilespmem:s5+$0xFFFFFEF0] =	vst v2  }
0xec: {  	[tilespmem:s5+$0xFFFFFEE0] =	vst v2  }
0xed: {  	[tilespmem:s5+$0xFFFFFED0] =	vst v2  }
0xee: {  	[tilespmem:s5+$0xFFFFFEC0] =	vst v2  }
0xef: {  	[tilespmem:s5+$0xFFFFFEB0] =	vst v2  }
0xf0: {  	[tilespmem:s5+$0xFFFFFEA0] =	vst v2  }
0xf1: {  	[tilespmem:s5+$0xFFFFFE90] =	vst v2  }
0xf2: {  	[tilespmem:s5+$0xFFFFFE80] =	vst v2  }
0xf3: {  	[tilespmem:s5+$0xFFFFFE70] =	vst v2  }
.Ltmp2:
0xf4: {  	[tilespmem:s5+$0xFFFFFE60] =	vst v2;
	(pc) =	sbr.rel @p0 .LBB2_6-.Ltmp2, $4  }
0xf5: {  	[tilespmem:s5+$0xFFFFFE50] =	vst v2  }
0xf6: {  	[tilespmem:s5+$0xFFFFFE40] =	vst v2  }
0xf7: {  	[tilespmem:s5+$0xFFFFFE30] =	vst v2  }
0xf8: {  	[tilespmem:s5+$0xFFFFFE20] =	vst v2  }
0xf9: {  	[tilespmem:s5+$0xFFFFFE10] =	vst v2  }
0xfa: {  	[tilespmem:$0x11260] =	vst v0  }
0xfb: {  	[tilespmem:$0x11270] =	vst v3  }
0xfc: {  	[tilespmem:$0x11280] =	vst v4  }
0xfd: {  	[tilespmem:$0x11290] =	vst v5  }
0xfe: {  	s6 =	simm.s32 $0x112B0;
	[tilespmem:$0x112A0] =	vst v6;
	s5 =	rddreg [dreg:$0x7]  }
0xff: {  	[spmem:s5] =	stream.linear.scatter [tilespmem:s6], [sflag:$0x4], $0x280, $0x38;
	[tilespmem:$0x1DCE0] =	vst v63  }
0x100: {  	_ =	swait.ge [sflag:s20], $0x280  }
0x101: {  	[sflag:s20] =	ssyncset.done $0x0  }
0x102: {  	s14 =	simm.s32 $0x40;
	[sflag:s20] =	ssyncadd.s32 $0xFFFFFD80  }
0x103: {  	v8 =	vld [tilespmem:s14+$0x30]  }
0x104: {  	v10 =	vld [tilespmem:s14+$0xFFFFFFD0]  }
0x105: {  	s5 =	simm.s32 $0x4E60;
	v11 =	vld [tilespmem:s14+$0xFFFFFFE0]  }
0x106: {  	v25 =	vld [tilespmem:s5+$0x30]  }
0x107: {  	v13 =	vld [tilespmem:s14+$0x0]  }
0x108: {  	v12 =	vld [tilespmem:s14+$0xFFFFFFF0]  }
0x109: {  	v14 =	vld [tilespmem:s14+$0x10]  }
0x10a: {  	v15 =	vld [tilespmem:s14+$0x20]  }
0x10b: {  	v17 =	vld [tilespmem:s14+$0xFFFFFFC0];
	v9 =	vsub.s32 v8, v1;
	v8 =	vand.u32 $0x7, v8;
	v19 =	vsub.s32 v11, v1  }
0x10c: {  	v23 =	vsub.s32 v13, v1;
	v26 =	vand.u32 $0x7, v13;
	v13 =	vld [tilespmem:s5+$0x10];
	v9 =	vand.u32 $0xFFFFFFF8, v9  }
0x10d: {  	v11 =	vand.u32 $0x7, v11;
	v19 =	vand.u32 $0xFFFFFFF8, v19;
	v16 =	vor.u32 v8, v9;
	v8 =	vld [tilespmem:s5+$0xFFFFFFC0]  }
0x10e: {  	v9 =	vsub.s32 v10, v1;
	v19 =	vor.u32 v11, v19;
	v11 =	vld [tilespmem:s5+$0x0]  }
0x10f: {  	v10 =	vand.u32 $0x7, v10;
	v18 =	vand.u32 $0xFFFFFFF8, v9;
	v9 =	vld [tilespmem:s5+$0xFFFFFFD0]  }
0x110: {  	v20 =	vld.idx.msk [tilespmem:v25+s22+$0x0], $0xffff;
	v18 =	vor.u32 v10, v18;
	v10 =	vsub.s32 v12, v1  }
0x111: {  	v21 =	vand.u32 $0x7, v12;
	v12 =	vld [tilespmem:s5+$0xFFFFFFE0];
	v22 =	vand.u32 $0xFFFFFFF8, v10;
	v10 =	vsub.s32 v17, v1  }
0x112: {  	v27 =	vand.u32 $0x7, v14;
	v17 =	vand.u32 $0x7, v17;
	v24 =	vand.u32 $0xFFFFFFF8, v10;
	v10 =	vld [tilespmem:s5+$0xFFFFFFF0]  }
0x113: {  	v23 =	vand.u32 $0xFFFFFFF8, v23;
	v16 =	vld.idx.msk [tilespmem:v16+s21+$0x0], $0xffff;
	v17 =	vor.u32 v17, v24;
	v24 =	vsub.s32 v14, v1  }
0x114: {  	v21 =	vor.u32 v21, v22;
	v14 =	vld [tilespmem:s5+$0x20];
	v22 =	vand.u32 $0xFFFFFFF8, v24;
	v24 =	vsub.s32 v15, v1  }
0x115: {  	v23 =	vor.u32 v26, v23;
	v19 =	vld.idx.msk [tilespmem:v19+s21+$0x0], $0xffff;
	v15 =	vand.u32 $0x7, v15;
	v24 =	vand.u32 $0xFFFFFFF8, v24  }
0x116: {  	v18 =	vld.idx.msk [tilespmem:v18+s21+$0x0], $0xffff;
	v15 =	vor.u32 v15, v24  }
0x117: {  	v22 =	vor.u32 v27, v22;
	v27 =	vld.idx.msk [tilespmem:v11+s22+$0x0], $0xffff  }
0x118: {  	v17 =	vld.idx.msk [tilespmem:v17+s21+$0x0], $0xffff;
	v16 =	vadd.f32 v20, v16  }
0x119: {  	v20 =	vld.idx.msk [tilespmem:v21+s21+$0x0], $0xffff  }
0x11a: {  	v21 =	vld.idx.msk [tilespmem:v23+s21+$0x0], $0xffff;
	v23 =	vmul.f32 $2.000000030e-01, v16  }
0x11b: {  	vm0 =	vgt.f32 v16, $0.0e+00;
	v24 =	vld.idx.msk [tilespmem:v15+s21+$0x0], $0xffff  }
0x11c: {  	v15 =	vsel vm0, v16, v23;
	v16 =	vld.idx.msk [tilespmem:v8+s22+$0x0], $0xffff  }
0x11d: {  	v23 =	vld.idx.msk [tilespmem:v9+s22+$0x0], $0xffff;
	v15 =	vmul.f32 $1.442695020e+00, v15  }
0x11e: {  	v26 =	vld.idx.msk [tilespmem:v12+s22+$0x0], $0xffff  }
0x11f: {  	v28 =	vld.idx.msk [tilespmem:v13+s22+$0x0], $0xffff;
	(erf) = vpow2.f32 v15  }
0x120: {  	v22 =	vld.idx.msk [tilespmem:v22+s21+$0x0], $0xffff  }
0x121: {  	v15 =	vld.idx.msk [tilespmem:v10+s22+$0x0], $0xffff;
	v29 =	vadd.f32 v16, v17  }
0x122: {  	v30 =	vld.idx.msk [tilespmem:v14+s22+$0x0], $0xffff;
	v31 =	vadd.f32 v23, v18  }
0x123: {  	v16 =	vadd.f32 v26, v19;
	v18 =	vadd.f32 v27, v21;
	vm3 =	vgt.f32 v29, $0.0e+00  }
0x124: {  	v23 =	vmul.f32 $2.000000030e-01, v29;
	vm4 =	vgt.f32 v31, $0.0e+00;
	v26 =	vmul.f32 $2.000000030e-01, v31  }
0x125: {  	vm0 =	vgt.f32 v16, $0.0e+00;
	v19 =	vmul.f32 $2.000000030e-01, v16;
	vm2 =	vgt.f32 v18, $0.0e+00  }
0x126: {  	v17 =	vadd.f32 v15, v20;
	v15 =	vadd.f32 v28, v22;
	v22 =	vmul.f32 $2.000000030e-01, v18  }
0x127: {  	v20 =	vadd.f32 v30, v24;
	v24 =	vsel vm3, v29, v23;
	v26 =	vsel vm4, v31, v26  }
0x128: {  	vm1 =	vgt.f32 v17, $0.0e+00;
	v21 =	vmul.f32 $2.000000030e-01, v17;
	vm3 =	vgt.f32 v15, $0.0e+00;
	v27 =	vpop (erf)  }
0x129: {  	s8 =	simm.s32 $0xC0;
	s6 =	simm.s32 $0x0;
	v23 =	vmul.f32 $2.000000030e-01, v15;
	vm4 =	vgt.f32 v20, $0.0e+00;
	[tilespmem:v25+s24+$0x0] =	vst.idx.add.f32.msk $0xffff, v27;
	v25 =	vmul.f32 $2.000000030e-01, v20  }
.LBB2_8:
0x12a: {  	v27 =	vld [tilespmem:s8+$0x30];
	s6 =	sadd.s32 $0x8, s6;
	v16 =	vsel vm0, v16, v19;
	v17 =	vsel vm1, v17, v21;
	v18 =	vsel vm2, v18, v22  }
0x12b: {  	v21 =	vmul.f32 $1.442695020e+00, v24;
	v22 =	vsel vm3, v15, v23;
	v19 =	vld [tilespmem:s8+$0xFFFFFFD0];
	p0 =	slt.u32 s6, $0x4D8;
	v20 =	vsel vm4, v20, v25  }
0x12c: {  	v24 =	vmul.f32 $1.442695020e+00, v26;
	s5 =	sadd.s32 $0x80, s5;
	v16 =	vmul.f32 $1.442695020e+00, v16;
	v23 =	vld [tilespmem:s8+$0xFFFFFFE0]  }
0x12d: {  	v17 =	vmul.f32 $1.442695020e+00, v17;
	v18 =	vmul.f32 $1.442695020e+00, v18;
	v15 =	vld [tilespmem:s5+$0x30]  }
0x12e: {  	v22 =	vmul.f32 $1.442695020e+00, v22;
	v20 =	vmul.f32 $1.442695020e+00, v20;
	v25 =	vld [tilespmem:s8+$0xFFFFFFF0]  }
0x12f: {  	v26 =	vld [tilespmem:s8+$0x0];
	v28 =	vsub.s32 v27, v1;
	(erf) = vpow2.f32 v21  }
0x130: {  	v27 =	vand.u32 $0x7, v27;
	v21 =	vsub.s32 v19, v1;
	v29 =	vld [tilespmem:s8+$0x10];
	v28 =	vand.u32 $0xFFFFFFF8, v28  }
0x131: {  	v21 =	vand.u32 $0xFFFFFFF8, v21;
	v30 =	vsub.s32 v23, v1;
	v31 =	vld [tilespmem:s8+$0x20];
	v27 =	vor.u32 v27, v28  }
0x132: {  	v19 =	vand.u32 $0x7, v19;
	v23 =	vand.u32 $0x7, v23;
	v28 =	vld [tilespmem:s8+$0xFFFFFFC0];
	v30 =	vand.u32 $0xFFFFFFF8, v30  }
0x133: {  	v19 =	vor.u32 v19, v21;
	v32 =	vld [tilespmem:s5+$0xFFFFFFC0];
	v21 =	vsub.s32 v25, v1;
	v25 =	vand.u32 $0x7, v25  }
0x134: {  	v33 =	vld [tilespmem:s5+$0xFFFFFFD0];
	v21 =	vand.u32 $0xFFFFFFF8, v21;
	v34 =	vsub.s32 v26, v1;
	v26 =	vand.u32 $0x7, v26  }
0x135: {  	v34 =	vand.u32 $0xFFFFFFF8, v34;
	v35 =	vsub.s32 v29, v1;
	v29 =	vand.u32 $0x7, v29;
	v36 =	vld.idx.msk [tilespmem:v15+s22+$0x0], $0xffff  }
0x136: {  	v35 =	vand.u32 $0xFFFFFFF8, v35;
	v37 =	vsub.s32 v31, v1;
	v31 =	vand.u32 $0x7, v31;
	v27 =	vld.idx.msk [tilespmem:v27+s21+$0x0], $0xffff  }
0x137: {  	v38 =	vsub.s32 v28, v1;
	v28 =	vand.u32 $0x7, v28;
	v39 =	vld [tilespmem:s5+$0xFFFFFFE0];
	v37 =	vand.u32 $0xFFFFFFF8, v37  }
0x138: {  	v23 =	vor.u32 v23, v30;
	v21 =	vor.u32 v25, v21;
	v38 =	vand.u32 $0xFFFFFFF8, v38;
	v30 =	vld [tilespmem:s5+$0xFFFFFFF0];
	v25 =	vpop (erf)  }
0x139: {  	v26 =	vor.u32 v26, v34;
	v29 =	vor.u32 v29, v35;
	v28 =	vor.u32 v28, v38;
	v38 =	vld [tilespmem:s5+$0x0]  }
0x13a: {  	v31 =	vor.u32 v31, v37;
	v34 =	vld [tilespmem:s5+$0x10];
	(erf) = vpow2.f32 v24  }
0x13b: {  	v35 =	vld [tilespmem:s5+$0x20];
	(erf) = vpow2.f32 v16  }
0x13c: {  	v16 =	vld.idx.msk [tilespmem:v19+s21+$0x0], $0xffff;
	v19 =	vadd.f32 v36, v27;
	(erf) = vpow2.f32 v17  }
0x13d: {  	v17 =	vld.idx.msk [tilespmem:v23+s21+$0x0], $0xffff;
	(erf) = vpow2.f32 v18  }
0x13e: {  	v18 =	vld.idx.msk [tilespmem:v28+s21+$0x0], $0xffff;
	v23 =	vmul.f32 $2.000000030e-01, v19;
	(erf) = vpow2.f32 v22  }
0x13f: {  	vm0 =	vgt.f32 v19, $0.0e+00;
	v21 =	vld.idx.msk [tilespmem:v21+s21+$0x0], $0xffff;
	(erf) = vpow2.f32 v20  }
0x140: {  	v20 =	vld.idx.msk [tilespmem:v26+s21+$0x0], $0xffff;
	v19 =	vsel vm0, v19, v23  }
0x141: {  	v22 =	vld.idx.msk [tilespmem:v29+s21+$0x0], $0xffff;
	v26 =	vmul.f32 $1.442695020e+00, v19  }
0x142: {  	v23 =	vld.idx.msk [tilespmem:v31+s21+$0x0], $0xffff  }
0x143: {  	v24 =	vld.idx.msk [tilespmem:v32+s22+$0x0], $0xffff;
	(erf) = vpow2.f32 v26;
	v19 =	vpop (erf)  }
0x144: {  	v26 =	vld.idx.msk [tilespmem:v33+s22+$0x0], $0xffff;
	v27 =	vpop (erf)  }
0x145: {  	v28 =	vld.idx.msk [tilespmem:v39+s22+$0x0], $0xffff;
	v29 =	vpop (erf)  }
0x146: {  	v31 =	vld.idx.msk [tilespmem:v30+s22+$0x0], $0xffff;
	v36 =	vpop (erf)  }
0x147: {  	v37 =	vld.idx.msk [tilespmem:v38+s22+$0x0], $0xffff;
	v40 =	vpop (erf)  }
0x148: {  	v41 =	vld.idx.msk [tilespmem:v34+s22+$0x0], $0xffff;
	v42 =	vpop (erf)  }
0x149: {  	v24 =	vadd.f32 v24, v18;
	v43 =	vld.idx.msk [tilespmem:v35+s22+$0x0], $0xffff  }
0x14a: {  	v26 =	vadd.f32 v26, v16;
	[tilespmem:v8+s24+$0x0] =	vst.idx.add.f32.msk $0xffff, v25;
	v8 =	vmov v32  }
0x14b: {  	vm3 =	vgt.f32 v24, $0.0e+00;
	v25 =	vmul.f32 $2.000000030e-01, v24;
	v16 =	vadd.f32 v28, v17;
	[tilespmem:v9+s24+$0x0] =	vst.idx.add.f32.msk $0xffff, v19;
	v9 =	vmovc v33  }
0x14c: {  	vm4 =	vgt.f32 v26, $0.0e+00;
	v28 =	vmul.f32 $2.000000030e-01, v26;
	v17 =	vadd.f32 v31, v21;
	v21 =	vpop (erf);
	[tilespmem:v12+s24+$0x0] =	vst.idx.add.f32.msk $0xffff, v27  }
.Ltmp3:
0x14d: {  	s9 =	simm.s32 $0x0;
	vm0 =	vgt.f32 v16, $0.0e+00;
	v19 =	vmul.f32 $2.000000030e-01, v16;
	v18 =	vadd.f32 v37, v20;
	v12 =	vmovc v39;
	[tilespmem:v15+s24+$0x0] =	vst.idx.add.f32.msk $0xffff, v21;
	(pc) =	sbr.rel @p0 .LBB2_8-.Ltmp3, $4  }
0x14e: {  	vm1 =	vgt.f32 v17, $0.0e+00;
	v21 =	vmul.f32 $2.000000030e-01, v17;
	v15 =	vadd.f32 v41, v22;
	[tilespmem:v10+s24+$0x0] =	vst.idx.add.f32.msk $0xffff, v29;
	v10 =	vmovc v30  }
0x14f: {  	vm2 =	vgt.f32 v18, $0.0e+00;
	v22 =	vmul.f32 $2.000000030e-01, v18;
	v20 =	vadd.f32 v43, v23;
	[tilespmem:v11+s24+$0x0] =	vst.idx.add.f32.msk $0xffff, v36;
	v11 =	vmovc v38  }
0x150: {  	v24 =	vsel vm3, v24, v25;
	vm3 =	vgt.f32 v15, $0.0e+00;
	v23 =	vmul.f32 $2.000000030e-01, v15;
	[tilespmem:v13+s24+$0x0] =	vst.idx.add.f32.msk $0xffff, v40;
	v13 =	vmovc v34  }
0x151: {  	s8 =	sadd.s32 $0x80, s8;
	v26 =	vsel vm4, v26, v28;
	vm4 =	vgt.f32 v20, $0.0e+00;
	v25 =	vmul.f32 $2.000000030e-01, v20;
	[tilespmem:v14+s24+$0x0] =	vst.idx.add.f32.msk $0xffff, v42;
	v14 =	vmovc v35  }
0x152: {  	v24 =	vmul.f32 $1.442695020e+00, v24  }
0x153: {  	v16 =	vsel vm0, v16, v19;
	v58 =	vmul.f32 $1.442695020e+00, v26  }
0x154: {  	v17 =	vsel vm1, v17, v21;
	v16 =	vmul.f32 $1.442695020e+00, v16;
	(erf) = vpow2.f32 v24  }
0x155: {  	v18 =	vsel vm2, v18, v22;
	v17 =	vmul.f32 $1.442695020e+00, v17;
	(erf) = vpow2.f32 v58  }
0x156: {  	v15 =	vsel vm3, v15, v23;
	v18 =	vmul.f32 $1.442695020e+00, v18;
	(erf) = vpow2.f32 v16  }
0x157: {  	v59 =	vsel vm4, v20, v25;
	v15 =	vmul.f32 $1.442695020e+00, v15;
	(erf) = vpow2.f32 v17  }
0x158: {  	v16 =	vmul.f32 $1.442695020e+00, v59;
	(erf) = vpow2.f32 v18  }
0x159: {  	(erf) = vpow2.f32 v15  }
0x15a: {  	(erf) = vpow2.f32 v16;
	_ =	sdelay $0x2  }
0x15b: {  	v60 =	vpop (erf)  }
0x15c: {  	v61 =	vpop (erf);
	[tilespmem:v8+s24+$0x0] =	vst.idx.add.f32.msk $0xffff, v60  }
0x15d: {  	v8 =	vpop (erf);
	[tilespmem:v9+s24+$0x0] =	vst.idx.add.f32.msk $0xffff, v61  }
0x15e: {  	v62 =	vpop (erf);
	[tilespmem:v12+s24+$0x0] =	vst.idx.add.f32.msk $0xffff, v8  }
0x15f: {  	v8 =	vpop (erf);
	[tilespmem:v10+s24+$0x0] =	vst.idx.add.f32.msk $0xffff, v62  }
0x160: {  	v63 =	vpop (erf);
	[tilespmem:v11+s24+$0x0] =	vst.idx.add.f32.msk $0xffff, v8  }
0x161: {  	v8 =	vpop (erf);
	[tilespmem:v13+s24+$0x0] =	vst.idx.add.f32.msk $0xffff, v63  }
0x162: {  	[tilespmem:v14+s24+$0x0] =	vst.idx.add.f32.msk $0xffff, v8  }
.LBB2_10:
0x163: {  	s5 =	sshra.s32 s9, $0x2  }
0x164: {  	v8 =	vld [tilespmem:s5+$0x4E00];
	_ =	sdelay $0x2  }
0x165: {  	v10 =	vld [tilespmem:s5+$0x9C20];
	_ =	sdelay $0x1  }
0x166: {  	v9 =	vsub.s32 v8, v1  }
0x167: {  	v8 =	vand.u32 $0x7, v8;
	v9 =	vand.u32 $0xFFFFFFF8, v9  }
0x168: {  	v8 =	vor.u32 v8, v9;
	_ =	sdelay $0x3  }
0x169: {  	v63 =	vld.idx.msk [tilespmem:v10+s22+$0x0], $0xffff  }
0x16a: {  	v8 =	vld.idx.msk [tilespmem:v8+s21+$0x0], $0xffff;
	_ =	sdelay $0x4  }
0x16b: {  	v8 =	vadd.f32 v63, v8;
	_ =	sdelay $0x1  }
0x16c: {  	v9 =	vmul.f32 $2.000000030e-01, v8  }
0x16d: {  	vm0 =	vgt.f32 v8, $0.0e+00  }
0x16e: {  	v8 =	vsel vm0, v8, v9  }
0x16f: {  	v8 =	vmul.f32 $1.442695020e+00, v8;
	_ =	sdelay $0x1  }
0x170: {  	(erf) = vpow2.f32 v8;
	_ =	sdelay $0x4  }
0x171: {  	p0 =	sne.s32 s9, $0x40  }
.Ltmp4:
0x172: {  	_ = 	snop;
	(pc) =	sbr.rel @p0 .LBB2_10-.Ltmp4, $3  }
0x173: {  	_ =	sdelay $0x1  }
0x174: {  	v8 =	vpop (erf)  }
0x175: {  	s9 =	sadd.s32 $0x40, s9;
	[tilespmem:v10+s24+$0x0] =	vst.idx.add.f32.msk $0xffff, v8  }
0x176: {  	s5 =	simm.s32 $0x11630  }
0x177: {  	[tilespmem:s5+$0xFFFFFF00] =	vst v2  }
0x178: {  	[tilespmem:s5+$0xF0] =	vst v2  }
0x179: {  	[tilespmem:s5+$0xE0] =	vst v2  }
0x17a: {  	[tilespmem:s5+$0xD0] =	vst v2  }
0x17b: {  	[tilespmem:s5+$0xC0] =	vst v2  }
0x17c: {  	[tilespmem:s5+$0xB0] =	vst v2  }
0x17d: {  	[tilespmem:s5+$0xA0] =	vst v2  }
0x17e: {  	[tilespmem:s5+$0x90] =	vst v2  }
0x17f: {  	[tilespmem:s5+$0x80] =	vst v2  }
0x180: {  	[tilespmem:s5+$0x70] =	vst v2  }
0x181: {  	[tilespmem:s5+$0x60] =	vst v2  }
0x182: {  	[tilespmem:s5+$0x50] =	vst v2  }
0x183: {  	[tilespmem:s5+$0x40] =	vst v2  }
0x184: {  	[tilespmem:s5+$0x30] =	vst v2  }
0x185: {  	[tilespmem:s5+$0x20] =	vst v2  }
0x186: {  	[tilespmem:s5+$0x10] =	vst v2  }
0x187: {  	[tilespmem:s5+$0x0] =	vst v2  }
0x188: {  	[tilespmem:s5+$0xFFFFFFF0] =	vst v2  }
0x189: {  	[tilespmem:s5+$0xFFFFFFE0] =	vst v2  }
0x18a: {  	[tilespmem:s5+$0xFFFFFFD0] =	vst v2  }
0x18b: {  	[tilespmem:s5+$0xFFFFFFC0] =	vst v2  }
0x18c: {  	[tilespmem:s5+$0xFFFFFFB0] =	vst v2  }
0x18d: {  	[tilespmem:s5+$0xFFFFFFA0] =	vst v2  }
0x18e: {  	[tilespmem:s5+$0xFFFFFF90] =	vst v2  }
0x18f: {  	[tilespmem:s5+$0xFFFFFF80] =	vst v2  }
0x190: {  	[tilespmem:s5+$0xFFFFFF70] =	vst v2  }
0x191: {  	[tilespmem:s5+$0xFFFFFF60] =	vst v2  }
0x192: {  	[tilespmem:s5+$0xFFFFFF50] =	vst v2  }
0x193: {  	[tilespmem:s5+$0xFFFFFF40] =	vst v2  }
0x194: {  	[tilespmem:s5+$0xFFFFFF30] =	vst v2  }
0x195: {  	s6 =	simm.s32 $0x0;
	[tilespmem:s5+$0xFFFFFF20] =	vst v2  }
.LBB2_12:
0x196: {  	s6 =	sadd.s32 $0x8, s6;
	[tilespmem:s5+$0xFFFFFF10] =	vst v2;
	s5 =	sadd.s32 $0x200, s5  }
0x197: {  	[tilespmem:s5+$0xFFFFFF00] =	vst v2;
	p0 =	slt.u32 s6, $0x48  }
0x198: {  	[tilespmem:s5+$0xF0] =	vst v2  }
0x199: {  	[tilespmem:s5+$0xE0] =	vst v2  }
0x19a: {  	[tilespmem:s5+$0xD0] =	vst v2  }
0x19b: {  	[tilespmem:s5+$0xC0] =	vst v2  }
0x19c: {  	[tilespmem:s5+$0xB0] =	vst v2  }
0x19d: {  	[tilespmem:s5+$0xA0] =	vst v2  }
0x19e: {  	[tilespmem:s5+$0x90] =	vst v2  }
0x19f: {  	[tilespmem:s5+$0x80] =	vst v2  }
0x1a0: {  	[tilespmem:s5+$0x70] =	vst v2  }
0x1a1: {  	[tilespmem:s5+$0x60] =	vst v2  }
0x1a2: {  	[tilespmem:s5+$0x50] =	vst v2  }
0x1a3: {  	[tilespmem:s5+$0x40] =	vst v2  }
0x1a4: {  	[tilespmem:s5+$0x30] =	vst v2  }
0x1a5: {  	[tilespmem:s5+$0x20] =	vst v2  }
0x1a6: {  	[tilespmem:s5+$0x10] =	vst v2  }
0x1a7: {  	[tilespmem:s5+$0x0] =	vst v2  }
0x1a8: {  	[tilespmem:s5+$0xFFFFFFF0] =	vst v2  }
0x1a9: {  	[tilespmem:s5+$0xFFFFFFE0] =	vst v2  }
0x1aa: {  	[tilespmem:s5+$0xFFFFFFD0] =	vst v2  }
0x1ab: {  	[tilespmem:s5+$0xFFFFFFC0] =	vst v2  }
0x1ac: {  	[tilespmem:s5+$0xFFFFFFB0] =	vst v2  }
0x1ad: {  	[tilespmem:s5+$0xFFFFFFA0] =	vst v2  }
0x1ae: {  	[tilespmem:s5+$0xFFFFFF90] =	vst v2  }
0x1af: {  	[tilespmem:s5+$0xFFFFFF80] =	vst v2  }
0x1b0: {  	[tilespmem:s5+$0xFFFFFF70] =	vst v2  }
.Ltmp5:
0x1b1: {  	[tilespmem:s5+$0xFFFFFF60] =	vst v2;
	(pc) =	sbr.rel @p0 .LBB2_12-.Ltmp5, $4  }
0x1b2: {  	[tilespmem:s5+$0xFFFFFF50] =	vst v2  }
0x1b3: {  	[tilespmem:s5+$0xFFFFFF40] =	vst v2  }
0x1b4: {  	[tilespmem:s5+$0xFFFFFF30] =	vst v2  }
0x1b5: {  	[tilespmem:s5+$0xFFFFFF20] =	vst v2  }
0x1b6: {  	[tilespmem:s5+$0xFFFFFF10] =	vst v2  }
0x1b7: {  	[spmem:s10] =	stream.linear.scatter [tilespmem:s25], [sflag:$0x4], $0x1400, $0x38;
	[tilespmem:$0x1DCE0] =	vst v63  }
0x1b8: {  	_ =	swait.ge [sflag:s20], $0x1400  }
0x1b9: {  	[sflag:s20] =	ssyncset.done $0x0  }
0x1ba: {  	s9 =	rddreg [dreg:$0x8];
	[sflag:s20] =	ssyncadd.s32 $0xFFFFEC00  }
0x1bb: {  	[spmem:s9] =	stream.linear.scatter [tilespmem:s25], [sflag:$0x4], $0x1400, $0x38;
	[tilespmem:$0x1DCE0] =	vst v63  }
0x1bc: {  	_ =	swait.ge [sflag:s20], $0x1400  }
0x1bd: {  	[sflag:s20] =	ssyncset.done $0x0  }
0x1be: {  	s11 =	rddreg [dreg:$0x9];
	[sflag:s20] =	ssyncadd.s32 $0xFFFFEC00  }
0x1bf: {  	[spmem:s11] =	stream.linear.scatter [tilespmem:s25], [sflag:$0x4], $0x1400, $0x38;
	[tilespmem:$0x1DCE0] =	vst v63  }
0x1c0: {  	_ =	swait.ge [sflag:s20], $0x1400  }
0x1c1: {  	[sflag:s20] =	ssyncset.done $0x0  }
0x1c2: {  	s12 =	rddreg [dreg:$0xa];
	[sflag:s20] =	ssyncadd.s32 $0xFFFFEC00  }
0x1c3: {  	[spmem:s12] =	stream.linear.scatter [tilespmem:s25], [sflag:$0x4], $0x1400, $0x38;
	[tilespmem:$0x1DCE0] =	vst v63  }
0x1c4: {  	_ =	swait.ge [sflag:s20], $0x1400  }
0x1c5: {  	[sflag:s20] =	ssyncset.done $0x0  }
0x1c6: {  	s13 =	rddreg [dreg:$0xb];
	[sflag:s20] =	ssyncadd.s32 $0xFFFFEC00  }
0x1c7: {  	[spmem:s13] =	stream.linear.scatter [tilespmem:s25], [sflag:$0x4], $0x1400, $0x38;
	[tilespmem:$0x1DCE0] =	vst v63  }
0x1c8: {  	_ =	swait.ge [sflag:s20], $0x1400  }
0x1c9: {  	[sflag:s20] =	ssyncset.done $0x0  }
0x1ca: {  	[sflag:s20] =	ssyncadd.s32 $0xFFFFEC00  }
0x1cb: {  	[spmem:s15] =	stream.linear.scatter [tilespmem:s25], [sflag:$0x4], $0x1400, $0x38;
	[tilespmem:$0x1DCE0] =	vst v63  }
0x1cc: {  	_ =	swait.ge [sflag:s20], $0x1400  }
0x1cd: {  	[sflag:s20] =	ssyncset.done $0x0  }
0x1ce: {  	[sflag:s20] =	ssyncadd.s32 $0xFFFFEC00  }
0x1cf: {  	[spmem:s16] =	stream.linear.scatter [tilespmem:s25], [sflag:$0x4], $0x1400, $0x38;
	[tilespmem:$0x1DCE0] =	vst v63  }
0x1d0: {  	_ =	swait.ge [sflag:s20], $0x1400  }
0x1d1: {  	[sflag:s20] =	ssyncset.done $0x0  }
0x1d2: {  	[sflag:s20] =	ssyncadd.s32 $0xFFFFEC00  }
0x1d3: {  	[spmem:s17] =	stream.linear.scatter [tilespmem:s25], [sflag:$0x4], $0x1040, $0x38;
	[tilespmem:$0x1DCE0] =	vst v63  }
0x1d4: {  	_ =	swait.ge [sflag:s20], $0x1040  }
0x1d5: {  	[sflag:s20] =	ssyncset.done $0x0  }
0x1d6: {  	[sflag:s20] =	ssyncadd.s32 $0xFFFFEFC0  }
0x1d7: {  	[bflag:$0x0] =	sbarrier.arrive $0xFFFF  }
0x1d8: {  	s6 =	simm.s32 $0x11260;
	s14 =	rddreg [dreg:$0x1]  }
0x1d9: {  	[spmem:s14] =	stream.indirect.scatter.add.f32 [tilespmem:s24], [sflag:$0x4], $0x80, s6, s26, $0xb8;
	[tilespmem:$0x1DCE0] =	vst v63  }
0x1da: {  	_ =	swait.ge [sflag:s20], $0x2800  }
0x1db: {  	[sflag:s20] =	ssyncset.done $0x0  }
0x1dc: {  	[sflag:s20] =	ssyncadd.s32 $0xFFFFD800  }
0x1dd: {  	[bflag:$0x0] =	sbarrier.arrive $0xFFFF  }
0x1de: {  	[tilespmem:s24], [sflag:$0x4] =	stream.linear.gather [spmem:s14], $0x2800, $0x38;
	[tilespmem:$0x1DCE0] =	vst v63  }
0x1df: {  	_ =	swait.ge [sflag:s20], $0x2800  }
0x1e0: {  	[sflag:s20] =	ssyncset.done $0x0  }
0x1e1: {  	s5 =	simm.s32 $0x0;
	[sflag:s20] =	ssyncadd.s32 $0xFFFFD800  }
0x1e2: {  	[tilespmem:s25], [sflag:$0x1] =	stream.indirect.gather [hbm4b:s7+s26], $0x40, s5, s26, $0xb8;
	[tilespmem:$0x1DCE0] =	vst v63  }
0x1e3: {  	_ =	swait.ge [sflag:s29], $0x1400  }
0x1e4: {  	[sflag:s29] =	ssyncset.done $0x0  }
0x1e5: {  	s6 =	simm.s32 $0x0;
	[sflag:s29] =	ssyncadd.s32 $0xFFFFEC00  }
.LBB2_14:
0x1e6: {  	s8 =	sshllo.u32 s6, $0x1  }
0x1e7: {  	s9 =	smul.u32 $0x140, s8;
	_ =	sdelay $0x1  }
0x1e8: {  	s11 =	smul.u32 $0xA0, s6;
	s9 =	sshra.s32 s9, $0x2  }
0x1e9: {  	[tilespmem:s30], [sflag:$0x1] =	stream.indirect.gather [hbm4b:s7+s26], $0x40, s9, s26, $0xb8;
	[tilespmem:$0x1DCE0] =	vst v63  }
0x1ea: {  	v8 =	vld [tilespmem:s11+$0x0];
	_ =	sdelay $0x1  }
0x1eb: {  	v10 =	vld [tilespmem:s11+$0x10];
	_ =	sdelay $0x1  }
0x1ec: {  	v11 =	vld [tilespmem:s11+$0x4E20]  }
0x1ed: {  	v12 =	vld [tilespmem:s11+$0x4E30];
	v9 =	vsub.s32 v8, v1  }
0x1ee: {  	v13 =	vld [tilespmem:s11+$0x20];
	v8 =	vand.u32 $0x7, v8;
	v9 =	vand.u32 $0xFFFFFFF8, v9  }
0x1ef: {  	v15 =	vld [tilespmem:s11+$0x40];
	v8 =	vor.u32 v8, v9;
	v9 =	vsub.s32 v10, v1  }
0x1f0: {  	v17 =	vld [tilespmem:s11+$0x4E40];
	v10 =	vand.u32 $0x7, v10;
	v9 =	vand.u32 $0xFFFFFFF8, v9  }
0x1f1: {  	v9 =	vor.u32 v10, v9;
	v10 =	vld [tilespmem:s11+$0x30]  }
0x1f2: {  	v18 =	vld [tilespmem:s11+$0x4E50]  }
0x1f3: {  	v20 =	vld [tilespmem:s11+$0x4E60];
	[tilespmem:$0x13D80] =	vst v11;
	v16 =	vsub.s32 v13, v1  }
0x1f4: {  	v13 =	vand.u32 $0x7, v13;
	v16 =	vand.u32 $0xFFFFFFF8, v16;
	v14 =	vld.idx.msk [tilespmem:v11+s22+$0x0], $0xffff  }
0x1f5: {  	[tilespmem:$0x13D90] =	vst v12;
	v13 =	vor.u32 v13, v16;
	v8 =	vld.idx.msk [tilespmem:v8+s21+$0x0], $0xffff  }
0x1f6: {  	v19 =	vld.idx.msk [tilespmem:v12+s22+$0x0], $0xffff;
	v16 =	vsub.s32 v10, v1  }
0x1f7: {  	v9 =	vld.idx.msk [tilespmem:v9+s21+$0x0], $0xffff;
	v10 =	vand.u32 $0x7, v10;
	v16 =	vand.u32 $0xFFFFFFF8, v16  }
0x1f8: {  	v11 =	vld.idx.msk [tilespmem:v11+s24+$0x0], $0xffff;
	v10 =	vor.u32 v10, v16;
	v16 =	vsub.s32 v15, v1  }
0x1f9: {  	[tilespmem:$0x13DA0] =	vst v17;
	v12 =	vld.idx.msk [tilespmem:v12+s24+$0x0], $0xffff;
	v15 =	vand.u32 $0x7, v15;
	v16 =	vand.u32 $0xFFFFFFF8, v16  }
0x1fa: {  	v13 =	vld.idx.msk [tilespmem:v13+s21+$0x0], $0xffff;
	v8 =	vadd.f32 v14, v8;
	v15 =	vor.u32 v15, v16  }
0x1fb: {  	[tilespmem:$0x13DB0] =	vst v18;
	v14 =	vld.idx.msk [tilespmem:v17+s22+$0x0], $0xffff  }
0x1fc: {  	v16 =	vmul.f32 $2.000000030e-01, v8;
	v9 =	vadd.f32 v19, v9;
	v19 =	vld.idx.msk [tilespmem:v18+s22+$0x0], $0xffff  }
0x1fd: {  	[tilespmem:$0x13DC0] =	vst v20;
	vm0 =	vgt.f32 v8, $0.0e+00;
	v10 =	vld.idx.msk [tilespmem:v10+s21+$0x0], $0xffff  }
0x1fe: {  	v21 =	vld.idx.msk [tilespmem:v20+s22+$0x0], $0xffff;
	v8 =	vsel vm0, v8, v16;
	v16 =	vmul.f32 $2.000000030e-01, v9  }
0x1ff: {  	vm12 =	vgt.f32 v9, $0.0e+00;
	v8 =	vmul.f32 $1.442695020e+00, v8;
	v15 =	vld.idx.msk [tilespmem:v15+s21+$0x0], $0xffff  }
0x200: {  	v11 =	vadd.f32 $1.000000020e-16, v11;
	v13 =	vadd.f32 v14, v13;
	v9 =	vsel vm12, v9, v16  }
0x201: {  	(erf) = vpow2.f32 v8;
	v8 =	vmul.f32 $1.442695020e+00, v9;
	v9 =	vld.idx.msk [tilespmem:v17+s24+$0x0], $0xffff  }
0x202: {  	(erf) = vrcp.f32 v11;
	v11 =	vmul.f32 $2.000000030e-01, v13;
	v10 =	vadd.f32 v19, v10  }
0x203: {  	vm13 =	vgt.f32 v13, $0.0e+00;
	(erf) = vpow2.f32 v8;
	v8 =	vadd.f32 $1.000000020e-16, v12;
	v12 =	vld.idx.msk [tilespmem:v18+s24+$0x0], $0xffff  }
0x204: {  	v11 =	vsel vm13, v13, v11;
	v13 =	vmul.f32 $2.000000030e-01, v10;
	v14 =	vadd.f32 v21, v15  }
0x205: {  	(erf) = vrcp.f32 v8;
	v8 =	vmul.f32 $1.442695020e+00, v11;
	vm14 =	vgt.f32 v10, $0.0e+00;
	v11 =	vld.idx.msk [tilespmem:v20+s24+$0x0], $0xffff  }
0x206: {  	v9 =	vadd.f32 $1.000000020e-16, v9;
	v10 =	vsel vm14, v10, v13;
	v13 =	vmul.f32 $2.000000030e-01, v14  }
0x207: {  	(erf) = vpow2.f32 v8;
	vm15 =	vgt.f32 v14, $0.0e+00;
	v8 =	vmul.f32 $1.442695020e+00, v10  }
0x208: {  	(erf) = vrcp.f32 v9;
	v9 =	vadd.f32 $1.000000020e-16, v12;
	v10 =	vsel vm15, v14, v13  }
0x209: {  	(erf) = vpow2.f32 v8;
	v8 =	vmul.f32 $1.442695020e+00, v10  }
0x20a: {  	(erf) = vrcp.f32 v9;
	v9 =	vadd.f32 $1.000000020e-16, v11;
	_ =	sdelay $0x2  }
0x20b: {  	(erf) = vpow2.f32 v8;
	v8 =	vpop (erf)  }
0x20c: {  	(erf) = vrcp.f32 v9;
	v9 =	vpop (erf)  }
0x20d: {  	v10 =	vpop (erf)  }
0x20e: {  	v11 =	vpop (erf)  }
0x20f: {  	v12 =	vpop (erf)  }
0x210: {  	v13 =	vpop (erf)  }
0x211: {  	v8 =	vmul.f32 v8, v9;
	v14 =	vpop (erf)  }
0x212: {  	v9 =	vmul.f32 v10, v11;
	v10 =	vmul.f32 v12, v13;
	v13 =	vmov s5;
	v15 =	vpop (erf)  }
0x213: {  	s12 =	simm.s32 $0x1;
	s13 =	simm.s32 $0x2;
	v13 =	vshrl.u32 v13, $0x3;
	v11 =	vmul.f32 v14, v15  }
0x214: {  	v16 =	vpop (erf);
	v14 =	vmov s12;
	s12 =	simm.s32 $0x4;
	v15 =	vmov s13;
	s13 =	simm.s32 $0x5;
	v13 =	vshll.u32 v13, v7  }
0x215: {  	v12 =	vpop (erf);
	v17 =	vmov s12;
	v18 =	vmov s13;
	v14 =	vshrl.u32 v14, $0x3  }
0x216: {  	s14 =	simm.s32 $0x3;
	v15 =	vshrl.u32 v15, $0x3;
	v13 =	vbroadcast v13, $0x0;
	v12 =	vmul.f32 v16, v12  }
0x217: {  	v16 =	vmov s14;
	v17 =	vshrl.u32 v17, $0x3;
	v18 =	vshrl.u32 v18, $0x3  }
0x218: {  	[tilespmem:$0x13D30] =	vst v8;
	v14 =	vshll.u32 v14, v7;
	v15 =	vshll.u32 v15, v7;
	v16 =	vshrl.u32 v16, $0x3  }
0x219: {  	[tilespmem:$0x13D40] =	vst v9;
	v17 =	vshll.u32 v17, v7;
	v14 =	vadd.s32 $0x1, v14;
	v15 =	vadd.s32 $0x2, v15  }
0x21a: {  	s11 =	simm.s32 $0x7;
	[tilespmem:$0x13D50] =	vst v10;
	v16 =	vshll.u32 v16, v7;
	v14 =	vbroadcast v14, $0x0;
	v15 =	vbroadcast v15, $0x0  }
0x21b: {  	[tilespmem:$0x13D60] =	vst v11;
	v10 =	vadd.s32 $0x4, v17;
	v17 =	vmov s11;
	v16 =	vadd.s32 $0x3, v16  }
0x21c: {  	s9 =	simm.s32 $0x11630;
	v8 =	vshll.u32 v18, v7;
	[tilespmem:$0x13D70] =	vst v12;
	v11 =	vshrl.u32 v17, $0x3;
	v16 =	vbroadcast v16, $0x0  }
0x21d: {  	v8 =	vadd.s32 $0x5, v8;
	v10 =	vbroadcast v10, $0x0;
	v17 =	vld [tilespmem:s9+$0xFFFFFF00];
	v11 =	vshll.u32 v11, v7  }
0x21e: {  	v8 =	vbroadcast v8, $0x0;
	v18 =	vld [tilespmem:s9+$0xFFFFFF10];
	v11 =	vadd.s32 $0x7, v11  }
0x21f: {  	v12 =	vld.idx.msk [tilespmem:v13+s31+$0x0], $0xffff;
	v11 =	vbroadcast v11, $0x0  }
0x220: {  	v13 =	vld.idx.msk [tilespmem:v14+s31+$0x0], $0xffff  }
0x221: {  	s14 =	simm.s32 $0x6;
	v14 =	vld.idx.msk [tilespmem:v15+s31+$0x0], $0xffff  }
0x222: {  	v19 =	vmov s14;
	v15 =	vld.idx.msk [tilespmem:v16+s31+$0x0], $0xffff  }
0x223: {  	v19 =	vshrl.u32 v19, $0x3;
	v16 =	vld.idx.msk [tilespmem:v10+s31+$0x0], $0xffff  }
0x224: {  	v9 =	vshll.u32 v19, v7;
	v10 =	vld.idx.msk [tilespmem:v8+s31+$0x0], $0xffff  }
0x225: {  	v9 =	vadd.s32 $0x6, v9;
	v8 =	vld.idx.msk [tilespmem:v11+s31+$0x0], $0xffff  }
0x226: {  	v9 =	vbroadcast v9, $0x0;
	v11 =	vld [tilespmem:s9+$0xF0]  }
0x227: {  	v19 =	vld [tilespmem:s9+$0xFFFFFF20]  }
0x228: {  	v20 =	vld [tilespmem:s9+$0xFFFFFF30]  }
0x229: {  	v21 =	vld [tilespmem:s9+$0xFFFFFF40]  }
0x22a: {  	v22 =	vld [tilespmem:s9+$0xFFFFFF50];
	v17 =	vmul.f32 v17, v12  }
0x22b: {  	v23 =	vld [tilespmem:s9+$0xFFFFFF60];
	v11 =	vmul.f32 v11, v8  }
0x22c: {  	v18 =	vmul.f32 v18, v12;
	v9 =	vld.idx.msk [tilespmem:v9+s31+$0x0], $0xffff;
	[tilespmem:s9+$0xFFFFFF00] =	vst v17  }
0x22d: {  	v17 =	vld [tilespmem:s9+$0xFFFFFF70];
	[tilespmem:s9+$0xF0] =	vst v11;
	v11 =	vmul.f32 v19, v12  }
0x22e: {  	[tilespmem:s9+$0xFFFFFF10] =	vst v18;
	v18 =	vld [tilespmem:s9+$0xFFFFFF80];
	v12 =	vmul.f32 v20, v12  }
0x22f: {  	v19 =	vld [tilespmem:s9+$0xFFFFFF90];
	[tilespmem:s9+$0xFFFFFF20] =	vst v11;
	v11 =	vmul.f32 v21, v13  }
0x230: {  	v20 =	vld [tilespmem:s9+$0xFFFFFFA0];
	[tilespmem:s9+$0xFFFFFF30] =	vst v12;
	v12 =	vmul.f32 v22, v13  }
0x231: {  	s12 =	simm.s32 $0x8;
	v21 =	vld [tilespmem:s9+$0xFFFFFFB0];
	[tilespmem:s9+$0xFFFFFF40] =	vst v11;
	v11 =	vmul.f32 v23, v13  }
0x232: {  	v22 =	vmov s12;
	[tilespmem:s9+$0xFFFFFF50] =	vst v12;
	v12 =	vmul.f32 v17, v13;
	v13 =	vld [tilespmem:s9+$0xFFFFFFC0]  }
0x233: {  	s13 =	simm.s32 $0x9;
	s14 =	simm.s32 $0xA;
	v17 =	vshrl.u32 v22, $0x3;
	[tilespmem:s9+$0xFFFFFF60] =	vst v11;
	v11 =	vmul.f32 v18, v14;
	v18 =	vld [tilespmem:s9+$0xFFFFFFD0]  }
0x234: {  	v22 =	vmov s13;
	v23 =	vmov s14;
	s13 =	simm.s32 $0xB;
	s14 =	simm.s32 $0xC;
	[tilespmem:s9+$0xFFFFFF70] =	vst v12;
	v12 =	vmul.f32 v19, v14;
	v19 =	vld [tilespmem:s9+$0xFFFFFFE0]  }
0x235: {  	v24 =	vmov s13;
	v25 =	vmov s14;
	s13 =	simm.s32 $0xD;
	[tilespmem:s9+$0xFFFFFF80] =	vst v11;
	v11 =	vmul.f32 v20, v14;
	v20 =	vld [tilespmem:s9+$0xFFFFFFF0]  }
0x236: {  	s14 =	simm.s32 $0xE;
	v17 =	vshll.u32 v17, v7;
	v26 =	vmov s13;
	[tilespmem:s9+$0xFFFFFF90] =	vst v12;
	v12 =	vmul.f32 v21, v14;
	v14 =	vld [tilespmem:s9+$0x0]  }
0x237: {  	v27 =	vmov s14;
	v21 =	vshrl.u32 v22, $0x3;
	[tilespmem:s9+$0xFFFFFFA0] =	vst v11;
	v11 =	vmul.f32 v13, v15;
	v13 =	vld [tilespmem:s9+$0x10]  }
0x238: {  	v22 =	vshrl.u32 v23, $0x3;
	v23 =	vshrl.u32 v24, $0x3;
	v24 =	vld [tilespmem:s9+$0x20];
	[tilespmem:s9+$0xFFFFFFB0] =	vst v12;
	v18 =	vmul.f32 v18, v15  }
0x239: {  	v25 =	vshrl.u32 v25, $0x3;
	v26 =	vshrl.u32 v26, $0x3;
	[tilespmem:s9+$0xFFFFFFC0] =	vst v11;
	v11 =	vmul.f32 v19, v15;
	v19 =	vld [tilespmem:s9+$0x30]  }
0x23a: {  	v25 =	vshll.u32 v25, v7;
	v26 =	vshll.u32 v26, v7;
	[tilespmem:s9+$0xFFFFFFD0] =	vst v18;
	v15 =	vmul.f32 v20, v15;
	v18 =	vld [tilespmem:s9+$0x40]  }
0x23b: {  	v20 =	vshll.u32 v21, v7;
	v21 =	vshll.u32 v22, v7;
	v22 =	vld [tilespmem:s9+$0x50];
	[tilespmem:s9+$0xFFFFFFE0] =	vst v11;
	v11 =	vmul.f32 v14, v16  }
0x23c: {  	v12 =	vbroadcast v17, $0x0;
	v17 =	vshrl.u32 v27, $0x3;
	v27 =	vld [tilespmem:s9+$0x60];
	[tilespmem:s9+$0xFFFFFFF0] =	vst v15;
	v15 =	vmul.f32 v13, v16  }
0x23d: {  	v17 =	vshll.u32 v17, v7;
	v24 =	vmul.f32 v24, v16;
	v14 =	vshll.u32 v23, v7;
	v13 =	vld [tilespmem:s9+$0x70];
	[tilespmem:s9+$0x0] =	vst v11  }
0x23e: {  	v20 =	vadd.s32 $0x1, v20;
	v21 =	vadd.s32 $0x2, v21;
	v11 =	vld [tilespmem:s9+$0x80];
	[tilespmem:s9+$0x10] =	vst v15;
	v15 =	vmul.f32 v19, v16  }
0x23f: {  	v23 =	vadd.s32 $0x3, v14;
	[tilespmem:s9+$0x20] =	vst v24;
	v14 =	vld [tilespmem:s9+$0x90];
	v19 =	vadd.s32 $0x4, v25;
	v24 =	vmul.f32 v18, v10  }
0x240: {  	v16 =	vbroadcast v20, $0x0;
	v20 =	vadd.s32 $0x5, v26;
	v22 =	vmul.f32 v22, v10;
	[tilespmem:s9+$0x30] =	vst v15;
	v15 =	vld [tilespmem:s9+$0xA0]  }
0x241: {  	s11 =	sshll.u32 s6, $0x1;
	s12 =	simm.s32 $0x10;
	s13 =	simm.s32 $0xF;
	v18 =	vbroadcast v21, $0x0;
	v21 =	vadd.s32 $0x6, v17;
	v17 =	vld [tilespmem:s9+$0xB0];
	[tilespmem:s9+$0x40] =	vst v24;
	v24 =	vmul.f32 v27, v10  }
.LBB2_15:
0x242: {  	p0 =	slt.u32 s12, $0x48;
	v23 =	vbroadcast v23, $0x0;
	v25 =	vmov s13;
	[tilespmem:s9+$0x50] =	vst v22;
	v10 =	vmul.f32 v13, v10;
	v13 =	vld [tilespmem:s9+$0xC0]  }
0x243: {  	v19 =	vbroadcast v19, $0x0;
	v22 =	vshrl.u32 v25, $0x3;
	[tilespmem:s9+$0x60] =	vst v24;
	v11 =	vmul.f32 v11, v9;
	v24 =	vld [tilespmem:s9+$0xD0]  }
0x244: {  	v20 =	vbroadcast v20, $0x0;
	v22 =	vshll.u32 v22, v7;
	[tilespmem:s9+$0x70] =	vst v10;
	v10 =	vmul.f32 v14, v9;
	v14 =	vld [tilespmem:s9+$0xE0]  }
0x245: {  	v21 =	vbroadcast v21, $0x0;
	v12 =	vld.idx.msk [tilespmem:v12+s31+$0x0], $0xffff;
	v22 =	vadd.s32 $0x7, v22;
	[tilespmem:s9+$0x80] =	vst v11;
	v11 =	vmul.f32 v15, v9  }
0x246: {  	v15 =	vld.idx.msk [tilespmem:v16+s31+$0x0], $0xffff;
	v16 =	vbroadcast v22, $0x0;
	[tilespmem:s9+$0x90] =	vst v10;
	v9 =	vmul.f32 v17, v9  }
0x247: {  	v17 =	vld.idx.msk [tilespmem:v18+s31+$0x0], $0xffff;
	[tilespmem:s9+$0xA0] =	vst v11;
	v10 =	vmul.f32 v13, v8  }
0x248: {  	v13 =	vld.idx.msk [tilespmem:v23+s31+$0x0], $0xffff;
	[tilespmem:s9+$0xB0] =	vst v9;
	v9 =	vmul.f32 v24, v8  }
0x249: {  	v11 =	vld.idx.msk [tilespmem:v19+s31+$0x0], $0xffff;
	[tilespmem:s9+$0xC0] =	vst v10;
	v8 =	vmul.f32 v14, v8  }
0x24a: {  	v10 =	vld.idx.msk [tilespmem:v20+s31+$0x0], $0xffff;
	[tilespmem:s9+$0xD0] =	vst v9  }
0x24b: {  	v9 =	vld.idx.msk [tilespmem:v21+s31+$0x0], $0xffff;
	[tilespmem:s9+$0xE0] =	vst v8  }
0x24c: {  	s9 =	sadd.s32 $0x200, s9;
	v8 =	vld.idx.msk [tilespmem:v16+s31+$0x0], $0xffff  }
0x24d: {  	v14 =	vld [tilespmem:s9+$0xF0]  }
0x24e: {  	v16 =	vld [tilespmem:s9+$0xFFFFFF00]  }
0x24f: {  	v18 =	vld [tilespmem:s9+$0xFFFFFF10]  }
0x250: {  	v19 =	vld [tilespmem:s9+$0xFFFFFF20]  }
0x251: {  	v20 =	vld [tilespmem:s9+$0xFFFFFF30]  }
0x252: {  	v21 =	vld [tilespmem:s9+$0xFFFFFF40];
	v14 =	vmul.f32 v14, v8  }
0x253: {  	v16 =	vmul.f32 v16, v12;
	v22 =	vld [tilespmem:s9+$0xFFFFFF50]  }
0x254: {  	v18 =	vmul.f32 v18, v12;
	v23 =	vld [tilespmem:s9+$0xFFFFFF60];
	[tilespmem:s9+$0xF0] =	vst v14  }
0x255: {  	[tilespmem:s9+$0xFFFFFF00] =	vst v16;
	v14 =	vmul.f32 v19, v12;
	v16 =	vld [tilespmem:s9+$0xFFFFFF70]  }
0x256: {  	[tilespmem:s9+$0xFFFFFF10] =	vst v18;
	v12 =	vmul.f32 v20, v12;
	v18 =	vld [tilespmem:s9+$0xFFFFFF80]  }
0x257: {  	[tilespmem:s9+$0xFFFFFF20] =	vst v14;
	v14 =	vmul.f32 v21, v15;
	v19 =	vld [tilespmem:s9+$0xFFFFFF90]  }
0x258: {  	[tilespmem:s9+$0xFFFFFF30] =	vst v12;
	v12 =	vmul.f32 v22, v15;
	v20 =	vld [tilespmem:s9+$0xFFFFFFA0]  }
0x259: {  	[tilespmem:s9+$0xFFFFFF40] =	vst v14;
	v14 =	vmul.f32 v23, v15;
	v21 =	vld [tilespmem:s9+$0xFFFFFFB0]  }
0x25a: {  	v22 =	vmov s12;
	[tilespmem:s9+$0xFFFFFF50] =	vst v12;
	v12 =	vmul.f32 v16, v15;
	v15 =	vld [tilespmem:s9+$0xFFFFFFC0]  }
0x25b: {  	s13 =	sadd.s32 $0x1, s12;
	s14 =	sadd.s32 $0x2, s12;
	v16 =	vshrl.u32 v22, $0x3;
	[tilespmem:s9+$0xFFFFFF60] =	vst v14;
	v14 =	vmul.f32 v18, v17;
	v18 =	vld [tilespmem:s9+$0xFFFFFFD0]  }
0x25c: {  	v23 =	vmov s14;
	s14 =	sadd.s32 $0x4, s12;
	v22 =	vmov s13;
	s13 =	sadd.s32 $0x3, s12;
	[tilespmem:s9+$0xFFFFFF70] =	vst v12;
	v12 =	vmul.f32 v19, v17;
	v19 =	vld [tilespmem:s9+$0xFFFFFFE0]  }
0x25d: {  	v25 =	vmov s14;
	s14 =	sadd.s32 $0x6, s12;
	v24 =	vmov s13;
	s13 =	sadd.s32 $0x5, s12;
	[tilespmem:s9+$0xFFFFFF80] =	vst v14;
	v14 =	vmul.f32 v20, v17;
	v20 =	vld [tilespmem:s9+$0xFFFFFFF0]  }
0x25e: {  	v27 =	vmov s14;
	v26 =	vmov s13;
	[tilespmem:s9+$0xFFFFFF90] =	vst v12;
	v12 =	vmul.f32 v21, v17;
	v17 =	vld [tilespmem:s9+$0x0]  }
0x25f: {  	v16 =	vshll.u32 v16, v7;
	v21 =	vshrl.u32 v22, $0x3;
	[tilespmem:s9+$0xFFFFFFA0] =	vst v14;
	v14 =	vmul.f32 v15, v13;
	v15 =	vld [tilespmem:s9+$0x10]  }
0x260: {  	v22 =	vshrl.u32 v23, $0x3;
	v23 =	vshrl.u32 v24, $0x3;
	[tilespmem:s9+$0xFFFFFFB0] =	vst v12;
	v18 =	vmul.f32 v18, v13;
	v24 =	vld [tilespmem:s9+$0x20]  }
0x261: {  	v25 =	vshrl.u32 v25, $0x3;
	v26 =	vshrl.u32 v26, $0x3;
	[tilespmem:s9+$0xFFFFFFC0] =	vst v14;
	v14 =	vmul.f32 v19, v13;
	v19 =	vld [tilespmem:s9+$0x30]  }
0x262: {  	v12 =	vbroadcast v16, $0x0;
	v16 =	vshrl.u32 v27, $0x3;
	[tilespmem:s9+$0xFFFFFFD0] =	vst v18;
	v13 =	vmul.f32 v20, v13;
	v18 =	vld [tilespmem:s9+$0x40]  }
0x263: {  	v20 =	vshll.u32 v21, v7;
	v21 =	vshll.u32 v22, v7;
	[tilespmem:s9+$0xFFFFFFE0] =	vst v14;
	v14 =	vmul.f32 v17, v11;
	v17 =	vld [tilespmem:s9+$0x50]  }
0x264: {  	v25 =	vshll.u32 v25, v7;
	v22 =	vshll.u32 v23, v7;
	[tilespmem:s9+$0xFFFFFFF0] =	vst v13;
	v15 =	vmul.f32 v15, v11;
	v27 =	vld [tilespmem:s9+$0x60]  }
.Ltmp6:
0x265: {  	v26 =	vshll.u32 v26, v7;
	v28 =	vshll.u32 v16, v7;
	[tilespmem:s9+$0x0] =	vst v14;
	v14 =	vmul.f32 v24, v11;
	v13 =	vld [tilespmem:s9+$0x70];
	(pc) =	sbr.rel @p0 .LBB2_15-.Ltmp6, $4  }
0x266: {  	v16 =	vadd.s32 $0x1, v20;
	v21 =	vadd.s32 $0x2, v21;
	[tilespmem:s9+$0x10] =	vst v15;
	v15 =	vmul.f32 v19, v11;
	v11 =	vld [tilespmem:s9+$0x80]  }
0x267: {  	v23 =	vadd.s32 $0x3, v22;
	v19 =	vadd.s32 $0x4, v25;
	[tilespmem:s9+$0x20] =	vst v14;
	v24 =	vmul.f32 v18, v10;
	v14 =	vld [tilespmem:s9+$0x90]  }
0x268: {  	v20 =	vadd.s32 $0x5, v26;
	v16 =	vbroadcast v16, $0x0;
	[tilespmem:s9+$0x30] =	vst v15;
	v22 =	vmul.f32 v17, v10;
	v15 =	vld [tilespmem:s9+$0xA0]  }
0x269: {  	s13 =	sadd.s32 $0x7, s12;
	s12 =	sadd.s32 $0x8, s12;
	v18 =	vbroadcast v21, $0x0;
	v21 =	vadd.s32 $0x6, v28;
	[tilespmem:s9+$0x40] =	vst v24;
	v24 =	vmul.f32 v27, v10;
	v17 =	vld [tilespmem:s9+$0xB0]  }
0x26a: {  	_ = 	snop  }
0x26b: {  	v26 =	vld [tilespmem:s9+$0xC0]  }
0x26c: {  	v27 =	vld [tilespmem:s9+$0xD0]  }
0x26d: {  	v25 =	vmov s13;
	v28 =	vld [tilespmem:s9+$0xE0]  }
0x26e: {  	v12 =	vld.idx.msk [tilespmem:v12+s31+$0x0], $0xffff;
	v25 =	vshrl.u32 v25, $0x3  }
0x26f: {  	v23 =	vbroadcast v23, $0x0;
	v16 =	vld.idx.msk [tilespmem:v16+s31+$0x0], $0xffff;
	v10 =	vmul.f32 v13, v10;
	v25 =	vshll.u32 v25, v7  }
0x270: {  	v20 =	vbroadcast v20, $0x0;
	[tilespmem:s9+$0x50] =	vst v22;
	s12 =	sadd.s32 $0x200, s9;
	v18 =	vld.idx.msk [tilespmem:v18+s31+$0x0], $0xffff;
	v11 =	vmul.f32 v11, v9;
	v25 =	vadd.s32 $0x7, v25  }
0x271: {  	v22 =	vld [tilespmem:s12+$0xFFFFFF60];
	[tilespmem:s9+$0x70] =	vst v10;
	v10 =	vmul.f32 v14, v9;
	v25 =	vbroadcast v25, $0x0  }
0x272: {  	v21 =	vbroadcast v21, $0x0;
	[tilespmem:s9+$0x80] =	vst v11;
	v11 =	vmul.f32 v15, v9;
	v15 =	vld [tilespmem:s12+$0xF0]  }
0x273: {  	[tilespmem:s9+$0x90] =	vst v10;
	v10 =	vld [tilespmem:s12+$0xFFFFFF00]  }
0x274: {  	v9 =	vmul.f32 v17, v9;
	v17 =	vld [tilespmem:s12+$0xFFFFFF10]  }
0x275: {  	v23 =	vld.idx.msk [tilespmem:v23+s31+$0x0], $0xffff  }
0x276: {  	v13 =	vld.idx.msk [tilespmem:v20+s31+$0x0], $0xffff  }
0x277: {  	v19 =	vbroadcast v19, $0x0;
	[tilespmem:s9+$0xA0] =	vst v11;
	v11 =	vmul.f32 v26, v8;
	v14 =	vld.idx.msk [tilespmem:v25+s31+$0x0], $0xffff  }
0x278: {  	v20 =	vld.idx.msk [tilespmem:v21+s31+$0x0], $0xffff;
	[tilespmem:s9+$0xB0] =	vst v9;
	v9 =	vmul.f32 v27, v8  }
0x279: {  	v21 =	vld [tilespmem:s12+$0xFFFFFF20];
	v8 =	vmul.f32 v28, v8;
	[tilespmem:s9+$0xC0] =	vst v11  }
0x27a: {  	v11 =	vld [tilespmem:s12+$0xFFFFFF30];
	[tilespmem:s9+$0xD0] =	vst v9  }
0x27b: {  	v9 =	vld [tilespmem:s12+$0xFFFFFF40];
	[tilespmem:s9+$0xE0] =	vst v8;
	v8 =	vmul.f32 v10, v12  }
0x27c: {  	[tilespmem:s9+$0x60] =	vst v24;
	v10 =	vld [tilespmem:s12+$0xFFFFFF50];
	v15 =	vmul.f32 v15, v14  }
0x27d: {  	v19 =	vld.idx.msk [tilespmem:v19+s31+$0x0], $0xffff;
	v17 =	vmul.f32 v17, v12;
	[tilespmem:s12+$0xFFFFFF00] =	vst v8  }
0x27e: {  	v8 =	vmul.f32 v21, v12;
	[tilespmem:s12+$0xF0] =	vst v15;
	v15 =	vld [tilespmem:s12+$0xFFFFFF70]  }
0x27f: {  	[tilespmem:s12+$0xFFFFFF10] =	vst v17;
	v11 =	vmul.f32 v11, v12;
	v12 =	vld [tilespmem:s12+$0xFFFFFF80]  }
0x280: {  	[tilespmem:s12+$0xFFFFFF20] =	vst v8;
	v8 =	vmul.f32 v9, v16;
	v9 =	vld [tilespmem:s12+$0xFFFFFF90]  }
0x281: {  	[tilespmem:s12+$0xFFFFFF30] =	vst v11;
	v10 =	vmul.f32 v10, v16;
	v11 =	vld [tilespmem:s12+$0xFFFFFFA0]  }
0x282: {  	v17 =	vld [tilespmem:s12+$0xFFFFFFB0];
	[tilespmem:s12+$0xFFFFFF40] =	vst v8;
	v8 =	vmul.f32 v22, v16  }
0x283: {  	[tilespmem:s12+$0xFFFFFF50] =	vst v10;
	v10 =	vmul.f32 v15, v16;
	v15 =	vld [tilespmem:s12+$0xFFFFFFC0]  }
0x284: {  	[tilespmem:s12+$0xFFFFFF60] =	vst v8;
	v8 =	vmul.f32 v12, v18;
	v12 =	vld [tilespmem:s12+$0xFFFFFFD0]  }
0x285: {  	v9 =	vmul.f32 v9, v18;
	[tilespmem:s12+$0xFFFFFF70] =	vst v10;
	v10 =	vld [tilespmem:s12+$0xFFFFFFE0]  }
0x286: {  	[tilespmem:s12+$0xFFFFFF80] =	vst v8;
	v8 =	vmul.f32 v11, v18;
	v11 =	vld [tilespmem:s12+$0xFFFFFFF0]  }
0x287: {  	[tilespmem:s12+$0xFFFFFF90] =	vst v9;
	v9 =	vmul.f32 v17, v18;
	v16 =	vld [tilespmem:s12+$0x0]  }
0x288: {  	[tilespmem:s12+$0xFFFFFFA0] =	vst v8;
	v8 =	vmul.f32 v15, v23;
	v15 =	vld [tilespmem:s12+$0x10]  }
0x289: {  	[tilespmem:s12+$0xFFFFFFB0] =	vst v9;
	v9 =	vmul.f32 v12, v23;
	v12 =	vld [tilespmem:s12+$0x20]  }
0x28a: {  	[tilespmem:s12+$0xFFFFFFC0] =	vst v8;
	v8 =	vmul.f32 v10, v23;
	v10 =	vld [tilespmem:s12+$0x30]  }
0x28b: {  	[tilespmem:s12+$0xFFFFFFD0] =	vst v9;
	v9 =	vmul.f32 v11, v23;
	v11 =	vld [tilespmem:s12+$0x40]  }
0x28c: {  	[tilespmem:s12+$0xFFFFFFE0] =	vst v8;
	v8 =	vmul.f32 v16, v19;
	v16 =	vld [tilespmem:s12+$0x50]  }
0x28d: {  	[tilespmem:s12+$0xFFFFFFF0] =	vst v9;
	v9 =	vmul.f32 v15, v19;
	v15 =	vld [tilespmem:s12+$0x60]  }
0x28e: {  	[tilespmem:s12+$0x0] =	vst v8;
	v8 =	vmul.f32 v12, v19;
	v12 =	vld [tilespmem:s12+$0x70]  }
0x28f: {  	[tilespmem:s12+$0x10] =	vst v9;
	v9 =	vmul.f32 v10, v19;
	v10 =	vld [tilespmem:s12+$0x80]  }
0x290: {  	[tilespmem:s12+$0x20] =	vst v8;
	v8 =	vmul.f32 v11, v13;
	v11 =	vld [tilespmem:s12+$0x90]  }
0x291: {  	[tilespmem:s12+$0x30] =	vst v9;
	v9 =	vmul.f32 v16, v13;
	v16 =	vld [tilespmem:s12+$0xA0]  }
0x292: {  	[tilespmem:s12+$0x40] =	vst v8;
	v8 =	vmul.f32 v15, v13;
	v15 =	vld [tilespmem:s12+$0xB0]  }
0x293: {  	[tilespmem:s12+$0x50] =	vst v9;
	v9 =	vmul.f32 v12, v13;
	v12 =	vld [tilespmem:s12+$0xC0]  }
0x294: {  	[tilespmem:s12+$0x60] =	vst v8;
	v8 =	vmul.f32 v10, v20;
	v10 =	vld [tilespmem:s12+$0xD0]  }
0x295: {  	[tilespmem:s12+$0x70] =	vst v9;
	v9 =	vmul.f32 v11, v20;
	v11 =	vld [tilespmem:s12+$0xE0]  }
0x296: {  	[tilespmem:s12+$0x80] =	vst v8;
	v8 =	vmul.f32 v16, v20  }
0x297: {  	[tilespmem:s12+$0x90] =	vst v9;
	v9 =	vmul.f32 v15, v20  }
0x298: {  	[tilespmem:s12+$0xA0] =	vst v8;
	v8 =	vmul.f32 v12, v14  }
0x299: {  	[tilespmem:s12+$0xB0] =	vst v9;
	v9 =	vmul.f32 v10, v14  }
0x29a: {  	[tilespmem:s12+$0xC0] =	vst v8;
	v8 =	vmul.f32 v11, v14  }
0x29b: {  	[tilespmem:s12+$0xD0] =	vst v9  }
0x29c: {  	[tilespmem:s12+$0xE0] =	vst v8  }
0x29d: {  	[spmem:s3] =	stream.indirect.scatter.add.f32 [tilespmem:s25], [sflag:$0x2], $0x40, s0, s26, $0xb8;
	[tilespmem:$0x1DCE0] =	vst v63  }
0x29e: {  	_ =	swait.ge [sflag:s29], $0x1400  }
0x29f: {  	s11 =	smin.u32 s11, $0xF7;
	[sflag:s29] =	ssyncset.done $0x0  }
0x2a0: {  	s9 =	smul.u32 $0x140, s11;
	[sflag:s29] =	ssyncadd.s32 $0xFFFFEC00  }
0x2a1: {  	_ =	swait.ge [sflag:s23], $0x1400  }
0x2a2: {  	s9 =	sshrl.u32 s9, $0x2;
	[sflag:s23] =	ssyncset.done $0x0  }
0x2a3: {  	s8 =	smul.u32 $0x50, s8;
	s9 =	sadd.s32 $0xA0, s9;
	[sflag:s23] =	ssyncadd.s32 $0xFFFFEC00  }
0x2a4: {  	[tilespmem:s25], [sflag:$0x1] =	stream.indirect.gather [hbm4b:s7+s26], $0x40, s9, s26, $0xb8;
	[tilespmem:$0x1DCE0] =	vst v63  }
0x2a5: {  	v8 =	vld [tilespmem:s8+$0x0];
	_ =	sdelay $0x1  }
0x2a6: {  	v10 =	vld [tilespmem:s8+$0x10];
	_ =	sdelay $0x1  }
0x2a7: {  	v11 =	vld [tilespmem:s8+$0x4E20]  }
0x2a8: {  	v12 =	vld [tilespmem:s8+$0x4E30];
	v9 =	vsub.s32 v8, v1  }
0x2a9: {  	v13 =	vld [tilespmem:s8+$0x20];
	v8 =	vand.u32 $0x7, v8;
	v9 =	vand.u32 $0xFFFFFFF8, v9  }
0x2aa: {  	v15 =	vld [tilespmem:s8+$0x40];
	v8 =	vor.u32 v8, v9;
	v9 =	vsub.s32 v10, v1  }
0x2ab: {  	v17 =	vld [tilespmem:s8+$0x4E40];
	v10 =	vand.u32 $0x7, v10;
	v9 =	vand.u32 $0xFFFFFFF8, v9  }
0x2ac: {  	v9 =	vor.u32 v10, v9;
	v10 =	vld [tilespmem:s8+$0x30]  }
0x2ad: {  	v18 =	vld [tilespmem:s8+$0x4E50]  }
0x2ae: {  	v20 =	vld [tilespmem:s8+$0x4E60];
	[tilespmem:$0x13DD0] =	vst v11;
	v16 =	vsub.s32 v13, v1  }
0x2af: {  	v13 =	vand.u32 $0x7, v13;
	v16 =	vand.u32 $0xFFFFFFF8, v16;
	v14 =	vld.idx.msk [tilespmem:v11+s22+$0x0], $0xffff  }
0x2b0: {  	[tilespmem:$0x13DE0] =	vst v12;
	v13 =	vor.u32 v13, v16;
	v8 =	vld.idx.msk [tilespmem:v8+s21+$0x0], $0xffff  }
0x2b1: {  	v19 =	vld.idx.msk [tilespmem:v12+s22+$0x0], $0xffff;
	v16 =	vsub.s32 v10, v1  }
0x2b2: {  	v9 =	vld.idx.msk [tilespmem:v9+s21+$0x0], $0xffff;
	v10 =	vand.u32 $0x7, v10;
	v16 =	vand.u32 $0xFFFFFFF8, v16  }
0x2b3: {  	v11 =	vld.idx.msk [tilespmem:v11+s24+$0x0], $0xffff;
	v10 =	vor.u32 v10, v16;
	v16 =	vsub.s32 v15, v1  }
0x2b4: {  	[tilespmem:$0x13DF0] =	vst v17;
	v12 =	vld.idx.msk [tilespmem:v12+s24+$0x0], $0xffff;
	v15 =	vand.u32 $0x7, v15;
	v16 =	vand.u32 $0xFFFFFFF8, v16  }
0x2b5: {  	v13 =	vld.idx.msk [tilespmem:v13+s21+$0x0], $0xffff;
	v8 =	vadd.f32 v14, v8;
	v15 =	vor.u32 v15, v16  }
0x2b6: {  	[tilespmem:$0x13E00] =	vst v18;
	v14 =	vld.idx.msk [tilespmem:v17+s22+$0x0], $0xffff  }
0x2b7: {  	v16 =	vmul.f32 $2.000000030e-01, v8;
	v9 =	vadd.f32 v19, v9;
	v19 =	vld.idx.msk [tilespmem:v18+s22+$0x0], $0xffff  }
0x2b8: {  	[tilespmem:$0x13E10] =	vst v20;
	vm0 =	vgt.f32 v8, $0.0e+00;
	v10 =	vld.idx.msk [tilespmem:v10+s21+$0x0], $0xffff  }
0x2b9: {  	v21 =	vld.idx.msk [tilespmem:v20+s22+$0x0], $0xffff;
	v8 =	vsel vm0, v8, v16;
	v16 =	vmul.f32 $2.000000030e-01, v9  }
0x2ba: {  	vm12 =	vgt.f32 v9, $0.0e+00;
	v8 =	vmul.f32 $1.442695020e+00, v8;
	v15 =	vld.idx.msk [tilespmem:v15+s21+$0x0], $0xffff  }
0x2bb: {  	v11 =	vadd.f32 $1.000000020e-16, v11;
	v13 =	vadd.f32 v14, v13;
	v9 =	vsel vm12, v9, v16  }
0x2bc: {  	(erf) = vpow2.f32 v8;
	v8 =	vmul.f32 $1.442695020e+00, v9;
	v9 =	vld.idx.msk [tilespmem:v17+s24+$0x0], $0xffff  }
0x2bd: {  	(erf) = vrcp.f32 v11;
	v11 =	vmul.f32 $2.000000030e-01, v13;
	v10 =	vadd.f32 v19, v10  }
0x2be: {  	vm13 =	vgt.f32 v13, $0.0e+00;
	(erf) = vpow2.f32 v8;
	v8 =	vadd.f32 $1.000000020e-16, v12;
	v12 =	vld.idx.msk [tilespmem:v18+s24+$0x0], $0xffff  }
0x2bf: {  	v11 =	vsel vm13, v13, v11;
	v13 =	vmul.f32 $2.000000030e-01, v10;
	v14 =	vadd.f32 v21, v15  }
0x2c0: {  	(erf) = vrcp.f32 v8;
	v8 =	vmul.f32 $1.442695020e+00, v11;
	vm14 =	vgt.f32 v10, $0.0e+00;
	v11 =	vld.idx.msk [tilespmem:v20+s24+$0x0], $0xffff  }
0x2c1: {  	v9 =	vadd.f32 $1.000000020e-16, v9;
	v10 =	vsel vm14, v10, v13;
	v13 =	vmul.f32 $2.000000030e-01, v14  }
0x2c2: {  	(erf) = vpow2.f32 v8;
	vm15 =	vgt.f32 v14, $0.0e+00;
	v8 =	vmul.f32 $1.442695020e+00, v10  }
0x2c3: {  	(erf) = vrcp.f32 v9;
	v9 =	vadd.f32 $1.000000020e-16, v12;
	v10 =	vsel vm15, v14, v13  }
0x2c4: {  	(erf) = vpow2.f32 v8;
	v8 =	vmul.f32 $1.442695020e+00, v10  }
0x2c5: {  	(erf) = vrcp.f32 v9;
	v9 =	vadd.f32 $1.000000020e-16, v11;
	_ =	sdelay $0x2  }
0x2c6: {  	(erf) = vpow2.f32 v8;
	v8 =	vpop (erf)  }
0x2c7: {  	(erf) = vrcp.f32 v9;
	v9 =	vpop (erf)  }
0x2c8: {  	v10 =	vpop (erf)  }
0x2c9: {  	v11 =	vpop (erf)  }
0x2ca: {  	v12 =	vpop (erf)  }
0x2cb: {  	s12 =	simm.s32 $0x0;
	v8 =	vmul.f32 v8, v9;
	v13 =	vpop (erf)  }
0x2cc: {  	v9 =	vmul.f32 v10, v11;
	v14 =	vpop (erf);
	v10 =	vmul.f32 v12, v13;
	v13 =	vmov s12;
	s12 =	simm.s32 $0x4  }
0x2cd: {  	s13 =	simm.s32 $0x1;
	s14 =	simm.s32 $0x2;
	v15 =	vpop (erf);
	v13 =	vshrl.u32 v13, $0x3;
	v17 =	vmov s12  }
0x2ce: {  	v11 =	vmul.f32 v14, v15;
	v14 =	vmov s13;
	v15 =	vmov s14;
	s13 =	simm.s32 $0x5  }
0x2cf: {  	v16 =	vpop (erf);
	v13 =	vshll.u32 v13, v7;
	v17 =	vshrl.u32 v17, $0x3;
	v18 =	vmov s13  }
0x2d0: {  	s11 =	simm.s32 $0x3;
	v12 =	vpop (erf);
	v14 =	vshrl.u32 v14, $0x3;
	v15 =	vshrl.u32 v15, $0x3;
	v13 =	vbroadcast v13, $0x0  }
0x2d1: {  	v17 =	vshll.u32 v17, v7;
	v12 =	vmul.f32 v16, v12;
	v16 =	vmov s11  }
0x2d2: {  	[tilespmem:$0x13D30] =	vst v8;
	v18 =	vshrl.u32 v18, $0x3;
	v14 =	vshll.u32 v14, v7;
	v15 =	vshll.u32 v15, v7  }
0x2d3: {  	[tilespmem:$0x13D50] =	vst v10;
	v10 =	vadd.s32 $0x4, v17;
	v16 =	vshrl.u32 v16, $0x3;
	v14 =	vadd.s32 $0x1, v14  }
0x2d4: {  	[tilespmem:$0x13D40] =	vst v9;
	s11 =	simm.s32 $0x7;
	v15 =	vadd.s32 $0x2, v15;
	v16 =	vshll.u32 v16, v7;
	v14 =	vbroadcast v14, $0x0  }
0x2d5: {  	[tilespmem:$0x13D60] =	vst v11;
	v17 =	vmov s11;
	v15 =	vbroadcast v15, $0x0;
	v16 =	vadd.s32 $0x3, v16  }
0x2d6: {  	s8 =	simm.s32 $0x12A30;
	v8 =	vshll.u32 v18, v7;
	v11 =	vshrl.u32 v17, $0x3;
	[tilespmem:$0x13D70] =	vst v12;
	v16 =	vbroadcast v16, $0x0  }
0x2d7: {  	v10 =	vbroadcast v10, $0x0;
	v8 =	vadd.s32 $0x5, v8;
	v11 =	vshll.u32 v11, v7;
	v17 =	vld [tilespmem:s8+$0xFFFFFF00]  }
0x2d8: {  	v8 =	vbroadcast v8, $0x0;
	v18 =	vld [tilespmem:s8+$0xFFFFFF10];
	v11 =	vadd.s32 $0x7, v11  }
0x2d9: {  	v12 =	vld.idx.msk [tilespmem:v13+s31+$0x0], $0xffff;
	v11 =	vbroadcast v11, $0x0  }
0x2da: {  	v13 =	vld.idx.msk [tilespmem:v14+s31+$0x0], $0xffff  }
0x2db: {  	s14 =	simm.s32 $0x6;
	v14 =	vld.idx.msk [tilespmem:v15+s31+$0x0], $0xffff  }
0x2dc: {  	v19 =	vmov s14;
	v15 =	vld.idx.msk [tilespmem:v16+s31+$0x0], $0xffff  }
0x2dd: {  	v19 =	vshrl.u32 v19, $0x3;
	v16 =	vld.idx.msk [tilespmem:v10+s31+$0x0], $0xffff  }
0x2de: {  	v9 =	vshll.u32 v19, v7;
	v10 =	vld.idx.msk [tilespmem:v8+s31+$0x0], $0xffff  }
0x2df: {  	v9 =	vadd.s32 $0x6, v9;
	v8 =	vld.idx.msk [tilespmem:v11+s31+$0x0], $0xffff  }
0x2e0: {  	v9 =	vbroadcast v9, $0x0;
	v11 =	vld [tilespmem:s8+$0xF0]  }
0x2e1: {  	v19 =	vld [tilespmem:s8+$0xFFFFFF20]  }
0x2e2: {  	v20 =	vld [tilespmem:s8+$0xFFFFFF30]  }
0x2e3: {  	v21 =	vld [tilespmem:s8+$0xFFFFFF40]  }
0x2e4: {  	v22 =	vld [tilespmem:s8+$0xFFFFFF50];
	v17 =	vmul.f32 v17, v12  }
0x2e5: {  	v23 =	vld [tilespmem:s8+$0xFFFFFF60];
	v11 =	vmul.f32 v11, v8  }
0x2e6: {  	v9 =	vld.idx.msk [tilespmem:v9+s31+$0x0], $0xffff;
	v18 =	vmul.f32 v18, v12;
	[tilespmem:s8+$0xFFFFFF00] =	vst v17  }
0x2e7: {  	v17 =	vld [tilespmem:s8+$0xFFFFFF70];
	[tilespmem:s8+$0xF0] =	vst v11;
	v11 =	vmul.f32 v19, v12  }
0x2e8: {  	[tilespmem:s8+$0xFFFFFF10] =	vst v18;
	v18 =	vld [tilespmem:s8+$0xFFFFFF80];
	v12 =	vmul.f32 v20, v12  }
0x2e9: {  	v19 =	vld [tilespmem:s8+$0xFFFFFF90];
	[tilespmem:s8+$0xFFFFFF20] =	vst v11;
	v11 =	vmul.f32 v21, v13  }
0x2ea: {  	v20 =	vld [tilespmem:s8+$0xFFFFFFA0];
	[tilespmem:s8+$0xFFFFFF30] =	vst v12;
	v12 =	vmul.f32 v22, v13  }
0x2eb: {  	v21 =	vld [tilespmem:s8+$0xFFFFFFB0];
	[tilespmem:s8+$0xFFFFFF40] =	vst v11;
	v11 =	vmul.f32 v23, v13  }
0x2ec: {  	s12 =	simm.s32 $0x8;
	s11 =	simm.s32 $0xB;
	[tilespmem:s8+$0xFFFFFF50] =	vst v12;
	v12 =	vmul.f32 v17, v13;
	v13 =	vld [tilespmem:s8+$0xFFFFFFC0]  }
0x2ed: {  	v24 =	vmov s11;
	v22 =	vmov s12;
	s12 =	simm.s32 $0xC;
	[tilespmem:s8+$0xFFFFFF60] =	vst v11;
	v11 =	vmul.f32 v18, v14;
	v18 =	vld [tilespmem:s8+$0xFFFFFFD0]  }
0x2ee: {  	s13 =	simm.s32 $0x9;
	s14 =	simm.s32 $0xA;
	v25 =	vmov s12;
	v17 =	vshrl.u32 v22, $0x3;
	[tilespmem:s8+$0xFFFFFF70] =	vst v12;
	v12 =	vmul.f32 v19, v14;
	v19 =	vld [tilespmem:s8+$0xFFFFFFE0]  }
0x2ef: {  	v22 =	vmov s13;
	v23 =	vmov s14;
	s13 =	simm.s32 $0xD;
	[tilespmem:s8+$0xFFFFFF80] =	vst v11;
	v11 =	vmul.f32 v20, v14;
	v20 =	vld [tilespmem:s8+$0xFFFFFFF0]  }
0x2f0: {  	s14 =	simm.s32 $0xE;
	v25 =	vshrl.u32 v25, $0x3;
	v26 =	vmov s13;
	[tilespmem:s8+$0xFFFFFF90] =	vst v12;
	v12 =	vmul.f32 v21, v14;
	v14 =	vld [tilespmem:s8+$0x0]  }
0x2f1: {  	v27 =	vmov s14;
	v21 =	vshrl.u32 v22, $0x3;
	[tilespmem:s8+$0xFFFFFFA0] =	vst v11;
	v11 =	vmul.f32 v13, v15;
	v13 =	vld [tilespmem:s8+$0x10]  }
0x2f2: {  	v22 =	vshrl.u32 v23, $0x3;
	v23 =	vshrl.u32 v24, $0x3;
	v24 =	vld [tilespmem:s8+$0x20];
	[tilespmem:s8+$0xFFFFFFB0] =	vst v12;
	v18 =	vmul.f32 v18, v15  }
0x2f3: {  	v17 =	vshll.u32 v17, v7;
	v26 =	vshrl.u32 v26, $0x3;
	[tilespmem:s8+$0xFFFFFFC0] =	vst v11;
	v11 =	vmul.f32 v19, v15;
	v19 =	vld [tilespmem:s8+$0x30]  }
0x2f4: {  	v25 =	vshll.u32 v25, v7;
	v26 =	vshll.u32 v26, v7;
	[tilespmem:s8+$0xFFFFFFD0] =	vst v18;
	v15 =	vmul.f32 v20, v15;
	v18 =	vld [tilespmem:s8+$0x40]  }
0x2f5: {  	v20 =	vshll.u32 v21, v7;
	v21 =	vshll.u32 v22, v7;
	v22 =	vld [tilespmem:s8+$0x50];
	[tilespmem:s8+$0xFFFFFFE0] =	vst v11;
	v11 =	vmul.f32 v14, v16  }
0x2f6: {  	v12 =	vbroadcast v17, $0x0;
	v17 =	vshrl.u32 v27, $0x3;
	v27 =	vld [tilespmem:s8+$0x60];
	[tilespmem:s8+$0xFFFFFFF0] =	vst v15;
	v15 =	vmul.f32 v13, v16  }
0x2f7: {  	v17 =	vshll.u32 v17, v7;
	v24 =	vmul.f32 v24, v16;
	v14 =	vshll.u32 v23, v7;
	v13 =	vld [tilespmem:s8+$0x70];
	[tilespmem:s8+$0x0] =	vst v11  }
0x2f8: {  	v20 =	vadd.s32 $0x1, v20;
	v21 =	vadd.s32 $0x2, v21;
	v11 =	vld [tilespmem:s8+$0x80];
	[tilespmem:s8+$0x10] =	vst v15;
	v15 =	vmul.f32 v19, v16  }
0x2f9: {  	v23 =	vadd.s32 $0x3, v14;
	[tilespmem:s8+$0x20] =	vst v24;
	v14 =	vld [tilespmem:s8+$0x90];
	v19 =	vadd.s32 $0x4, v25;
	v24 =	vmul.f32 v18, v10  }
0x2fa: {  	v16 =	vbroadcast v20, $0x0;
	v20 =	vadd.s32 $0x5, v26;
	v22 =	vmul.f32 v22, v10;
	[tilespmem:s8+$0x30] =	vst v15;
	v15 =	vld [tilespmem:s8+$0xA0]  }
0x2fb: {  	s9 =	simm.s32 $0x10;
	s11 =	simm.s32 $0xF;
	v18 =	vbroadcast v21, $0x0;
	v21 =	vadd.s32 $0x6, v17;
	v17 =	vld [tilespmem:s8+$0xB0];
	[tilespmem:s8+$0x40] =	vst v24;
	v24 =	vmul.f32 v27, v10  }
.LBB2_17:
0x2fc: {  	p0 =	slt.u32 s9, $0x48;
	v23 =	vbroadcast v23, $0x0;
	v25 =	vmov s11;
	[tilespmem:s8+$0x50] =	vst v22;
	v10 =	vmul.f32 v13, v10;
	v13 =	vld [tilespmem:s8+$0xC0]  }
0x2fd: {  	v19 =	vbroadcast v19, $0x0;
	v22 =	vshrl.u32 v25, $0x3;
	[tilespmem:s8+$0x60] =	vst v24;
	v11 =	vmul.f32 v11, v9;
	v24 =	vld [tilespmem:s8+$0xD0]  }
0x2fe: {  	v20 =	vbroadcast v20, $0x0;
	v22 =	vshll.u32 v22, v7;
	[tilespmem:s8+$0x70] =	vst v10;
	v10 =	vmul.f32 v14, v9;
	v14 =	vld [tilespmem:s8+$0xE0]  }
0x2ff: {  	v21 =	vbroadcast v21, $0x0;
	v12 =	vld.idx.msk [tilespmem:v12+s31+$0x0], $0xffff;
	v22 =	vadd.s32 $0x7, v22;
	[tilespmem:s8+$0x80] =	vst v11;
	v11 =	vmul.f32 v15, v9  }
0x300: {  	v15 =	vld.idx.msk [tilespmem:v16+s31+$0x0], $0xffff;
	v16 =	vbroadcast v22, $0x0;
	[tilespmem:s8+$0x90] =	vst v10;
	v9 =	vmul.f32 v17, v9  }
0x301: {  	v17 =	vld.idx.msk [tilespmem:v18+s31+$0x0], $0xffff;
	[tilespmem:s8+$0xA0] =	vst v11;
	v10 =	vmul.f32 v13, v8  }
0x302: {  	v13 =	vld.idx.msk [tilespmem:v23+s31+$0x0], $0xffff;
	[tilespmem:s8+$0xB0] =	vst v9;
	v9 =	vmul.f32 v24, v8  }
0x303: {  	v11 =	vld.idx.msk [tilespmem:v19+s31+$0x0], $0xffff;
	[tilespmem:s8+$0xC0] =	vst v10;
	v8 =	vmul.f32 v14, v8  }
0x304: {  	v10 =	vld.idx.msk [tilespmem:v20+s31+$0x0], $0xffff;
	[tilespmem:s8+$0xD0] =	vst v9  }
0x305: {  	v9 =	vld.idx.msk [tilespmem:v21+s31+$0x0], $0xffff;
	[tilespmem:s8+$0xE0] =	vst v8  }
0x306: {  	s8 =	sadd.s32 $0x200, s8;
	v8 =	vld.idx.msk [tilespmem:v16+s31+$0x0], $0xffff  }
0x307: {  	v14 =	vld [tilespmem:s8+$0xF0]  }
0x308: {  	v16 =	vld [tilespmem:s8+$0xFFFFFF00]  }
0x309: {  	v18 =	vld [tilespmem:s8+$0xFFFFFF10]  }
0x30a: {  	v19 =	vld [tilespmem:s8+$0xFFFFFF20]  }
0x30b: {  	v20 =	vld [tilespmem:s8+$0xFFFFFF30]  }
0x30c: {  	v21 =	vld [tilespmem:s8+$0xFFFFFF40];
	v14 =	vmul.f32 v14, v8  }
0x30d: {  	v16 =	vmul.f32 v16, v12;
	v22 =	vld [tilespmem:s8+$0xFFFFFF50]  }
0x30e: {  	v18 =	vmul.f32 v18, v12;
	v23 =	vld [tilespmem:s8+$0xFFFFFF60];
	[tilespmem:s8+$0xF0] =	vst v14  }
0x30f: {  	[tilespmem:s8+$0xFFFFFF00] =	vst v16;
	v14 =	vmul.f32 v19, v12;
	v16 =	vld [tilespmem:s8+$0xFFFFFF70]  }
0x310: {  	[tilespmem:s8+$0xFFFFFF10] =	vst v18;
	v12 =	vmul.f32 v20, v12;
	v18 =	vld [tilespmem:s8+$0xFFFFFF80]  }
0x311: {  	[tilespmem:s8+$0xFFFFFF20] =	vst v14;
	v14 =	vmul.f32 v21, v15;
	v19 =	vld [tilespmem:s8+$0xFFFFFF90]  }
0x312: {  	[tilespmem:s8+$0xFFFFFF30] =	vst v12;
	v12 =	vmul.f32 v22, v15;
	v20 =	vld [tilespmem:s8+$0xFFFFFFA0]  }
0x313: {  	[tilespmem:s8+$0xFFFFFF40] =	vst v14;
	v14 =	vmul.f32 v23, v15;
	v21 =	vld [tilespmem:s8+$0xFFFFFFB0]  }
0x314: {  	v22 =	vmov s9;
	[tilespmem:s8+$0xFFFFFF50] =	vst v12;
	v12 =	vmul.f32 v16, v15;
	v15 =	vld [tilespmem:s8+$0xFFFFFFC0]  }
0x315: {  	s11 =	sadd.s32 $0x1, s9;
	s12 =	sadd.s32 $0x2, s9;
	v16 =	vshrl.u32 v22, $0x3;
	[tilespmem:s8+$0xFFFFFF60] =	vst v14;
	v14 =	vmul.f32 v18, v17;
	v18 =	vld [tilespmem:s8+$0xFFFFFFD0]  }
0x316: {  	v23 =	vmov s12;
	s12 =	sadd.s32 $0x4, s9;
	v22 =	vmov s11;
	s11 =	sadd.s32 $0x3, s9;
	[tilespmem:s8+$0xFFFFFF70] =	vst v12;
	v12 =	vmul.f32 v19, v17;
	v19 =	vld [tilespmem:s8+$0xFFFFFFE0]  }
0x317: {  	v25 =	vmov s12;
	s12 =	sadd.s32 $0x6, s9;
	v24 =	vmov s11;
	s11 =	sadd.s32 $0x5, s9;
	[tilespmem:s8+$0xFFFFFF80] =	vst v14;
	v14 =	vmul.f32 v20, v17;
	v20 =	vld [tilespmem:s8+$0xFFFFFFF0]  }
0x318: {  	v27 =	vmov s12;
	v26 =	vmov s11;
	[tilespmem:s8+$0xFFFFFF90] =	vst v12;
	v12 =	vmul.f32 v21, v17;
	v17 =	vld [tilespmem:s8+$0x0]  }
0x319: {  	v16 =	vshll.u32 v16, v7;
	v21 =	vshrl.u32 v22, $0x3;
	[tilespmem:s8+$0xFFFFFFA0] =	vst v14;
	v14 =	vmul.f32 v15, v13;
	v15 =	vld [tilespmem:s8+$0x10]  }
0x31a: {  	v22 =	vshrl.u32 v23, $0x3;
	v23 =	vshrl.u32 v24, $0x3;
	[tilespmem:s8+$0xFFFFFFB0] =	vst v12;
	v18 =	vmul.f32 v18, v13;
	v24 =	vld [tilespmem:s8+$0x20]  }
0x31b: {  	v25 =	vshrl.u32 v25, $0x3;
	v26 =	vshrl.u32 v26, $0x3;
	[tilespmem:s8+$0xFFFFFFC0] =	vst v14;
	v14 =	vmul.f32 v19, v13;
	v19 =	vld [tilespmem:s8+$0x30]  }
0x31c: {  	v12 =	vbroadcast v16, $0x0;
	v16 =	vshrl.u32 v27, $0x3;
	[tilespmem:s8+$0xFFFFFFD0] =	vst v18;
	v13 =	vmul.f32 v20, v13;
	v18 =	vld [tilespmem:s8+$0x40]  }
0x31d: {  	v20 =	vshll.u32 v21, v7;
	v21 =	vshll.u32 v22, v7;
	[tilespmem:s8+$0xFFFFFFE0] =	vst v14;
	v14 =	vmul.f32 v17, v11;
	v17 =	vld [tilespmem:s8+$0x50]  }
0x31e: {  	v25 =	vshll.u32 v25, v7;
	v22 =	vshll.u32 v23, v7;
	[tilespmem:s8+$0xFFFFFFF0] =	vst v13;
	v15 =	vmul.f32 v15, v11;
	v27 =	vld [tilespmem:s8+$0x60]  }
.Ltmp7:
0x31f: {  	v26 =	vshll.u32 v26, v7;
	v28 =	vshll.u32 v16, v7;
	[tilespmem:s8+$0x0] =	vst v14;
	v14 =	vmul.f32 v24, v11;
	v13 =	vld [tilespmem:s8+$0x70];
	(pc) =	sbr.rel @p0 .LBB2_17-.Ltmp7, $4  }
0x320: {  	v16 =	vadd.s32 $0x1, v20;
	v21 =	vadd.s32 $0x2, v21;
	[tilespmem:s8+$0x10] =	vst v15;
	v15 =	vmul.f32 v19, v11;
	v11 =	vld [tilespmem:s8+$0x80]  }
0x321: {  	v23 =	vadd.s32 $0x3, v22;
	v19 =	vadd.s32 $0x4, v25;
	[tilespmem:s8+$0x20] =	vst v14;
	v24 =	vmul.f32 v18, v10;
	v14 =	vld [tilespmem:s8+$0x90]  }
0x322: {  	v20 =	vadd.s32 $0x5, v26;
	v16 =	vbroadcast v16, $0x0;
	[tilespmem:s8+$0x30] =	vst v15;
	v22 =	vmul.f32 v17, v10;
	v15 =	vld [tilespmem:s8+$0xA0]  }
0x323: {  	s11 =	sadd.s32 $0x7, s9;
	s9 =	sadd.s32 $0x8, s9;
	v18 =	vbroadcast v21, $0x0;
	v21 =	vadd.s32 $0x6, v28;
	[tilespmem:s8+$0x40] =	vst v24;
	v24 =	vmul.f32 v27, v10;
	v17 =	vld [tilespmem:s8+$0xB0]  }
0x324: {  	_ = 	snop  }
0x325: {  	v26 =	vld [tilespmem:s8+$0xC0]  }
0x326: {  	v27 =	vld [tilespmem:s8+$0xD0]  }
0x327: {  	v28 =	vld [tilespmem:s8+$0xE0]  }
0x328: {  	v12 =	vld.idx.msk [tilespmem:v12+s31+$0x0], $0xffff  }
0x329: {  	v16 =	vld.idx.msk [tilespmem:v16+s31+$0x0], $0xffff  }
0x32a: {  	s9 =	sadd.s32 $0x200, s8;
	v18 =	vld.idx.msk [tilespmem:v18+s31+$0x0], $0xffff  }
0x32b: {  	v58 =	vld [tilespmem:s9+$0xF0]  }
0x32c: {  	v60 =	vld [tilespmem:s9+$0xFFFFFF00]  }
0x32d: {  	v62 =	vld [tilespmem:s9+$0xFFFFFF10]  }
0x32e: {  	v10 =	vmul.f32 v13, v10;
	[tilespmem:s8+$0x60] =	vst v24;
	v24 =	vld [tilespmem:s9+$0xFFFFFF20]  }
0x32f: {  	[tilespmem:s8+$0x50] =	vst v22;
	v11 =	vmul.f32 v11, v9;
	v29 =	vld [tilespmem:s9+$0xFFFFFF70]  }
0x330: {  	v30 =	vld [tilespmem:s9+$0xFFFFFF80];
	[tilespmem:s8+$0x70] =	vst v10;
	v56 =	vmul.f32 v14, v9  }
0x331: {  	v31 =	vld [tilespmem:s9+$0xFFFFFF90];
	[tilespmem:s8+$0x80] =	vst v11;
	v57 =	vmul.f32 v15, v9  }
0x332: {  	v32 =	vld [tilespmem:s9+$0xFFFFFFA0];
	[tilespmem:s8+$0x90] =	vst v56;
	v59 =	vmul.f32 v17, v9  }
0x333: {  	v33 =	vld [tilespmem:s9+$0xFFFFFFB0];
	[tilespmem:s8+$0xA0] =	vst v57;
	v61 =	vmul.f32 v26, v8  }
0x334: {  	v35 =	vld [tilespmem:s9+$0xFFFFFFC0];
	v63 =	vmul.f32 v27, v8;
	[tilespmem:s8+$0xB0] =	vst v59  }
0x335: {  	v23 =	vbroadcast v23, $0x0;
	v36 =	vld [tilespmem:s9+$0xFFFFFFD0];
	v8 =	vmul.f32 v28, v8;
	[tilespmem:s8+$0xC0] =	vst v61  }
0x336: {  	v26 =	vld [tilespmem:s9+$0xFFFFFF40];
	v17 =	vmul.f32 v62, v12;
	[tilespmem:s8+$0xD0] =	vst v63  }
0x337: {  	v37 =	vld [tilespmem:s9+$0xFFFFFFE0];
	[tilespmem:s8+$0xE0] =	vst v8;
	v8 =	vmul.f32 v60, v12  }
0x338: {  	v28 =	vld [tilespmem:s9+$0xFFFFFF60];
	v34 =	vmul.f32 v29, v16;
	[tilespmem:s9+$0xFFFFFF10] =	vst v17  }
0x339: {  	v19 =	vbroadcast v19, $0x0;
	v27 =	vld [tilespmem:s9+$0xFFFFFF50];
	[tilespmem:s9+$0xFFFFFF00] =	vst v8;
	v8 =	vmul.f32 v24, v12  }
0x33a: {  	v38 =	vld [tilespmem:s9+$0xFFFFFFF0];
	v9 =	vmul.f32 v31, v18;
	[tilespmem:s9+$0xFFFFFF70] =	vst v34  }
0x33b: {  	v23 =	vld.idx.msk [tilespmem:v23+s31+$0x0], $0xffff;
	[tilespmem:s9+$0xFFFFFF20] =	vst v8;
	v8 =	vmul.f32 v26, v16  }
0x33c: {  	v40 =	vld [tilespmem:s9+$0x0];
	v39 =	vmul.f32 v33, v18;
	[tilespmem:s9+$0xFFFFFF90] =	vst v9  }
0x33d: {  	v20 =	vbroadcast v20, $0x0;
	v41 =	vld [tilespmem:s9+$0x10];
	[tilespmem:s9+$0xFFFFFF40] =	vst v8;
	v8 =	vmul.f32 v28, v16  }
0x33e: {  	v43 =	vld [tilespmem:s9+$0x20];
	[tilespmem:s9+$0xFFFFFFB0] =	vst v39;
	v10 =	vmul.f32 v27, v16  }
0x33f: {  	v25 =	vmov s11;
	v19 =	vld.idx.msk [tilespmem:v19+s31+$0x0], $0xffff;
	[tilespmem:s9+$0xFFFFFF60] =	vst v8;
	v8 =	vmul.f32 v30, v18  }
0x340: {  	v25 =	vshrl.u32 v25, $0x3;
	v44 =	vld [tilespmem:s9+$0x30];
	v42 =	vmul.f32 v36, v23;
	[tilespmem:s9+$0xFFFFFF50] =	vst v10  }
0x341: {  	v21 =	vbroadcast v21, $0x0;
	v46 =	vld [tilespmem:s9+$0x40];
	v25 =	vshll.u32 v25, v7;
	[tilespmem:s9+$0xFFFFFF80] =	vst v8;
	v8 =	vmul.f32 v32, v18  }
0x342: {  	v47 =	vld [tilespmem:s9+$0x50];
	v25 =	vadd.s32 $0x7, v25;
	v45 =	vmul.f32 v38, v23;
	[tilespmem:s9+$0xFFFFFFD0] =	vst v42  }
0x343: {  	v25 =	vbroadcast v25, $0x0;
	v13 =	vld.idx.msk [tilespmem:v20+s31+$0x0], $0xffff;
	[tilespmem:s9+$0xFFFFFFA0] =	vst v8;
	v8 =	vmul.f32 v35, v23  }
0x344: {  	v49 =	vld [tilespmem:s9+$0x60];
	v48 =	vmul.f32 v41, v19;
	[tilespmem:s9+$0xFFFFFFF0] =	vst v45  }
0x345: {  	v50 =	vld [tilespmem:s9+$0x70];
	[tilespmem:s9+$0xFFFFFFC0] =	vst v8;
	v8 =	vmul.f32 v37, v23  }
0x346: {  	v53 =	vld [tilespmem:s9+$0x90];
	v51 =	vmul.f32 v44, v19;
	[tilespmem:s9+$0x10] =	vst v48  }
0x347: {  	v20 =	vld.idx.msk [tilespmem:v21+s31+$0x0], $0xffff;
	[tilespmem:s9+$0xFFFFFFE0] =	vst v8;
	v8 =	vmul.f32 v40, v19  }
0x348: {  	v56 =	vld [tilespmem:s9+$0xB0];
	v54 =	vmul.f32 v47, v13;
	[tilespmem:s9+$0x30] =	vst v51  }
0x349: {  	v14 =	vld.idx.msk [tilespmem:v25+s31+$0x0], $0xffff;
	[tilespmem:s9+$0x0] =	vst v8;
	v8 =	vmul.f32 v43, v19  }
0x34a: {  	v52 =	vld [tilespmem:s9+$0x80];
	v57 =	vmul.f32 v50, v13;
	[tilespmem:s9+$0x50] =	vst v54  }
0x34b: {  	[tilespmem:s9+$0x20] =	vst v8;
	v8 =	vmul.f32 v46, v13  }
0x34c: {  	v55 =	vld [tilespmem:s9+$0xA0];
	v60 =	vmul.f32 v53, v20;
	[tilespmem:s9+$0x70] =	vst v57  }
0x34d: {  	v25 =	vld [tilespmem:s9+$0xFFFFFF30];
	[tilespmem:s9+$0x40] =	vst v8;
	v8 =	vmul.f32 v49, v13  }
0x34e: {  	v62 =	vmul.f32 v56, v20;
	[tilespmem:s9+$0x90] =	vst v60;
	v15 =	vmul.f32 v58, v14;
	v58 =	vld [tilespmem:s9+$0xC0]  }
0x34f: {  	v59 =	vld [tilespmem:s9+$0xD0];
	[tilespmem:s9+$0x60] =	vst v8;
	v8 =	vmul.f32 v52, v20  }
0x350: {  	v61 =	vld [tilespmem:s9+$0xE0];
	[tilespmem:s9+$0xB0] =	vst v62  }
0x351: {  	[tilespmem:s9+$0x80] =	vst v8;
	v8 =	vmul.f32 v55, v20  }
0x352: {  	v11 =	vmul.f32 v25, v12;
	[tilespmem:s9+$0xF0] =	vst v15  }
0x353: {  	[tilespmem:s9+$0xA0] =	vst v8;
	v8 =	vmul.f32 v58, v14  }
0x354: {  	v63 =	vmul.f32 v59, v14;
	[tilespmem:s9+$0xFFFFFF30] =	vst v11  }
0x355: {  	[tilespmem:s9+$0xC0] =	vst v8;
	v8 =	vmul.f32 v61, v14  }
0x356: {  	[tilespmem:s9+$0xD0] =	vst v63  }
0x357: {  	s6 =	sadd.s32 $0x1, s6;
	[tilespmem:s9+$0xE0] =	vst v8  }
0x358: {  	[spmem:s3] =	stream.indirect.scatter.add.f32 [tilespmem:s30], [sflag:$0x3], $0x40, s28, s26, $0xb8;
	[tilespmem:$0x1DCE0] =	vst v63  }
0x359: {  	p0 =	sne.s32 s6, $0x7D;
	_ =	swait.ge [sflag:s29], $0x1400  }
.Ltmp8:
0x35a: {  	[sflag:s29] =	ssyncset.done $0x0;
	(pc) =	sbr.rel @p0 .LBB2_14-.Ltmp8, $4  }
0x35b: {  	[sflag:s29] =	ssyncadd.s32 $0xFFFFEC00  }
0x35c: {  	_ =	swait.ge [sflag:s1], $0x1400  }
0x35d: {  	[sflag:s1] =	ssyncset.done $0x0  }
0x35e: {  	[sflag:s1] =	ssyncadd.s32 $0xFFFFEC00  }
0x35f: {  	s5 =	stileid.u32;
	s2 =	sadd.s32 $0x1, s2  }
0x360: {  	[bflag:$0x0] =	sbarrier.arrive $0xFFFF;
	s5 =	sshll.u32 s5, $0x6;
	p0 =	sne.s32 s2, s19  }
.Ltmp9:
0x361: {  	s6 =	sshrl.u32 s10, $0x3;
	s5 =	sor.u32 $0x1C04, s5;
	(pc) =	sbr.rel @p0 .LBB2_1-.Ltmp9, $4  }
0x362: {  	[hbm:s18], [sflag:s5] =	dma.local [spmem:s6], $0x1388  }
0x363: {  	_ =	swait.ge [sflag:s20], $0x1388  }
0x364: {  	[sflag:s20] =	ssyncset.done $0x0  }
0x365: {  	[sflag:s20] =	ssyncadd.s32 $0xFFFFEC78  }
0x366: {  	_ =	sfence.sel $0x180000  }
0x367: {  	[bflag:$0x0] =	sbarrier.arrive $0xFFFF  }
0x368: {  	_ =	strace $0x90000047  }
0x369: {  	s0 =	stileid.u32;
	[bflag:$0x2] =	sbarrier.arrive $0xFFFF  }
0x36a: {  	p0 =	sne.s32 s0, $0x0;
	s0 =	rddreg [dreg:$0x3]  }
0x36b: {  	s0 =	sadd.s32 @!p0 $0x100000, s0  }
0x36c: {  	[sflag:s0] =	ssyncadd.tile.s32 @!p0 $0x1;
	_ =	shalt  }
.Lfunc_end2:
_tile_overlayer_lowered:
.L_overlay_start_2:
0x36d: {  	(tag) =	ssettag $0x2  }
0x36e: {  	s0 =	rddreg [dreg:$0x0];
	s2 =	stileid.u32  }
0x36f: {  	s1 =	rddreg [dreg:$0x1];
	p0 =	sne.s32 s2, $0x0  }
0x370: {  	s3 =	rddreg [dreg:$0x2];
	[bflag:$0x3] =	sbarrier.arrive $0xFFFF;
	s2 =	simm.s32 @!p0 $0x1C04  }
0x371: {  	[timem:s3], [sflag:s2] =	dma.local @!p0 [hbm:s0], s1  }
0x372: {  	s0 =	simm.s32 @!p0 $0x4  }
0x373: {  	_ =	swait.ge @!p0 [sflag:s0], s1  }
0x374: {  	s1 =	ssub.s32 @!p0 $0x0, s1;
	[sflag:s0] =	ssyncset.done @!p0 $0x0  }
0x375: {  	[sflag:s0] =	ssyncadd.s32 @!p0 s1  }
0x376: {  	[bflag:$0x3] =	sbarrier.arrive $0xFFFF  }
0x377: {  	_ =	shalt  }

</sc_bundles>
